<compile_context>
chip_gen: v7x
topology: tpu7x:2x2x1
jax: 0.10.2.dev20260603
libtpu: 0.0.44.dev20260713+nightly
codegen_flags: <defaults>
</compile_context>

<pallas_src>
import functools

import jax
import jax.numpy as jnp
from jax import lax
from jax.experimental import pallas as pl
from jax.experimental.pallas import tpu as pltpu
from jax.experimental.pallas import tpu_sc as plsc

N = 10000
E = 160000
NC = 2
NS = 16
EPAD = 163840
EPT = EPAD // NS
CHE = 512
NPAD = 10240
HALF = 128
PH = 5120
ZROW = 2 * N
TROWS = 20480
LANES = 128
BM = 1000


def _mesh():
    return plsc.VectorSubcoreMesh(
        core_axis_name="c", subcore_axis_name="s", num_cores=NC, num_subcores=NS
    )


def _make_degree_kernel():
    edges = EPAD // (NC * NS)

    @functools.partial(
        pl.kernel,
        out_type=jax.ShapeDtypeStruct((NC * NPAD,), jnp.float32),
        mesh=_mesh(),
        scratch_types=[
            pltpu.VMEM((edges,), jnp.int32),
            pltpu.VMEM((edges,), jnp.float32),
            pltpu.VMEM((NPAD // NS,), jnp.float32),
            pltpu.VMEM_SHARED((NPAD,), jnp.float32),
        ],
    )
    def deg_kernel(dstp_hbm, zo_hbm, out_hbm, idxd_v, ones_v, stage_v, acc_sh):
        cid = lax.axis_index("c")
        sid = lax.axis_index("s")
        t = cid * NS + sid
        seg = NPAD // NS

        pltpu.sync_copy(zo_hbm.at[pl.ds(0, seg)], stage_v)
        pltpu.sync_copy(zo_hbm.at[pl.ds(seg, edges)], ones_v)
        pltpu.sync_copy(stage_v, acc_sh.at[pl.ds(sid * seg, seg)])
        pltpu.sync_copy(dstp_hbm.at[pl.ds(edges * t, edges)], idxd_v)
        plsc.subcore_barrier()
        pltpu.sync_copy(ones_v, acc_sh.at[idxd_v], add=True)
        plsc.subcore_barrier()
        pltpu.sync_copy(acc_sh.at[pl.ds(sid * seg, seg)], stage_v)
        pltpu.sync_copy(stage_v, out_hbm.at[pl.ds(cid * NPAD + sid * seg, seg)])

    return deg_kernel


def _make_prop_kernel():

    @functools.partial(
        pl.kernel,
        out_type=jax.ShapeDtypeStruct((NC * 2 * PH, HALF), jnp.float32),
        mesh=_mesh(),
        scratch_types=[
            pltpu.VMEM((EPT,), jnp.int32),
            pltpu.VMEM((EPT,), jnp.int32),
            pltpu.VMEM((CHE, HALF), jnp.float32),
            pltpu.VMEM_SHARED((PH, HALF), jnp.float32),
            pltpu.SemaphoreType.DMA,
        ],
    )
    def prop_kernel(
        xc2_hbm, srcp4_hbm, dstp2_hbm, out_hbm, idxs_v, idxd_v, rows_v, acc_sh, sem
    ):
        cid = lax.axis_index("c")
        sid = lax.axis_index("s")

        def zfill(i, carry):
            for k in range(HALF // 16):
                rows_v[i, pl.ds(k * 16, 16)] = jnp.zeros((16,), jnp.float32)
            return carry

        lax.fori_loop(0, LANES, zfill, 0)

        for p in range(2):
            @pl.when(sid < 8)
            def _zero():
                for j in range(PH // 8 // LANES):
                    pltpu.sync_copy(
                        rows_v.at[pl.ds(0, LANES)],
                        acc_sh.at[pl.ds(sid * (PH // 8) + j * LANES, LANES)],
                    )
            pltpu.sync_copy(
                srcp4_hbm.at[pl.ds((cid * 2 + p) * EPAD + sid * EPT, EPT)], idxs_v
            )
            pltpu.sync_copy(dstp2_hbm.at[pl.ds(p * EPAD + sid * EPT, EPT)], idxd_v)
            plsc.subcore_barrier()

            def body(j, carry):
                pltpu.async_copy(
                    xc2_hbm.at[idxs_v.at[pl.ds(j * CHE, CHE)]], rows_v, sem
                ).wait()
                pltpu.sync_copy(
                    rows_v, acc_sh.at[idxd_v.at[pl.ds(j * CHE, CHE)]], add=True
                )
                return carry

            lax.fori_loop(0, EPT // CHE, body, 0)
            plsc.subcore_barrier()

            @pl.when(sid < 8)
            def _writeback():
                for j in range(PH // 8 // LANES):
                    pltpu.sync_copy(
                        acc_sh.at[pl.ds(sid * (PH // 8) + j * LANES, LANES)],
                        rows_v.at[pl.ds(0, LANES)],
                    )
                    pltpu.sync_copy(
                        rows_v.at[pl.ds(0, LANES)],
                        out_hbm.at[
                            pl.ds(
                                cid * 2 * PH
                                + p * PH
                                + sid * (PH // 8)
                                + j * LANES,
                                LANES,
                            )
                        ],
                    )

            if p == 0:
                lax.fori_loop(0, LANES, zfill, 0)
                plsc.subcore_barrier()

    return prop_kernel


def _dv_block(degt_blk):
    return lax.rsqrt(degt_blk[:, 0:1] + degt_blk[:, 1:2] + 1.0)


def _tc_prep(degt, x):
    def body(degt_ref, x_ref, out_ref):
        dv = _dv_block(degt_ref[...])
        xb = x_ref[...]
        out_ref[0] = xb[:, :HALF] * dv
        out_ref[1] = xb[:, HALF:] * dv

    return pl.pallas_call(
        body,
        grid=(N // BM,),
        in_specs=[
            pl.BlockSpec((BM, 2), lambda i: (i, 0)),
            pl.BlockSpec((BM, 2 * HALF), lambda i: (i, 0)),
        ],
        out_specs=pl.BlockSpec((2, BM, HALF), lambda i: (0, i, 0)),
        out_shape=jax.ShapeDtypeStruct((2, N, HALF), jnp.float32),
    )(degt, x)


def _tc_main(degt, S1, XC, W1, b1, W2):
    def body(degt_ref, s1_ref, xc_ref, w1_ref, b1_ref, w2_ref, out_ref):
        dv = _dv_block(degt_ref[...])
        p = jnp.concatenate(
            [(s1_ref[0] + xc_ref[0]) * dv, (s1_ref[1] + xc_ref[1]) * dv], axis=1
        )
        h = jnp.dot(p, w1_ref[...], preferred_element_type=jnp.float32)
        h = jnp.maximum(h + b1_ref[...], 0.0)
        y = jnp.dot(h, w2_ref[...], preferred_element_type=jnp.float32)
        out_ref[0] = y[:, :HALF] * dv
        out_ref[1] = y[:, HALF:] * dv

    return pl.pallas_call(
        body,
        grid=(N // BM,),
        in_specs=[
            pl.BlockSpec((BM, 2), lambda i: (i, 0)),
            pl.BlockSpec((2, BM, HALF), lambda i: (0, i, 0)),
            pl.BlockSpec((2, BM, HALF), lambda i: (0, i, 0)),
            pl.BlockSpec(W1.shape, lambda i: (0, 0)),
            pl.BlockSpec((1, W1.shape[1]), lambda i: (0, 0)),
            pl.BlockSpec(W2.shape, lambda i: (0, 0)),
        ],
        out_specs=pl.BlockSpec((2, BM, HALF), lambda i: (0, i, 0)),
        out_shape=jax.ShapeDtypeStruct((2, N, HALF), jnp.float32),
    )(degt, S1, XC, W1, b1, W2)


def _tc_final(degt, S2, Y2, b2):
    def body(degt_ref, s2_ref, y2_ref, b2_ref, out_ref):
        dv = _dv_block(degt_ref[...])
        out_ref[...] = (
            jnp.concatenate(
                [(s2_ref[0] + y2_ref[0]) * dv, (s2_ref[1] + y2_ref[1]) * dv], axis=1
            )
            + b2_ref[...]
        )

    return pl.pallas_call(
        body,
        grid=(N // BM,),
        in_specs=[
            pl.BlockSpec((BM, 2), lambda i: (i, 0)),
            pl.BlockSpec((2, BM, HALF), lambda i: (0, i, 0)),
            pl.BlockSpec((2, BM, HALF), lambda i: (0, i, 0)),
            pl.BlockSpec((1, 2 * HALF), lambda i: (0, 0)),
        ],
        out_specs=pl.BlockSpec((BM, 2 * HALF), lambda i: (i, 0)),
        out_shape=jax.ShapeDtypeStruct((N, 2 * HALF), jnp.float32),
    )(degt, S2, Y2, b2)


def kernel(x, edge_index, W1, b1, W2, b2):
    src = edge_index[0].astype(jnp.int32)
    dst = edge_index[1].astype(jnp.int32)
    epad = EPAD - E
    dstd = jnp.concatenate([dst, jnp.full((epad,), N, jnp.int32)])
    zpad = jnp.full((epad,), ZROW, jnp.int32)
    inph = [dst < PH, dst >= PH]
    srcp4 = jnp.concatenate(
        sum(
            [
                [jnp.where(inph[p], src + c * N, ZROW), zpad]
                for c in range(NC)
                for p in range(2)
            ],
            [],
        )
    )
    dstp2 = jnp.concatenate(
        [
            jnp.where(inph[0], dst, 0),
            jnp.zeros((epad,), jnp.int32),
            jnp.where(inph[1], dst - PH, 0),
            jnp.zeros((epad,), jnp.int32),
        ]
    )
    zo = jnp.concatenate(
        [
            jnp.zeros((NPAD // NS,), jnp.float32),
            jnp.ones((EPAD // (NC * NS),), jnp.float32),
        ]
    )

    degp = _make_degree_kernel()(dstd, zo)
    degt = degp.reshape(NC, NPAD)[:, :N].T

    tpad = ((0, TROWS - 2 * N), (0, 0))
    XC = _tc_prep(degt, x)
    prop = _make_prop_kernel()
    S1 = prop(jnp.pad(XC.reshape(NC * N, HALF), tpad), srcp4, dstp2)
    S1 = S1.reshape(NC, 2 * PH, HALF)[:, :N, :]
    Y2 = _tc_main(degt, S1, XC, W1, b1.reshape(1, -1), W2)
    S2 = prop(jnp.pad(Y2.reshape(NC * N, HALF), tpad), srcp4, dstp2)
    S2 = S2.reshape(NC, 2 * PH, HALF)[:, :N, :]
    return _tc_final(degt, S2, Y2, b2.reshape(1, -1))

# --- scband reference (transcript-rebuilt; emitter-appended) ---
"""Pipeline reference for scband-gcn-21912923144582 (READ-ONLY COPY).

The authoritative reference and input builder live on the scoring server;
editing this copy changes nothing except your own understanding.
"""

import jax, jax.numpy as jnp
import numpy as np

N_NODES = 10000
N_EDGES = 160000
IN_CH = 256
HID_CH = 512
OUT_CH = 256


def setup_inputs(seed: int = 0) -> dict:
    key = jax.random.key(seed)
    k1, k2, k3, k4, k5, k6 = jax.random.split(key, 6)
    x = jax.random.normal(k1, (N_NODES, IN_CH), dtype=jnp.float32)
    edge_index = jax.random.randint(k2, (2, N_EDGES), 0, N_NODES, dtype=jnp.int64)
    # GCNConv layer parameters (glorot-style init)
    W1 = jax.random.normal(k3, (IN_CH, HID_CH), dtype=jnp.float32) * (1.0 / np.sqrt(IN_CH))
    b1 = jnp.zeros((HID_CH,), dtype=jnp.float32)
    W2 = jax.random.normal(k4, (HID_CH, OUT_CH), dtype=jnp.float32) * (1.0 / np.sqrt(HID_CH))
    b2 = jnp.zeros((OUT_CH,), dtype=jnp.float32)
    return {"x": x, "edge_index": edge_index, "W1": W1, "b1": b1, "W2": W2, "b2": b2}


def _gcn_conv(x, edge_index, W, b):
    # GCNConv: out = D^{-1/2} (A + I) D^{-1/2} X W + b
    N = x.shape[0]
    loop = jnp.arange(N, dtype=edge_index.dtype)
    src = jnp.concatenate([edge_index[0], loop])
    dst = jnp.concatenate([edge_index[1], loop])
    deg = jnp.zeros((N,), dtype=x.dtype).at[dst].add(1.0)
    dinv = jax.lax.rsqrt(jnp.maximum(deg, 1e-12))
    norm = dinv[src] * dinv[dst]
    xw = x @ W
    msg = xw[src] * norm[:, None]
    out = jnp.zeros((N, xw.shape[1]), dtype=xw.dtype).at[dst].add(msg)
    return out + b


def reference(x, edge_index, W1, b1, W2, b2):
    h = _gcn_conv(x, edge_index, W1, b1)
    h = jax.nn.relu(h)
    # dropout is identity in eval mode (training=False)
    out = _gcn_conv(h, edge_index, W2, b2)
    return out

if __name__ == "__main__":
    import jax
    _d = setup_inputs()
    print(jax.jit(kernel)(*tuple(_d.values())))

</pallas_src>

<mosaic_0001>
#map = affine_map<(d0, d1) -> (0)>
module attributes {stable_mosaic.version = 14 : i64} {
  func.func @deg_kernel(%arg0: i32, %arg1: i32, %arg2: memref<163840xi32, #tpu.memory_space<hbm>>, %arg3: memref<5760xf32, #tpu.memory_space<hbm>>, %arg4: memref<20480xf32, #tpu.memory_space<hbm>>, %arg5: memref<5120xi32, #tpu.memory_space<vmem>>, %arg6: memref<5120xf32, #tpu.memory_space<vmem>>, %arg7: memref<640xf32, #tpu.memory_space<vmem>>, %arg8: memref<10240xf32, #tpu.memory_space<vmem_shared>>) attributes {dimension_semantics = [#tpu.dimension_semantics<core_parallel>, #tpu.dimension_semantics<subcore_parallel>], iteration_bounds = array<i64: 2, 16>, scalar_prefetch = 0 : i64, scratch_operands = 4 : i64, tpu.core_type = #tpu.core_type<sc_vector_subcore>, window_params = [{transform_indices = #map}, {transform_indices = #map}, {transform_indices = #map}]} {
    %mul3A = arith.constant 16 : i32
    %mul3A_0 = arith.muli %arg0, %mul3A : i32
    %add3A = arith.addi %mul3A_0, %arg1 : i32
    "tpu.region"() ({
      %run_scoped3A = tpu.sem_alloc : memref<!tpu.dma_semaphore, #tpu.memory_space<semaphore_mem>>
      %dma_start3A = arith.constant 0 : i32
      %dma_start3A_13 = tpu.memref_slice %arg3[%dma_start3A] : memref<5760xf32, #tpu.memory_space<hbm>> -> memref<640xf32, #tpu.memory_space<hbm>>
      %dma_start3A_14 = arith.constant 0 : i32
      %dma_start3A_15 = tpu.memref_slice %arg3[%dma_start3A_14] : memref<5760xf32, #tpu.memory_space<hbm>> -> memref<640xf32, #tpu.memory_space<hbm>>
      tpu.enqueue_dma source(%dma_start3A_15 : memref<640xf32, #tpu.memory_space<hbm>>) target(%arg7 : memref<640xf32, #tpu.memory_space<vmem>>) target_semaphore(%run_scoped3A : memref<!tpu.dma_semaphore, #tpu.memory_space<semaphore_mem>>)
      %dma_wait3A = arith.constant 0 : i32
      %dma_wait3A_16 = tpu.memref_slice %arg3[%dma_wait3A] : memref<5760xf32, #tpu.memory_space<hbm>> -> memref<640xf32, #tpu.memory_space<hbm>>
      %dma_wait3A_17 = arith.constant 0 : i32
      %dma_wait3A_18 = tpu.memref_slice %arg3[%dma_wait3A_17] : memref<5760xf32, #tpu.memory_space<hbm>> -> memref<640xf32, #tpu.memory_space<hbm>>
      tpu.wait_dma2 semaphore(%run_scoped3A : memref<!tpu.dma_semaphore, #tpu.memory_space<semaphore_mem>>) src(%dma_wait3A_18 : memref<640xf32, #tpu.memory_space<hbm>>) dst(%arg7 : memref<640xf32, #tpu.memory_space<vmem>>)
      tpu.yield
    }) : () -> ()
    "tpu.region"() ({
      %run_scoped3A = tpu.sem_alloc : memref<!tpu.dma_semaphore, #tpu.memory_space<semaphore_mem>>
      %dma_start3A = arith.constant 640 : i32
      %dma_start3A_13 = tpu.memref_slice %arg3[%dma_start3A] : memref<5760xf32, #tpu.memory_space<hbm>> -> memref<5120xf32, #tpu.memory_space<hbm>>
      %dma_start3A_14 = arith.constant 640 : i32
      %dma_start3A_15 = tpu.memref_slice %arg3[%dma_start3A_14] : memref<5760xf32, #tpu.memory_space<hbm>> -> memref<5120xf32, #tpu.memory_space<hbm>>
      tpu.enqueue_dma source(%dma_start3A_15 : memref<5120xf32, #tpu.memory_space<hbm>>) target(%arg6 : memref<5120xf32, #tpu.memory_space<vmem>>) target_semaphore(%run_scoped3A : memref<!tpu.dma_semaphore, #tpu.memory_space<semaphore_mem>>)
      %dma_wait3A = arith.constant 640 : i32
      %dma_wait3A_16 = tpu.memref_slice %arg3[%dma_wait3A] : memref<5760xf32, #tpu.memory_space<hbm>> -> memref<5120xf32, #tpu.memory_space<hbm>>
      %dma_wait3A_17 = arith.constant 640 : i32
      %dma_wait3A_18 = tpu.memref_slice %arg3[%dma_wait3A_17] : memref<5760xf32, #tpu.memory_space<hbm>> -> memref<5120xf32, #tpu.memory_space<hbm>>
      tpu.wait_dma2 semaphore(%run_scoped3A : memref<!tpu.dma_semaphore, #tpu.memory_space<semaphore_mem>>) src(%dma_wait3A_18 : memref<5120xf32, #tpu.memory_space<hbm>>) dst(%arg6 : memref<5120xf32, #tpu.memory_space<vmem>>)
      tpu.yield
    }) : () -> ()
    %mul3A_1 = arith.constant 640 : i32
    %mul3A_2 = arith.muli %arg1, %mul3A_1 : i32
    "tpu.region"() ({
      %run_scoped3A = tpu.sem_alloc : memref<!tpu.dma_semaphore, #tpu.memory_space<semaphore_mem>>
      %dma_start3A = tpu.memref_slice %arg8[%mul3A_2] : memref<10240xf32, #tpu.memory_space<vmem_shared>> -> memref<640xf32, #tpu.memory_space<vmem_shared>>
      %dma_start3A_13 = tpu.memref_slice %arg8[%mul3A_2] : memref<10240xf32, #tpu.memory_space<vmem_shared>> -> memref<640xf32, #tpu.memory_space<vmem_shared>>
      tpu.enqueue_dma source(%arg7 : memref<640xf32, #tpu.memory_space<vmem>>) target(%dma_start3A_13 : memref<640xf32, #tpu.memory_space<vmem_shared>>) target_semaphore(%run_scoped3A : memref<!tpu.dma_semaphore, #tpu.memory_space<semaphore_mem>>)
      %dma_wait3A = tpu.memref_slice %arg8[%mul3A_2] : memref<10240xf32, #tpu.memory_space<vmem_shared>> -> memref<640xf32, #tpu.memory_space<vmem_shared>>
      %dma_wait3A_14 = tpu.memref_slice %arg8[%mul3A_2] : memref<10240xf32, #tpu.memory_space<vmem_shared>> -> memref<640xf32, #tpu.memory_space<vmem_shared>>
      tpu.wait_dma2 semaphore(%run_scoped3A : memref<!tpu.dma_semaphore, #tpu.memory_space<semaphore_mem>>) src(%arg7 : memref<640xf32, #tpu.memory_space<vmem>>) dst(%dma_wait3A_14 : memref<640xf32, #tpu.memory_space<vmem_shared>>)
      tpu.yield
    }) : () -> ()
    %mul3A_3 = arith.constant 5120 : i32
    %mul3A_4 = arith.muli %mul3A_3, %add3A : i32
    "tpu.region"() ({
      %run_scoped3A = tpu.sem_alloc : memref<!tpu.dma_semaphore, #tpu.memory_space<semaphore_mem>>
      %dma_start3A = tpu.memref_slice %arg2[%mul3A_4] : memref<163840xi32, #tpu.memory_space<hbm>> -> memref<5120xi32, #tpu.memory_space<hbm>>
      %dma_start3A_13 = tpu.memref_slice %arg2[%mul3A_4] : memref<163840xi32, #tpu.memory_space<hbm>> -> memref<5120xi32, #tpu.memory_space<hbm>>
      tpu.enqueue_dma source(%dma_start3A_13 : memref<5120xi32, #tpu.memory_space<hbm>>) target(%arg5 : memref<5120xi32, #tpu.memory_space<vmem>>) target_semaphore(%run_scoped3A : memref<!tpu.dma_semaphore, #tpu.memory_space<semaphore_mem>>)
      %dma_wait3A = tpu.memref_slice %arg2[%mul3A_4] : memref<163840xi32, #tpu.memory_space<hbm>> -> memref<5120xi32, #tpu.memory_space<hbm>>
      %dma_wait3A_14 = tpu.memref_slice %arg2[%mul3A_4] : memref<163840xi32, #tpu.memory_space<hbm>> -> memref<5120xi32, #tpu.memory_space<hbm>>
      tpu.wait_dma2 semaphore(%run_scoped3A : memref<!tpu.dma_semaphore, #tpu.memory_space<semaphore_mem>>) src(%dma_wait3A_14 : memref<5120xi32, #tpu.memory_space<hbm>>) dst(%arg5 : memref<5120xi32, #tpu.memory_space<vmem>>)
      tpu.yield
    }) : () -> ()
    %barrier3A = arith.constant 0 : index
    tpu.barrier barrier_id(%barrier3A)
    "tpu.region"() ({
      %run_scoped3A = tpu.sem_alloc : memref<!tpu.dma_semaphore, #tpu.memory_space<semaphore_mem>>
      %dma_start3A = arith.constant 0 : i32
      %dma_start3A_13 = tpu.memref_slice %arg8[%dma_start3A] : memref<10240xf32, #tpu.memory_space<vmem_shared>> -> memref<10240xf32, #tpu.memory_space<vmem_shared>>
      tpu.enqueue_indirect_dma source(%arg6 : memref<5120xf32, #tpu.memory_space<vmem>>) target(%dma_start3A_13 : memref<10240xf32, #tpu.memory_space<vmem_shared>>) offsets(%arg5 : memref<5120xi32, #tpu.memory_space<vmem>>) semaphore(%run_scoped3A : memref<!tpu.dma_semaphore, #tpu.memory_space<semaphore_mem>>) {add = true}
      %dma_wait3A = arith.constant 0 : i32
      %dma_wait3A_14 = tpu.memref_slice %arg8[%dma_wait3A] : memref<10240xf32, #tpu.memory_space<vmem_shared>> -> memref<10240xf32, #tpu.memory_space<vmem_shared>>
      tpu.wait_indirect_dma semaphore(%run_scoped3A : memref<!tpu.dma_semaphore, #tpu.memory_space<semaphore_mem>>) src(%arg6 : memref<5120xf32, #tpu.memory_space<vmem>>) dst(%dma_wait3A_14 : memref<10240xf32, #tpu.memory_space<vmem_shared>>)
      tpu.yield
    }) : () -> ()
    %barrier3A_5 = arith.constant 0 : index
    tpu.barrier barrier_id(%barrier3A_5)
    %mul3A_6 = arith.constant 640 : i32
    %mul3A_7 = arith.muli %arg1, %mul3A_6 : i32
    "tpu.region"() ({
      %run_scoped3A = tpu.sem_alloc : memref<!tpu.dma_semaphore, #tpu.memory_space<semaphore_mem>>
      %dma_start3A = tpu.memref_slice %arg8[%mul3A_7] : memref<10240xf32, #tpu.memory_space<vmem_shared>> -> memref<640xf32, #tpu.memory_space<vmem_shared>>
      %dma_start3A_13 = tpu.memref_slice %arg8[%mul3A_7] : memref<10240xf32, #tpu.memory_space<vmem_shared>> -> memref<640xf32, #tpu.memory_space<vmem_shared>>
      tpu.enqueue_dma source(%dma_start3A_13 : memref<640xf32, #tpu.memory_space<vmem_shared>>) target(%arg7 : memref<640xf32, #tpu.memory_space<vmem>>) target_semaphore(%run_scoped3A : memref<!tpu.dma_semaphore, #tpu.memory_space<semaphore_mem>>)
      %dma_wait3A = tpu.memref_slice %arg8[%mul3A_7] : memref<10240xf32, #tpu.memory_space<vmem_shared>> -> memref<640xf32, #tpu.memory_space<vmem_shared>>
      %dma_wait3A_14 = tpu.memref_slice %arg8[%mul3A_7] : memref<10240xf32, #tpu.memory_space<vmem_shared>> -> memref<640xf32, #tpu.memory_space<vmem_shared>>
      tpu.wait_dma2 semaphore(%run_scoped3A : memref<!tpu.dma_semaphore, #tpu.memory_space<semaphore_mem>>) src(%dma_wait3A_14 : memref<640xf32, #tpu.memory_space<vmem_shared>>) dst(%arg7 : memref<640xf32, #tpu.memory_space<vmem>>)
      tpu.yield
    }) : () -> ()
    %mul3A_8 = arith.constant 10240 : i32
    %mul3A_9 = arith.muli %arg0, %mul3A_8 : i32
    %mul3A_10 = arith.constant 640 : i32
    %mul3A_11 = arith.muli %arg1, %mul3A_10 : i32
    %add3A_12 = arith.addi %mul3A_9, %mul3A_11 : i32
    "tpu.region"() ({
      %run_scoped3A = tpu.sem_alloc : memref<!tpu.dma_semaphore, #tpu.memory_space<semaphore_mem>>
      %dma_start3A = tpu.memref_slice %arg4[%add3A_12] : memref<20480xf32, #tpu.memory_space<hbm>> -> memref<640xf32, #tpu.memory_space<hbm>>
      %dma_start3A_13 = tpu.memref_slice %arg4[%add3A_12] : memref<20480xf32, #tpu.memory_space<hbm>> -> memref<640xf32, #tpu.memory_space<hbm>>
      tpu.enqueue_dma source(%arg7 : memref<640xf32, #tpu.memory_space<vmem>>) target(%dma_start3A_13 : memref<640xf32, #tpu.memory_space<hbm>>) target_semaphore(%run_scoped3A : memref<!tpu.dma_semaphore, #tpu.memory_space<semaphore_mem>>)
      %dma_wait3A = tpu.memref_slice %arg4[%add3A_12] : memref<20480xf32, #tpu.memory_space<hbm>> -> memref<640xf32, #tpu.memory_space<hbm>>
      %dma_wait3A_14 = tpu.memref_slice %arg4[%add3A_12] : memref<20480xf32, #tpu.memory_space<hbm>> -> memref<640xf32, #tpu.memory_space<hbm>>
      tpu.wait_dma2 semaphore(%run_scoped3A : memref<!tpu.dma_semaphore, #tpu.memory_space<semaphore_mem>>) src(%arg7 : memref<640xf32, #tpu.memory_space<vmem>>) dst(%dma_wait3A_14 : memref<640xf32, #tpu.memory_space<hbm>>)
      tpu.yield
    }) : () -> ()
    return
  }
}

#map = affine_map<(d0, d1) -> (0, 0)>
#map1 = affine_map<(d0, d1) -> (0)>
module attributes {stable_mosaic.version = 14 : i64} {
  func.func @prop_kernel(%arg0: i32, %arg1: i32, %arg2: memref<20480x128xf32, #tpu.memory_space<hbm>>, %arg3: memref<655360xi32, #tpu.memory_space<hbm>>, %arg4: memref<327680xi32, #tpu.memory_space<hbm>>, %arg5: memref<20480x128xf32, #tpu.memory_space<hbm>>, %arg6: memref<10240xi32, #tpu.memory_space<vmem>>, %arg7: memref<10240xi32, #tpu.memory_space<vmem>>, %arg8: memref<512x128xf32, #tpu.memory_space<vmem>>, %arg9: memref<5120x128xf32, #tpu.memory_space<vmem_shared>>, %arg10: memref<!tpu.dma_semaphore, #tpu.memory_space<semaphore_mem>>) attributes {dimension_semantics = [#tpu.dimension_semantics<core_parallel>, #tpu.dimension_semantics<subcore_parallel>], iteration_bounds = array<i64: 2, 16>, scalar_prefetch = 0 : i64, scratch_operands = 5 : i64, tpu.core_type = #tpu.core_type<sc_vector_subcore>, window_params = [{transform_indices = #map}, {transform_indices = #map1}, {transform_indices = #map1}, {transform_indices = #map}]} {
    %scan3A = arith.constant 0 : i32
    %scan3A_0 = arith.constant 0 : i32
    %scan3A_1 = arith.constant 128 : i32
    %scan3A_2 = arith.addi %scan3A_0, %scan3A_1 : i32
    %scan3A_3 = arith.constant 1 : i32
    scf.for %scan3A_68 = %scan3A_0 to %scan3A_2 step %scan3A_3  : i32 {
      %broadcast_in_dim3A = arith.constant 0.000000e+00 : f32
      %broadcast_in_dim3A_69 = vector.broadcast %broadcast_in_dim3A : f32 to vector<16xf32>
      %swap3A = arith.index_cast %scan3A_68 : i32 to index
      %swap3A_70 = arith.constant 0 : index
      %swap3A_71 = tpu.vector_load %arg8[%swap3A, %swap3A_70] {strides = array<i32>} : memref<512x128xf32, #tpu.memory_space<vmem>>, vector<1x16xf32>,
      %swap3A_72 = vector.shape_cast %swap3A_71 : vector<1x16xf32> to vector<16xf32>
      %swap3A_73 = vector.shape_cast %broadcast_in_dim3A_69 : vector<16xf32> to vector<1x16xf32>
      tpu.vector_store %arg8[%swap3A, %swap3A_70], %swap3A_73 {strides = array<i32>} : memref<512x128xf32, #tpu.memory_space<vmem>>, vector<1x16xf32>,
      %broadcast_in_dim3A_74 = arith.constant 0.000000e+00 : f32
      %broadcast_in_dim3A_75 = vector.broadcast %broadcast_in_dim3A_74 : f32 to vector<16xf32>
      %swap3A_76 = arith.index_cast %scan3A_68 : i32 to index
      %swap3A_77 = arith.constant 16 : index
      %swap3A_78 = tpu.vector_load %arg8[%swap3A_76, %swap3A_77] {strides = array<i32>} : memref<512x128xf32, #tpu.memory_space<vmem>>, vector<1x16xf32>,
      %swap3A_79 = vector.shape_cast %swap3A_78 : vector<1x16xf32> to vector<16xf32>
      %swap3A_80 = vector.shape_cast %broadcast_in_dim3A_75 : vector<16xf32> to vector<1x16xf32>
      tpu.vector_store %arg8[%swap3A_76, %swap3A_77], %swap3A_80 {strides = array<i32>} : memref<512x128xf32, #tpu.memory_space<vmem>>, vector<1x16xf32>,
      %broadcast_in_dim3A_81 = arith.constant 0.000000e+00 : f32
      %broadcast_in_dim3A_82 = vector.broadcast %broadcast_in_dim3A_81 : f32 to vector<16xf32>
      %swap3A_83 = arith.index_cast %scan3A_68 : i32 to index
      %swap3A_84 = arith.constant 32 : index
      %swap3A_85 = tpu.vector_load %arg8[%swap3A_83, %swap3A_84] {strides = array<i32>} : memref<512x128xf32, #tpu.memory_space<vmem>>, vector<1x16xf32>,
      %swap3A_86 = vector.shape_cast %swap3A_85 : vector<1x16xf32> to vector<16xf32>
      %swap3A_87 = vector.shape_cast %broadcast_in_dim3A_82 : vector<16xf32> to vector<1x16xf32>
      tpu.vector_store %arg8[%swap3A_83, %swap3A_84], %swap3A_87 {strides = array<i32>} : memref<512x128xf32, #tpu.memory_space<vmem>>, vector<1x16xf32>,
      %broadcast_in_dim3A_88 = arith.constant 0.000000e+00 : f32
      %broadcast_in_dim3A_89 = vector.broadcast %broadcast_in_dim3A_88 : f32 to vector<16xf32>
      %swap3A_90 = arith.index_cast %scan3A_68 : i32 to index
      %swap3A_91 = arith.constant 48 : index
      %swap3A_92 = tpu.vector_load %arg8[%swap3A_90, %swap3A_91] {strides = array<i32>} : memref<512x128xf32, #tpu.memory_space<vmem>>, vector<1x16xf32>,
      %swap3A_93 = vector.shape_cast %swap3A_92 : vector<1x16xf32> to vector<16xf32>
      %swap3A_94 = vector.shape_cast %broadcast_in_dim3A_89 : vector<16xf32> to vector<1x16xf32>
      tpu.vector_store %arg8[%swap3A_90, %swap3A_91], %swap3A_94 {strides = array<i32>} : memref<512x128xf32, #tpu.memory_space<vmem>>, vector<1x16xf32>,
      %broadcast_in_dim3A_95 = arith.constant 0.000000e+00 : f32
      %broadcast_in_dim3A_96 = vector.broadcast %broadcast_in_dim3A_95 : f32 to vector<16xf32>
      %swap3A_97 = arith.index_cast %scan3A_68 : i32 to index
      %swap3A_98 = arith.constant 64 : index
      %swap3A_99 = tpu.vector_load %arg8[%swap3A_97, %swap3A_98] {strides = array<i32>} : memref<512x128xf32, #tpu.memory_space<vmem>>, vector<1x16xf32>,
      %swap3A_100 = vector.shape_cast %swap3A_99 : vector<1x16xf32> to vector<16xf32>
      %swap3A_101 = vector.shape_cast %broadcast_in_dim3A_96 : vector<16xf32> to vector<1x16xf32>
      tpu.vector_store %arg8[%swap3A_97, %swap3A_98], %swap3A_101 {strides = array<i32>} : memref<512x128xf32, #tpu.memory_space<vmem>>, vector<1x16xf32>,
      %broadcast_in_dim3A_102 = arith.constant 0.000000e+00 : f32
      %broadcast_in_dim3A_103 = vector.broadcast %broadcast_in_dim3A_102 : f32 to vector<16xf32>
      %swap3A_104 = arith.index_cast %scan3A_68 : i32 to index
      %swap3A_105 = arith.constant 80 : index
      %swap3A_106 = tpu.vector_load %arg8[%swap3A_104, %swap3A_105] {strides = array<i32>} : memref<512x128xf32, #tpu.memory_space<vmem>>, vector<1x16xf32>,
      %swap3A_107 = vector.shape_cast %swap3A_106 : vector<1x16xf32> to vector<16xf32>
      %swap3A_108 = vector.shape_cast %broadcast_in_dim3A_103 : vector<16xf32> to vector<1x16xf32>
      tpu.vector_store %arg8[%swap3A_104, %swap3A_105], %swap3A_108 {strides = array<i32>} : memref<512x128xf32, #tpu.memory_space<vmem>>, vector<1x16xf32>,
      %broadcast_in_dim3A_109 = arith.constant 0.000000e+00 : f32
      %broadcast_in_dim3A_110 = vector.broadcast %broadcast_in_dim3A_109 : f32 to vector<16xf32>
      %swap3A_111 = arith.index_cast %scan3A_68 : i32 to index
      %swap3A_112 = arith.constant 96 : index
      %swap3A_113 = tpu.vector_load %arg8[%swap3A_111, %swap3A_112] {strides = array<i32>} : memref<512x128xf32, #tpu.memory_space<vmem>>, vector<1x16xf32>,
      %swap3A_114 = vector.shape_cast %swap3A_113 : vector<1x16xf32> to vector<16xf32>
      %swap3A_115 = vector.shape_cast %broadcast_in_dim3A_110 : vector<16xf32> to vector<1x16xf32>
      tpu.vector_store %arg8[%swap3A_111, %swap3A_112], %swap3A_115 {strides = array<i32>} : memref<512x128xf32, #tpu.memory_space<vmem>>, vector<1x16xf32>,
      %broadcast_in_dim3A_116 = arith.constant 0.000000e+00 : f32
      %broadcast_in_dim3A_117 = vector.broadcast %broadcast_in_dim3A_116 : f32 to vector<16xf32>
      %swap3A_118 = arith.index_cast %scan3A_68 : i32 to index
      %swap3A_119 = arith.constant 112 : index
      %swap3A_120 = tpu.vector_load %arg8[%swap3A_118, %swap3A_119] {strides = array<i32>} : memref<512x128xf32, #tpu.memory_space<vmem>>, vector<1x16xf32>,
      %swap3A_121 = vector.shape_cast %swap3A_120 : vector<1x16xf32> to vector<16xf32>
      %swap3A_122 = vector.shape_cast %broadcast_in_dim3A_117 : vector<16xf32> to vector<1x16xf32>
      tpu.vector_store %arg8[%swap3A_118, %swap3A_119], %swap3A_122 {strides = array<i32>} : memref<512x128xf32, #tpu.memory_space<vmem>>, vector<1x16xf32>,
    }
    %scan3A_4 = arith.constant 128 : i32
    %lt3A = arith.constant 8 : i32
    %lt3A_5 = arith.cmpi slt, %arg1, %lt3A : i32
    %convert_element_type3A = arith.extui %lt3A_5 : i1 to i32
    %cond3A = arith.constant 0 : i32
    %cond3A_6 = arith.cmpi ne, %convert_element_type3A, %cond3A : i32
    scf.if %cond3A_6 {
      %mul3A_68 = arith.constant 640 : i32
      %mul3A_69 = arith.muli %arg1, %mul3A_68 : i32
      %add3A_70 = arith.constant 0 : i32
      %add3A_71 = arith.addi %mul3A_69, %add3A_70 : i32
      "tpu.region"() ({
        %run_scoped3A = tpu.sem_alloc : memref<!tpu.dma_semaphore, #tpu.memory_space<semaphore_mem>>
        %dma_start3A = arith.constant 0 : i32
        %dma_start3A_88 = arith.constant 0 : i32
        %dma_start3A_89 = tpu.memref_slice %arg8[%dma_start3A, %dma_start3A_88] : memref<512x128xf32, #tpu.memory_space<vmem>> -> memref<128x128xf32, #tpu.memory_space<vmem>>
        %dma_start3A_90 = arith.constant 0 : i32
        %dma_start3A_91 = tpu.memref_slice %arg9[%add3A_71, %dma_start3A_90] : memref<5120x128xf32, #tpu.memory_space<vmem_shared>> -> memref<128x128xf32, #tpu.memory_space<vmem_shared>>
        %dma_start3A_92 = arith.constant 0 : i32
        %dma_start3A_93 = tpu.memref_slice %arg9[%add3A_71, %dma_start3A_92] : memref<5120x128xf32, #tpu.memory_space<vmem_shared>> -> memref<128x128xf32, #tpu.memory_space<vmem_shared>>
        %dma_start3A_94 = arith.constant 0 : i32
        %dma_start3A_95 = arith.constant 0 : i32
        %dma_start3A_96 = tpu.memref_slice %arg8[%dma_start3A_94, %dma_start3A_95] : memref<512x128xf32, #tpu.memory_space<vmem>> -> memref<128x128xf32, #tpu.memory_space<vmem>>
        tpu.enqueue_dma source(%dma_start3A_96 : memref<128x128xf32, #tpu.memory_space<vmem>>) target(%dma_start3A_93 : memref<128x128xf32, #tpu.memory_space<vmem_shared>>) target_semaphore(%run_scoped3A : memref<!tpu.dma_semaphore, #tpu.memory_space<semaphore_mem>>)
        %dma_wait3A = arith.constant 0 : i32
        %dma_wait3A_97 = arith.constant 0 : i32
        %dma_wait3A_98 = tpu.memref_slice %arg8[%dma_wait3A, %dma_wait3A_97] : memref<512x128xf32, #tpu.memory_space<vmem>> -> memref<128x128xf32, #tpu.memory_space<vmem>>
        %dma_wait3A_99 = arith.constant 0 : i32
        %dma_wait3A_100 = tpu.memref_slice %arg9[%add3A_71, %dma_wait3A_99] : memref<5120x128xf32, #tpu.memory_space<vmem_shared>> -> memref<128x128xf32, #tpu.memory_space<vmem_shared>>
        %dma_wait3A_101 = arith.constant 0 : i32
        %dma_wait3A_102 = tpu.memref_slice %arg9[%add3A_71, %dma_wait3A_101] : memref<5120x128xf32, #tpu.memory_space<vmem_shared>> -> memref<128x128xf32, #tpu.memory_space<vmem_shared>>
        %dma_wait3A_103 = arith.constant 0 : i32
        %dma_wait3A_104 = arith.constant 0 : i32
        %dma_wait3A_105 = tpu.memref_slice %arg8[%dma_wait3A_103, %dma_wait3A_104] : memref<512x128xf32, #tpu.memory_space<vmem>> -> memref<128x128xf32, #tpu.memory_space<vmem>>
        tpu.wait_dma2 semaphore(%run_scoped3A : memref<!tpu.dma_semaphore, #tpu.memory_space<semaphore_mem>>) src(%dma_wait3A_105 : memref<128x128xf32, #tpu.memory_space<vmem>>) dst(%dma_wait3A_102 : memref<128x128xf32, #tpu.memory_space<vmem_shared>>)
        tpu.yield
      }) : () -> ()
      %mul3A_72 = arith.constant 640 : i32
      %mul3A_73 = arith.muli %arg1, %mul3A_72 : i32
      %add3A_74 = arith.constant 128 : i32
      %add3A_75 = arith.addi %mul3A_73, %add3A_74 : i32
      "tpu.region"() ({
        %run_scoped3A = tpu.sem_alloc : memref<!tpu.dma_semaphore, #tpu.memory_space<semaphore_mem>>
        %dma_start3A = arith.constant 0 : i32
        %dma_start3A_88 = arith.constant 0 : i32
        %dma_start3A_89 = tpu.memref_slice %arg8[%dma_start3A, %dma_start3A_88] : memref<512x128xf32, #tpu.memory_space<vmem>> -> memref<128x128xf32, #tpu.memory_space<vmem>>
        %dma_start3A_90 = arith.constant 0 : i32
        %dma_start3A_91 = tpu.memref_slice %arg9[%add3A_75, %dma_start3A_90] : memref<5120x128xf32, #tpu.memory_space<vmem_shared>> -> memref<128x128xf32, #tpu.memory_space<vmem_shared>>
        %dma_start3A_92 = arith.constant 0 : i32
        %dma_start3A_93 = tpu.memref_slice %arg9[%add3A_75, %dma_start3A_92] : memref<5120x128xf32, #tpu.memory_space<vmem_shared>> -> memref<128x128xf32, #tpu.memory_space<vmem_shared>>
        %dma_start3A_94 = arith.constant 0 : i32
        %dma_start3A_95 = arith.constant 0 : i32
        %dma_start3A_96 = tpu.memref_slice %arg8[%dma_start3A_94, %dma_start3A_95] : memref<512x128xf32, #tpu.memory_space<vmem>> -> memref<128x128xf32, #tpu.memory_space<vmem>>
        tpu.enqueue_dma source(%dma_start3A_96 : memref<128x128xf32, #tpu.memory_space<vmem>>) target(%dma_start3A_93 : memref<128x128xf32, #tpu.memory_space<vmem_shared>>) target_semaphore(%run_scoped3A : memref<!tpu.dma_semaphore, #tpu.memory_space<semaphore_mem>>)
        %dma_wait3A = arith.constant 0 : i32
        %dma_wait3A_97 = arith.constant 0 : i32
        %dma_wait3A_98 = tpu.memref_slice %arg8[%dma_wait3A, %dma_wait3A_97] : memref<512x128xf32, #tpu.memory_space<vmem>> -> memref<128x128xf32, #tpu.memory_space<vmem>>
        %dma_wait3A_99 = arith.constant 0 : i32
        %dma_wait3A_100 = tpu.memref_slice %arg9[%add3A_75, %dma_wait3A_99] : memref<5120x128xf32, #tpu.memory_space<vmem_shared>> -> memref<128x128xf32, #tpu.memory_space<vmem_shared>>
        %dma_wait3A_101 = arith.constant 0 : i32
        %dma_wait3A_102 = tpu.memref_slice %arg9[%add3A_75, %dma_wait3A_101] : memref<5120x128xf32, #tpu.memory_space<vmem_shared>> -> memref<128x128xf32, #tpu.memory_space<vmem_shared>>
        %dma_wait3A_103 = arith.constant 0 : i32
        %dma_wait3A_104 = arith.constant 0 : i32
        %dma_wait3A_105 = tpu.memref_slice %arg8[%dma_wait3A_103, %dma_wait3A_104] : memref<512x128xf32, #tpu.memory_space<vmem>> -> memref<128x128xf32, #tpu.memory_space<vmem>>
        tpu.wait_dma2 semaphore(%run_scoped3A : memref<!tpu.dma_semaphore, #tpu.memory_space<semaphore_mem>>) src(%dma_wait3A_105 : memref<128x128xf32, #tpu.memory_space<vmem>>) dst(%dma_wait3A_102 : memref<128x128xf32, #tpu.memory_space<vmem_shared>>)
        tpu.yield
      }) : () -> ()
      %mul3A_76 = arith.constant 640 : i32
      %mul3A_77 = arith.muli %arg1, %mul3A_76 : i32
      %add3A_78 = arith.constant 256 : i32
      %add3A_79 = arith.addi %mul3A_77, %add3A_78 : i32
      "tpu.region"() ({
        %run_scoped3A = tpu.sem_alloc : memref<!tpu.dma_semaphore, #tpu.memory_space<semaphore_mem>>
        %dma_start3A = arith.constant 0 : i32
        %dma_start3A_88 = arith.constant 0 : i32
        %dma_start3A_89 = tpu.memref_slice %arg8[%dma_start3A, %dma_start3A_88] : memref<512x128xf32, #tpu.memory_space<vmem>> -> memref<128x128xf32, #tpu.memory_space<vmem>>
        %dma_start3A_90 = arith.constant 0 : i32
        %dma_start3A_91 = tpu.memref_slice %arg9[%add3A_79, %dma_start3A_90] : memref<5120x128xf32, #tpu.memory_space<vmem_shared>> -> memref<128x128xf32, #tpu.memory_space<vmem_shared>>
        %dma_start3A_92 = arith.constant 0 : i32
        %dma_start3A_93 = tpu.memref_slice %arg9[%add3A_79, %dma_start3A_92] : memref<5120x128xf32, #tpu.memory_space<vmem_shared>> -> memref<128x128xf32, #tpu.memory_space<vmem_shared>>
        %dma_start3A_94 = arith.constant 0 : i32
        %dma_start3A_95 = arith.constant 0 : i32
        %dma_start3A_96 = tpu.memref_slice %arg8[%dma_start3A_94, %dma_start3A_95] : memref<512x128xf32, #tpu.memory_space<vmem>> -> memref<128x128xf32, #tpu.memory_space<vmem>>
        tpu.enqueue_dma source(%dma_start3A_96 : memref<128x128xf32, #tpu.memory_space<vmem>>) target(%dma_start3A_93 : memref<128x128xf32, #tpu.memory_space<vmem_shared>>) target_semaphore(%run_scoped3A : memref<!tpu.dma_semaphore, #tpu.memory_space<semaphore_mem>>)
        %dma_wait3A = arith.constant 0 : i32
        %dma_wait3A_97 = arith.constant 0 : i32
        %dma_wait3A_98 = tpu.memref_slice %arg8[%dma_wait3A, %dma_wait3A_97] : memref<512x128xf32, #tpu.memory_space<vmem>> -> memref<128x128xf32, #tpu.memory_space<vmem>>
        %dma_wait3A_99 = arith.constant 0 : i32
        %dma_wait3A_100 = tpu.memref_slice %arg9[%add3A_79, %dma_wait3A_99] : memref<5120x128xf32, #tpu.memory_space<vmem_shared>> -> memref<128x128xf32, #tpu.memory_space<vmem_shared>>
        %dma_wait3A_101 = arith.constant 0 : i32
        %dma_wait3A_102 = tpu.memref_slice %arg9[%add3A_79, %dma_wait3A_101] : memref<5120x128xf32, #tpu.memory_space<vmem_shared>> -> memref<128x128xf32, #tpu.memory_space<vmem_shared>>
        %dma_wait3A_103 = arith.constant 0 : i32
        %dma_wait3A_104 = arith.constant 0 : i32
        %dma_wait3A_105 = tpu.memref_slice %arg8[%dma_wait3A_103, %dma_wait3A_104] : memref<512x128xf32, #tpu.memory_space<vmem>> -> memref<128x128xf32, #tpu.memory_space<vmem>>
        tpu.wait_dma2 semaphore(%run_scoped3A : memref<!tpu.dma_semaphore, #tpu.memory_space<semaphore_mem>>) src(%dma_wait3A_105 : memref<128x128xf32, #tpu.memory_space<vmem>>) dst(%dma_wait3A_102 : memref<128x128xf32, #tpu.memory_space<vmem_shared>>)
        tpu.yield
      }) : () -> ()
      %mul3A_80 = arith.constant 640 : i32
      %mul3A_81 = arith.muli %arg1, %mul3A_80 : i32
      %add3A_82 = arith.constant 384 : i32
      %add3A_83 = arith.addi %mul3A_81, %add3A_82 : i32
      "tpu.region"() ({
        %run_scoped3A = tpu.sem_alloc : memref<!tpu.dma_semaphore, #tpu.memory_space<semaphore_mem>>
        %dma_start3A = arith.constant 0 : i32
        %dma_start3A_88 = arith.constant 0 : i32
        %dma_start3A_89 = tpu.memref_slice %arg8[%dma_start3A, %dma_start3A_88] : memref<512x128xf32, #tpu.memory_space<vmem>> -> memref<128x128xf32, #tpu.memory_space<vmem>>
        %dma_start3A_90 = arith.constant 0 : i32
        %dma_start3A_91 = tpu.memref_slice %arg9[%add3A_83, %dma_start3A_90] : memref<5120x128xf32, #tpu.memory_space<vmem_shared>> -> memref<128x128xf32, #tpu.memory_space<vmem_shared>>
        %dma_start3A_92 = arith.constant 0 : i32
        %dma_start3A_93 = tpu.memref_slice %arg9[%add3A_83, %dma_start3A_92] : memref<5120x128xf32, #tpu.memory_space<vmem_shared>> -> memref<128x128xf32, #tpu.memory_space<vmem_shared>>
        %dma_start3A_94 = arith.constant 0 : i32
        %dma_start3A_95 = arith.constant 0 : i32
        %dma_start3A_96 = tpu.memref_slice %arg8[%dma_start3A_94, %dma_start3A_95] : memref<512x128xf32, #tpu.memory_space<vmem>> -> memref<128x128xf32, #tpu.memory_space<vmem>>
        tpu.enqueue_dma source(%dma_start3A_96 : memref<128x128xf32, #tpu.memory_space<vmem>>) target(%dma_start3A_93 : memref<128x128xf32, #tpu.memory_space<vmem_shared>>) target_semaphore(%run_scoped3A : memref<!tpu.dma_semaphore, #tpu.memory_space<semaphore_mem>>)
        %dma_wait3A = arith.constant 0 : i32
        %dma_wait3A_97 = arith.constant 0 : i32
        %dma_wait3A_98 = tpu.memref_slice %arg8[%dma_wait3A, %dma_wait3A_97] : memref<512x128xf32, #tpu.memory_space<vmem>> -> memref<128x128xf32, #tpu.memory_space<vmem>>
        %dma_wait3A_99 = arith.constant 0 : i32
        %dma_wait3A_100 = tpu.memref_slice %arg9[%add3A_83, %dma_wait3A_99] : memref<5120x128xf32, #tpu.memory_space<vmem_shared>> -> memref<128x128xf32, #tpu.memory_space<vmem_shared>>
        %dma_wait3A_101 = arith.constant 0 : i32
        %dma_wait3A_102 = tpu.memref_slice %arg9[%add3A_83, %dma_wait3A_101] : memref<5120x128xf32, #tpu.memory_space<vmem_shared>> -> memref<128x128xf32, #tpu.memory_space<vmem_shared>>
        %dma_wait3A_103 = arith.constant 0 : i32
        %dma_wait3A_104 = arith.constant 0 : i32
        %dma_wait3A_105 = tpu.memref_slice %arg8[%dma_wait3A_103, %dma_wait3A_104] : memref<512x128xf32, #tpu.memory_space<vmem>> -> memref<128x128xf32, #tpu.memory_space<vmem>>
        tpu.wait_dma2 semaphore(%run_scoped3A : memref<!tpu.dma_semaphore, #tpu.memory_space<semaphore_mem>>) src(%dma_wait3A_105 : memref<128x128xf32, #tpu.memory_space<vmem>>) dst(%dma_wait3A_102 : memref<128x128xf32, #tpu.memory_space<vmem_shared>>)
        tpu.yield
      }) : () -> ()
      %mul3A_84 = arith.constant 640 : i32
      %mul3A_85 = arith.muli %arg1, %mul3A_84 : i32
      %add3A_86 = arith.constant 512 : i32
      %add3A_87 = arith.addi %mul3A_85, %add3A_86 : i32
      "tpu.region"() ({
        %run_scoped3A = tpu.sem_alloc : memref<!tpu.dma_semaphore, #tpu.memory_space<semaphore_mem>>
        %dma_start3A = arith.constant 0 : i32
        %dma_start3A_88 = arith.constant 0 : i32
        %dma_start3A_89 = tpu.memref_slice %arg8[%dma_start3A, %dma_start3A_88] : memref<512x128xf32, #tpu.memory_space<vmem>> -> memref<128x128xf32, #tpu.memory_space<vmem>>
        %dma_start3A_90 = arith.constant 0 : i32
        %dma_start3A_91 = tpu.memref_slice %arg9[%add3A_87, %dma_start3A_90] : memref<5120x128xf32, #tpu.memory_space<vmem_shared>> -> memref<128x128xf32, #tpu.memory_space<vmem_shared>>
        %dma_start3A_92 = arith.constant 0 : i32
        %dma_start3A_93 = tpu.memref_slice %arg9[%add3A_87, %dma_start3A_92] : memref<5120x128xf32, #tpu.memory_space<vmem_shared>> -> memref<128x128xf32, #tpu.memory_space<vmem_shared>>
        %dma_start3A_94 = arith.constant 0 : i32
        %dma_start3A_95 = arith.constant 0 : i32
        %dma_start3A_96 = tpu.memref_slice %arg8[%dma_start3A_94, %dma_start3A_95] : memref<512x128xf32, #tpu.memory_space<vmem>> -> memref<128x128xf32, #tpu.memory_space<vmem>>
        tpu.enqueue_dma source(%dma_start3A_96 : memref<128x128xf32, #tpu.memory_space<vmem>>) target(%dma_start3A_93 : memref<128x128xf32, #tpu.memory_space<vmem_shared>>) target_semaphore(%run_scoped3A : memref<!tpu.dma_semaphore, #tpu.memory_space<semaphore_mem>>)
        %dma_wait3A = arith.constant 0 : i32
        %dma_wait3A_97 = arith.constant 0 : i32
        %dma_wait3A_98 = tpu.memref_slice %arg8[%dma_wait3A, %dma_wait3A_97] : memref<512x128xf32, #tpu.memory_space<vmem>> -> memref<128x128xf32, #tpu.memory_space<vmem>>
        %dma_wait3A_99 = arith.constant 0 : i32
        %dma_wait3A_100 = tpu.memref_slice %arg9[%add3A_87, %dma_wait3A_99] : memref<5120x128xf32, #tpu.memory_space<vmem_shared>> -> memref<128x128xf32, #tpu.memory_space<vmem_shared>>
        %dma_wait3A_101 = arith.constant 0 : i32
        %dma_wait3A_102 = tpu.memref_slice %arg9[%add3A_87, %dma_wait3A_101] : memref<5120x128xf32, #tpu.memory_space<vmem_shared>> -> memref<128x128xf32, #tpu.memory_space<vmem_shared>>
        %dma_wait3A_103 = arith.constant 0 : i32
        %dma_wait3A_104 = arith.constant 0 : i32
        %dma_wait3A_105 = tpu.memref_slice %arg8[%dma_wait3A_103, %dma_wait3A_104] : memref<512x128xf32, #tpu.memory_space<vmem>> -> memref<128x128xf32, #tpu.memory_space<vmem>>
        tpu.wait_dma2 semaphore(%run_scoped3A : memref<!tpu.dma_semaphore, #tpu.memory_space<semaphore_mem>>) src(%dma_wait3A_105 : memref<128x128xf32, #tpu.memory_space<vmem>>) dst(%dma_wait3A_102 : memref<128x128xf32, #tpu.memory_space<vmem_shared>>)
        tpu.yield
      }) : () -> ()
    } else {
    }
    %mul3A = arith.constant 2 : i32
    %mul3A_7 = arith.muli %arg0, %mul3A : i32
    %add3A = arith.constant 0 : i32
    %add3A_8 = arith.addi %mul3A_7, %add3A : i32
    %mul3A_9 = arith.constant 163840 : i32
    %mul3A_10 = arith.muli %add3A_8, %mul3A_9 : i32
    %mul3A_11 = arith.constant 10240 : i32
    %mul3A_12 = arith.muli %arg1, %mul3A_11 : i32
    %add3A_13 = arith.addi %mul3A_10, %mul3A_12 : i32
    "tpu.region"() ({
      %run_scoped3A = tpu.sem_alloc : memref<!tpu.dma_semaphore, #tpu.memory_space<semaphore_mem>>
      %dma_start3A = tpu.memref_slice %arg3[%add3A_13] : memref<655360xi32, #tpu.memory_space<hbm>> -> memref<10240xi32, #tpu.memory_space<hbm>>
      %dma_start3A_68 = tpu.memref_slice %arg3[%add3A_13] : memref<655360xi32, #tpu.memory_space<hbm>> -> memref<10240xi32, #tpu.memory_space<hbm>>
      tpu.enqueue_dma source(%dma_start3A_68 : memref<10240xi32, #tpu.memory_space<hbm>>) target(%arg6 : memref<10240xi32, #tpu.memory_space<vmem>>) target_semaphore(%run_scoped3A : memref<!tpu.dma_semaphore, #tpu.memory_space<semaphore_mem>>)
      %dma_wait3A = tpu.memref_slice %arg3[%add3A_13] : memref<655360xi32, #tpu.memory_space<hbm>> -> memref<10240xi32, #tpu.memory_space<hbm>>
      %dma_wait3A_69 = tpu.memref_slice %arg3[%add3A_13] : memref<655360xi32, #tpu.memory_space<hbm>> -> memref<10240xi32, #tpu.memory_space<hbm>>
      tpu.wait_dma2 semaphore(%run_scoped3A : memref<!tpu.dma_semaphore, #tpu.memory_space<semaphore_mem>>) src(%dma_wait3A_69 : memref<10240xi32, #tpu.memory_space<hbm>>) dst(%arg6 : memref<10240xi32, #tpu.memory_space<vmem>>)
      tpu.yield
    }) : () -> ()
    %mul3A_14 = arith.constant 10240 : i32
    %mul3A_15 = arith.muli %arg1, %mul3A_14 : i32
    %add3A_16 = arith.constant 0 : i32
    %add3A_17 = arith.addi %add3A_16, %mul3A_15 : i32
    "tpu.region"() ({
      %run_scoped3A = tpu.sem_alloc : memref<!tpu.dma_semaphore, #tpu.memory_space<semaphore_mem>>
      %dma_start3A = tpu.memref_slice %arg4[%add3A_17] : memref<327680xi32, #tpu.memory_space<hbm>> -> memref<10240xi32, #tpu.memory_space<hbm>>
      %dma_start3A_68 = tpu.memref_slice %arg4[%add3A_17] : memref<327680xi32, #tpu.memory_space<hbm>> -> memref<10240xi32, #tpu.memory_space<hbm>>
      tpu.enqueue_dma source(%dma_start3A_68 : memref<10240xi32, #tpu.memory_space<hbm>>) target(%arg7 : memref<10240xi32, #tpu.memory_space<vmem>>) target_semaphore(%run_scoped3A : memref<!tpu.dma_semaphore, #tpu.memory_space<semaphore_mem>>)
      %dma_wait3A = tpu.memref_slice %arg4[%add3A_17] : memref<327680xi32, #tpu.memory_space<hbm>> -> memref<10240xi32, #tpu.memory_space<hbm>>
      %dma_wait3A_69 = tpu.memref_slice %arg4[%add3A_17] : memref<327680xi32, #tpu.memory_space<hbm>> -> memref<10240xi32, #tpu.memory_space<hbm>>
      tpu.wait_dma2 semaphore(%run_scoped3A : memref<!tpu.dma_semaphore, #tpu.memory_space<semaphore_mem>>) src(%dma_wait3A_69 : memref<10240xi32, #tpu.memory_space<hbm>>) dst(%arg7 : memref<10240xi32, #tpu.memory_space<vmem>>)
      tpu.yield
    }) : () -> ()
    %barrier3A = arith.constant 0 : index
    tpu.barrier barrier_id(%barrier3A)
    %scan3A_18 = arith.constant 0 : i32
    %scan3A_19 = arith.constant 0 : i32
    %scan3A_20 = arith.constant 20 : i32
    %scan3A_21 = arith.addi %scan3A_19, %scan3A_20 : i32
    %scan3A_22 = arith.constant 1 : i32
    scf.for %scan3A_68 = %scan3A_19 to %scan3A_21 step %scan3A_22  : i32 {
      %mul3A_69 = arith.constant 512 : i32
      %mul3A_70 = arith.muli %scan3A_68, %mul3A_69 : i32
      %dma_start3A = tpu.memref_slice %arg6[%mul3A_70] : memref<10240xi32, #tpu.memory_space<vmem>> -> memref<512xi32, #tpu.memory_space<vmem>>
      %dma_start3A_71 = arith.constant 0 : i32
      %dma_start3A_72 = arith.constant 0 : i32
      %dma_start3A_73 = tpu.memref_slice %arg2[%dma_start3A_71, %dma_start3A_72] : memref<20480x128xf32, #tpu.memory_space<hbm>> -> memref<20480x128xf32, #tpu.memory_space<hbm>>
      tpu.enqueue_indirect_dma source(%dma_start3A_73 : memref<20480x128xf32, #tpu.memory_space<hbm>>) target(%arg8 : memref<512x128xf32, #tpu.memory_space<vmem>>) offsets(%dma_start3A : memref<512xi32, #tpu.memory_space<vmem>>) semaphore(%arg10 : memref<!tpu.dma_semaphore, #tpu.memory_space<semaphore_mem>>)
      %dma_wait3A = tpu.memref_slice %arg6[%mul3A_70] : memref<10240xi32, #tpu.memory_space<vmem>> -> memref<512xi32, #tpu.memory_space<vmem>>
      %dma_wait3A_74 = arith.constant 0 : i32
      %dma_wait3A_75 = arith.constant 0 : i32
      %dma_wait3A_76 = tpu.memref_slice %arg2[%dma_wait3A_74, %dma_wait3A_75] : memref<20480x128xf32, #tpu.memory_space<hbm>> -> memref<20480x128xf32, #tpu.memory_space<hbm>>
      tpu.wait_indirect_dma semaphore(%arg10 : memref<!tpu.dma_semaphore, #tpu.memory_space<semaphore_mem>>) src(%dma_wait3A_76 : memref<20480x128xf32, #tpu.memory_space<hbm>>) dst(%arg8 : memref<512x128xf32, #tpu.memory_space<vmem>>)
      %mul3A_77 = arith.constant 512 : i32
      %mul3A_78 = arith.muli %scan3A_68, %mul3A_77 : i32
      "tpu.region"() ({
        %run_scoped3A = tpu.sem_alloc : memref<!tpu.dma_semaphore, #tpu.memory_space<semaphore_mem>>
        %dma_start3A_79 = tpu.memref_slice %arg7[%mul3A_78] : memref<10240xi32, #tpu.memory_space<vmem>> -> memref<512xi32, #tpu.memory_space<vmem>>
        %dma_start3A_80 = arith.constant 0 : i32
        %dma_start3A_81 = arith.constant 0 : i32
        %dma_start3A_82 = tpu.memref_slice %arg9[%dma_start3A_80, %dma_start3A_81] : memref<5120x128xf32, #tpu.memory_space<vmem_shared>> -> memref<5120x128xf32, #tpu.memory_space<vmem_shared>>
        tpu.enqueue_indirect_dma source(%arg8 : memref<512x128xf32, #tpu.memory_space<vmem>>) target(%dma_start3A_82 : memref<5120x128xf32, #tpu.memory_space<vmem_shared>>) offsets(%dma_start3A_79 : memref<512xi32, #tpu.memory_space<vmem>>) semaphore(%run_scoped3A : memref<!tpu.dma_semaphore, #tpu.memory_space<semaphore_mem>>) {add = true}
        %dma_wait3A_83 = tpu.memref_slice %arg7[%mul3A_78] : memref<10240xi32, #tpu.memory_space<vmem>> -> memref<512xi32, #tpu.memory_space<vmem>>
        %dma_wait3A_84 = arith.constant 0 : i32
        %dma_wait3A_85 = arith.constant 0 : i32
        %dma_wait3A_86 = tpu.memref_slice %arg9[%dma_wait3A_84, %dma_wait3A_85] : memref<5120x128xf32, #tpu.memory_space<vmem_shared>> -> memref<5120x128xf32, #tpu.memory_space<vmem_shared>>
        tpu.wait_indirect_dma semaphore(%run_scoped3A : memref<!tpu.dma_semaphore, #tpu.memory_space<semaphore_mem>>) src(%arg8 : memref<512x128xf32, #tpu.memory_space<vmem>>) dst(%dma_wait3A_86 : memref<5120x128xf32, #tpu.memory_space<vmem_shared>>)
        tpu.yield
      }) : () -> ()
    }
    %scan3A_23 = arith.constant 20 : i32
    %barrier3A_24 = arith.constant 0 : index
    tpu.barrier barrier_id(%barrier3A_24)
    %lt3A_25 = arith.constant 8 : i32
    %lt3A_26 = arith.cmpi slt, %arg1, %lt3A_25 : i32
    %convert_element_type3A_27 = arith.extui %lt3A_26 : i1 to i32
    %cond3A_28 = arith.constant 0 : i32
    %cond3A_29 = arith.cmpi ne, %convert_element_type3A_27, %cond3A_28 : i32
    scf.if %cond3A_29 {
      %mul3A_68 = arith.constant 640 : i32
      %mul3A_69 = arith.muli %arg1, %mul3A_68 : i32
      %add3A_70 = arith.constant 0 : i32
      %add3A_71 = arith.addi %mul3A_69, %add3A_70 : i32
      "tpu.region"() ({
        %run_scoped3A = tpu.sem_alloc : memref<!tpu.dma_semaphore, #tpu.memory_space<semaphore_mem>>
        %dma_start3A = arith.constant 0 : i32
        %dma_start3A_143 = arith.constant 0 : i32
        %dma_start3A_144 = tpu.memref_slice %arg8[%dma_start3A, %dma_start3A_143] : memref<512x128xf32, #tpu.memory_space<vmem>> -> memref<128x128xf32, #tpu.memory_space<vmem>>
        %dma_start3A_145 = arith.constant 0 : i32
        %dma_start3A_146 = tpu.memref_slice %arg9[%add3A_71, %dma_start3A_145] : memref<5120x128xf32, #tpu.memory_space<vmem_shared>> -> memref<128x128xf32, #tpu.memory_space<vmem_shared>>
        %dma_start3A_147 = arith.constant 0 : i32
        %dma_start3A_148 = arith.constant 0 : i32
        %dma_start3A_149 = tpu.memref_slice %arg8[%dma_start3A_147, %dma_start3A_148] : memref<512x128xf32, #tpu.memory_space<vmem>> -> memref<128x128xf32, #tpu.memory_space<vmem>>
        %dma_start3A_150 = arith.constant 0 : i32
        %dma_start3A_151 = tpu.memref_slice %arg9[%add3A_71, %dma_start3A_150] : memref<5120x128xf32, #tpu.memory_space<vmem_shared>> -> memref<128x128xf32, #tpu.memory_space<vmem_shared>>
        tpu.enqueue_dma source(%dma_start3A_151 : memref<128x128xf32, #tpu.memory_space<vmem_shared>>) target(%dma_start3A_149 : memref<128x128xf32, #tpu.memory_space<vmem>>) target_semaphore(%run_scoped3A : memref<!tpu.dma_semaphore, #tpu.memory_space<semaphore_mem>>)
        %dma_wait3A = arith.constant 0 : i32
        %dma_wait3A_152 = arith.constant 0 : i32
        %dma_wait3A_153 = tpu.memref_slice %arg8[%dma_wait3A, %dma_wait3A_152] : memref<512x128xf32, #tpu.memory_space<vmem>> -> memref<128x128xf32, #tpu.memory_space<vmem>>
        %dma_wait3A_154 = arith.constant 0 : i32
        %dma_wait3A_155 = tpu.memref_slice %arg9[%add3A_71, %dma_wait3A_154] : memref<5120x128xf32, #tpu.memory_space<vmem_shared>> -> memref<128x128xf32, #tpu.memory_space<vmem_shared>>
        %dma_wait3A_156 = arith.constant 0 : i32
        %dma_wait3A_157 = arith.constant 0 : i32
        %dma_wait3A_158 = tpu.memref_slice %arg8[%dma_wait3A_156, %dma_wait3A_157] : memref<512x128xf32, #tpu.memory_space<vmem>> -> memref<128x128xf32, #tpu.memory_space<vmem>>
        %dma_wait3A_159 = arith.constant 0 : i32
        %dma_wait3A_160 = tpu.memref_slice %arg9[%add3A_71, %dma_wait3A_159] : memref<5120x128xf32, #tpu.memory_space<vmem_shared>> -> memref<128x128xf32, #tpu.memory_space<vmem_shared>>
        tpu.wait_dma2 semaphore(%run_scoped3A : memref<!tpu.dma_semaphore, #tpu.memory_space<semaphore_mem>>) src(%dma_wait3A_160 : memref<128x128xf32, #tpu.memory_space<vmem_shared>>) dst(%dma_wait3A_158 : memref<128x128xf32, #tpu.memory_space<vmem>>)
        tpu.yield
      }) : () -> ()
      %mul3A_72 = arith.constant 2 : i32
      %mul3A_73 = arith.muli %arg0, %mul3A_72 : i32
      %mul3A_74 = arith.constant 5120 : i32
      %mul3A_75 = arith.muli %mul3A_73, %mul3A_74 : i32
      %add3A_76 = arith.constant 0 : i32
      %add3A_77 = arith.addi %mul3A_75, %add3A_76 : i32
      %mul3A_78 = arith.constant 640 : i32
      %mul3A_79 = arith.muli %arg1, %mul3A_78 : i32
      %add3A_80 = arith.addi %add3A_77, %mul3A_79 : i32
      %add3A_81 = arith.constant 0 : i32
      %add3A_82 = arith.addi %add3A_80, %add3A_81 : i32
      "tpu.region"() ({
        %run_scoped3A = tpu.sem_alloc : memref<!tpu.dma_semaphore, #tpu.memory_space<semaphore_mem>>
        %dma_start3A = arith.constant 0 : i32
        %dma_start3A_143 = arith.constant 0 : i32
        %dma_start3A_144 = tpu.memref_slice %arg8[%dma_start3A, %dma_start3A_143] : memref<512x128xf32, #tpu.memory_space<vmem>> -> memref<128x128xf32, #tpu.memory_space<vmem>>
        %dma_start3A_145 = arith.constant 0 : i32
        %dma_start3A_146 = tpu.memref_slice %arg5[%add3A_82, %dma_start3A_145] : memref<20480x128xf32, #tpu.memory_space<hbm>> -> memref<128x128xf32, #tpu.memory_space<hbm>>
        %dma_start3A_147 = arith.constant 0 : i32
        %dma_start3A_148 = tpu.memref_slice %arg5[%add3A_82, %dma_start3A_147] : memref<20480x128xf32, #tpu.memory_space<hbm>> -> memref<128x128xf32, #tpu.memory_space<hbm>>
        %dma_start3A_149 = arith.constant 0 : i32
        %dma_start3A_150 = arith.constant 0 : i32
        %dma_start3A_151 = tpu.memref_slice %arg8[%dma_start3A_149, %dma_start3A_150] : memref<512x128xf32, #tpu.memory_space<vmem>> -> memref<128x128xf32, #tpu.memory_space<vmem>>
        tpu.enqueue_dma source(%dma_start3A_151 : memref<128x128xf32, #tpu.memory_space<vmem>>) target(%dma_start3A_148 : memref<128x128xf32, #tpu.memory_space<hbm>>) target_semaphore(%run_scoped3A : memref<!tpu.dma_semaphore, #tpu.memory_space<semaphore_mem>>)
        %dma_wait3A = arith.constant 0 : i32
        %dma_wait3A_152 = arith.constant 0 : i32
        %dma_wait3A_153 = tpu.memref_slice %arg8[%dma_wait3A, %dma_wait3A_152] : memref<512x128xf32, #tpu.memory_space<vmem>> -> memref<128x128xf32, #tpu.memory_space<vmem>>
        %dma_wait3A_154 = arith.constant 0 : i32
        %dma_wait3A_155 = tpu.memref_slice %arg5[%add3A_82, %dma_wait3A_154] : memref<20480x128xf32, #tpu.memory_space<hbm>> -> memref<128x128xf32, #tpu.memory_space<hbm>>
        %dma_wait3A_156 = arith.constant 0 : i32
        %dma_wait3A_157 = tpu.memref_slice %arg5[%add3A_82, %dma_wait3A_156] : memref<20480x128xf32, #tpu.memory_space<hbm>> -> memref<128x128xf32, #tpu.memory_space<hbm>>
        %dma_wait3A_158 = arith.constant 0 : i32
        %dma_wait3A_159 = arith.constant 0 : i32
        %dma_wait3A_160 = tpu.memref_slice %arg8[%dma_wait3A_158, %dma_wait3A_159] : memref<512x128xf32, #tpu.memory_space<vmem>> -> memref<128x128xf32, #tpu.memory_space<vmem>>
        tpu.wait_dma2 semaphore(%run_scoped3A : memref<!tpu.dma_semaphore, #tpu.memory_space<semaphore_mem>>) src(%dma_wait3A_160 : memref<128x128xf32, #tpu.memory_space<vmem>>) dst(%dma_wait3A_157 : memref<128x128xf32, #tpu.memory_space<hbm>>)
        tpu.yield
      }) : () -> ()
      %mul3A_83 = arith.constant 640 : i32
      %mul3A_84 = arith.muli %arg1, %mul3A_83 : i32
      %add3A_85 = arith.constant 128 : i32
      %add3A_86 = arith.addi %mul3A_84, %add3A_85 : i32
      "tpu.region"() ({
        %run_scoped3A = tpu.sem_alloc : memref<!tpu.dma_semaphore, #tpu.memory_space<semaphore_mem>>
        %dma_start3A = arith.constant 0 : i32
        %dma_start3A_143 = arith.constant 0 : i32
        %dma_start3A_144 = tpu.memref_slice %arg8[%dma_start3A, %dma_start3A_143] : memref<512x128xf32, #tpu.memory_space<vmem>> -> memref<128x128xf32, #tpu.memory_space<vmem>>
        %dma_start3A_145 = arith.constant 0 : i32
        %dma_start3A_146 = tpu.memref_slice %arg9[%add3A_86, %dma_start3A_145] : memref<5120x128xf32, #tpu.memory_space<vmem_shared>> -> memref<128x128xf32, #tpu.memory_space<vmem_shared>>
        %dma_start3A_147 = arith.constant 0 : i32
        %dma_start3A_148 = arith.constant 0 : i32
        %dma_start3A_149 = tpu.memref_slice %arg8[%dma_start3A_147, %dma_start3A_148] : memref<512x128xf32, #tpu.memory_space<vmem>> -> memref<128x128xf32, #tpu.memory_space<vmem>>
        %dma_start3A_150 = arith.constant 0 : i32
        %dma_start3A_151 = tpu.memref_slice %arg9[%add3A_86, %dma_start3A_150] : memref<5120x128xf32, #tpu.memory_space<vmem_shared>> -> memref<128x128xf32, #tpu.memory_space<vmem_shared>>
        tpu.enqueue_dma source(%dma_start3A_151 : memref<128x128xf32, #tpu.memory_space<vmem_shared>>) target(%dma_start3A_149 : memref<128x128xf32, #tpu.memory_space<vmem>>) target_semaphore(%run_scoped3A : memref<!tpu.dma_semaphore, #tpu.memory_space<semaphore_mem>>)
        %dma_wait3A = arith.constant 0 : i32
        %dma_wait3A_152 = arith.constant 0 : i32
        %dma_wait3A_153 = tpu.memref_slice %arg8[%dma_wait3A, %dma_wait3A_152] : memref<512x128xf32, #tpu.memory_space<vmem>> -> memref<128x128xf32, #tpu.memory_space<vmem>>
        %dma_wait3A_154 = arith.constant 0 : i32
        %dma_wait3A_155 = tpu.memref_slice %arg9[%add3A_86, %dma_wait3A_154] : memref<5120x128xf32, #tpu.memory_space<vmem_shared>> -> memref<128x128xf32, #tpu.memory_space<vmem_shared>>
        %dma_wait3A_156 = arith.constant 0 : i32
        %dma_wait3A_157 = arith.constant 0 : i32
        %dma_wait3A_158 = tpu.memref_slice %arg8[%dma_wait3A_156, %dma_wait3A_157] : memref<512x128xf32, #tpu.memory_space<vmem>> -> memref<128x128xf32, #tpu.memory_space<vmem>>
        %dma_wait3A_159 = arith.constant 0 : i32
        %dma_wait3A_160 = tpu.memref_slice %arg9[%add3A_86, %dma_wait3A_159] : memref<5120x128xf32, #tpu.memory_space<vmem_shared>> -> memref<128x128xf32, #tpu.memory_space<vmem_shared>>
        tpu.wait_dma2 semaphore(%run_scoped3A : memref<!tpu.dma_semaphore, #tpu.memory_space<semaphore_mem>>) src(%dma_wait3A_160 : memref<128x128xf32, #tpu.memory_space<vmem_shared>>) dst(%dma_wait3A_158 : memref<128x128xf32, #tpu.memory_space<vmem>>)
        tpu.yield
      }) : () -> ()
      %mul3A_87 = arith.constant 2 : i32
      %mul3A_88 = arith.muli %arg0, %mul3A_87 : i32
      %mul3A_89 = arith.constant 5120 : i32
      %mul3A_90 = arith.muli %mul3A_88, %mul3A_89 : i32
      %add3A_91 = arith.constant 0 : i32
      %add3A_92 = arith.addi %mul3A_90, %add3A_91 : i32
      %mul3A_93 = arith.constant 640 : i32
      %mul3A_94 = arith.muli %arg1, %mul3A_93 : i32
      %add3A_95 = arith.addi %add3A_92, %mul3A_94 : i32
      %add3A_96 = arith.constant 128 : i32
      %add3A_97 = arith.addi %add3A_95, %add3A_96 : i32
      "tpu.region"() ({
        %run_scoped3A = tpu.sem_alloc : memref<!tpu.dma_semaphore, #tpu.memory_space<semaphore_mem>>
        %dma_start3A = arith.constant 0 : i32
        %dma_start3A_143 = arith.constant 0 : i32
        %dma_start3A_144 = tpu.memref_slice %arg8[%dma_start3A, %dma_start3A_143] : memref<512x128xf32, #tpu.memory_space<vmem>> -> memref<128x128xf32, #tpu.memory_space<vmem>>
        %dma_start3A_145 = arith.constant 0 : i32
        %dma_start3A_146 = tpu.memref_slice %arg5[%add3A_97, %dma_start3A_145] : memref<20480x128xf32, #tpu.memory_space<hbm>> -> memref<128x128xf32, #tpu.memory_space<hbm>>
        %dma_start3A_147 = arith.constant 0 : i32
        %dma_start3A_148 = tpu.memref_slice %arg5[%add3A_97, %dma_start3A_147] : memref<20480x128xf32, #tpu.memory_space<hbm>> -> memref<128x128xf32, #tpu.memory_space<hbm>>
        %dma_start3A_149 = arith.constant 0 : i32
        %dma_start3A_150 = arith.constant 0 : i32
        %dma_start3A_151 = tpu.memref_slice %arg8[%dma_start3A_149, %dma_start3A_150] : memref<512x128xf32, #tpu.memory_space<vmem>> -> memref<128x128xf32, #tpu.memory_space<vmem>>
        tpu.enqueue_dma source(%dma_start3A_151 : memref<128x128xf32, #tpu.memory_space<vmem>>) target(%dma_start3A_148 : memref<128x128xf32, #tpu.memory_space<hbm>>) target_semaphore(%run_scoped3A : memref<!tpu.dma_semaphore, #tpu.memory_space<semaphore_mem>>)
        %dma_wait3A = arith.constant 0 : i32
        %dma_wait3A_152 = arith.constant 0 : i32
        %dma_wait3A_153 = tpu.memref_slice %arg8[%dma_wait3A, %dma_wait3A_152] : memref<512x128xf32, #tpu.memory_space<vmem>> -> memref<128x128xf32, #tpu.memory_space<vmem>>
        %dma_wait3A_154 = arith.constant 0 : i32
        %dma_wait3A_155 = tpu.memref_slice %arg5[%add3A_97, %dma_wait3A_154] : memref<20480x128xf32, #tpu.memory_space<hbm>> -> memref<128x128xf32, #tpu.memory_space<hbm>>
        %dma_wait3A_156 = arith.constant 0 : i32
        %dma_wait3A_157 = tpu.memref_slice %arg5[%add3A_97, %dma_wait3A_156] : memref<20480x128xf32, #tpu.memory_space<hbm>> -> memref<128x128xf32, #tpu.memory_space<hbm>>
        %dma_wait3A_158 = arith.constant 0 : i32
        %dma_wait3A_159 = arith.constant 0 : i32
        %dma_wait3A_160 = tpu.memref_slice %arg8[%dma_wait3A_158, %dma_wait3A_159] : memref<512x128xf32, #tpu.memory_space<vmem>> -> memref<128x128xf32, #tpu.memory_space<vmem>>
        tpu.wait_dma2 semaphore(%run_scoped3A : memref<!tpu.dma_semaphore, #tpu.memory_space<semaphore_mem>>) src(%dma_wait3A_160 : memref<128x128xf32, #tpu.memory_space<vmem>>) dst(%dma_wait3A_157 : memref<128x128xf32, #tpu.memory_space<hbm>>)
        tpu.yield
      }) : () -> ()
      %mul3A_98 = arith.constant 640 : i32
      %mul3A_99 = arith.muli %arg1, %mul3A_98 : i32
      %add3A_100 = arith.constant 256 : i32
      %add3A_101 = arith.addi %mul3A_99, %add3A_100 : i32
      "tpu.region"() ({
        %run_scoped3A = tpu.sem_alloc : memref<!tpu.dma_semaphore, #tpu.memory_space<semaphore_mem>>
        %dma_start3A = arith.constant 0 : i32
        %dma_start3A_143 = arith.constant 0 : i32
        %dma_start3A_144 = tpu.memref_slice %arg8[%dma_start3A, %dma_start3A_143] : memref<512x128xf32, #tpu.memory_space<vmem>> -> memref<128x128xf32, #tpu.memory_space<vmem>>
        %dma_start3A_145 = arith.constant 0 : i32
        %dma_start3A_146 = tpu.memref_slice %arg9[%add3A_101, %dma_start3A_145] : memref<5120x128xf32, #tpu.memory_space<vmem_shared>> -> memref<128x128xf32, #tpu.memory_space<vmem_shared>>
        %dma_start3A_147 = arith.constant 0 : i32
        %dma_start3A_148 = arith.constant 0 : i32
        %dma_start3A_149 = tpu.memref_slice %arg8[%dma_start3A_147, %dma_start3A_148] : memref<512x128xf32, #tpu.memory_space<vmem>> -> memref<128x128xf32, #tpu.memory_space<vmem>>
        %dma_start3A_150 = arith.constant 0 : i32
        %dma_start3A_151 = tpu.memref_slice %arg9[%add3A_101, %dma_start3A_150] : memref<5120x128xf32, #tpu.memory_space<vmem_shared>> -> memref<128x128xf32, #tpu.memory_space<vmem_shared>>
        tpu.enqueue_dma source(%dma_start3A_151 : memref<128x128xf32, #tpu.memory_space<vmem_shared>>) target(%dma_start3A_149 : memref<128x128xf32, #tpu.memory_space<vmem>>) target_semaphore(%run_scoped3A : memref<!tpu.dma_semaphore, #tpu.memory_space<semaphore_mem>>)
        %dma_wait3A = arith.constant 0 : i32
        %dma_wait3A_152 = arith.constant 0 : i32
        %dma_wait3A_153 = tpu.memref_slice %arg8[%dma_wait3A, %dma_wait3A_152] : memref<512x128xf32, #tpu.memory_space<vmem>> -> memref<128x128xf32, #tpu.memory_space<vmem>>
        %dma_wait3A_154 = arith.constant 0 : i32
        %dma_wait3A_155 = tpu.memref_slice %arg9[%add3A_101, %dma_wait3A_154] : memref<5120x128xf32, #tpu.memory_space<vmem_shared>> -> memref<128x128xf32, #tpu.memory_space<vmem_shared>>
        %dma_wait3A_156 = arith.constant 0 : i32
        %dma_wait3A_157 = arith.constant 0 : i32
        %dma_wait3A_158 = tpu.memref_slice %arg8[%dma_wait3A_156, %dma_wait3A_157] : memref<512x128xf32, #tpu.memory_space<vmem>> -> memref<128x128xf32, #tpu.memory_space<vmem>>
        %dma_wait3A_159 = arith.constant 0 : i32
        %dma_wait3A_160 = tpu.memref_slice %arg9[%add3A_101, %dma_wait3A_159] : memref<5120x128xf32, #tpu.memory_space<vmem_shared>> -> memref<128x128xf32, #tpu.memory_space<vmem_shared>>
        tpu.wait_dma2 semaphore(%run_scoped3A : memref<!tpu.dma_semaphore, #tpu.memory_space<semaphore_mem>>) src(%dma_wait3A_160 : memref<128x128xf32, #tpu.memory_space<vmem_shared>>) dst(%dma_wait3A_158 : memref<128x128xf32, #tpu.memory_space<vmem>>)
        tpu.yield
      }) : () -> ()
      %mul3A_102 = arith.constant 2 : i32
      %mul3A_103 = arith.muli %arg0, %mul3A_102 : i32
      %mul3A_104 = arith.constant 5120 : i32
      %mul3A_105 = arith.muli %mul3A_103, %mul3A_104 : i32
      %add3A_106 = arith.constant 0 : i32
      %add3A_107 = arith.addi %mul3A_105, %add3A_106 : i32
      %mul3A_108 = arith.constant 640 : i32
      %mul3A_109 = arith.muli %arg1, %mul3A_108 : i32
      %add3A_110 = arith.addi %add3A_107, %mul3A_109 : i32
      %add3A_111 = arith.constant 256 : i32
      %add3A_112 = arith.addi %add3A_110, %add3A_111 : i32
      "tpu.region"() ({
        %run_scoped3A = tpu.sem_alloc : memref<!tpu.dma_semaphore, #tpu.memory_space<semaphore_mem>>
        %dma_start3A = arith.constant 0 : i32
        %dma_start3A_143 = arith.constant 0 : i32
        %dma_start3A_144 = tpu.memref_slice %arg8[%dma_start3A, %dma_start3A_143] : memref<512x128xf32, #tpu.memory_space<vmem>> -> memref<128x128xf32, #tpu.memory_space<vmem>>
        %dma_start3A_145 = arith.constant 0 : i32
        %dma_start3A_146 = tpu.memref_slice %arg5[%add3A_112, %dma_start3A_145] : memref<20480x128xf32, #tpu.memory_space<hbm>> -> memref<128x128xf32, #tpu.memory_space<hbm>>
        %dma_start3A_147 = arith.constant 0 : i32
        %dma_start3A_148 = tpu.memref_slice %arg5[%add3A_112, %dma_start3A_147] : memref<20480x128xf32, #tpu.memory_space<hbm>> -> memref<128x128xf32, #tpu.memory_space<hbm>>
        %dma_start3A_149 = arith.constant 0 : i32
        %dma_start3A_150 = arith.constant 0 : i32
        %dma_start3A_151 = tpu.memref_slice %arg8[%dma_start3A_149, %dma_start3A_150] : memref<512x128xf32, #tpu.memory_space<vmem>> -> memref<128x128xf32, #tpu.memory_space<vmem>>
        tpu.enqueue_dma source(%dma_start3A_151 : memref<128x128xf32, #tpu.memory_space<vmem>>) target(%dma_start3A_148 : memref<128x128xf32, #tpu.memory_space<hbm>>) target_semaphore(%run_scoped3A : memref<!tpu.dma_semaphore, #tpu.memory_space<semaphore_mem>>)
        %dma_wait3A = arith.constant 0 : i32
        %dma_wait3A_152 = arith.constant 0 : i32
        %dma_wait3A_153 = tpu.memref_slice %arg8[%dma_wait3A, %dma_wait3A_152] : memref<512x128xf32, #tpu.memory_space<vmem>> -> memref<128x128xf32, #tpu.memory_space<vmem>>
        %dma_wait3A_154 = arith.constant 0 : i32
        %dma_wait3A_155 = tpu.memref_slice %arg5[%add3A_112, %dma_wait3A_154] : memref<20480x128xf32, #tpu.memory_space<hbm>> -> memref<128x128xf32, #tpu.memory_space<hbm>>
        %dma_wait3A_156 = arith.constant 0 : i32
        %dma_wait3A_157 = tpu.memref_slice %arg5[%add3A_112, %dma_wait3A_156] : memref<20480x128xf32, #tpu.memory_space<hbm>> -> memref<128x128xf32, #tpu.memory_space<hbm>>
        %dma_wait3A_158 = arith.constant 0 : i32
        %dma_wait3A_159 = arith.constant 0 : i32
        %dma_wait3A_160 = tpu.memref_slice %arg8[%dma_wait3A_158, %dma_wait3A_159] : memref<512x128xf32, #tpu.memory_space<vmem>> -> memref<128x128xf32, #tpu.memory_space<vmem>>
        tpu.wait_dma2 semaphore(%run_scoped3A : memref<!tpu.dma_semaphore, #tpu.memory_space<semaphore_mem>>) src(%dma_wait3A_160 : memref<128x128xf32, #tpu.memory_space<vmem>>) dst(%dma_wait3A_157 : memref<128x128xf32, #tpu.memory_space<hbm>>)
        tpu.yield
      }) : () -> ()
      %mul3A_113 = arith.constant 640 : i32
      %mul3A_114 = arith.muli %arg1, %mul3A_113 : i32
      %add3A_115 = arith.constant 384 : i32
      %add3A_116 = arith.addi %mul3A_114, %add3A_115 : i32
      "tpu.region"() ({
        %run_scoped3A = tpu.sem_alloc : memref<!tpu.dma_semaphore, #tpu.memory_space<semaphore_mem>>
        %dma_start3A = arith.constant 0 : i32
        %dma_start3A_143 = arith.constant 0 : i32
        %dma_start3A_144 = tpu.memref_slice %arg8[%dma_start3A, %dma_start3A_143] : memref<512x128xf32, #tpu.memory_space<vmem>> -> memref<128x128xf32, #tpu.memory_space<vmem>>
        %dma_start3A_145 = arith.constant 0 : i32
        %dma_start3A_146 = tpu.memref_slice %arg9[%add3A_116, %dma_start3A_145] : memref<5120x128xf32, #tpu.memory_space<vmem_shared>> -> memref<128x128xf32, #tpu.memory_space<vmem_shared>>
        %dma_start3A_147 = arith.constant 0 : i32
        %dma_start3A_148 = arith.constant 0 : i32
        %dma_start3A_149 = tpu.memref_slice %arg8[%dma_start3A_147, %dma_start3A_148] : memref<512x128xf32, #tpu.memory_space<vmem>> -> memref<128x128xf32, #tpu.memory_space<vmem>>
        %dma_start3A_150 = arith.constant 0 : i32
        %dma_start3A_151 = tpu.memref_slice %arg9[%add3A_116, %dma_start3A_150] : memref<5120x128xf32, #tpu.memory_space<vmem_shared>> -> memref<128x128xf32, #tpu.memory_space<vmem_shared>>
        tpu.enqueue_dma source(%dma_start3A_151 : memref<128x128xf32, #tpu.memory_space<vmem_shared>>) target(%dma_start3A_149 : memref<128x128xf32, #tpu.memory_space<vmem>>) target_semaphore(%run_scoped3A : memref<!tpu.dma_semaphore, #tpu.memory_space<semaphore_mem>>)
        %dma_wait3A = arith.constant 0 : i32
        %dma_wait3A_152 = arith.constant 0 : i32
        %dma_wait3A_153 = tpu.memref_slice %arg8[%dma_wait3A, %dma_wait3A_152] : memref<512x128xf32, #tpu.memory_space<vmem>> -> memref<128x128xf32, #tpu.memory_space<vmem>>
        %dma_wait3A_154 = arith.constant 0 : i32
        %dma_wait3A_155 = tpu.memref_slice %arg9[%add3A_116, %dma_wait3A_154] : memref<5120x128xf32, #tpu.memory_space<vmem_shared>> -> memref<128x128xf32, #tpu.memory_space<vmem_shared>>
        %dma_wait3A_156 = arith.constant 0 : i32
        %dma_wait3A_157 = arith.constant 0 : i32
        %dma_wait3A_158 = tpu.memref_slice %arg8[%dma_wait3A_156, %dma_wait3A_157] : memref<512x128xf32, #tpu.memory_space<vmem>> -> memref<128x128xf32, #tpu.memory_space<vmem>>
        %dma_wait3A_159 = arith.constant 0 : i32
        %dma_wait3A_160 = tpu.memref_slice %arg9[%add3A_116, %dma_wait3A_159] : memref<5120x128xf32, #tpu.memory_space<vmem_shared>> -> memref<128x128xf32, #tpu.memory_space<vmem_shared>>
        tpu.wait_dma2 semaphore(%run_scoped3A : memref<!tpu.dma_semaphore, #tpu.memory_space<semaphore_mem>>) src(%dma_wait3A_160 : memref<128x128xf32, #tpu.memory_space<vmem_shared>>) dst(%dma_wait3A_158 : memref<128x128xf32, #tpu.memory_space<vmem>>)
        tpu.yield
      }) : () -> ()
      %mul3A_117 = arith.constant 2 : i32
      %mul3A_118 = arith.muli %arg0, %mul3A_117 : i32
      %mul3A_119 = arith.constant 5120 : i32
      %mul3A_120 = arith.muli %mul3A_118, %mul3A_119 : i32
      %add3A_121 = arith.constant 0 : i32
      %add3A_122 = arith.addi %mul3A_120, %add3A_121 : i32
      %mul3A_123 = arith.constant 640 : i32
      %mul3A_124 = arith.muli %arg1, %mul3A_123 : i32
      %add3A_125 = arith.addi %add3A_122, %mul3A_124 : i32
      %add3A_126 = arith.constant 384 : i32
      %add3A_127 = arith.addi %add3A_125, %add3A_126 : i32
      "tpu.region"() ({
        %run_scoped3A = tpu.sem_alloc : memref<!tpu.dma_semaphore, #tpu.memory_space<semaphore_mem>>
        %dma_start3A = arith.constant 0 : i32
        %dma_start3A_143 = arith.constant 0 : i32
        %dma_start3A_144 = tpu.memref_slice %arg8[%dma_start3A, %dma_start3A_143] : memref<512x128xf32, #tpu.memory_space<vmem>> -> memref<128x128xf32, #tpu.memory_space<vmem>>
        %dma_start3A_145 = arith.constant 0 : i32
        %dma_start3A_146 = tpu.memref_slice %arg5[%add3A_127, %dma_start3A_145] : memref<20480x128xf32, #tpu.memory_space<hbm>> -> memref<128x128xf32, #tpu.memory_space<hbm>>
        %dma_start3A_147 = arith.constant 0 : i32
        %dma_start3A_148 = tpu.memref_slice %arg5[%add3A_127, %dma_start3A_147] : memref<20480x128xf32, #tpu.memory_space<hbm>> -> memref<128x128xf32, #tpu.memory_space<hbm>>
        %dma_start3A_149 = arith.constant 0 : i32
        %dma_start3A_150 = arith.constant 0 : i32
        %dma_start3A_151 = tpu.memref_slice %arg8[%dma_start3A_149, %dma_start3A_150] : memref<512x128xf32, #tpu.memory_space<vmem>> -> memref<128x128xf32, #tpu.memory_space<vmem>>
        tpu.enqueue_dma source(%dma_start3A_151 : memref<128x128xf32, #tpu.memory_space<vmem>>) target(%dma_start3A_148 : memref<128x128xf32, #tpu.memory_space<hbm>>) target_semaphore(%run_scoped3A : memref<!tpu.dma_semaphore, #tpu.memory_space<semaphore_mem>>)
        %dma_wait3A = arith.constant 0 : i32
        %dma_wait3A_152 = arith.constant 0 : i32
        %dma_wait3A_153 = tpu.memref_slice %arg8[%dma_wait3A, %dma_wait3A_152] : memref<512x128xf32, #tpu.memory_space<vmem>> -> memref<128x128xf32, #tpu.memory_space<vmem>>
        %dma_wait3A_154 = arith.constant 0 : i32
        %dma_wait3A_155 = tpu.memref_slice %arg5[%add3A_127, %dma_wait3A_154] : memref<20480x128xf32, #tpu.memory_space<hbm>> -> memref<128x128xf32, #tpu.memory_space<hbm>>
        %dma_wait3A_156 = arith.constant 0 : i32
        %dma_wait3A_157 = tpu.memref_slice %arg5[%add3A_127, %dma_wait3A_156] : memref<20480x128xf32, #tpu.memory_space<hbm>> -> memref<128x128xf32, #tpu.memory_space<hbm>>
        %dma_wait3A_158 = arith.constant 0 : i32
        %dma_wait3A_159 = arith.constant 0 : i32
        %dma_wait3A_160 = tpu.memref_slice %arg8[%dma_wait3A_158, %dma_wait3A_159] : memref<512x128xf32, #tpu.memory_space<vmem>> -> memref<128x128xf32, #tpu.memory_space<vmem>>
        tpu.wait_dma2 semaphore(%run_scoped3A : memref<!tpu.dma_semaphore, #tpu.memory_space<semaphore_mem>>) src(%dma_wait3A_160 : memref<128x128xf32, #tpu.memory_space<vmem>>) dst(%dma_wait3A_157 : memref<128x128xf32, #tpu.memory_space<hbm>>)
        tpu.yield
      }) : () -> ()
      %mul3A_128 = arith.constant 640 : i32
      %mul3A_129 = arith.muli %arg1, %mul3A_128 : i32
      %add3A_130 = arith.constant 512 : i32
      %add3A_131 = arith.addi %mul3A_129, %add3A_130 : i32
      "tpu.region"() ({
        %run_scoped3A = tpu.sem_alloc : memref<!tpu.dma_semaphore, #tpu.memory_space<semaphore_mem>>
        %dma_start3A = arith.constant 0 : i32
        %dma_start3A_143 = arith.constant 0 : i32
        %dma_start3A_144 = tpu.memref_slice %arg8[%dma_start3A, %dma_start3A_143] : memref<512x128xf32, #tpu.memory_space<vmem>> -> memref<128x128xf32, #tpu.memory_space<vmem>>
        %dma_start3A_145 = arith.constant 0 : i32
        %dma_start3A_146 = tpu.memref_slice %arg9[%add3A_131, %dma_start3A_145] : memref<5120x128xf32, #tpu.memory_space<vmem_shared>> -> memref<128x128xf32, #tpu.memory_space<vmem_shared>>
        %dma_start3A_147 = arith.constant 0 : i32
        %dma_start3A_148 = arith.constant 0 : i32
        %dma_start3A_149 = tpu.memref_slice %arg8[%dma_start3A_147, %dma_start3A_148] : memref<512x128xf32, #tpu.memory_space<vmem>> -> memref<128x128xf32, #tpu.memory_space<vmem>>
        %dma_start3A_150 = arith.constant 0 : i32
        %dma_start3A_151 = tpu.memref_slice %arg9[%add3A_131, %dma_start3A_150] : memref<5120x128xf32, #tpu.memory_space<vmem_shared>> -> memref<128x128xf32, #tpu.memory_space<vmem_shared>>
        tpu.enqueue_dma source(%dma_start3A_151 : memref<128x128xf32, #tpu.memory_space<vmem_shared>>) target(%dma_start3A_149 : memref<128x128xf32, #tpu.memory_space<vmem>>) target_semaphore(%run_scoped3A : memref<!tpu.dma_semaphore, #tpu.memory_space<semaphore_mem>>)
        %dma_wait3A = arith.constant 0 : i32
        %dma_wait3A_152 = arith.constant 0 : i32
        %dma_wait3A_153 = tpu.memref_slice %arg8[%dma_wait3A, %dma_wait3A_152] : memref<512x128xf32, #tpu.memory_space<vmem>> -> memref<128x128xf32, #tpu.memory_space<vmem>>
        %dma_wait3A_154 = arith.constant 0 : i32
        %dma_wait3A_155 = tpu.memref_slice %arg9[%add3A_131, %dma_wait3A_154] : memref<5120x128xf32, #tpu.memory_space<vmem_shared>> -> memref<128x128xf32, #tpu.memory_space<vmem_shared>>
        %dma_wait3A_156 = arith.constant 0 : i32
        %dma_wait3A_157 = arith.constant 0 : i32
        %dma_wait3A_158 = tpu.memref_slice %arg8[%dma_wait3A_156, %dma_wait3A_157] : memref<512x128xf32, #tpu.memory_space<vmem>> -> memref<128x128xf32, #tpu.memory_space<vmem>>
        %dma_wait3A_159 = arith.constant 0 : i32
        %dma_wait3A_160 = tpu.memref_slice %arg9[%add3A_131, %dma_wait3A_159] : memref<5120x128xf32, #tpu.memory_space<vmem_shared>> -> memref<128x128xf32, #tpu.memory_space<vmem_shared>>
        tpu.wait_dma2 semaphore(%run_scoped3A : memref<!tpu.dma_semaphore, #tpu.memory_space<semaphore_mem>>) src(%dma_wait3A_160 : memref<128x128xf32, #tpu.memory_space<vmem_shared>>) dst(%dma_wait3A_158 : memref<128x128xf32, #tpu.memory_space<vmem>>)
        tpu.yield
      }) : () -> ()
      %mul3A_132 = arith.constant 2 : i32
      %mul3A_133 = arith.muli %arg0, %mul3A_132 : i32
      %mul3A_134 = arith.constant 5120 : i32
      %mul3A_135 = arith.muli %mul3A_133, %mul3A_134 : i32
      %add3A_136 = arith.constant 0 : i32
      %add3A_137 = arith.addi %mul3A_135, %add3A_136 : i32
      %mul3A_138 = arith.constant 640 : i32
      %mul3A_139 = arith.muli %arg1, %mul3A_138 : i32
      %add3A_140 = arith.addi %add3A_137, %mul3A_139 : i32
      %add3A_141 = arith.constant 512 : i32
      %add3A_142 = arith.addi %add3A_140, %add3A_141 : i32
      "tpu.region"() ({
        %run_scoped3A = tpu.sem_alloc : memref<!tpu.dma_semaphore, #tpu.memory_space<semaphore_mem>>
        %dma_start3A = arith.constant 0 : i32
        %dma_start3A_143 = arith.constant 0 : i32
        %dma_start3A_144 = tpu.memref_slice %arg8[%dma_start3A, %dma_start3A_143] : memref<512x128xf32, #tpu.memory_space<vmem>> -> memref<128x128xf32, #tpu.memory_space<vmem>>
        %dma_start3A_145 = arith.constant 0 : i32
        %dma_start3A_146 = tpu.memref_slice %arg5[%add3A_142, %dma_start3A_145] : memref<20480x128xf32, #tpu.memory_space<hbm>> -> memref<128x128xf32, #tpu.memory_space<hbm>>
        %dma_start3A_147 = arith.constant 0 : i32
        %dma_start3A_148 = tpu.memref_slice %arg5[%add3A_142, %dma_start3A_147] : memref<20480x128xf32, #tpu.memory_space<hbm>> -> memref<128x128xf32, #tpu.memory_space<hbm>>
        %dma_start3A_149 = arith.constant 0 : i32
        %dma_start3A_150 = arith.constant 0 : i32
        %dma_start3A_151 = tpu.memref_slice %arg8[%dma_start3A_149, %dma_start3A_150] : memref<512x128xf32, #tpu.memory_space<vmem>> -> memref<128x128xf32, #tpu.memory_space<vmem>>
        tpu.enqueue_dma source(%dma_start3A_151 : memref<128x128xf32, #tpu.memory_space<vmem>>) target(%dma_start3A_148 : memref<128x128xf32, #tpu.memory_space<hbm>>) target_semaphore(%run_scoped3A : memref<!tpu.dma_semaphore, #tpu.memory_space<semaphore_mem>>)
        %dma_wait3A = arith.constant 0 : i32
        %dma_wait3A_152 = arith.constant 0 : i32
        %dma_wait3A_153 = tpu.memref_slice %arg8[%dma_wait3A, %dma_wait3A_152] : memref<512x128xf32, #tpu.memory_space<vmem>> -> memref<128x128xf32, #tpu.memory_space<vmem>>
        %dma_wait3A_154 = arith.constant 0 : i32
        %dma_wait3A_155 = tpu.memref_slice %arg5[%add3A_142, %dma_wait3A_154] : memref<20480x128xf32, #tpu.memory_space<hbm>> -> memref<128x128xf32, #tpu.memory_space<hbm>>
        %dma_wait3A_156 = arith.constant 0 : i32
        %dma_wait3A_157 = tpu.memref_slice %arg5[%add3A_142, %dma_wait3A_156] : memref<20480x128xf32, #tpu.memory_space<hbm>> -> memref<128x128xf32, #tpu.memory_space<hbm>>
        %dma_wait3A_158 = arith.constant 0 : i32
        %dma_wait3A_159 = arith.constant 0 : i32
        %dma_wait3A_160 = tpu.memref_slice %arg8[%dma_wait3A_158, %dma_wait3A_159] : memref<512x128xf32, #tpu.memory_space<vmem>> -> memref<128x128xf32, #tpu.memory_space<vmem>>
        tpu.wait_dma2 semaphore(%run_scoped3A : memref<!tpu.dma_semaphore, #tpu.memory_space<semaphore_mem>>) src(%dma_wait3A_160 : memref<128x128xf32, #tpu.memory_space<vmem>>) dst(%dma_wait3A_157 : memref<128x128xf32, #tpu.memory_space<hbm>>)
        tpu.yield
      }) : () -> ()
    } else {
    }
    %scan3A_30 = arith.constant 0 : i32
    %scan3A_31 = arith.constant 0 : i32
    %scan3A_32 = arith.constant 128 : i32
    %scan3A_33 = arith.addi %scan3A_31, %scan3A_32 : i32
    %scan3A_34 = arith.constant 1 : i32
    scf.for %scan3A_68 = %scan3A_31 to %scan3A_33 step %scan3A_34  : i32 {
      %broadcast_in_dim3A = arith.constant 0.000000e+00 : f32
      %broadcast_in_dim3A_69 = vector.broadcast %broadcast_in_dim3A : f32 to vector<16xf32>
      %swap3A = arith.index_cast %scan3A_68 : i32 to index
      %swap3A_70 = arith.constant 0 : index
      %swap3A_71 = tpu.vector_load %arg8[%swap3A, %swap3A_70] {strides = array<i32>} : memref<512x128xf32, #tpu.memory_space<vmem>>, vector<1x16xf32>,
      %swap3A_72 = vector.shape_cast %swap3A_71 : vector<1x16xf32> to vector<16xf32>
      %swap3A_73 = vector.shape_cast %broadcast_in_dim3A_69 : vector<16xf32> to vector<1x16xf32>
      tpu.vector_store %arg8[%swap3A, %swap3A_70], %swap3A_73 {strides = array<i32>} : memref<512x128xf32, #tpu.memory_space<vmem>>, vector<1x16xf32>,
      %broadcast_in_dim3A_74 = arith.constant 0.000000e+00 : f32
      %broadcast_in_dim3A_75 = vector.broadcast %broadcast_in_dim3A_74 : f32 to vector<16xf32>
      %swap3A_76 = arith.index_cast %scan3A_68 : i32 to index
      %swap3A_77 = arith.constant 16 : index
      %swap3A_78 = tpu.vector_load %arg8[%swap3A_76, %swap3A_77] {strides = array<i32>} : memref<512x128xf32, #tpu.memory_space<vmem>>, vector<1x16xf32>,
      %swap3A_79 = vector.shape_cast %swap3A_78 : vector<1x16xf32> to vector<16xf32>
      %swap3A_80 = vector.shape_cast %broadcast_in_dim3A_75 : vector<16xf32> to vector<1x16xf32>
      tpu.vector_store %arg8[%swap3A_76, %swap3A_77], %swap3A_80 {strides = array<i32>} : memref<512x128xf32, #tpu.memory_space<vmem>>, vector<1x16xf32>,
      %broadcast_in_dim3A_81 = arith.constant 0.000000e+00 : f32
      %broadcast_in_dim3A_82 = vector.broadcast %broadcast_in_dim3A_81 : f32 to vector<16xf32>
      %swap3A_83 = arith.index_cast %scan3A_68 : i32 to index
      %swap3A_84 = arith.constant 32 : index
      %swap3A_85 = tpu.vector_load %arg8[%swap3A_83, %swap3A_84] {strides = array<i32>} : memref<512x128xf32, #tpu.memory_space<vmem>>, vector<1x16xf32>,
      %swap3A_86 = vector.shape_cast %swap3A_85 : vector<1x16xf32> to vector<16xf32>
      %swap3A_87 = vector.shape_cast %broadcast_in_dim3A_82 : vector<16xf32> to vector<1x16xf32>
      tpu.vector_store %arg8[%swap3A_83, %swap3A_84], %swap3A_87 {strides = array<i32>} : memref<512x128xf32, #tpu.memory_space<vmem>>, vector<1x16xf32>,
      %broadcast_in_dim3A_88 = arith.constant 0.000000e+00 : f32
      %broadcast_in_dim3A_89 = vector.broadcast %broadcast_in_dim3A_88 : f32 to vector<16xf32>
      %swap3A_90 = arith.index_cast %scan3A_68 : i32 to index
      %swap3A_91 = arith.constant 48 : index
      %swap3A_92 = tpu.vector_load %arg8[%swap3A_90, %swap3A_91] {strides = array<i32>} : memref<512x128xf32, #tpu.memory_space<vmem>>, vector<1x16xf32>,
      %swap3A_93 = vector.shape_cast %swap3A_92 : vector<1x16xf32> to vector<16xf32>
      %swap3A_94 = vector.shape_cast %broadcast_in_dim3A_89 : vector<16xf32> to vector<1x16xf32>
      tpu.vector_store %arg8[%swap3A_90, %swap3A_91], %swap3A_94 {strides = array<i32>} : memref<512x128xf32, #tpu.memory_space<vmem>>, vector<1x16xf32>,
      %broadcast_in_dim3A_95 = arith.constant 0.000000e+00 : f32
      %broadcast_in_dim3A_96 = vector.broadcast %broadcast_in_dim3A_95 : f32 to vector<16xf32>
      %swap3A_97 = arith.index_cast %scan3A_68 : i32 to index
      %swap3A_98 = arith.constant 64 : index
      %swap3A_99 = tpu.vector_load %arg8[%swap3A_97, %swap3A_98] {strides = array<i32>} : memref<512x128xf32, #tpu.memory_space<vmem>>, vector<1x16xf32>,
      %swap3A_100 = vector.shape_cast %swap3A_99 : vector<1x16xf32> to vector<16xf32>
      %swap3A_101 = vector.shape_cast %broadcast_in_dim3A_96 : vector<16xf32> to vector<1x16xf32>
      tpu.vector_store %arg8[%swap3A_97, %swap3A_98], %swap3A_101 {strides = array<i32>} : memref<512x128xf32, #tpu.memory_space<vmem>>, vector<1x16xf32>,
      %broadcast_in_dim3A_102 = arith.constant 0.000000e+00 : f32
      %broadcast_in_dim3A_103 = vector.broadcast %broadcast_in_dim3A_102 : f32 to vector<16xf32>
      %swap3A_104 = arith.index_cast %scan3A_68 : i32 to index
      %swap3A_105 = arith.constant 80 : index
      %swap3A_106 = tpu.vector_load %arg8[%swap3A_104, %swap3A_105] {strides = array<i32>} : memref<512x128xf32, #tpu.memory_space<vmem>>, vector<1x16xf32>,
      %swap3A_107 = vector.shape_cast %swap3A_106 : vector<1x16xf32> to vector<16xf32>
      %swap3A_108 = vector.shape_cast %broadcast_in_dim3A_103 : vector<16xf32> to vector<1x16xf32>
      tpu.vector_store %arg8[%swap3A_104, %swap3A_105], %swap3A_108 {strides = array<i32>} : memref<512x128xf32, #tpu.memory_space<vmem>>, vector<1x16xf32>,
      %broadcast_in_dim3A_109 = arith.constant 0.000000e+00 : f32
      %broadcast_in_dim3A_110 = vector.broadcast %broadcast_in_dim3A_109 : f32 to vector<16xf32>
      %swap3A_111 = arith.index_cast %scan3A_68 : i32 to index
      %swap3A_112 = arith.constant 96 : index
      %swap3A_113 = tpu.vector_load %arg8[%swap3A_111, %swap3A_112] {strides = array<i32>} : memref<512x128xf32, #tpu.memory_space<vmem>>, vector<1x16xf32>,
      %swap3A_114 = vector.shape_cast %swap3A_113 : vector<1x16xf32> to vector<16xf32>
      %swap3A_115 = vector.shape_cast %broadcast_in_dim3A_110 : vector<16xf32> to vector<1x16xf32>
      tpu.vector_store %arg8[%swap3A_111, %swap3A_112], %swap3A_115 {strides = array<i32>} : memref<512x128xf32, #tpu.memory_space<vmem>>, vector<1x16xf32>,
      %broadcast_in_dim3A_116 = arith.constant 0.000000e+00 : f32
      %broadcast_in_dim3A_117 = vector.broadcast %broadcast_in_dim3A_116 : f32 to vector<16xf32>
      %swap3A_118 = arith.index_cast %scan3A_68 : i32 to index
      %swap3A_119 = arith.constant 112 : index
      %swap3A_120 = tpu.vector_load %arg8[%swap3A_118, %swap3A_119] {strides = array<i32>} : memref<512x128xf32, #tpu.memory_space<vmem>>, vector<1x16xf32>,
      %swap3A_121 = vector.shape_cast %swap3A_120 : vector<1x16xf32> to vector<16xf32>
      %swap3A_122 = vector.shape_cast %broadcast_in_dim3A_117 : vector<16xf32> to vector<1x16xf32>
      tpu.vector_store %arg8[%swap3A_118, %swap3A_119], %swap3A_122 {strides = array<i32>} : memref<512x128xf32, #tpu.memory_space<vmem>>, vector<1x16xf32>,
    }
    %scan3A_35 = arith.constant 128 : i32
    %barrier3A_36 = arith.constant 0 : index
    tpu.barrier barrier_id(%barrier3A_36)
    %lt3A_37 = arith.constant 8 : i32
    %lt3A_38 = arith.cmpi slt, %arg1, %lt3A_37 : i32
    %convert_element_type3A_39 = arith.extui %lt3A_38 : i1 to i32
    %cond3A_40 = arith.constant 0 : i32
    %cond3A_41 = arith.cmpi ne, %convert_element_type3A_39, %cond3A_40 : i32
    scf.if %cond3A_41 {
      %mul3A_68 = arith.constant 640 : i32
      %mul3A_69 = arith.muli %arg1, %mul3A_68 : i32
      %add3A_70 = arith.constant 0 : i32
      %add3A_71 = arith.addi %mul3A_69, %add3A_70 : i32
      "tpu.region"() ({
        %run_scoped3A = tpu.sem_alloc : memref<!tpu.dma_semaphore, #tpu.memory_space<semaphore_mem>>
        %dma_start3A = arith.constant 0 : i32
        %dma_start3A_88 = arith.constant 0 : i32
        %dma_start3A_89 = tpu.memref_slice %arg8[%dma_start3A, %dma_start3A_88] : memref<512x128xf32, #tpu.memory_space<vmem>> -> memref<128x128xf32, #tpu.memory_space<vmem>>
        %dma_start3A_90 = arith.constant 0 : i32
        %dma_start3A_91 = tpu.memref_slice %arg9[%add3A_71, %dma_start3A_90] : memref<5120x128xf32, #tpu.memory_space<vmem_shared>> -> memref<128x128xf32, #tpu.memory_space<vmem_shared>>
        %dma_start3A_92 = arith.constant 0 : i32
        %dma_start3A_93 = tpu.memref_slice %arg9[%add3A_71, %dma_start3A_92] : memref<5120x128xf32, #tpu.memory_space<vmem_shared>> -> memref<128x128xf32, #tpu.memory_space<vmem_shared>>
        %dma_start3A_94 = arith.constant 0 : i32
        %dma_start3A_95 = arith.constant 0 : i32
        %dma_start3A_96 = tpu.memref_slice %arg8[%dma_start3A_94, %dma_start3A_95] : memref<512x128xf32, #tpu.memory_space<vmem>> -> memref<128x128xf32, #tpu.memory_space<vmem>>
        tpu.enqueue_dma source(%dma_start3A_96 : memref<128x128xf32, #tpu.memory_space<vmem>>) target(%dma_start3A_93 : memref<128x128xf32, #tpu.memory_space<vmem_shared>>) target_semaphore(%run_scoped3A : memref<!tpu.dma_semaphore, #tpu.memory_space<semaphore_mem>>)
        %dma_wait3A = arith.constant 0 : i32
        %dma_wait3A_97 = arith.constant 0 : i32
        %dma_wait3A_98 = tpu.memref_slice %arg8[%dma_wait3A, %dma_wait3A_97] : memref<512x128xf32, #tpu.memory_space<vmem>> -> memref<128x128xf32, #tpu.memory_space<vmem>>
        %dma_wait3A_99 = arith.constant 0 : i32
        %dma_wait3A_100 = tpu.memref_slice %arg9[%add3A_71, %dma_wait3A_99] : memref<5120x128xf32, #tpu.memory_space<vmem_shared>> -> memref<128x128xf32, #tpu.memory_space<vmem_shared>>
        %dma_wait3A_101 = arith.constant 0 : i32
        %dma_wait3A_102 = tpu.memref_slice %arg9[%add3A_71, %dma_wait3A_101] : memref<5120x128xf32, #tpu.memory_space<vmem_shared>> -> memref<128x128xf32, #tpu.memory_space<vmem_shared>>
        %dma_wait3A_103 = arith.constant 0 : i32
        %dma_wait3A_104 = arith.constant 0 : i32
        %dma_wait3A_105 = tpu.memref_slice %arg8[%dma_wait3A_103, %dma_wait3A_104] : memref<512x128xf32, #tpu.memory_space<vmem>> -> memref<128x128xf32, #tpu.memory_space<vmem>>
        tpu.wait_dma2 semaphore(%run_scoped3A : memref<!tpu.dma_semaphore, #tpu.memory_space<semaphore_mem>>) src(%dma_wait3A_105 : memref<128x128xf32, #tpu.memory_space<vmem>>) dst(%dma_wait3A_102 : memref<128x128xf32, #tpu.memory_space<vmem_shared>>)
        tpu.yield
      }) : () -> ()
      %mul3A_72 = arith.constant 640 : i32
      %mul3A_73 = arith.muli %arg1, %mul3A_72 : i32
      %add3A_74 = arith.constant 128 : i32
      %add3A_75 = arith.addi %mul3A_73, %add3A_74 : i32
      "tpu.region"() ({
        %run_scoped3A = tpu.sem_alloc : memref<!tpu.dma_semaphore, #tpu.memory_space<semaphore_mem>>
        %dma_start3A = arith.constant 0 : i32
        %dma_start3A_88 = arith.constant 0 : i32
        %dma_start3A_89 = tpu.memref_slice %arg8[%dma_start3A, %dma_start3A_88] : memref<512x128xf32, #tpu.memory_space<vmem>> -> memref<128x128xf32, #tpu.memory_space<vmem>>
        %dma_start3A_90 = arith.constant 0 : i32
        %dma_start3A_91 = tpu.memref_slice %arg9[%add3A_75, %dma_start3A_90] : memref<5120x128xf32, #tpu.memory_space<vmem_shared>> -> memref<128x128xf32, #tpu.memory_space<vmem_shared>>
        %dma_start3A_92 = arith.constant 0 : i32
        %dma_start3A_93 = tpu.memref_slice %arg9[%add3A_75, %dma_start3A_92] : memref<5120x128xf32, #tpu.memory_space<vmem_shared>> -> memref<128x128xf32, #tpu.memory_space<vmem_shared>>
        %dma_start3A_94 = arith.constant 0 : i32
        %dma_start3A_95 = arith.constant 0 : i32
        %dma_start3A_96 = tpu.memref_slice %arg8[%dma_start3A_94, %dma_start3A_95] : memref<512x128xf32, #tpu.memory_space<vmem>> -> memref<128x128xf32, #tpu.memory_space<vmem>>
        tpu.enqueue_dma source(%dma_start3A_96 : memref<128x128xf32, #tpu.memory_space<vmem>>) target(%dma_start3A_93 : memref<128x128xf32, #tpu.memory_space<vmem_shared>>) target_semaphore(%run_scoped3A : memref<!tpu.dma_semaphore, #tpu.memory_space<semaphore_mem>>)
        %dma_wait3A = arith.constant 0 : i32
        %dma_wait3A_97 = arith.constant 0 : i32
        %dma_wait3A_98 = tpu.memref_slice %arg8[%dma_wait3A, %dma_wait3A_97] : memref<512x128xf32, #tpu.memory_space<vmem>> -> memref<128x128xf32, #tpu.memory_space<vmem>>
        %dma_wait3A_99 = arith.constant 0 : i32
        %dma_wait3A_100 = tpu.memref_slice %arg9[%add3A_75, %dma_wait3A_99] : memref<5120x128xf32, #tpu.memory_space<vmem_shared>> -> memref<128x128xf32, #tpu.memory_space<vmem_shared>>
        %dma_wait3A_101 = arith.constant 0 : i32
        %dma_wait3A_102 = tpu.memref_slice %arg9[%add3A_75, %dma_wait3A_101] : memref<5120x128xf32, #tpu.memory_space<vmem_shared>> -> memref<128x128xf32, #tpu.memory_space<vmem_shared>>
        %dma_wait3A_103 = arith.constant 0 : i32
        %dma_wait3A_104 = arith.constant 0 : i32
        %dma_wait3A_105 = tpu.memref_slice %arg8[%dma_wait3A_103, %dma_wait3A_104] : memref<512x128xf32, #tpu.memory_space<vmem>> -> memref<128x128xf32, #tpu.memory_space<vmem>>
        tpu.wait_dma2 semaphore(%run_scoped3A : memref<!tpu.dma_semaphore, #tpu.memory_space<semaphore_mem>>) src(%dma_wait3A_105 : memref<128x128xf32, #tpu.memory_space<vmem>>) dst(%dma_wait3A_102 : memref<128x128xf32, #tpu.memory_space<vmem_shared>>)
        tpu.yield
      }) : () -> ()
      %mul3A_76 = arith.constant 640 : i32
      %mul3A_77 = arith.muli %arg1, %mul3A_76 : i32
      %add3A_78 = arith.constant 256 : i32
      %add3A_79 = arith.addi %mul3A_77, %add3A_78 : i32
      "tpu.region"() ({
        %run_scoped3A = tpu.sem_alloc : memref<!tpu.dma_semaphore, #tpu.memory_space<semaphore_mem>>
        %dma_start3A = arith.constant 0 : i32
        %dma_start3A_88 = arith.constant 0 : i32
        %dma_start3A_89 = tpu.memref_slice %arg8[%dma_start3A, %dma_start3A_88] : memref<512x128xf32, #tpu.memory_space<vmem>> -> memref<128x128xf32, #tpu.memory_space<vmem>>
        %dma_start3A_90 = arith.constant 0 : i32
        %dma_start3A_91 = tpu.memref_slice %arg9[%add3A_79, %dma_start3A_90] : memref<5120x128xf32, #tpu.memory_space<vmem_shared>> -> memref<128x128xf32, #tpu.memory_space<vmem_shared>>
        %dma_start3A_92 = arith.constant 0 : i32
        %dma_start3A_93 = tpu.memref_slice %arg9[%add3A_79, %dma_start3A_92] : memref<5120x128xf32, #tpu.memory_space<vmem_shared>> -> memref<128x128xf32, #tpu.memory_space<vmem_shared>>
        %dma_start3A_94 = arith.constant 0 : i32
        %dma_start3A_95 = arith.constant 0 : i32
        %dma_start3A_96 = tpu.memref_slice %arg8[%dma_start3A_94, %dma_start3A_95] : memref<512x128xf32, #tpu.memory_space<vmem>> -> memref<128x128xf32, #tpu.memory_space<vmem>>
        tpu.enqueue_dma source(%dma_start3A_96 : memref<128x128xf32, #tpu.memory_space<vmem>>) target(%dma_start3A_93 : memref<128x128xf32, #tpu.memory_space<vmem_shared>>) target_semaphore(%run_scoped3A : memref<!tpu.dma_semaphore, #tpu.memory_space<semaphore_mem>>)
        %dma_wait3A = arith.constant 0 : i32
        %dma_wait3A_97 = arith.constant 0 : i32
        %dma_wait3A_98 = tpu.memref_slice %arg8[%dma_wait3A, %dma_wait3A_97] : memref<512x128xf32, #tpu.memory_space<vmem>> -> memref<128x128xf32, #tpu.memory_space<vmem>>
        %dma_wait3A_99 = arith.constant 0 : i32
        %dma_wait3A_100 = tpu.memref_slice %arg9[%add3A_79, %dma_wait3A_99] : memref<5120x128xf32, #tpu.memory_space<vmem_shared>> -> memref<128x128xf32, #tpu.memory_space<vmem_shared>>
        %dma_wait3A_101 = arith.constant 0 : i32
        %dma_wait3A_102 = tpu.memref_slice %arg9[%add3A_79, %dma_wait3A_101] : memref<5120x128xf32, #tpu.memory_space<vmem_shared>> -> memref<128x128xf32, #tpu.memory_space<vmem_shared>>
        %dma_wait3A_103 = arith.constant 0 : i32
        %dma_wait3A_104 = arith.constant 0 : i32
        %dma_wait3A_105 = tpu.memref_slice %arg8[%dma_wait3A_103, %dma_wait3A_104] : memref<512x128xf32, #tpu.memory_space<vmem>> -> memref<128x128xf32, #tpu.memory_space<vmem>>
        tpu.wait_dma2 semaphore(%run_scoped3A : memref<!tpu.dma_semaphore, #tpu.memory_space<semaphore_mem>>) src(%dma_wait3A_105 : memref<128x128xf32, #tpu.memory_space<vmem>>) dst(%dma_wait3A_102 : memref<128x128xf32, #tpu.memory_space<vmem_shared>>)
        tpu.yield
      }) : () -> ()
      %mul3A_80 = arith.constant 640 : i32
      %mul3A_81 = arith.muli %arg1, %mul3A_80 : i32
      %add3A_82 = arith.constant 384 : i32
      %add3A_83 = arith.addi %mul3A_81, %add3A_82 : i32
      "tpu.region"() ({
        %run_scoped3A = tpu.sem_alloc : memref<!tpu.dma_semaphore, #tpu.memory_space<semaphore_mem>>
        %dma_start3A = arith.constant 0 : i32
        %dma_start3A_88 = arith.constant 0 : i32
        %dma_start3A_89 = tpu.memref_slice %arg8[%dma_start3A, %dma_start3A_88] : memref<512x128xf32, #tpu.memory_space<vmem>> -> memref<128x128xf32, #tpu.memory_space<vmem>>
        %dma_start3A_90 = arith.constant 0 : i32
        %dma_start3A_91 = tpu.memref_slice %arg9[%add3A_83, %dma_start3A_90] : memref<5120x128xf32, #tpu.memory_space<vmem_shared>> -> memref<128x128xf32, #tpu.memory_space<vmem_shared>>
        %dma_start3A_92 = arith.constant 0 : i32
        %dma_start3A_93 = tpu.memref_slice %arg9[%add3A_83, %dma_start3A_92] : memref<5120x128xf32, #tpu.memory_space<vmem_shared>> -> memref<128x128xf32, #tpu.memory_space<vmem_shared>>
        %dma_start3A_94 = arith.constant 0 : i32
        %dma_start3A_95 = arith.constant 0 : i32
        %dma_start3A_96 = tpu.memref_slice %arg8[%dma_start3A_94, %dma_start3A_95] : memref<512x128xf32, #tpu.memory_space<vmem>> -> memref<128x128xf32, #tpu.memory_space<vmem>>
        tpu.enqueue_dma source(%dma_start3A_96 : memref<128x128xf32, #tpu.memory_space<vmem>>) target(%dma_start3A_93 : memref<128x128xf32, #tpu.memory_space<vmem_shared>>) target_semaphore(%run_scoped3A : memref<!tpu.dma_semaphore, #tpu.memory_space<semaphore_mem>>)
        %dma_wait3A = arith.constant 0 : i32
        %dma_wait3A_97 = arith.constant 0 : i32
        %dma_wait3A_98 = tpu.memref_slice %arg8[%dma_wait3A, %dma_wait3A_97] : memref<512x128xf32, #tpu.memory_space<vmem>> -> memref<128x128xf32, #tpu.memory_space<vmem>>
        %dma_wait3A_99 = arith.constant 0 : i32
        %dma_wait3A_100 = tpu.memref_slice %arg9[%add3A_83, %dma_wait3A_99] : memref<5120x128xf32, #tpu.memory_space<vmem_shared>> -> memref<128x128xf32, #tpu.memory_space<vmem_shared>>
        %dma_wait3A_101 = arith.constant 0 : i32
        %dma_wait3A_102 = tpu.memref_slice %arg9[%add3A_83, %dma_wait3A_101] : memref<5120x128xf32, #tpu.memory_space<vmem_shared>> -> memref<128x128xf32, #tpu.memory_space<vmem_shared>>
        %dma_wait3A_103 = arith.constant 0 : i32
        %dma_wait3A_104 = arith.constant 0 : i32
        %dma_wait3A_105 = tpu.memref_slice %arg8[%dma_wait3A_103, %dma_wait3A_104] : memref<512x128xf32, #tpu.memory_space<vmem>> -> memref<128x128xf32, #tpu.memory_space<vmem>>
        tpu.wait_dma2 semaphore(%run_scoped3A : memref<!tpu.dma_semaphore, #tpu.memory_space<semaphore_mem>>) src(%dma_wait3A_105 : memref<128x128xf32, #tpu.memory_space<vmem>>) dst(%dma_wait3A_102 : memref<128x128xf32, #tpu.memory_space<vmem_shared>>)
        tpu.yield
      }) : () -> ()
      %mul3A_84 = arith.constant 640 : i32
      %mul3A_85 = arith.muli %arg1, %mul3A_84 : i32
      %add3A_86 = arith.constant 512 : i32
      %add3A_87 = arith.addi %mul3A_85, %add3A_86 : i32
      "tpu.region"() ({
        %run_scoped3A = tpu.sem_alloc : memref<!tpu.dma_semaphore, #tpu.memory_space<semaphore_mem>>
        %dma_start3A = arith.constant 0 : i32
        %dma_start3A_88 = arith.constant 0 : i32
        %dma_start3A_89 = tpu.memref_slice %arg8[%dma_start3A, %dma_start3A_88] : memref<512x128xf32, #tpu.memory_space<vmem>> -> memref<128x128xf32, #tpu.memory_space<vmem>>
        %dma_start3A_90 = arith.constant 0 : i32
        %dma_start3A_91 = tpu.memref_slice %arg9[%add3A_87, %dma_start3A_90] : memref<5120x128xf32, #tpu.memory_space<vmem_shared>> -> memref<128x128xf32, #tpu.memory_space<vmem_shared>>
        %dma_start3A_92 = arith.constant 0 : i32
        %dma_start3A_93 = tpu.memref_slice %arg9[%add3A_87, %dma_start3A_92] : memref<5120x128xf32, #tpu.memory_space<vmem_shared>> -> memref<128x128xf32, #tpu.memory_space<vmem_shared>>
        %dma_start3A_94 = arith.constant 0 : i32
        %dma_start3A_95 = arith.constant 0 : i32
        %dma_start3A_96 = tpu.memref_slice %arg8[%dma_start3A_94, %dma_start3A_95] : memref<512x128xf32, #tpu.memory_space<vmem>> -> memref<128x128xf32, #tpu.memory_space<vmem>>
        tpu.enqueue_dma source(%dma_start3A_96 : memref<128x128xf32, #tpu.memory_space<vmem>>) target(%dma_start3A_93 : memref<128x128xf32, #tpu.memory_space<vmem_shared>>) target_semaphore(%run_scoped3A : memref<!tpu.dma_semaphore, #tpu.memory_space<semaphore_mem>>)
        %dma_wait3A = arith.constant 0 : i32
        %dma_wait3A_97 = arith.constant 0 : i32
        %dma_wait3A_98 = tpu.memref_slice %arg8[%dma_wait3A, %dma_wait3A_97] : memref<512x128xf32, #tpu.memory_space<vmem>> -> memref<128x128xf32, #tpu.memory_space<vmem>>
        %dma_wait3A_99 = arith.constant 0 : i32
        %dma_wait3A_100 = tpu.memref_slice %arg9[%add3A_87, %dma_wait3A_99] : memref<5120x128xf32, #tpu.memory_space<vmem_shared>> -> memref<128x128xf32, #tpu.memory_space<vmem_shared>>
        %dma_wait3A_101 = arith.constant 0 : i32
        %dma_wait3A_102 = tpu.memref_slice %arg9[%add3A_87, %dma_wait3A_101] : memref<5120x128xf32, #tpu.memory_space<vmem_shared>> -> memref<128x128xf32, #tpu.memory_space<vmem_shared>>
        %dma_wait3A_103 = arith.constant 0 : i32
        %dma_wait3A_104 = arith.constant 0 : i32
        %dma_wait3A_105 = tpu.memref_slice %arg8[%dma_wait3A_103, %dma_wait3A_104] : memref<512x128xf32, #tpu.memory_space<vmem>> -> memref<128x128xf32, #tpu.memory_space<vmem>>
        tpu.wait_dma2 semaphore(%run_scoped3A : memref<!tpu.dma_semaphore, #tpu.memory_space<semaphore_mem>>) src(%dma_wait3A_105 : memref<128x128xf32, #tpu.memory_space<vmem>>) dst(%dma_wait3A_102 : memref<128x128xf32, #tpu.memory_space<vmem_shared>>)
        tpu.yield
      }) : () -> ()
    } else {
    }
    %mul3A_42 = arith.constant 2 : i32
    %mul3A_43 = arith.muli %arg0, %mul3A_42 : i32
    %add3A_44 = arith.constant 1 : i32
    %add3A_45 = arith.addi %mul3A_43, %add3A_44 : i32
    %mul3A_46 = arith.constant 163840 : i32
    %mul3A_47 = arith.muli %add3A_45, %mul3A_46 : i32
    %mul3A_48 = arith.constant 10240 : i32
    %mul3A_49 = arith.muli %arg1, %mul3A_48 : i32
    %add3A_50 = arith.addi %mul3A_47, %mul3A_49 : i32
    "tpu.region"() ({
      %run_scoped3A = tpu.sem_alloc : memref<!tpu.dma_semaphore, #tpu.memory_space<semaphore_mem>>
      %dma_start3A = tpu.memref_slice %arg3[%add3A_50] : memref<655360xi32, #tpu.memory_space<hbm>> -> memref<10240xi32, #tpu.memory_space<hbm>>
      %dma_start3A_68 = tpu.memref_slice %arg3[%add3A_50] : memref<655360xi32, #tpu.memory_space<hbm>> -> memref<10240xi32, #tpu.memory_space<hbm>>
      tpu.enqueue_dma source(%dma_start3A_68 : memref<10240xi32, #tpu.memory_space<hbm>>) target(%arg6 : memref<10240xi32, #tpu.memory_space<vmem>>) target_semaphore(%run_scoped3A : memref<!tpu.dma_semaphore, #tpu.memory_space<semaphore_mem>>)
      %dma_wait3A = tpu.memref_slice %arg3[%add3A_50] : memref<655360xi32, #tpu.memory_space<hbm>> -> memref<10240xi32, #tpu.memory_space<hbm>>
      %dma_wait3A_69 = tpu.memref_slice %arg3[%add3A_50] : memref<655360xi32, #tpu.memory_space<hbm>> -> memref<10240xi32, #tpu.memory_space<hbm>>
      tpu.wait_dma2 semaphore(%run_scoped3A : memref<!tpu.dma_semaphore, #tpu.memory_space<semaphore_mem>>) src(%dma_wait3A_69 : memref<10240xi32, #tpu.memory_space<hbm>>) dst(%arg6 : memref<10240xi32, #tpu.memory_space<vmem>>)
      tpu.yield
    }) : () -> ()
    %mul3A_51 = arith.constant 10240 : i32
    %mul3A_52 = arith.muli %arg1, %mul3A_51 : i32
    %add3A_53 = arith.constant 163840 : i32
    %add3A_54 = arith.addi %add3A_53, %mul3A_52 : i32
    "tpu.region"() ({
      %run_scoped3A = tpu.sem_alloc : memref<!tpu.dma_semaphore, #tpu.memory_space<semaphore_mem>>
      %dma_start3A = tpu.memref_slice %arg4[%add3A_54] : memref<327680xi32, #tpu.memory_space<hbm>> -> memref<10240xi32, #tpu.memory_space<hbm>>
      %dma_start3A_68 = tpu.memref_slice %arg4[%add3A_54] : memref<327680xi32, #tpu.memory_space<hbm>> -> memref<10240xi32, #tpu.memory_space<hbm>>
      tpu.enqueue_dma source(%dma_start3A_68 : memref<10240xi32, #tpu.memory_space<hbm>>) target(%arg7 : memref<10240xi32, #tpu.memory_space<vmem>>) target_semaphore(%run_scoped3A : memref<!tpu.dma_semaphore, #tpu.memory_space<semaphore_mem>>)
      %dma_wait3A = tpu.memref_slice %arg4[%add3A_54] : memref<327680xi32, #tpu.memory_space<hbm>> -> memref<10240xi32, #tpu.memory_space<hbm>>
      %dma_wait3A_69 = tpu.memref_slice %arg4[%add3A_54] : memref<327680xi32, #tpu.memory_space<hbm>> -> memref<10240xi32, #tpu.memory_space<hbm>>
      tpu.wait_dma2 semaphore(%run_scoped3A : memref<!tpu.dma_semaphore, #tpu.memory_space<semaphore_mem>>) src(%dma_wait3A_69 : memref<10240xi32, #tpu.memory_space<hbm>>) dst(%arg7 : memref<10240xi32, #tpu.memory_space<vmem>>)
      tpu.yield
    }) : () -> ()
    %barrier3A_55 = arith.constant 0 : index
    tpu.barrier barrier_id(%barrier3A_55)
    %scan3A_56 = arith.constant 0 : i32
    %scan3A_57 = arith.constant 0 : i32
    %scan3A_58 = arith.constant 20 : i32
    %scan3A_59 = arith.addi %scan3A_57, %scan3A_58 : i32
    %scan3A_60 = arith.constant 1 : i32
    scf.for %scan3A_68 = %scan3A_57 to %scan3A_59 step %scan3A_60  : i32 {
      %mul3A_69 = arith.constant 512 : i32
      %mul3A_70 = arith.muli %scan3A_68, %mul3A_69 : i32
      %dma_start3A = tpu.memref_slice %arg6[%mul3A_70] : memref<10240xi32, #tpu.memory_space<vmem>> -> memref<512xi32, #tpu.memory_space<vmem>>
      %dma_start3A_71 = arith.constant 0 : i32
      %dma_start3A_72 = arith.constant 0 : i32
      %dma_start3A_73 = tpu.memref_slice %arg2[%dma_start3A_71, %dma_start3A_72] : memref<20480x128xf32, #tpu.memory_space<hbm>> -> memref<20480x128xf32, #tpu.memory_space<hbm>>
      tpu.enqueue_indirect_dma source(%dma_start3A_73 : memref<20480x128xf32, #tpu.memory_space<hbm>>) target(%arg8 : memref<512x128xf32, #tpu.memory_space<vmem>>) offsets(%dma_start3A : memref<512xi32, #tpu.memory_space<vmem>>) semaphore(%arg10 : memref<!tpu.dma_semaphore, #tpu.memory_space<semaphore_mem>>)
      %dma_wait3A = tpu.memref_slice %arg6[%mul3A_70] : memref<10240xi32, #tpu.memory_space<vmem>> -> memref<512xi32, #tpu.memory_space<vmem>>
      %dma_wait3A_74 = arith.constant 0 : i32
      %dma_wait3A_75 = arith.constant 0 : i32
      %dma_wait3A_76 = tpu.memref_slice %arg2[%dma_wait3A_74, %dma_wait3A_75] : memref<20480x128xf32, #tpu.memory_space<hbm>> -> memref<20480x128xf32, #tpu.memory_space<hbm>>
      tpu.wait_indirect_dma semaphore(%arg10 : memref<!tpu.dma_semaphore, #tpu.memory_space<semaphore_mem>>) src(%dma_wait3A_76 : memref<20480x128xf32, #tpu.memory_space<hbm>>) dst(%arg8 : memref<512x128xf32, #tpu.memory_space<vmem>>)
      %mul3A_77 = arith.constant 512 : i32
      %mul3A_78 = arith.muli %scan3A_68, %mul3A_77 : i32
      "tpu.region"() ({
        %run_scoped3A = tpu.sem_alloc : memref<!tpu.dma_semaphore, #tpu.memory_space<semaphore_mem>>
        %dma_start3A_79 = tpu.memref_slice %arg7[%mul3A_78] : memref<10240xi32, #tpu.memory_space<vmem>> -> memref<512xi32, #tpu.memory_space<vmem>>
        %dma_start3A_80 = arith.constant 0 : i32
        %dma_start3A_81 = arith.constant 0 : i32
        %dma_start3A_82 = tpu.memref_slice %arg9[%dma_start3A_80, %dma_start3A_81] : memref<5120x128xf32, #tpu.memory_space<vmem_shared>> -> memref<5120x128xf32, #tpu.memory_space<vmem_shared>>
        tpu.enqueue_indirect_dma source(%arg8 : memref<512x128xf32, #tpu.memory_space<vmem>>) target(%dma_start3A_82 : memref<5120x128xf32, #tpu.memory_space<vmem_shared>>) offsets(%dma_start3A_79 : memref<512xi32, #tpu.memory_space<vmem>>) semaphore(%run_scoped3A : memref<!tpu.dma_semaphore, #tpu.memory_space<semaphore_mem>>) {add = true}
        %dma_wait3A_83 = tpu.memref_slice %arg7[%mul3A_78] : memref<10240xi32, #tpu.memory_space<vmem>> -> memref<512xi32, #tpu.memory_space<vmem>>
        %dma_wait3A_84 = arith.constant 0 : i32
        %dma_wait3A_85 = arith.constant 0 : i32
        %dma_wait3A_86 = tpu.memref_slice %arg9[%dma_wait3A_84, %dma_wait3A_85] : memref<5120x128xf32, #tpu.memory_space<vmem_shared>> -> memref<5120x128xf32, #tpu.memory_space<vmem_shared>>
        tpu.wait_indirect_dma semaphore(%run_scoped3A : memref<!tpu.dma_semaphore, #tpu.memory_space<semaphore_mem>>) src(%arg8 : memref<512x128xf32, #tpu.memory_space<vmem>>) dst(%dma_wait3A_86 : memref<5120x128xf32, #tpu.memory_space<vmem_shared>>)
        tpu.yield
      }) : () -> ()
    }
    %scan3A_61 = arith.constant 20 : i32
    %barrier3A_62 = arith.constant 0 : index
    tpu.barrier barrier_id(%barrier3A_62)
    %lt3A_63 = arith.constant 8 : i32
    %lt3A_64 = arith.cmpi slt, %arg1, %lt3A_63 : i32
    %convert_element_type3A_65 = arith.extui %lt3A_64 : i1 to i32
    %cond3A_66 = arith.constant 0 : i32
    %cond3A_67 = arith.cmpi ne, %convert_element_type3A_65, %cond3A_66 : i32
    scf.if %cond3A_67 {
      %mul3A_68 = arith.constant 640 : i32
      %mul3A_69 = arith.muli %arg1, %mul3A_68 : i32
      %add3A_70 = arith.constant 0 : i32
      %add3A_71 = arith.addi %mul3A_69, %add3A_70 : i32
      "tpu.region"() ({
        %run_scoped3A = tpu.sem_alloc : memref<!tpu.dma_semaphore, #tpu.memory_space<semaphore_mem>>
        %dma_start3A = arith.constant 0 : i32
        %dma_start3A_143 = arith.constant 0 : i32
        %dma_start3A_144 = tpu.memref_slice %arg8[%dma_start3A, %dma_start3A_143] : memref<512x128xf32, #tpu.memory_space<vmem>> -> memref<128x128xf32, #tpu.memory_space<vmem>>
        %dma_start3A_145 = arith.constant 0 : i32
        %dma_start3A_146 = tpu.memref_slice %arg9[%add3A_71, %dma_start3A_145] : memref<5120x128xf32, #tpu.memory_space<vmem_shared>> -> memref<128x128xf32, #tpu.memory_space<vmem_shared>>
        %dma_start3A_147 = arith.constant 0 : i32
        %dma_start3A_148 = arith.constant 0 : i32
        %dma_start3A_149 = tpu.memref_slice %arg8[%dma_start3A_147, %dma_start3A_148] : memref<512x128xf32, #tpu.memory_space<vmem>> -> memref<128x128xf32, #tpu.memory_space<vmem>>
        %dma_start3A_150 = arith.constant 0 : i32
        %dma_start3A_151 = tpu.memref_slice %arg9[%add3A_71, %dma_start3A_150] : memref<5120x128xf32, #tpu.memory_space<vmem_shared>> -> memref<128x128xf32, #tpu.memory_space<vmem_shared>>
        tpu.enqueue_dma source(%dma_start3A_151 : memref<128x128xf32, #tpu.memory_space<vmem_shared>>) target(%dma_start3A_149 : memref<128x128xf32, #tpu.memory_space<vmem>>) target_semaphore(%run_scoped3A : memref<!tpu.dma_semaphore, #tpu.memory_space<semaphore_mem>>)
        %dma_wait3A = arith.constant 0 : i32
        %dma_wait3A_152 = arith.constant 0 : i32
        %dma_wait3A_153 = tpu.memref_slice %arg8[%dma_wait3A, %dma_wait3A_152] : memref<512x128xf32, #tpu.memory_space<vmem>> -> memref<128x128xf32, #tpu.memory_space<vmem>>
        %dma_wait3A_154 = arith.constant 0 : i32
        %dma_wait3A_155 = tpu.memref_slice %arg9[%add3A_71, %dma_wait3A_154] : memref<5120x128xf32, #tpu.memory_space<vmem_shared>> -> memref<128x128xf32, #tpu.memory_space<vmem_shared>>
        %dma_wait3A_156 = arith.constant 0 : i32
        %dma_wait3A_157 = arith.constant 0 : i32
        %dma_wait3A_158 = tpu.memref_slice %arg8[%dma_wait3A_156, %dma_wait3A_157] : memref<512x128xf32, #tpu.memory_space<vmem>> -> memref<128x128xf32, #tpu.memory_space<vmem>>
        %dma_wait3A_159 = arith.constant 0 : i32
        %dma_wait3A_160 = tpu.memref_slice %arg9[%add3A_71, %dma_wait3A_159] : memref<5120x128xf32, #tpu.memory_space<vmem_shared>> -> memref<128x128xf32, #tpu.memory_space<vmem_shared>>
        tpu.wait_dma2 semaphore(%run_scoped3A : memref<!tpu.dma_semaphore, #tpu.memory_space<semaphore_mem>>) src(%dma_wait3A_160 : memref<128x128xf32, #tpu.memory_space<vmem_shared>>) dst(%dma_wait3A_158 : memref<128x128xf32, #tpu.memory_space<vmem>>)
        tpu.yield
      }) : () -> ()
      %mul3A_72 = arith.constant 2 : i32
      %mul3A_73 = arith.muli %arg0, %mul3A_72 : i32
      %mul3A_74 = arith.constant 5120 : i32
      %mul3A_75 = arith.muli %mul3A_73, %mul3A_74 : i32
      %add3A_76 = arith.constant 5120 : i32
      %add3A_77 = arith.addi %mul3A_75, %add3A_76 : i32
      %mul3A_78 = arith.constant 640 : i32
      %mul3A_79 = arith.muli %arg1, %mul3A_78 : i32
      %add3A_80 = arith.addi %add3A_77, %mul3A_79 : i32
      %add3A_81 = arith.constant 0 : i32
      %add3A_82 = arith.addi %add3A_80, %add3A_81 : i32
      "tpu.region"() ({
        %run_scoped3A = tpu.sem_alloc : memref<!tpu.dma_semaphore, #tpu.memory_space<semaphore_mem>>
        %dma_start3A = arith.constant 0 : i32
        %dma_start3A_143 = arith.constant 0 : i32
        %dma_start3A_144 = tpu.memref_slice %arg8[%dma_start3A, %dma_start3A_143] : memref<512x128xf32, #tpu.memory_space<vmem>> -> memref<128x128xf32, #tpu.memory_space<vmem>>
        %dma_start3A_145 = arith.constant 0 : i32
        %dma_start3A_146 = tpu.memref_slice %arg5[%add3A_82, %dma_start3A_145] : memref<20480x128xf32, #tpu.memory_space<hbm>> -> memref<128x128xf32, #tpu.memory_space<hbm>>
        %dma_start3A_147 = arith.constant 0 : i32
        %dma_start3A_148 = tpu.memref_slice %arg5[%add3A_82, %dma_start3A_147] : memref<20480x128xf32, #tpu.memory_space<hbm>> -> memref<128x128xf32, #tpu.memory_space<hbm>>
        %dma_start3A_149 = arith.constant 0 : i32
        %dma_start3A_150 = arith.constant 0 : i32
        %dma_start3A_151 = tpu.memref_slice %arg8[%dma_start3A_149, %dma_start3A_150] : memref<512x128xf32, #tpu.memory_space<vmem>> -> memref<128x128xf32, #tpu.memory_space<vmem>>
        tpu.enqueue_dma source(%dma_start3A_151 : memref<128x128xf32, #tpu.memory_space<vmem>>) target(%dma_start3A_148 : memref<128x128xf32, #tpu.memory_space<hbm>>) target_semaphore(%run_scoped3A : memref<!tpu.dma_semaphore, #tpu.memory_space<semaphore_mem>>)
        %dma_wait3A = arith.constant 0 : i32
        %dma_wait3A_152 = arith.constant 0 : i32
        %dma_wait3A_153 = tpu.memref_slice %arg8[%dma_wait3A, %dma_wait3A_152] : memref<512x128xf32, #tpu.memory_space<vmem>> -> memref<128x128xf32, #tpu.memory_space<vmem>>
        %dma_wait3A_154 = arith.constant 0 : i32
        %dma_wait3A_155 = tpu.memref_slice %arg5[%add3A_82, %dma_wait3A_154] : memref<20480x128xf32, #tpu.memory_space<hbm>> -> memref<128x128xf32, #tpu.memory_space<hbm>>
        %dma_wait3A_156 = arith.constant 0 : i32
        %dma_wait3A_157 = tpu.memref_slice %arg5[%add3A_82, %dma_wait3A_156] : memref<20480x128xf32, #tpu.memory_space<hbm>> -> memref<128x128xf32, #tpu.memory_space<hbm>>
        %dma_wait3A_158 = arith.constant 0 : i32
        %dma_wait3A_159 = arith.constant 0 : i32
        %dma_wait3A_160 = tpu.memref_slice %arg8[%dma_wait3A_158, %dma_wait3A_159] : memref<512x128xf32, #tpu.memory_space<vmem>> -> memref<128x128xf32, #tpu.memory_space<vmem>>
        tpu.wait_dma2 semaphore(%run_scoped3A : memref<!tpu.dma_semaphore, #tpu.memory_space<semaphore_mem>>) src(%dma_wait3A_160 : memref<128x128xf32, #tpu.memory_space<vmem>>) dst(%dma_wait3A_157 : memref<128x128xf32, #tpu.memory_space<hbm>>)
        tpu.yield
      }) : () -> ()
      %mul3A_83 = arith.constant 640 : i32
      %mul3A_84 = arith.muli %arg1, %mul3A_83 : i32
      %add3A_85 = arith.constant 128 : i32
      %add3A_86 = arith.addi %mul3A_84, %add3A_85 : i32
      "tpu.region"() ({
        %run_scoped3A = tpu.sem_alloc : memref<!tpu.dma_semaphore, #tpu.memory_space<semaphore_mem>>
        %dma_start3A = arith.constant 0 : i32
        %dma_start3A_143 = arith.constant 0 : i32
        %dma_start3A_144 = tpu.memref_slice %arg8[%dma_start3A, %dma_start3A_143] : memref<512x128xf32, #tpu.memory_space<vmem>> -> memref<128x128xf32, #tpu.memory_space<vmem>>
        %dma_start3A_145 = arith.constant 0 : i32
        %dma_start3A_146 = tpu.memref_slice %arg9[%add3A_86, %dma_start3A_145] : memref<5120x128xf32, #tpu.memory_space<vmem_shared>> -> memref<128x128xf32, #tpu.memory_space<vmem_shared>>
        %dma_start3A_147 = arith.constant 0 : i32
        %dma_start3A_148 = arith.constant 0 : i32
        %dma_start3A_149 = tpu.memref_slice %arg8[%dma_start3A_147, %dma_start3A_148] : memref<512x128xf32, #tpu.memory_space<vmem>> -> memref<128x128xf32, #tpu.memory_space<vmem>>
        %dma_start3A_150 = arith.constant 0 : i32
        %dma_start3A_151 = tpu.memref_slice %arg9[%add3A_86, %dma_start3A_150] : memref<5120x128xf32, #tpu.memory_space<vmem_shared>> -> memref<128x128xf32, #tpu.memory_space<vmem_shared>>
        tpu.enqueue_dma source(%dma_start3A_151 : memref<128x128xf32, #tpu.memory_space<vmem_shared>>) target(%dma_start3A_149 : memref<128x128xf32, #tpu.memory_space<vmem>>) target_semaphore(%run_scoped3A : memref<!tpu.dma_semaphore, #tpu.memory_space<semaphore_mem>>)
        %dma_wait3A = arith.constant 0 : i32
        %dma_wait3A_152 = arith.constant 0 : i32
        %dma_wait3A_153 = tpu.memref_slice %arg8[%dma_wait3A, %dma_wait3A_152] : memref<512x128xf32, #tpu.memory_space<vmem>> -> memref<128x128xf32, #tpu.memory_space<vmem>>
        %dma_wait3A_154 = arith.constant 0 : i32
        %dma_wait3A_155 = tpu.memref_slice %arg9[%add3A_86, %dma_wait3A_154] : memref<5120x128xf32, #tpu.memory_space<vmem_shared>> -> memref<128x128xf32, #tpu.memory_space<vmem_shared>>
        %dma_wait3A_156 = arith.constant 0 : i32
        %dma_wait3A_157 = arith.constant 0 : i32
        %dma_wait3A_158 = tpu.memref_slice %arg8[%dma_wait3A_156, %dma_wait3A_157] : memref<512x128xf32, #tpu.memory_space<vmem>> -> memref<128x128xf32, #tpu.memory_space<vmem>>
        %dma_wait3A_159 = arith.constant 0 : i32
        %dma_wait3A_160 = tpu.memref_slice %arg9[%add3A_86, %dma_wait3A_159] : memref<5120x128xf32, #tpu.memory_space<vmem_shared>> -> memref<128x128xf32, #tpu.memory_space<vmem_shared>>
        tpu.wait_dma2 semaphore(%run_scoped3A : memref<!tpu.dma_semaphore, #tpu.memory_space<semaphore_mem>>) src(%dma_wait3A_160 : memref<128x128xf32, #tpu.memory_space<vmem_shared>>) dst(%dma_wait3A_158 : memref<128x128xf32, #tpu.memory_space<vmem>>)
        tpu.yield
      }) : () -> ()
      %mul3A_87 = arith.constant 2 : i32
      %mul3A_88 = arith.muli %arg0, %mul3A_87 : i32
      %mul3A_89 = arith.constant 5120 : i32
      %mul3A_90 = arith.muli %mul3A_88, %mul3A_89 : i32
      %add3A_91 = arith.constant 5120 : i32
      %add3A_92 = arith.addi %mul3A_90, %add3A_91 : i32
      %mul3A_93 = arith.constant 640 : i32
      %mul3A_94 = arith.muli %arg1, %mul3A_93 : i32
      %add3A_95 = arith.addi %add3A_92, %mul3A_94 : i32
      %add3A_96 = arith.constant 128 : i32
      %add3A_97 = arith.addi %add3A_95, %add3A_96 : i32
      "tpu.region"() ({
        %run_scoped3A = tpu.sem_alloc : memref<!tpu.dma_semaphore, #tpu.memory_space<semaphore_mem>>
        %dma_start3A = arith.constant 0 : i32
        %dma_start3A_143 = arith.constant 0 : i32
        %dma_start3A_144 = tpu.memref_slice %arg8[%dma_start3A, %dma_start3A_143] : memref<512x128xf32, #tpu.memory_space<vmem>> -> memref<128x128xf32, #tpu.memory_space<vmem>>
        %dma_start3A_145 = arith.constant 0 : i32
        %dma_start3A_146 = tpu.memref_slice %arg5[%add3A_97, %dma_start3A_145] : memref<20480x128xf32, #tpu.memory_space<hbm>> -> memref<128x128xf32, #tpu.memory_space<hbm>>
        %dma_start3A_147 = arith.constant 0 : i32
        %dma_start3A_148 = tpu.memref_slice %arg5[%add3A_97, %dma_start3A_147] : memref<20480x128xf32, #tpu.memory_space<hbm>> -> memref<128x128xf32, #tpu.memory_space<hbm>>
        %dma_start3A_149 = arith.constant 0 : i32
        %dma_start3A_150 = arith.constant 0 : i32
        %dma_start3A_151 = tpu.memref_slice %arg8[%dma_start3A_149, %dma_start3A_150] : memref<512x128xf32, #tpu.memory_space<vmem>> -> memref<128x128xf32, #tpu.memory_space<vmem>>
        tpu.enqueue_dma source(%dma_start3A_151 : memref<128x128xf32, #tpu.memory_space<vmem>>) target(%dma_start3A_148 : memref<128x128xf32, #tpu.memory_space<hbm>>) target_semaphore(%run_scoped3A : memref<!tpu.dma_semaphore, #tpu.memory_space<semaphore_mem>>)
        %dma_wait3A = arith.constant 0 : i32
        %dma_wait3A_152 = arith.constant 0 : i32
        %dma_wait3A_153 = tpu.memref_slice %arg8[%dma_wait3A, %dma_wait3A_152] : memref<512x128xf32, #tpu.memory_space<vmem>> -> memref<128x128xf32, #tpu.memory_space<vmem>>
        %dma_wait3A_154 = arith.constant 0 : i32
        %dma_wait3A_155 = tpu.memref_slice %arg5[%add3A_97, %dma_wait3A_154] : memref<20480x128xf32, #tpu.memory_space<hbm>> -> memref<128x128xf32, #tpu.memory_space<hbm>>
        %dma_wait3A_156 = arith.constant 0 : i32
        %dma_wait3A_157 = tpu.memref_slice %arg5[%add3A_97, %dma_wait3A_156] : memref<20480x128xf32, #tpu.memory_space<hbm>> -> memref<128x128xf32, #tpu.memory_space<hbm>>
        %dma_wait3A_158 = arith.constant 0 : i32
        %dma_wait3A_159 = arith.constant 0 : i32
        %dma_wait3A_160 = tpu.memref_slice %arg8[%dma_wait3A_158, %dma_wait3A_159] : memref<512x128xf32, #tpu.memory_space<vmem>> -> memref<128x128xf32, #tpu.memory_space<vmem>>
        tpu.wait_dma2 semaphore(%run_scoped3A : memref<!tpu.dma_semaphore, #tpu.memory_space<semaphore_mem>>) src(%dma_wait3A_160 : memref<128x128xf32, #tpu.memory_space<vmem>>) dst(%dma_wait3A_157 : memref<128x128xf32, #tpu.memory_space<hbm>>)
        tpu.yield
      }) : () -> ()
      %mul3A_98 = arith.constant 640 : i32
      %mul3A_99 = arith.muli %arg1, %mul3A_98 : i32
      %add3A_100 = arith.constant 256 : i32
      %add3A_101 = arith.addi %mul3A_99, %add3A_100 : i32
      "tpu.region"() ({
        %run_scoped3A = tpu.sem_alloc : memref<!tpu.dma_semaphore, #tpu.memory_space<semaphore_mem>>
        %dma_start3A = arith.constant 0 : i32
        %dma_start3A_143 = arith.constant 0 : i32
        %dma_start3A_144 = tpu.memref_slice %arg8[%dma_start3A, %dma_start3A_143] : memref<512x128xf32, #tpu.memory_space<vmem>> -> memref<128x128xf32, #tpu.memory_space<vmem>>
        %dma_start3A_145 = arith.constant 0 : i32
        %dma_start3A_146 = tpu.memref_slice %arg9[%add3A_101, %dma_start3A_145] : memref<5120x128xf32, #tpu.memory_space<vmem_shared>> -> memref<128x128xf32, #tpu.memory_space<vmem_shared>>
        %dma_start3A_147 = arith.constant 0 : i32
        %dma_start3A_148 = arith.constant 0 : i32
        %dma_start3A_149 = tpu.memref_slice %arg8[%dma_start3A_147, %dma_start3A_148] : memref<512x128xf32, #tpu.memory_space<vmem>> -> memref<128x128xf32, #tpu.memory_space<vmem>>
        %dma_start3A_150 = arith.constant 0 : i32
        %dma_start3A_151 = tpu.memref_slice %arg9[%add3A_101, %dma_start3A_150] : memref<5120x128xf32, #tpu.memory_space<vmem_shared>> -> memref<128x128xf32, #tpu.memory_space<vmem_shared>>
        tpu.enqueue_dma source(%dma_start3A_151 : memref<128x128xf32, #tpu.memory_space<vmem_shared>>) target(%dma_start3A_149 : memref<128x128xf32, #tpu.memory_space<vmem>>) target_semaphore(%run_scoped3A : memref<!tpu.dma_semaphore, #tpu.memory_space<semaphore_mem>>)
        %dma_wait3A = arith.constant 0 : i32
        %dma_wait3A_152 = arith.constant 0 : i32
        %dma_wait3A_153 = tpu.memref_slice %arg8[%dma_wait3A, %dma_wait3A_152] : memref<512x128xf32, #tpu.memory_space<vmem>> -> memref<128x128xf32, #tpu.memory_space<vmem>>
        %dma_wait3A_154 = arith.constant 0 : i32
        %dma_wait3A_155 = tpu.memref_slice %arg9[%add3A_101, %dma_wait3A_154] : memref<5120x128xf32, #tpu.memory_space<vmem_shared>> -> memref<128x128xf32, #tpu.memory_space<vmem_shared>>
        %dma_wait3A_156 = arith.constant 0 : i32
        %dma_wait3A_157 = arith.constant 0 : i32
        %dma_wait3A_158 = tpu.memref_slice %arg8[%dma_wait3A_156, %dma_wait3A_157] : memref<512x128xf32, #tpu.memory_space<vmem>> -> memref<128x128xf32, #tpu.memory_space<vmem>>
        %dma_wait3A_159 = arith.constant 0 : i32
        %dma_wait3A_160 = tpu.memref_slice %arg9[%add3A_101, %dma_wait3A_159] : memref<5120x128xf32, #tpu.memory_space<vmem_shared>> -> memref<128x128xf32, #tpu.memory_space<vmem_shared>>
        tpu.wait_dma2 semaphore(%run_scoped3A : memref<!tpu.dma_semaphore, #tpu.memory_space<semaphore_mem>>) src(%dma_wait3A_160 : memref<128x128xf32, #tpu.memory_space<vmem_shared>>) dst(%dma_wait3A_158 : memref<128x128xf32, #tpu.memory_space<vmem>>)
        tpu.yield
      }) : () -> ()
      %mul3A_102 = arith.constant 2 : i32
      %mul3A_103 = arith.muli %arg0, %mul3A_102 : i32
      %mul3A_104 = arith.constant 5120 : i32
      %mul3A_105 = arith.muli %mul3A_103, %mul3A_104 : i32
      %add3A_106 = arith.constant 5120 : i32
      %add3A_107 = arith.addi %mul3A_105, %add3A_106 : i32
      %mul3A_108 = arith.constant 640 : i32
      %mul3A_109 = arith.muli %arg1, %mul3A_108 : i32
      %add3A_110 = arith.addi %add3A_107, %mul3A_109 : i32
      %add3A_111 = arith.constant 256 : i32
      %add3A_112 = arith.addi %add3A_110, %add3A_111 : i32
      "tpu.region"() ({
        %run_scoped3A = tpu.sem_alloc : memref<!tpu.dma_semaphore, #tpu.memory_space<semaphore_mem>>
        %dma_start3A = arith.constant 0 : i32
        %dma_start3A_143 = arith.constant 0 : i32
        %dma_start3A_144 = tpu.memref_slice %arg8[%dma_start3A, %dma_start3A_143] : memref<512x128xf32, #tpu.memory_space<vmem>> -> memref<128x128xf32, #tpu.memory_space<vmem>>
        %dma_start3A_145 = arith.constant 0 : i32
        %dma_start3A_146 = tpu.memref_slice %arg5[%add3A_112, %dma_start3A_145] : memref<20480x128xf32, #tpu.memory_space<hbm>> -> memref<128x128xf32, #tpu.memory_space<hbm>>
        %dma_start3A_147 = arith.constant 0 : i32
        %dma_start3A_148 = tpu.memref_slice %arg5[%add3A_112, %dma_start3A_147] : memref<20480x128xf32, #tpu.memory_space<hbm>> -> memref<128x128xf32, #tpu.memory_space<hbm>>
        %dma_start3A_149 = arith.constant 0 : i32
        %dma_start3A_150 = arith.constant 0 : i32
        %dma_start3A_151 = tpu.memref_slice %arg8[%dma_start3A_149, %dma_start3A_150] : memref<512x128xf32, #tpu.memory_space<vmem>> -> memref<128x128xf32, #tpu.memory_space<vmem>>
        tpu.enqueue_dma source(%dma_start3A_151 : memref<128x128xf32, #tpu.memory_space<vmem>>) target(%dma_start3A_148 : memref<128x128xf32, #tpu.memory_space<hbm>>) target_semaphore(%run_scoped3A : memref<!tpu.dma_semaphore, #tpu.memory_space<semaphore_mem>>)
        %dma_wait3A = arith.constant 0 : i32
        %dma_wait3A_152 = arith.constant 0 : i32
        %dma_wait3A_153 = tpu.memref_slice %arg8[%dma_wait3A, %dma_wait3A_152] : memref<512x128xf32, #tpu.memory_space<vmem>> -> memref<128x128xf32, #tpu.memory_space<vmem>>
        %dma_wait3A_154 = arith.constant 0 : i32
        %dma_wait3A_155 = tpu.memref_slice %arg5[%add3A_112, %dma_wait3A_154] : memref<20480x128xf32, #tpu.memory_space<hbm>> -> memref<128x128xf32, #tpu.memory_space<hbm>>
        %dma_wait3A_156 = arith.constant 0 : i32
        %dma_wait3A_157 = tpu.memref_slice %arg5[%add3A_112, %dma_wait3A_156] : memref<20480x128xf32, #tpu.memory_space<hbm>> -> memref<128x128xf32, #tpu.memory_space<hbm>>
        %dma_wait3A_158 = arith.constant 0 : i32
        %dma_wait3A_159 = arith.constant 0 : i32
        %dma_wait3A_160 = tpu.memref_slice %arg8[%dma_wait3A_158, %dma_wait3A_159] : memref<512x128xf32, #tpu.memory_space<vmem>> -> memref<128x128xf32, #tpu.memory_space<vmem>>
        tpu.wait_dma2 semaphore(%run_scoped3A : memref<!tpu.dma_semaphore, #tpu.memory_space<semaphore_mem>>) src(%dma_wait3A_160 : memref<128x128xf32, #tpu.memory_space<vmem>>) dst(%dma_wait3A_157 : memref<128x128xf32, #tpu.memory_space<hbm>>)
        tpu.yield
      }) : () -> ()
      %mul3A_113 = arith.constant 640 : i32
      %mul3A_114 = arith.muli %arg1, %mul3A_113 : i32
      %add3A_115 = arith.constant 384 : i32
      %add3A_116 = arith.addi %mul3A_114, %add3A_115 : i32
      "tpu.region"() ({
        %run_scoped3A = tpu.sem_alloc : memref<!tpu.dma_semaphore, #tpu.memory_space<semaphore_mem>>
        %dma_start3A = arith.constant 0 : i32
        %dma_start3A_143 = arith.constant 0 : i32
        %dma_start3A_144 = tpu.memref_slice %arg8[%dma_start3A, %dma_start3A_143] : memref<512x128xf32, #tpu.memory_space<vmem>> -> memref<128x128xf32, #tpu.memory_space<vmem>>
        %dma_start3A_145 = arith.constant 0 : i32
        %dma_start3A_146 = tpu.memref_slice %arg9[%add3A_116, %dma_start3A_145] : memref<5120x128xf32, #tpu.memory_space<vmem_shared>> -> memref<128x128xf32, #tpu.memory_space<vmem_shared>>
        %dma_start3A_147 = arith.constant 0 : i32
        %dma_start3A_148 = arith.constant 0 : i32
        %dma_start3A_149 = tpu.memref_slice %arg8[%dma_start3A_147, %dma_start3A_148] : memref<512x128xf32, #tpu.memory_space<vmem>> -> memref<128x128xf32, #tpu.memory_space<vmem>>
        %dma_start3A_150 = arith.constant 0 : i32
        %dma_start3A_151 = tpu.memref_slice %arg9[%add3A_116, %dma_start3A_150] : memref<5120x128xf32, #tpu.memory_space<vmem_shared>> -> memref<128x128xf32, #tpu.memory_space<vmem_shared>>
        tpu.enqueue_dma source(%dma_start3A_151 : memref<128x128xf32, #tpu.memory_space<vmem_shared>>) target(%dma_start3A_149 : memref<128x128xf32, #tpu.memory_space<vmem>>) target_semaphore(%run_scoped3A : memref<!tpu.dma_semaphore, #tpu.memory_space<semaphore_mem>>)
        %dma_wait3A = arith.constant 0 : i32
        %dma_wait3A_152 = arith.constant 0 : i32
        %dma_wait3A_153 = tpu.memref_slice %arg8[%dma_wait3A, %dma_wait3A_152] : memref<512x128xf32, #tpu.memory_space<vmem>> -> memref<128x128xf32, #tpu.memory_space<vmem>>
        %dma_wait3A_154 = arith.constant 0 : i32
        %dma_wait3A_155 = tpu.memref_slice %arg9[%add3A_116, %dma_wait3A_154] : memref<5120x128xf32, #tpu.memory_space<vmem_shared>> -> memref<128x128xf32, #tpu.memory_space<vmem_shared>>
        %dma_wait3A_156 = arith.constant 0 : i32
        %dma_wait3A_157 = arith.constant 0 : i32
        %dma_wait3A_158 = tpu.memref_slice %arg8[%dma_wait3A_156, %dma_wait3A_157] : memref<512x128xf32, #tpu.memory_space<vmem>> -> memref<128x128xf32, #tpu.memory_space<vmem>>
        %dma_wait3A_159 = arith.constant 0 : i32
        %dma_wait3A_160 = tpu.memref_slice %arg9[%add3A_116, %dma_wait3A_159] : memref<5120x128xf32, #tpu.memory_space<vmem_shared>> -> memref<128x128xf32, #tpu.memory_space<vmem_shared>>
        tpu.wait_dma2 semaphore(%run_scoped3A : memref<!tpu.dma_semaphore, #tpu.memory_space<semaphore_mem>>) src(%dma_wait3A_160 : memref<128x128xf32, #tpu.memory_space<vmem_shared>>) dst(%dma_wait3A_158 : memref<128x128xf32, #tpu.memory_space<vmem>>)
        tpu.yield
      }) : () -> ()
      %mul3A_117 = arith.constant 2 : i32
      %mul3A_118 = arith.muli %arg0, %mul3A_117 : i32
      %mul3A_119 = arith.constant 5120 : i32
      %mul3A_120 = arith.muli %mul3A_118, %mul3A_119 : i32
      %add3A_121 = arith.constant 5120 : i32
      %add3A_122 = arith.addi %mul3A_120, %add3A_121 : i32
      %mul3A_123 = arith.constant 640 : i32
      %mul3A_124 = arith.muli %arg1, %mul3A_123 : i32
      %add3A_125 = arith.addi %add3A_122, %mul3A_124 : i32
      %add3A_126 = arith.constant 384 : i32
      %add3A_127 = arith.addi %add3A_125, %add3A_126 : i32
      "tpu.region"() ({
        %run_scoped3A = tpu.sem_alloc : memref<!tpu.dma_semaphore, #tpu.memory_space<semaphore_mem>>
        %dma_start3A = arith.constant 0 : i32
        %dma_start3A_143 = arith.constant 0 : i32
        %dma_start3A_144 = tpu.memref_slice %arg8[%dma_start3A, %dma_start3A_143] : memref<512x128xf32, #tpu.memory_space<vmem>> -> memref<128x128xf32, #tpu.memory_space<vmem>>
        %dma_start3A_145 = arith.constant 0 : i32
        %dma_start3A_146 = tpu.memref_slice %arg5[%add3A_127, %dma_start3A_145] : memref<20480x128xf32, #tpu.memory_space<hbm>> -> memref<128x128xf32, #tpu.memory_space<hbm>>
        %dma_start3A_147 = arith.constant 0 : i32
        %dma_start3A_148 = tpu.memref_slice %arg5[%add3A_127, %dma_start3A_147] : memref<20480x128xf32, #tpu.memory_space<hbm>> -> memref<128x128xf32, #tpu.memory_space<hbm>>
        %dma_start3A_149 = arith.constant 0 : i32
        %dma_start3A_150 = arith.constant 0 : i32
        %dma_start3A_151 = tpu.memref_slice %arg8[%dma_start3A_149, %dma_start3A_150] : memref<512x128xf32, #tpu.memory_space<vmem>> -> memref<128x128xf32, #tpu.memory_space<vmem>>
        tpu.enqueue_dma source(%dma_start3A_151 : memref<128x128xf32, #tpu.memory_space<vmem>>) target(%dma_start3A_148 : memref<128x128xf32, #tpu.memory_space<hbm>>) target_semaphore(%run_scoped3A : memref<!tpu.dma_semaphore, #tpu.memory_space<semaphore_mem>>)
        %dma_wait3A = arith.constant 0 : i32
        %dma_wait3A_152 = arith.constant 0 : i32
        %dma_wait3A_153 = tpu.memref_slice %arg8[%dma_wait3A, %dma_wait3A_152] : memref<512x128xf32, #tpu.memory_space<vmem>> -> memref<128x128xf32, #tpu.memory_space<vmem>>
        %dma_wait3A_154 = arith.constant 0 : i32
        %dma_wait3A_155 = tpu.memref_slice %arg5[%add3A_127, %dma_wait3A_154] : memref<20480x128xf32, #tpu.memory_space<hbm>> -> memref<128x128xf32, #tpu.memory_space<hbm>>
        %dma_wait3A_156 = arith.constant 0 : i32
        %dma_wait3A_157 = tpu.memref_slice %arg5[%add3A_127, %dma_wait3A_156] : memref<20480x128xf32, #tpu.memory_space<hbm>> -> memref<128x128xf32, #tpu.memory_space<hbm>>
        %dma_wait3A_158 = arith.constant 0 : i32
        %dma_wait3A_159 = arith.constant 0 : i32
        %dma_wait3A_160 = tpu.memref_slice %arg8[%dma_wait3A_158, %dma_wait3A_159] : memref<512x128xf32, #tpu.memory_space<vmem>> -> memref<128x128xf32, #tpu.memory_space<vmem>>
        tpu.wait_dma2 semaphore(%run_scoped3A : memref<!tpu.dma_semaphore, #tpu.memory_space<semaphore_mem>>) src(%dma_wait3A_160 : memref<128x128xf32, #tpu.memory_space<vmem>>) dst(%dma_wait3A_157 : memref<128x128xf32, #tpu.memory_space<hbm>>)
        tpu.yield
      }) : () -> ()
      %mul3A_128 = arith.constant 640 : i32
      %mul3A_129 = arith.muli %arg1, %mul3A_128 : i32
      %add3A_130 = arith.constant 512 : i32
      %add3A_131 = arith.addi %mul3A_129, %add3A_130 : i32
      "tpu.region"() ({
        %run_scoped3A = tpu.sem_alloc : memref<!tpu.dma_semaphore, #tpu.memory_space<semaphore_mem>>
        %dma_start3A = arith.constant 0 : i32
        %dma_start3A_143 = arith.constant 0 : i32
        %dma_start3A_144 = tpu.memref_slice %arg8[%dma_start3A, %dma_start3A_143] : memref<512x128xf32, #tpu.memory_space<vmem>> -> memref<128x128xf32, #tpu.memory_space<vmem>>
        %dma_start3A_145 = arith.constant 0 : i32
        %dma_start3A_146 = tpu.memref_slice %arg9[%add3A_131, %dma_start3A_145] : memref<5120x128xf32, #tpu.memory_space<vmem_shared>> -> memref<128x128xf32, #tpu.memory_space<vmem_shared>>
        %dma_start3A_147 = arith.constant 0 : i32
        %dma_start3A_148 = arith.constant 0 : i32
        %dma_start3A_149 = tpu.memref_slice %arg8[%dma_start3A_147, %dma_start3A_148] : memref<512x128xf32, #tpu.memory_space<vmem>> -> memref<128x128xf32, #tpu.memory_space<vmem>>
        %dma_start3A_150 = arith.constant 0 : i32
        %dma_start3A_151 = tpu.memref_slice %arg9[%add3A_131, %dma_start3A_150] : memref<5120x128xf32, #tpu.memory_space<vmem_shared>> -> memref<128x128xf32, #tpu.memory_space<vmem_shared>>
        tpu.enqueue_dma source(%dma_start3A_151 : memref<128x128xf32, #tpu.memory_space<vmem_shared>>) target(%dma_start3A_149 : memref<128x128xf32, #tpu.memory_space<vmem>>) target_semaphore(%run_scoped3A : memref<!tpu.dma_semaphore, #tpu.memory_space<semaphore_mem>>)
        %dma_wait3A = arith.constant 0 : i32
        %dma_wait3A_152 = arith.constant 0 : i32
        %dma_wait3A_153 = tpu.memref_slice %arg8[%dma_wait3A, %dma_wait3A_152] : memref<512x128xf32, #tpu.memory_space<vmem>> -> memref<128x128xf32, #tpu.memory_space<vmem>>
        %dma_wait3A_154 = arith.constant 0 : i32
        %dma_wait3A_155 = tpu.memref_slice %arg9[%add3A_131, %dma_wait3A_154] : memref<5120x128xf32, #tpu.memory_space<vmem_shared>> -> memref<128x128xf32, #tpu.memory_space<vmem_shared>>
        %dma_wait3A_156 = arith.constant 0 : i32
        %dma_wait3A_157 = arith.constant 0 : i32
        %dma_wait3A_158 = tpu.memref_slice %arg8[%dma_wait3A_156, %dma_wait3A_157] : memref<512x128xf32, #tpu.memory_space<vmem>> -> memref<128x128xf32, #tpu.memory_space<vmem>>
        %dma_wait3A_159 = arith.constant 0 : i32
        %dma_wait3A_160 = tpu.memref_slice %arg9[%add3A_131, %dma_wait3A_159] : memref<5120x128xf32, #tpu.memory_space<vmem_shared>> -> memref<128x128xf32, #tpu.memory_space<vmem_shared>>
        tpu.wait_dma2 semaphore(%run_scoped3A : memref<!tpu.dma_semaphore, #tpu.memory_space<semaphore_mem>>) src(%dma_wait3A_160 : memref<128x128xf32, #tpu.memory_space<vmem_shared>>) dst(%dma_wait3A_158 : memref<128x128xf32, #tpu.memory_space<vmem>>)
        tpu.yield
      }) : () -> ()
      %mul3A_132 = arith.constant 2 : i32
      %mul3A_133 = arith.muli %arg0, %mul3A_132 : i32
      %mul3A_134 = arith.constant 5120 : i32
      %mul3A_135 = arith.muli %mul3A_133, %mul3A_134 : i32
      %add3A_136 = arith.constant 5120 : i32
      %add3A_137 = arith.addi %mul3A_135, %add3A_136 : i32
      %mul3A_138 = arith.constant 640 : i32
      %mul3A_139 = arith.muli %arg1, %mul3A_138 : i32
      %add3A_140 = arith.addi %add3A_137, %mul3A_139 : i32
      %add3A_141 = arith.constant 512 : i32
      %add3A_142 = arith.addi %add3A_140, %add3A_141 : i32
      "tpu.region"() ({
        %run_scoped3A = tpu.sem_alloc : memref<!tpu.dma_semaphore, #tpu.memory_space<semaphore_mem>>
        %dma_start3A = arith.constant 0 : i32
        %dma_start3A_143 = arith.constant 0 : i32
        %dma_start3A_144 = tpu.memref_slice %arg8[%dma_start3A, %dma_start3A_143] : memref<512x128xf32, #tpu.memory_space<vmem>> -> memref<128x128xf32, #tpu.memory_space<vmem>>
        %dma_start3A_145 = arith.constant 0 : i32
        %dma_start3A_146 = tpu.memref_slice %arg5[%add3A_142, %dma_start3A_145] : memref<20480x128xf32, #tpu.memory_space<hbm>> -> memref<128x128xf32, #tpu.memory_space<hbm>>
        %dma_start3A_147 = arith.constant 0 : i32
        %dma_start3A_148 = tpu.memref_slice %arg5[%add3A_142, %dma_start3A_147] : memref<20480x128xf32, #tpu.memory_space<hbm>> -> memref<128x128xf32, #tpu.memory_space<hbm>>
        %dma_start3A_149 = arith.constant 0 : i32
        %dma_start3A_150 = arith.constant 0 : i32
        %dma_start3A_151 = tpu.memref_slice %arg8[%dma_start3A_149, %dma_start3A_150] : memref<512x128xf32, #tpu.memory_space<vmem>> -> memref<128x128xf32, #tpu.memory_space<vmem>>
        tpu.enqueue_dma source(%dma_start3A_151 : memref<128x128xf32, #tpu.memory_space<vmem>>) target(%dma_start3A_148 : memref<128x128xf32, #tpu.memory_space<hbm>>) target_semaphore(%run_scoped3A : memref<!tpu.dma_semaphore, #tpu.memory_space<semaphore_mem>>)
        %dma_wait3A = arith.constant 0 : i32
        %dma_wait3A_152 = arith.constant 0 : i32
        %dma_wait3A_153 = tpu.memref_slice %arg8[%dma_wait3A, %dma_wait3A_152] : memref<512x128xf32, #tpu.memory_space<vmem>> -> memref<128x128xf32, #tpu.memory_space<vmem>>
        %dma_wait3A_154 = arith.constant 0 : i32
        %dma_wait3A_155 = tpu.memref_slice %arg5[%add3A_142, %dma_wait3A_154] : memref<20480x128xf32, #tpu.memory_space<hbm>> -> memref<128x128xf32, #tpu.memory_space<hbm>>
        %dma_wait3A_156 = arith.constant 0 : i32
        %dma_wait3A_157 = tpu.memref_slice %arg5[%add3A_142, %dma_wait3A_156] : memref<20480x128xf32, #tpu.memory_space<hbm>> -> memref<128x128xf32, #tpu.memory_space<hbm>>
        %dma_wait3A_158 = arith.constant 0 : i32
        %dma_wait3A_159 = arith.constant 0 : i32
        %dma_wait3A_160 = tpu.memref_slice %arg8[%dma_wait3A_158, %dma_wait3A_159] : memref<512x128xf32, #tpu.memory_space<vmem>> -> memref<128x128xf32, #tpu.memory_space<vmem>>
        tpu.wait_dma2 semaphore(%run_scoped3A : memref<!tpu.dma_semaphore, #tpu.memory_space<semaphore_mem>>) src(%dma_wait3A_160 : memref<128x128xf32, #tpu.memory_space<vmem>>) dst(%dma_wait3A_157 : memref<128x128xf32, #tpu.memory_space<hbm>>)
        tpu.yield
      }) : () -> ()
    } else {
    }
    return
  }
}

#map = affine_map<(d0, d1) -> (0, 0)>
#map1 = affine_map<(d0, d1) -> (0)>
module attributes {stable_mosaic.version = 14 : i64} {
  func.func @prop_kernel(%arg0: i32, %arg1: i32, %arg2: memref<20480x128xf32, #tpu.memory_space<hbm>>, %arg3: memref<655360xi32, #tpu.memory_space<hbm>>, %arg4: memref<327680xi32, #tpu.memory_space<hbm>>, %arg5: memref<20480x128xf32, #tpu.memory_space<hbm>>, %arg6: memref<10240xi32, #tpu.memory_space<vmem>>, %arg7: memref<10240xi32, #tpu.memory_space<vmem>>, %arg8: memref<512x128xf32, #tpu.memory_space<vmem>>, %arg9: memref<5120x128xf32, #tpu.memory_space<vmem_shared>>, %arg10: memref<!tpu.dma_semaphore, #tpu.memory_space<semaphore_mem>>) attributes {dimension_semantics = [#tpu.dimension_semantics<core_parallel>, #tpu.dimension_semantics<subcore_parallel>], iteration_bounds = array<i64: 2, 16>, scalar_prefetch = 0 : i64, scratch_operands = 5 : i64, tpu.core_type = #tpu.core_type<sc_vector_subcore>, window_params = [{transform_indices = #map}, {transform_indices = #map1}, {transform_indices = #map1}, {transform_indices = #map}]} {
    %scan3A = arith.constant 0 : i32
    %scan3A_0 = arith.constant 0 : i32
    %scan3A_1 = arith.constant 128 : i32
    %scan3A_2 = arith.addi %scan3A_0, %scan3A_1 : i32
    %scan3A_3 = arith.constant 1 : i32
    scf.for %scan3A_68 = %scan3A_0 to %scan3A_2 step %scan3A_3  : i32 {
      %broadcast_in_dim3A = arith.constant 0.000000e+00 : f32
      %broadcast_in_dim3A_69 = vector.broadcast %broadcast_in_dim3A : f32 to vector<16xf32>
      %swap3A = arith.index_cast %scan3A_68 : i32 to index
      %swap3A_70 = arith.constant 0 : index
      %swap3A_71 = tpu.vector_load %arg8[%swap3A, %swap3A_70] {strides = array<i32>} : memref<512x128xf32, #tpu.memory_space<vmem>>, vector<1x16xf32>,
      %swap3A_72 = vector.shape_cast %swap3A_71 : vector<1x16xf32> to vector<16xf32>
      %swap3A_73 = vector.shape_cast %broadcast_in_dim3A_69 : vector<16xf32> to vector<1x16xf32>
      tpu.vector_store %arg8[%swap3A, %swap3A_70], %swap3A_73 {strides = array<i32>} : memref<512x128xf32, #tpu.memory_space<vmem>>, vector<1x16xf32>,
      %broadcast_in_dim3A_74 = arith.constant 0.000000e+00 : f32
      %broadcast_in_dim3A_75 = vector.broadcast %broadcast_in_dim3A_74 : f32 to vector<16xf32>
      %swap3A_76 = arith.index_cast %scan3A_68 : i32 to index
      %swap3A_77 = arith.constant 16 : index
      %swap3A_78 = tpu.vector_load %arg8[%swap3A_76, %swap3A_77] {strides = array<i32>} : memref<512x128xf32, #tpu.memory_space<vmem>>, vector<1x16xf32>,
      %swap3A_79 = vector.shape_cast %swap3A_78 : vector<1x16xf32> to vector<16xf32>
      %swap3A_80 = vector.shape_cast %broadcast_in_dim3A_75 : vector<16xf32> to vector<1x16xf32>
      tpu.vector_store %arg8[%swap3A_76, %swap3A_77], %swap3A_80 {strides = array<i32>} : memref<512x128xf32, #tpu.memory_space<vmem>>, vector<1x16xf32>,
      %broadcast_in_dim3A_81 = arith.constant 0.000000e+00 : f32
      %broadcast_in_dim3A_82 = vector.broadcast %broadcast_in_dim3A_81 : f32 to vector<16xf32>
      %swap3A_83 = arith.index_cast %scan3A_68 : i32 to index
      %swap3A_84 = arith.constant 32 : index
      %swap3A_85 = tpu.vector_load %arg8[%swap3A_83, %swap3A_84] {strides = array<i32>} : memref<512x128xf32, #tpu.memory_space<vmem>>, vector<1x16xf32>,
      %swap3A_86 = vector.shape_cast %swap3A_85 : vector<1x16xf32> to vector<16xf32>
      %swap3A_87 = vector.shape_cast %broadcast_in_dim3A_82 : vector<16xf32> to vector<1x16xf32>
      tpu.vector_store %arg8[%swap3A_83, %swap3A_84], %swap3A_87 {strides = array<i32>} : memref<512x128xf32, #tpu.memory_space<vmem>>, vector<1x16xf32>,
      %broadcast_in_dim3A_88 = arith.constant 0.000000e+00 : f32
      %broadcast_in_dim3A_89 = vector.broadcast %broadcast_in_dim3A_88 : f32 to vector<16xf32>
      %swap3A_90 = arith.index_cast %scan3A_68 : i32 to index
      %swap3A_91 = arith.constant 48 : index
      %swap3A_92 = tpu.vector_load %arg8[%swap3A_90, %swap3A_91] {strides = array<i32>} : memref<512x128xf32, #tpu.memory_space<vmem>>, vector<1x16xf32>,
      %swap3A_93 = vector.shape_cast %swap3A_92 : vector<1x16xf32> to vector<16xf32>
      %swap3A_94 = vector.shape_cast %broadcast_in_dim3A_89 : vector<16xf32> to vector<1x16xf32>
      tpu.vector_store %arg8[%swap3A_90, %swap3A_91], %swap3A_94 {strides = array<i32>} : memref<512x128xf32, #tpu.memory_space<vmem>>, vector<1x16xf32>,
      %broadcast_in_dim3A_95 = arith.constant 0.000000e+00 : f32
      %broadcast_in_dim3A_96 = vector.broadcast %broadcast_in_dim3A_95 : f32 to vector<16xf32>
      %swap3A_97 = arith.index_cast %scan3A_68 : i32 to index
      %swap3A_98 = arith.constant 64 : index
      %swap3A_99 = tpu.vector_load %arg8[%swap3A_97, %swap3A_98] {strides = array<i32>} : memref<512x128xf32, #tpu.memory_space<vmem>>, vector<1x16xf32>,
      %swap3A_100 = vector.shape_cast %swap3A_99 : vector<1x16xf32> to vector<16xf32>
      %swap3A_101 = vector.shape_cast %broadcast_in_dim3A_96 : vector<16xf32> to vector<1x16xf32>
      tpu.vector_store %arg8[%swap3A_97, %swap3A_98], %swap3A_101 {strides = array<i32>} : memref<512x128xf32, #tpu.memory_space<vmem>>, vector<1x16xf32>,
      %broadcast_in_dim3A_102 = arith.constant 0.000000e+00 : f32
      %broadcast_in_dim3A_103 = vector.broadcast %broadcast_in_dim3A_102 : f32 to vector<16xf32>
      %swap3A_104 = arith.index_cast %scan3A_68 : i32 to index
      %swap3A_105 = arith.constant 80 : index
      %swap3A_106 = tpu.vector_load %arg8[%swap3A_104, %swap3A_105] {strides = array<i32>} : memref<512x128xf32, #tpu.memory_space<vmem>>, vector<1x16xf32>,
      %swap3A_107 = vector.shape_cast %swap3A_106 : vector<1x16xf32> to vector<16xf32>
      %swap3A_108 = vector.shape_cast %broadcast_in_dim3A_103 : vector<16xf32> to vector<1x16xf32>
      tpu.vector_store %arg8[%swap3A_104, %swap3A_105], %swap3A_108 {strides = array<i32>} : memref<512x128xf32, #tpu.memory_space<vmem>>, vector<1x16xf32>,
      %broadcast_in_dim3A_109 = arith.constant 0.000000e+00 : f32
      %broadcast_in_dim3A_110 = vector.broadcast %broadcast_in_dim3A_109 : f32 to vector<16xf32>
      %swap3A_111 = arith.index_cast %scan3A_68 : i32 to index
      %swap3A_112 = arith.constant 96 : index
      %swap3A_113 = tpu.vector_load %arg8[%swap3A_111, %swap3A_112] {strides = array<i32>} : memref<512x128xf32, #tpu.memory_space<vmem>>, vector<1x16xf32>,
      %swap3A_114 = vector.shape_cast %swap3A_113 : vector<1x16xf32> to vector<16xf32>
      %swap3A_115 = vector.shape_cast %broadcast_in_dim3A_110 : vector<16xf32> to vector<1x16xf32>
      tpu.vector_store %arg8[%swap3A_111, %swap3A_112], %swap3A_115 {strides = array<i32>} : memref<512x128xf32, #tpu.memory_space<vmem>>, vector<1x16xf32>,
      %broadcast_in_dim3A_116 = arith.constant 0.000000e+00 : f32
      %broadcast_in_dim3A_117 = vector.broadcast %broadcast_in_dim3A_116 : f32 to vector<16xf32>
      %swap3A_118 = arith.index_cast %scan3A_68 : i32 to index
      %swap3A_119 = arith.constant 112 : index
      %swap3A_120 = tpu.vector_load %arg8[%swap3A_118, %swap3A_119] {strides = array<i32>} : memref<512x128xf32, #tpu.memory_space<vmem>>, vector<1x16xf32>,
      %swap3A_121 = vector.shape_cast %swap3A_120 : vector<1x16xf32> to vector<16xf32>
      %swap3A_122 = vector.shape_cast %broadcast_in_dim3A_117 : vector<16xf32> to vector<1x16xf32>
      tpu.vector_store %arg8[%swap3A_118, %swap3A_119], %swap3A_122 {strides = array<i32>} : memref<512x128xf32, #tpu.memory_space<vmem>>, vector<1x16xf32>,
    }
    %scan3A_4 = arith.constant 128 : i32
    %lt3A = arith.constant 8 : i32
    %lt3A_5 = arith.cmpi slt, %arg1, %lt3A : i32
    %convert_element_type3A = arith.extui %lt3A_5 : i1 to i32
    %cond3A = arith.constant 0 : i32
    %cond3A_6 = arith.cmpi ne, %convert_element_type3A, %cond3A : i32
    scf.if %cond3A_6 {
      %mul3A_68 = arith.constant 640 : i32
      %mul3A_69 = arith.muli %arg1, %mul3A_68 : i32
      %add3A_70 = arith.constant 0 : i32
      %add3A_71 = arith.addi %mul3A_69, %add3A_70 : i32
      "tpu.region"() ({
        %run_scoped3A = tpu.sem_alloc : memref<!tpu.dma_semaphore, #tpu.memory_space<semaphore_mem>>
        %dma_start3A = arith.constant 0 : i32
        %dma_start3A_88 = arith.constant 0 : i32
        %dma_start3A_89 = tpu.memref_slice %arg8[%dma_start3A, %dma_start3A_88] : memref<512x128xf32, #tpu.memory_space<vmem>> -> memref<128x128xf32, #tpu.memory_space<vmem>>
        %dma_start3A_90 = arith.constant 0 : i32
        %dma_start3A_91 = tpu.memref_slice %arg9[%add3A_71, %dma_start3A_90] : memref<5120x128xf32, #tpu.memory_space<vmem_shared>> -> memref<128x128xf32, #tpu.memory_space<vmem_shared>>
        %dma_start3A_92 = arith.constant 0 : i32
        %dma_start3A_93 = tpu.memref_slice %arg9[%add3A_71, %dma_start3A_92] : memref<5120x128xf32, #tpu.memory_space<vmem_shared>> -> memref<128x128xf32, #tpu.memory_space<vmem_shared>>
        %dma_start3A_94 = arith.constant 0 : i32
        %dma_start3A_95 = arith.constant 0 : i32
        %dma_start3A_96 = tpu.memref_slice %arg8[%dma_start3A_94, %dma_start3A_95] : memref<512x128xf32, #tpu.memory_space<vmem>> -> memref<128x128xf32, #tpu.memory_space<vmem>>
        tpu.enqueue_dma source(%dma_start3A_96 : memref<128x128xf32, #tpu.memory_space<vmem>>) target(%dma_start3A_93 : memref<128x128xf32, #tpu.memory_space<vmem_shared>>) target_semaphore(%run_scoped3A : memref<!tpu.dma_semaphore, #tpu.memory_space<semaphore_mem>>)
        %dma_wait3A = arith.constant 0 : i32
        %dma_wait3A_97 = arith.constant 0 : i32
        %dma_wait3A_98 = tpu.memref_slice %arg8[%dma_wait3A, %dma_wait3A_97] : memref<512x128xf32, #tpu.memory_space<vmem>> -> memref<128x128xf32, #tpu.memory_space<vmem>>
        %dma_wait3A_99 = arith.constant 0 : i32
        %dma_wait3A_100 = tpu.memref_slice %arg9[%add3A_71, %dma_wait3A_99] : memref<5120x128xf32, #tpu.memory_space<vmem_shared>> -> memref<128x128xf32, #tpu.memory_space<vmem_shared>>
        %dma_wait3A_101 = arith.constant 0 : i32
        %dma_wait3A_102 = tpu.memref_slice %arg9[%add3A_71, %dma_wait3A_101] : memref<5120x128xf32, #tpu.memory_space<vmem_shared>> -> memref<128x128xf32, #tpu.memory_space<vmem_shared>>
        %dma_wait3A_103 = arith.constant 0 : i32
        %dma_wait3A_104 = arith.constant 0 : i32
        %dma_wait3A_105 = tpu.memref_slice %arg8[%dma_wait3A_103, %dma_wait3A_104] : memref<512x128xf32, #tpu.memory_space<vmem>> -> memref<128x128xf32, #tpu.memory_space<vmem>>
        tpu.wait_dma2 semaphore(%run_scoped3A : memref<!tpu.dma_semaphore, #tpu.memory_space<semaphore_mem>>) src(%dma_wait3A_105 : memref<128x128xf32, #tpu.memory_space<vmem>>) dst(%dma_wait3A_102 : memref<128x128xf32, #tpu.memory_space<vmem_shared>>)
        tpu.yield
      }) : () -> ()
      %mul3A_72 = arith.constant 640 : i32
      %mul3A_73 = arith.muli %arg1, %mul3A_72 : i32
      %add3A_74 = arith.constant 128 : i32
      %add3A_75 = arith.addi %mul3A_73, %add3A_74 : i32
      "tpu.region"() ({
        %run_scoped3A = tpu.sem_alloc : memref<!tpu.dma_semaphore, #tpu.memory_space<semaphore_mem>>
        %dma_start3A = arith.constant 0 : i32
        %dma_start3A_88 = arith.constant 0 : i32
        %dma_start3A_89 = tpu.memref_slice %arg8[%dma_start3A, %dma_start3A_88] : memref<512x128xf32, #tpu.memory_space<vmem>> -> memref<128x128xf32, #tpu.memory_space<vmem>>
        %dma_start3A_90 = arith.constant 0 : i32
        %dma_start3A_91 = tpu.memref_slice %arg9[%add3A_75, %dma_start3A_90] : memref<5120x128xf32, #tpu.memory_space<vmem_shared>> -> memref<128x128xf32, #tpu.memory_space<vmem_shared>>
        %dma_start3A_92 = arith.constant 0 : i32
        %dma_start3A_93 = tpu.memref_slice %arg9[%add3A_75, %dma_start3A_92] : memref<5120x128xf32, #tpu.memory_space<vmem_shared>> -> memref<128x128xf32, #tpu.memory_space<vmem_shared>>
        %dma_start3A_94 = arith.constant 0 : i32
        %dma_start3A_95 = arith.constant 0 : i32
        %dma_start3A_96 = tpu.memref_slice %arg8[%dma_start3A_94, %dma_start3A_95] : memref<512x128xf32, #tpu.memory_space<vmem>> -> memref<128x128xf32, #tpu.memory_space<vmem>>
        tpu.enqueue_dma source(%dma_start3A_96 : memref<128x128xf32, #tpu.memory_space<vmem>>) target(%dma_start3A_93 : memref<128x128xf32, #tpu.memory_space<vmem_shared>>) target_semaphore(%run_scoped3A : memref<!tpu.dma_semaphore, #tpu.memory_space<semaphore_mem>>)
        %dma_wait3A = arith.constant 0 : i32
        %dma_wait3A_97 = arith.constant 0 : i32
        %dma_wait3A_98 = tpu.memref_slice %arg8[%dma_wait3A, %dma_wait3A_97] : memref<512x128xf32, #tpu.memory_space<vmem>> -> memref<128x128xf32, #tpu.memory_space<vmem>>
        %dma_wait3A_99 = arith.constant 0 : i32
        %dma_wait3A_100 = tpu.memref_slice %arg9[%add3A_75, %dma_wait3A_99] : memref<5120x128xf32, #tpu.memory_space<vmem_shared>> -> memref<128x128xf32, #tpu.memory_space<vmem_shared>>
        %dma_wait3A_101 = arith.constant 0 : i32
        %dma_wait3A_102 = tpu.memref_slice %arg9[%add3A_75, %dma_wait3A_101] : memref<5120x128xf32, #tpu.memory_space<vmem_shared>> -> memref<128x128xf32, #tpu.memory_space<vmem_shared>>
        %dma_wait3A_103 = arith.constant 0 : i32
        %dma_wait3A_104 = arith.constant 0 : i32
        %dma_wait3A_105 = tpu.memref_slice %arg8[%dma_wait3A_103, %dma_wait3A_104] : memref<512x128xf32, #tpu.memory_space<vmem>> -> memref<128x128xf32, #tpu.memory_space<vmem>>
        tpu.wait_dma2 semaphore(%run_scoped3A : memref<!tpu.dma_semaphore, #tpu.memory_space<semaphore_mem>>) src(%dma_wait3A_105 : memref<128x128xf32, #tpu.memory_space<vmem>>) dst(%dma_wait3A_102 : memref<128x128xf32, #tpu.memory_space<vmem_shared>>)
        tpu.yield
      }) : () -> ()
      %mul3A_76 = arith.constant 640 : i32
      %mul3A_77 = arith.muli %arg1, %mul3A_76 : i32
      %add3A_78 = arith.constant 256 : i32
      %add3A_79 = arith.addi %mul3A_77, %add3A_78 : i32
      "tpu.region"() ({
        %run_scoped3A = tpu.sem_alloc : memref<!tpu.dma_semaphore, #tpu.memory_space<semaphore_mem>>
        %dma_start3A = arith.constant 0 : i32
        %dma_start3A_88 = arith.constant 0 : i32
        %dma_start3A_89 = tpu.memref_slice %arg8[%dma_start3A, %dma_start3A_88] : memref<512x128xf32, #tpu.memory_space<vmem>> -> memref<128x128xf32, #tpu.memory_space<vmem>>
        %dma_start3A_90 = arith.constant 0 : i32
        %dma_start3A_91 = tpu.memref_slice %arg9[%add3A_79, %dma_start3A_90] : memref<5120x128xf32, #tpu.memory_space<vmem_shared>> -> memref<128x128xf32, #tpu.memory_space<vmem_shared>>
        %dma_start3A_92 = arith.constant 0 : i32
        %dma_start3A_93 = tpu.memref_slice %arg9[%add3A_79, %dma_start3A_92] : memref<5120x128xf32, #tpu.memory_space<vmem_shared>> -> memref<128x128xf32, #tpu.memory_space<vmem_shared>>
        %dma_start3A_94 = arith.constant 0 : i32
        %dma_start3A_95 = arith.constant 0 : i32
        %dma_start3A_96 = tpu.memref_slice %arg8[%dma_start3A_94, %dma_start3A_95] : memref<512x128xf32, #tpu.memory_space<vmem>> -> memref<128x128xf32, #tpu.memory_space<vmem>>
        tpu.enqueue_dma source(%dma_start3A_96 : memref<128x128xf32, #tpu.memory_space<vmem>>) target(%dma_start3A_93 : memref<128x128xf32, #tpu.memory_space<vmem_shared>>) target_semaphore(%run_scoped3A : memref<!tpu.dma_semaphore, #tpu.memory_space<semaphore_mem>>)
        %dma_wait3A = arith.constant 0 : i32
        %dma_wait3A_97 = arith.constant 0 : i32
        %dma_wait3A_98 = tpu.memref_slice %arg8[%dma_wait3A, %dma_wait3A_97] : memref<512x128xf32, #tpu.memory_space<vmem>> -> memref<128x128xf32, #tpu.memory_space<vmem>>
        %dma_wait3A_99 = arith.constant 0 : i32
        %dma_wait3A_100 = tpu.memref_slice %arg9[%add3A_79, %dma_wait3A_99] : memref<5120x128xf32, #tpu.memory_space<vmem_shared>> -> memref<128x128xf32, #tpu.memory_space<vmem_shared>>
        %dma_wait3A_101 = arith.constant 0 : i32
        %dma_wait3A_102 = tpu.memref_slice %arg9[%add3A_79, %dma_wait3A_101] : memref<5120x128xf32, #tpu.memory_space<vmem_shared>> -> memref<128x128xf32, #tpu.memory_space<vmem_shared>>
        %dma_wait3A_103 = arith.constant 0 : i32
        %dma_wait3A_104 = arith.constant 0 : i32
        %dma_wait3A_105 = tpu.memref_slice %arg8[%dma_wait3A_103, %dma_wait3A_104] : memref<512x128xf32, #tpu.memory_space<vmem>> -> memref<128x128xf32, #tpu.memory_space<vmem>>
        tpu.wait_dma2 semaphore(%run_scoped3A : memref<!tpu.dma_semaphore, #tpu.memory_space<semaphore_mem>>) src(%dma_wait3A_105 : memref<128x128xf32, #tpu.memory_space<vmem>>) dst(%dma_wait3A_102 : memref<128x128xf32, #tpu.memory_space<vmem_shared>>)
        tpu.yield
      }) : () -> ()
      %mul3A_80 = arith.constant 640 : i32
      %mul3A_81 = arith.muli %arg1, %mul3A_80 : i32
      %add3A_82 = arith.constant 384 : i32
      %add3A_83 = arith.addi %mul3A_81, %add3A_82 : i32
      "tpu.region"() ({
        %run_scoped3A = tpu.sem_alloc : memref<!tpu.dma_semaphore, #tpu.memory_space<semaphore_mem>>
        %dma_start3A = arith.constant 0 : i32
        %dma_start3A_88 = arith.constant 0 : i32
        %dma_start3A_89 = tpu.memref_slice %arg8[%dma_start3A, %dma_start3A_88] : memref<512x128xf32, #tpu.memory_space<vmem>> -> memref<128x128xf32, #tpu.memory_space<vmem>>
        %dma_start3A_90 = arith.constant 0 : i32
        %dma_start3A_91 = tpu.memref_slice %arg9[%add3A_83, %dma_start3A_90] : memref<5120x128xf32, #tpu.memory_space<vmem_shared>> -> memref<128x128xf32, #tpu.memory_space<vmem_shared>>
        %dma_start3A_92 = arith.constant 0 : i32
        %dma_start3A_93 = tpu.memref_slice %arg9[%add3A_83, %dma_start3A_92] : memref<5120x128xf32, #tpu.memory_space<vmem_shared>> -> memref<128x128xf32, #tpu.memory_space<vmem_shared>>
        %dma_start3A_94 = arith.constant 0 : i32
        %dma_start3A_95 = arith.constant 0 : i32
        %dma_start3A_96 = tpu.memref_slice %arg8[%dma_start3A_94, %dma_start3A_95] : memref<512x128xf32, #tpu.memory_space<vmem>> -> memref<128x128xf32, #tpu.memory_space<vmem>>
        tpu.enqueue_dma source(%dma_start3A_96 : memref<128x128xf32, #tpu.memory_space<vmem>>) target(%dma_start3A_93 : memref<128x128xf32, #tpu.memory_space<vmem_shared>>) target_semaphore(%run_scoped3A : memref<!tpu.dma_semaphore, #tpu.memory_space<semaphore_mem>>)
        %dma_wait3A = arith.constant 0 : i32
        %dma_wait3A_97 = arith.constant 0 : i32
        %dma_wait3A_98 = tpu.memref_slice %arg8[%dma_wait3A, %dma_wait3A_97] : memref<512x128xf32, #tpu.memory_space<vmem>> -> memref<128x128xf32, #tpu.memory_space<vmem>>
        %dma_wait3A_99 = arith.constant 0 : i32
        %dma_wait3A_100 = tpu.memref_slice %arg9[%add3A_83, %dma_wait3A_99] : memref<5120x128xf32, #tpu.memory_space<vmem_shared>> -> memref<128x128xf32, #tpu.memory_space<vmem_shared>>
        %dma_wait3A_101 = arith.constant 0 : i32
        %dma_wait3A_102 = tpu.memref_slice %arg9[%add3A_83, %dma_wait3A_101] : memref<5120x128xf32, #tpu.memory_space<vmem_shared>> -> memref<128x128xf32, #tpu.memory_space<vmem_shared>>
        %dma_wait3A_103 = arith.constant 0 : i32
        %dma_wait3A_104 = arith.constant 0 : i32
        %dma_wait3A_105 = tpu.memref_slice %arg8[%dma_wait3A_103, %dma_wait3A_104] : memref<512x128xf32, #tpu.memory_space<vmem>> -> memref<128x128xf32, #tpu.memory_space<vmem>>
        tpu.wait_dma2 semaphore(%run_scoped3A : memref<!tpu.dma_semaphore, #tpu.memory_space<semaphore_mem>>) src(%dma_wait3A_105 : memref<128x128xf32, #tpu.memory_space<vmem>>) dst(%dma_wait3A_102 : memref<128x128xf32, #tpu.memory_space<vmem_shared>>)
        tpu.yield
      }) : () -> ()
      %mul3A_84 = arith.constant 640 : i32
      %mul3A_85 = arith.muli %arg1, %mul3A_84 : i32
      %add3A_86 = arith.constant 512 : i32
      %add3A_87 = arith.addi %mul3A_85, %add3A_86 : i32
      "tpu.region"() ({
        %run_scoped3A = tpu.sem_alloc : memref<!tpu.dma_semaphore, #tpu.memory_space<semaphore_mem>>
        %dma_start3A = arith.constant 0 : i32
        %dma_start3A_88 = arith.constant 0 : i32
        %dma_start3A_89 = tpu.memref_slice %arg8[%dma_start3A, %dma_start3A_88] : memref<512x128xf32, #tpu.memory_space<vmem>> -> memref<128x128xf32, #tpu.memory_space<vmem>>
        %dma_start3A_90 = arith.constant 0 : i32
        %dma_start3A_91 = tpu.memref_slice %arg9[%add3A_87, %dma_start3A_90] : memref<5120x128xf32, #tpu.memory_space<vmem_shared>> -> memref<128x128xf32, #tpu.memory_space<vmem_shared>>
        %dma_start3A_92 = arith.constant 0 : i32
        %dma_start3A_93 = tpu.memref_slice %arg9[%add3A_87, %dma_start3A_92] : memref<5120x128xf32, #tpu.memory_space<vmem_shared>> -> memref<128x128xf32, #tpu.memory_space<vmem_shared>>
        %dma_start3A_94 = arith.constant 0 : i32
        %dma_start3A_95 = arith.constant 0 : i32
        %dma_start3A_96 = tpu.memref_slice %arg8[%dma_start3A_94, %dma_start3A_95] : memref<512x128xf32, #tpu.memory_space<vmem>> -> memref<128x128xf32, #tpu.memory_space<vmem>>
        tpu.enqueue_dma source(%dma_start3A_96 : memref<128x128xf32, #tpu.memory_space<vmem>>) target(%dma_start3A_93 : memref<128x128xf32, #tpu.memory_space<vmem_shared>>) target_semaphore(%run_scoped3A : memref<!tpu.dma_semaphore, #tpu.memory_space<semaphore_mem>>)
        %dma_wait3A = arith.constant 0 : i32
        %dma_wait3A_97 = arith.constant 0 : i32
        %dma_wait3A_98 = tpu.memref_slice %arg8[%dma_wait3A, %dma_wait3A_97] : memref<512x128xf32, #tpu.memory_space<vmem>> -> memref<128x128xf32, #tpu.memory_space<vmem>>
        %dma_wait3A_99 = arith.constant 0 : i32
        %dma_wait3A_100 = tpu.memref_slice %arg9[%add3A_87, %dma_wait3A_99] : memref<5120x128xf32, #tpu.memory_space<vmem_shared>> -> memref<128x128xf32, #tpu.memory_space<vmem_shared>>
        %dma_wait3A_101 = arith.constant 0 : i32
        %dma_wait3A_102 = tpu.memref_slice %arg9[%add3A_87, %dma_wait3A_101] : memref<5120x128xf32, #tpu.memory_space<vmem_shared>> -> memref<128x128xf32, #tpu.memory_space<vmem_shared>>
        %dma_wait3A_103 = arith.constant 0 : i32
        %dma_wait3A_104 = arith.constant 0 : i32
        %dma_wait3A_105 = tpu.memref_slice %arg8[%dma_wait3A_103, %dma_wait3A_104] : memref<512x128xf32, #tpu.memory_space<vmem>> -> memref<128x128xf32, #tpu.memory_space<vmem>>
        tpu.wait_dma2 semaphore(%run_scoped3A : memref<!tpu.dma_semaphore, #tpu.memory_space<semaphore_mem>>) src(%dma_wait3A_105 : memref<128x128xf32, #tpu.memory_space<vmem>>) dst(%dma_wait3A_102 : memref<128x128xf32, #tpu.memory_space<vmem_shared>>)
        tpu.yield
      }) : () -> ()
    } else {
    }
    %mul3A = arith.constant 2 : i32
    %mul3A_7 = arith.muli %arg0, %mul3A : i32
    %add3A = arith.constant 0 : i32
    %add3A_8 = arith.addi %mul3A_7, %add3A : i32
    %mul3A_9 = arith.constant 163840 : i32
    %mul3A_10 = arith.muli %add3A_8, %mul3A_9 : i32
    %mul3A_11 = arith.constant 10240 : i32
    %mul3A_12 = arith.muli %arg1, %mul3A_11 : i32
    %add3A_13 = arith.addi %mul3A_10, %mul3A_12 : i32
    "tpu.region"() ({
      %run_scoped3A = tpu.sem_alloc : memref<!tpu.dma_semaphore, #tpu.memory_space<semaphore_mem>>
      %dma_start3A = tpu.memref_slice %arg3[%add3A_13] : memref<655360xi32, #tpu.memory_space<hbm>> -> memref<10240xi32, #tpu.memory_space<hbm>>
      %dma_start3A_68 = tpu.memref_slice %arg3[%add3A_13] : memref<655360xi32, #tpu.memory_space<hbm>> -> memref<10240xi32, #tpu.memory_space<hbm>>
      tpu.enqueue_dma source(%dma_start3A_68 : memref<10240xi32, #tpu.memory_space<hbm>>) target(%arg6 : memref<10240xi32, #tpu.memory_space<vmem>>) target_semaphore(%run_scoped3A : memref<!tpu.dma_semaphore, #tpu.memory_space<semaphore_mem>>)
      %dma_wait3A = tpu.memref_slice %arg3[%add3A_13] : memref<655360xi32, #tpu.memory_space<hbm>> -> memref<10240xi32, #tpu.memory_space<hbm>>
      %dma_wait3A_69 = tpu.memref_slice %arg3[%add3A_13] : memref<655360xi32, #tpu.memory_space<hbm>> -> memref<10240xi32, #tpu.memory_space<hbm>>
      tpu.wait_dma2 semaphore(%run_scoped3A : memref<!tpu.dma_semaphore, #tpu.memory_space<semaphore_mem>>) src(%dma_wait3A_69 : memref<10240xi32, #tpu.memory_space<hbm>>) dst(%arg6 : memref<10240xi32, #tpu.memory_space<vmem>>)
      tpu.yield
    }) : () -> ()
    %mul3A_14 = arith.constant 10240 : i32
    %mul3A_15 = arith.muli %arg1, %mul3A_14 : i32
    %add3A_16 = arith.constant 0 : i32
    %add3A_17 = arith.addi %add3A_16, %mul3A_15 : i32
    "tpu.region"() ({
      %run_scoped3A = tpu.sem_alloc : memref<!tpu.dma_semaphore, #tpu.memory_space<semaphore_mem>>
      %dma_start3A = tpu.memref_slice %arg4[%add3A_17] : memref<327680xi32, #tpu.memory_space<hbm>> -> memref<10240xi32, #tpu.memory_space<hbm>>
      %dma_start3A_68 = tpu.memref_slice %arg4[%add3A_17] : memref<327680xi32, #tpu.memory_space<hbm>> -> memref<10240xi32, #tpu.memory_space<hbm>>
      tpu.enqueue_dma source(%dma_start3A_68 : memref<10240xi32, #tpu.memory_space<hbm>>) target(%arg7 : memref<10240xi32, #tpu.memory_space<vmem>>) target_semaphore(%run_scoped3A : memref<!tpu.dma_semaphore, #tpu.memory_space<semaphore_mem>>)
      %dma_wait3A = tpu.memref_slice %arg4[%add3A_17] : memref<327680xi32, #tpu.memory_space<hbm>> -> memref<10240xi32, #tpu.memory_space<hbm>>
      %dma_wait3A_69 = tpu.memref_slice %arg4[%add3A_17] : memref<327680xi32, #tpu.memory_space<hbm>> -> memref<10240xi32, #tpu.memory_space<hbm>>
      tpu.wait_dma2 semaphore(%run_scoped3A : memref<!tpu.dma_semaphore, #tpu.memory_space<semaphore_mem>>) src(%dma_wait3A_69 : memref<10240xi32, #tpu.memory_space<hbm>>) dst(%arg7 : memref<10240xi32, #tpu.memory_space<vmem>>)
      tpu.yield
    }) : () -> ()
    %barrier3A = arith.constant 0 : index
    tpu.barrier barrier_id(%barrier3A)
    %scan3A_18 = arith.constant 0 : i32
    %scan3A_19 = arith.constant 0 : i32
    %scan3A_20 = arith.constant 20 : i32
    %scan3A_21 = arith.addi %scan3A_19, %scan3A_20 : i32
    %scan3A_22 = arith.constant 1 : i32
    scf.for %scan3A_68 = %scan3A_19 to %scan3A_21 step %scan3A_22  : i32 {
      %mul3A_69 = arith.constant 512 : i32
      %mul3A_70 = arith.muli %scan3A_68, %mul3A_69 : i32
      %dma_start3A = tpu.memref_slice %arg6[%mul3A_70] : memref<10240xi32, #tpu.memory_space<vmem>> -> memref<512xi32, #tpu.memory_space<vmem>>
      %dma_start3A_71 = arith.constant 0 : i32
      %dma_start3A_72 = arith.constant 0 : i32
      %dma_start3A_73 = tpu.memref_slice %arg2[%dma_start3A_71, %dma_start3A_72] : memref<20480x128xf32, #tpu.memory_space<hbm>> -> memref<20480x128xf32, #tpu.memory_space<hbm>>
      tpu.enqueue_indirect_dma source(%dma_start3A_73 : memref<20480x128xf32, #tpu.memory_space<hbm>>) target(%arg8 : memref<512x128xf32, #tpu.memory_space<vmem>>) offsets(%dma_start3A : memref<512xi32, #tpu.memory_space<vmem>>) semaphore(%arg10 : memref<!tpu.dma_semaphore, #tpu.memory_space<semaphore_mem>>)
      %dma_wait3A = tpu.memref_slice %arg6[%mul3A_70] : memref<10240xi32, #tpu.memory_space<vmem>> -> memref<512xi32, #tpu.memory_space<vmem>>
      %dma_wait3A_74 = arith.constant 0 : i32
      %dma_wait3A_75 = arith.constant 0 : i32
      %dma_wait3A_76 = tpu.memref_slice %arg2[%dma_wait3A_74, %dma_wait3A_75] : memref<20480x128xf32, #tpu.memory_space<hbm>> -> memref<20480x128xf32, #tpu.memory_space<hbm>>
      tpu.wait_indirect_dma semaphore(%arg10 : memref<!tpu.dma_semaphore, #tpu.memory_space<semaphore_mem>>) src(%dma_wait3A_76 : memref<20480x128xf32, #tpu.memory_space<hbm>>) dst(%arg8 : memref<512x128xf32, #tpu.memory_space<vmem>>)
      %mul3A_77 = arith.constant 512 : i32
      %mul3A_78 = arith.muli %scan3A_68, %mul3A_77 : i32
      "tpu.region"() ({
        %run_scoped3A = tpu.sem_alloc : memref<!tpu.dma_semaphore, #tpu.memory_space<semaphore_mem>>
        %dma_start3A_79 = tpu.memref_slice %arg7[%mul3A_78] : memref<10240xi32, #tpu.memory_space<vmem>> -> memref<512xi32, #tpu.memory_space<vmem>>
        %dma_start3A_80 = arith.constant 0 : i32
        %dma_start3A_81 = arith.constant 0 : i32
        %dma_start3A_82 = tpu.memref_slice %arg9[%dma_start3A_80, %dma_start3A_81] : memref<5120x128xf32, #tpu.memory_space<vmem_shared>> -> memref<5120x128xf32, #tpu.memory_space<vmem_shared>>
        tpu.enqueue_indirect_dma source(%arg8 : memref<512x128xf32, #tpu.memory_space<vmem>>) target(%dma_start3A_82 : memref<5120x128xf32, #tpu.memory_space<vmem_shared>>) offsets(%dma_start3A_79 : memref<512xi32, #tpu.memory_space<vmem>>) semaphore(%run_scoped3A : memref<!tpu.dma_semaphore, #tpu.memory_space<semaphore_mem>>) {add = true}
        %dma_wait3A_83 = tpu.memref_slice %arg7[%mul3A_78] : memref<10240xi32, #tpu.memory_space<vmem>> -> memref<512xi32, #tpu.memory_space<vmem>>
        %dma_wait3A_84 = arith.constant 0 : i32
        %dma_wait3A_85 = arith.constant 0 : i32
        %dma_wait3A_86 = tpu.memref_slice %arg9[%dma_wait3A_84, %dma_wait3A_85] : memref<5120x128xf32, #tpu.memory_space<vmem_shared>> -> memref<5120x128xf32, #tpu.memory_space<vmem_shared>>
        tpu.wait_indirect_dma semaphore(%run_scoped3A : memref<!tpu.dma_semaphore, #tpu.memory_space<semaphore_mem>>) src(%arg8 : memref<512x128xf32, #tpu.memory_space<vmem>>) dst(%dma_wait3A_86 : memref<5120x128xf32, #tpu.memory_space<vmem_shared>>)
        tpu.yield
      }) : () -> ()
    }
    %scan3A_23 = arith.constant 20 : i32
    %barrier3A_24 = arith.constant 0 : index
    tpu.barrier barrier_id(%barrier3A_24)
    %lt3A_25 = arith.constant 8 : i32
    %lt3A_26 = arith.cmpi slt, %arg1, %lt3A_25 : i32
    %convert_element_type3A_27 = arith.extui %lt3A_26 : i1 to i32
    %cond3A_28 = arith.constant 0 : i32
    %cond3A_29 = arith.cmpi ne, %convert_element_type3A_27, %cond3A_28 : i32
    scf.if %cond3A_29 {
      %mul3A_68 = arith.constant 640 : i32
      %mul3A_69 = arith.muli %arg1, %mul3A_68 : i32
      %add3A_70 = arith.constant 0 : i32
      %add3A_71 = arith.addi %mul3A_69, %add3A_70 : i32
      "tpu.region"() ({
        %run_scoped3A = tpu.sem_alloc : memref<!tpu.dma_semaphore, #tpu.memory_space<semaphore_mem>>
        %dma_start3A = arith.constant 0 : i32
        %dma_start3A_143 = arith.constant 0 : i32
        %dma_start3A_144 = tpu.memref_slice %arg8[%dma_start3A, %dma_start3A_143] : memref<512x128xf32, #tpu.memory_space<vmem>> -> memref<128x128xf32, #tpu.memory_space<vmem>>
        %dma_start3A_145 = arith.constant 0 : i32
        %dma_start3A_146 = tpu.memref_slice %arg9[%add3A_71, %dma_start3A_145] : memref<5120x128xf32, #tpu.memory_space<vmem_shared>> -> memref<128x128xf32, #tpu.memory_space<vmem_shared>>
        %dma_start3A_147 = arith.constant 0 : i32
        %dma_start3A_148 = arith.constant 0 : i32
        %dma_start3A_149 = tpu.memref_slice %arg8[%dma_start3A_147, %dma_start3A_148] : memref<512x128xf32, #tpu.memory_space<vmem>> -> memref<128x128xf32, #tpu.memory_space<vmem>>
        %dma_start3A_150 = arith.constant 0 : i32
        %dma_start3A_151 = tpu.memref_slice %arg9[%add3A_71, %dma_start3A_150] : memref<5120x128xf32, #tpu.memory_space<vmem_shared>> -> memref<128x128xf32, #tpu.memory_space<vmem_shared>>
        tpu.enqueue_dma source(%dma_start3A_151 : memref<128x128xf32, #tpu.memory_space<vmem_shared>>) target(%dma_start3A_149 : memref<128x128xf32, #tpu.memory_space<vmem>>) target_semaphore(%run_scoped3A : memref<!tpu.dma_semaphore, #tpu.memory_space<semaphore_mem>>)
        %dma_wait3A = arith.constant 0 : i32
        %dma_wait3A_152 = arith.constant 0 : i32
        %dma_wait3A_153 = tpu.memref_slice %arg8[%dma_wait3A, %dma_wait3A_152] : memref<512x128xf32, #tpu.memory_space<vmem>> -> memref<128x128xf32, #tpu.memory_space<vmem>>
        %dma_wait3A_154 = arith.constant 0 : i32
        %dma_wait3A_155 = tpu.memref_slice %arg9[%add3A_71, %dma_wait3A_154] : memref<5120x128xf32, #tpu.memory_space<vmem_shared>> -> memref<128x128xf32, #tpu.memory_space<vmem_shared>>
        %dma_wait3A_156 = arith.constant 0 : i32
        %dma_wait3A_157 = arith.constant 0 : i32
        %dma_wait3A_158 = tpu.memref_slice %arg8[%dma_wait3A_156, %dma_wait3A_157] : memref<512x128xf32, #tpu.memory_space<vmem>> -> memref<128x128xf32, #tpu.memory_space<vmem>>
        %dma_wait3A_159 = arith.constant 0 : i32
        %dma_wait3A_160 = tpu.memref_slice %arg9[%add3A_71, %dma_wait3A_159] : memref<5120x128xf32, #tpu.memory_space<vmem_shared>> -> memref<128x128xf32, #tpu.memory_space<vmem_shared>>
        tpu.wait_dma2 semaphore(%run_scoped3A : memref<!tpu.dma_semaphore, #tpu.memory_space<semaphore_mem>>) src(%dma_wait3A_160 : memref<128x128xf32, #tpu.memory_space<vmem_shared>>) dst(%dma_wait3A_158 : memref<128x128xf32, #tpu.memory_space<vmem>>)
        tpu.yield
      }) : () -> ()
      %mul3A_72 = arith.constant 2 : i32
      %mul3A_73 = arith.muli %arg0, %mul3A_72 : i32
      %mul3A_74 = arith.constant 5120 : i32
      %mul3A_75 = arith.muli %mul3A_73, %mul3A_74 : i32
      %add3A_76 = arith.constant 0 : i32
      %add3A_77 = arith.addi %mul3A_75, %add3A_76 : i32
      %mul3A_78 = arith.constant 640 : i32
      %mul3A_79 = arith.muli %arg1, %mul3A_78 : i32
      %add3A_80 = arith.addi %add3A_77, %mul3A_79 : i32
      %add3A_81 = arith.constant 0 : i32
      %add3A_82 = arith.addi %add3A_80, %add3A_81 : i32
      "tpu.region"() ({
        %run_scoped3A = tpu.sem_alloc : memref<!tpu.dma_semaphore, #tpu.memory_space<semaphore_mem>>
        %dma_start3A = arith.constant 0 : i32
        %dma_start3A_143 = arith.constant 0 : i32
        %dma_start3A_144 = tpu.memref_slice %arg8[%dma_start3A, %dma_start3A_143] : memref<512x128xf32, #tpu.memory_space<vmem>> -> memref<128x128xf32, #tpu.memory_space<vmem>>
        %dma_start3A_145 = arith.constant 0 : i32
        %dma_start3A_146 = tpu.memref_slice %arg5[%add3A_82, %dma_start3A_145] : memref<20480x128xf32, #tpu.memory_space<hbm>> -> memref<128x128xf32, #tpu.memory_space<hbm>>
        %dma_start3A_147 = arith.constant 0 : i32
        %dma_start3A_148 = tpu.memref_slice %arg5[%add3A_82, %dma_start3A_147] : memref<20480x128xf32, #tpu.memory_space<hbm>> -> memref<128x128xf32, #tpu.memory_space<hbm>>
        %dma_start3A_149 = arith.constant 0 : i32
        %dma_start3A_150 = arith.constant 0 : i32
        %dma_start3A_151 = tpu.memref_slice %arg8[%dma_start3A_149, %dma_start3A_150] : memref<512x128xf32, #tpu.memory_space<vmem>> -> memref<128x128xf32, #tpu.memory_space<vmem>>
        tpu.enqueue_dma source(%dma_start3A_151 : memref<128x128xf32, #tpu.memory_space<vmem>>) target(%dma_start3A_148 : memref<128x128xf32, #tpu.memory_space<hbm>>) target_semaphore(%run_scoped3A : memref<!tpu.dma_semaphore, #tpu.memory_space<semaphore_mem>>)
        %dma_wait3A = arith.constant 0 : i32
        %dma_wait3A_152 = arith.constant 0 : i32
        %dma_wait3A_153 = tpu.memref_slice %arg8[%dma_wait3A, %dma_wait3A_152] : memref<512x128xf32, #tpu.memory_space<vmem>> -> memref<128x128xf32, #tpu.memory_space<vmem>>
        %dma_wait3A_154 = arith.constant 0 : i32
        %dma_wait3A_155 = tpu.memref_slice %arg5[%add3A_82, %dma_wait3A_154] : memref<20480x128xf32, #tpu.memory_space<hbm>> -> memref<128x128xf32, #tpu.memory_space<hbm>>
        %dma_wait3A_156 = arith.constant 0 : i32
        %dma_wait3A_157 = tpu.memref_slice %arg5[%add3A_82, %dma_wait3A_156] : memref<20480x128xf32, #tpu.memory_space<hbm>> -> memref<128x128xf32, #tpu.memory_space<hbm>>
        %dma_wait3A_158 = arith.constant 0 : i32
        %dma_wait3A_159 = arith.constant 0 : i32
        %dma_wait3A_160 = tpu.memref_slice %arg8[%dma_wait3A_158, %dma_wait3A_159] : memref<512x128xf32, #tpu.memory_space<vmem>> -> memref<128x128xf32, #tpu.memory_space<vmem>>
        tpu.wait_dma2 semaphore(%run_scoped3A : memref<!tpu.dma_semaphore, #tpu.memory_space<semaphore_mem>>) src(%dma_wait3A_160 : memref<128x128xf32, #tpu.memory_space<vmem>>) dst(%dma_wait3A_157 : memref<128x128xf32, #tpu.memory_space<hbm>>)
        tpu.yield
      }) : () -> ()
      %mul3A_83 = arith.constant 640 : i32
      %mul3A_84 = arith.muli %arg1, %mul3A_83 : i32
      %add3A_85 = arith.constant 128 : i32
      %add3A_86 = arith.addi %mul3A_84, %add3A_85 : i32
      "tpu.region"() ({
        %run_scoped3A = tpu.sem_alloc : memref<!tpu.dma_semaphore, #tpu.memory_space<semaphore_mem>>
        %dma_start3A = arith.constant 0 : i32
        %dma_start3A_143 = arith.constant 0 : i32
        %dma_start3A_144 = tpu.memref_slice %arg8[%dma_start3A, %dma_start3A_143] : memref<512x128xf32, #tpu.memory_space<vmem>> -> memref<128x128xf32, #tpu.memory_space<vmem>>
        %dma_start3A_145 = arith.constant 0 : i32
        %dma_start3A_146 = tpu.memref_slice %arg9[%add3A_86, %dma_start3A_145] : memref<5120x128xf32, #tpu.memory_space<vmem_shared>> -> memref<128x128xf32, #tpu.memory_space<vmem_shared>>
        %dma_start3A_147 = arith.constant 0 : i32
        %dma_start3A_148 = arith.constant 0 : i32
        %dma_start3A_149 = tpu.memref_slice %arg8[%dma_start3A_147, %dma_start3A_148] : memref<512x128xf32, #tpu.memory_space<vmem>> -> memref<128x128xf32, #tpu.memory_space<vmem>>
        %dma_start3A_150 = arith.constant 0 : i32
        %dma_start3A_151 = tpu.memref_slice %arg9[%add3A_86, %dma_start3A_150] : memref<5120x128xf32, #tpu.memory_space<vmem_shared>> -> memref<128x128xf32, #tpu.memory_space<vmem_shared>>
        tpu.enqueue_dma source(%dma_start3A_151 : memref<128x128xf32, #tpu.memory_space<vmem_shared>>) target(%dma_start3A_149 : memref<128x128xf32, #tpu.memory_space<vmem>>) target_semaphore(%run_scoped3A : memref<!tpu.dma_semaphore, #tpu.memory_space<semaphore_mem>>)
        %dma_wait3A = arith.constant 0 : i32
        %dma_wait3A_152 = arith.constant 0 : i32
        %dma_wait3A_153 = tpu.memref_slice %arg8[%dma_wait3A, %dma_wait3A_152] : memref<512x128xf32, #tpu.memory_space<vmem>> -> memref<128x128xf32, #tpu.memory_space<vmem>>
        %dma_wait3A_154 = arith.constant 0 : i32
        %dma_wait3A_155 = tpu.memref_slice %arg9[%add3A_86, %dma_wait3A_154] : memref<5120x128xf32, #tpu.memory_space<vmem_shared>> -> memref<128x128xf32, #tpu.memory_space<vmem_shared>>
        %dma_wait3A_156 = arith.constant 0 : i32
        %dma_wait3A_157 = arith.constant 0 : i32
        %dma_wait3A_158 = tpu.memref_slice %arg8[%dma_wait3A_156, %dma_wait3A_157] : memref<512x128xf32, #tpu.memory_space<vmem>> -> memref<128x128xf32, #tpu.memory_space<vmem>>
        %dma_wait3A_159 = arith.constant 0 : i32
        %dma_wait3A_160 = tpu.memref_slice %arg9[%add3A_86, %dma_wait3A_159] : memref<5120x128xf32, #tpu.memory_space<vmem_shared>> -> memref<128x128xf32, #tpu.memory_space<vmem_shared>>
        tpu.wait_dma2 semaphore(%run_scoped3A : memref<!tpu.dma_semaphore, #tpu.memory_space<semaphore_mem>>) src(%dma_wait3A_160 : memref<128x128xf32, #tpu.memory_space<vmem_shared>>) dst(%dma_wait3A_158 : memref<128x128xf32, #tpu.memory_space<vmem>>)
        tpu.yield
      }) : () -> ()
      %mul3A_87 = arith.constant 2 : i32
      %mul3A_88 = arith.muli %arg0, %mul3A_87 : i32
      %mul3A_89 = arith.constant 5120 : i32
      %mul3A_90 = arith.muli %mul3A_88, %mul3A_89 : i32
      %add3A_91 = arith.constant 0 : i32
      %add3A_92 = arith.addi %mul3A_90, %add3A_91 : i32
      %mul3A_93 = arith.constant 640 : i32
      %mul3A_94 = arith.muli %arg1, %mul3A_93 : i32
      %add3A_95 = arith.addi %add3A_92, %mul3A_94 : i32
      %add3A_96 = arith.constant 128 : i32
      %add3A_97 = arith.addi %add3A_95, %add3A_96 : i32
      "tpu.region"() ({
        %run_scoped3A = tpu.sem_alloc : memref<!tpu.dma_semaphore, #tpu.memory_space<semaphore_mem>>
        %dma_start3A = arith.constant 0 : i32
        %dma_start3A_143 = arith.constant 0 : i32
        %dma_start3A_144 = tpu.memref_slice %arg8[%dma_start3A, %dma_start3A_143] : memref<512x128xf32, #tpu.memory_space<vmem>> -> memref<128x128xf32, #tpu.memory_space<vmem>>
        %dma_start3A_145 = arith.constant 0 : i32
        %dma_start3A_146 = tpu.memref_slice %arg5[%add3A_97, %dma_start3A_145] : memref<20480x128xf32, #tpu.memory_space<hbm>> -> memref<128x128xf32, #tpu.memory_space<hbm>>
        %dma_start3A_147 = arith.constant 0 : i32
        %dma_start3A_148 = tpu.memref_slice %arg5[%add3A_97, %dma_start3A_147] : memref<20480x128xf32, #tpu.memory_space<hbm>> -> memref<128x128xf32, #tpu.memory_space<hbm>>
        %dma_start3A_149 = arith.constant 0 : i32
        %dma_start3A_150 = arith.constant 0 : i32
        %dma_start3A_151 = tpu.memref_slice %arg8[%dma_start3A_149, %dma_start3A_150] : memref<512x128xf32, #tpu.memory_space<vmem>> -> memref<128x128xf32, #tpu.memory_space<vmem>>
        tpu.enqueue_dma source(%dma_start3A_151 : memref<128x128xf32, #tpu.memory_space<vmem>>) target(%dma_start3A_148 : memref<128x128xf32, #tpu.memory_space<hbm>>) target_semaphore(%run_scoped3A : memref<!tpu.dma_semaphore, #tpu.memory_space<semaphore_mem>>)
        %dma_wait3A = arith.constant 0 : i32
        %dma_wait3A_152 = arith.constant 0 : i32
        %dma_wait3A_153 = tpu.memref_slice %arg8[%dma_wait3A, %dma_wait3A_152] : memref<512x128xf32, #tpu.memory_space<vmem>> -> memref<128x128xf32, #tpu.memory_space<vmem>>
        %dma_wait3A_154 = arith.constant 0 : i32
        %dma_wait3A_155 = tpu.memref_slice %arg5[%add3A_97, %dma_wait3A_154] : memref<20480x128xf32, #tpu.memory_space<hbm>> -> memref<128x128xf32, #tpu.memory_space<hbm>>
        %dma_wait3A_156 = arith.constant 0 : i32
        %dma_wait3A_157 = tpu.memref_slice %arg5[%add3A_97, %dma_wait3A_156] : memref<20480x128xf32, #tpu.memory_space<hbm>> -> memref<128x128xf32, #tpu.memory_space<hbm>>
        %dma_wait3A_158 = arith.constant 0 : i32
        %dma_wait3A_159 = arith.constant 0 : i32
        %dma_wait3A_160 = tpu.memref_slice %arg8[%dma_wait3A_158, %dma_wait3A_159] : memref<512x128xf32, #tpu.memory_space<vmem>> -> memref<128x128xf32, #tpu.memory_space<vmem>>
        tpu.wait_dma2 semaphore(%run_scoped3A : memref<!tpu.dma_semaphore, #tpu.memory_space<semaphore_mem>>) src(%dma_wait3A_160 : memref<128x128xf32, #tpu.memory_space<vmem>>) dst(%dma_wait3A_157 : memref<128x128xf32, #tpu.memory_space<hbm>>)
        tpu.yield
      }) : () -> ()
      %mul3A_98 = arith.constant 640 : i32
      %mul3A_99 = arith.muli %arg1, %mul3A_98 : i32
      %add3A_100 = arith.constant 256 : i32
      %add3A_101 = arith.addi %mul3A_99, %add3A_100 : i32
      "tpu.region"() ({
        %run_scoped3A = tpu.sem_alloc : memref<!tpu.dma_semaphore, #tpu.memory_space<semaphore_mem>>
        %dma_start3A = arith.constant 0 : i32
        %dma_start3A_143 = arith.constant 0 : i32
        %dma_start3A_144 = tpu.memref_slice %arg8[%dma_start3A, %dma_start3A_143] : memref<512x128xf32, #tpu.memory_space<vmem>> -> memref<128x128xf32, #tpu.memory_space<vmem>>
        %dma_start3A_145 = arith.constant 0 : i32
        %dma_start3A_146 = tpu.memref_slice %arg9[%add3A_101, %dma_start3A_145] : memref<5120x128xf32, #tpu.memory_space<vmem_shared>> -> memref<128x128xf32, #tpu.memory_space<vmem_shared>>
        %dma_start3A_147 = arith.constant 0 : i32
        %dma_start3A_148 = arith.constant 0 : i32
        %dma_start3A_149 = tpu.memref_slice %arg8[%dma_start3A_147, %dma_start3A_148] : memref<512x128xf32, #tpu.memory_space<vmem>> -> memref<128x128xf32, #tpu.memory_space<vmem>>
        %dma_start3A_150 = arith.constant 0 : i32
        %dma_start3A_151 = tpu.memref_slice %arg9[%add3A_101, %dma_start3A_150] : memref<5120x128xf32, #tpu.memory_space<vmem_shared>> -> memref<128x128xf32, #tpu.memory_space<vmem_shared>>
        tpu.enqueue_dma source(%dma_start3A_151 : memref<128x128xf32, #tpu.memory_space<vmem_shared>>) target(%dma_start3A_149 : memref<128x128xf32, #tpu.memory_space<vmem>>) target_semaphore(%run_scoped3A : memref<!tpu.dma_semaphore, #tpu.memory_space<semaphore_mem>>)
        %dma_wait3A = arith.constant 0 : i32
        %dma_wait3A_152 = arith.constant 0 : i32
        %dma_wait3A_153 = tpu.memref_slice %arg8[%dma_wait3A, %dma_wait3A_152] : memref<512x128xf32, #tpu.memory_space<vmem>> -> memref<128x128xf32, #tpu.memory_space<vmem>>
        %dma_wait3A_154 = arith.constant 0 : i32
        %dma_wait3A_155 = tpu.memref_slice %arg9[%add3A_101, %dma_wait3A_154] : memref<5120x128xf32, #tpu.memory_space<vmem_shared>> -> memref<128x128xf32, #tpu.memory_space<vmem_shared>>
        %dma_wait3A_156 = arith.constant 0 : i32
        %dma_wait3A_157 = arith.constant 0 : i32
        %dma_wait3A_158 = tpu.memref_slice %arg8[%dma_wait3A_156, %dma_wait3A_157] : memref<512x128xf32, #tpu.memory_space<vmem>> -> memref<128x128xf32, #tpu.memory_space<vmem>>
        %dma_wait3A_159 = arith.constant 0 : i32
        %dma_wait3A_160 = tpu.memref_slice %arg9[%add3A_101, %dma_wait3A_159] : memref<5120x128xf32, #tpu.memory_space<vmem_shared>> -> memref<128x128xf32, #tpu.memory_space<vmem_shared>>
        tpu.wait_dma2 semaphore(%run_scoped3A : memref<!tpu.dma_semaphore, #tpu.memory_space<semaphore_mem>>) src(%dma_wait3A_160 : memref<128x128xf32, #tpu.memory_space<vmem_shared>>) dst(%dma_wait3A_158 : memref<128x128xf32, #tpu.memory_space<vmem>>)
        tpu.yield
      }) : () -> ()
      %mul3A_102 = arith.constant 2 : i32
      %mul3A_103 = arith.muli %arg0, %mul3A_102 : i32
      %mul3A_104 = arith.constant 5120 : i32
      %mul3A_105 = arith.muli %mul3A_103, %mul3A_104 : i32
      %add3A_106 = arith.constant 0 : i32
      %add3A_107 = arith.addi %mul3A_105, %add3A_106 : i32
      %mul3A_108 = arith.constant 640 : i32
      %mul3A_109 = arith.muli %arg1, %mul3A_108 : i32
      %add3A_110 = arith.addi %add3A_107, %mul3A_109 : i32
      %add3A_111 = arith.constant 256 : i32
      %add3A_112 = arith.addi %add3A_110, %add3A_111 : i32
      "tpu.region"() ({
        %run_scoped3A = tpu.sem_alloc : memref<!tpu.dma_semaphore, #tpu.memory_space<semaphore_mem>>
        %dma_start3A = arith.constant 0 : i32
        %dma_start3A_143 = arith.constant 0 : i32
        %dma_start3A_144 = tpu.memref_slice %arg8[%dma_start3A, %dma_start3A_143] : memref<512x128xf32, #tpu.memory_space<vmem>> -> memref<128x128xf32, #tpu.memory_space<vmem>>
        %dma_start3A_145 = arith.constant 0 : i32
        %dma_start3A_146 = tpu.memref_slice %arg5[%add3A_112, %dma_start3A_145] : memref<20480x128xf32, #tpu.memory_space<hbm>> -> memref<128x128xf32, #tpu.memory_space<hbm>>
        %dma_start3A_147 = arith.constant 0 : i32
        %dma_start3A_148 = tpu.memref_slice %arg5[%add3A_112, %dma_start3A_147] : memref<20480x128xf32, #tpu.memory_space<hbm>> -> memref<128x128xf32, #tpu.memory_space<hbm>>
        %dma_start3A_149 = arith.constant 0 : i32
        %dma_start3A_150 = arith.constant 0 : i32
        %dma_start3A_151 = tpu.memref_slice %arg8[%dma_start3A_149, %dma_start3A_150] : memref<512x128xf32, #tpu.memory_space<vmem>> -> memref<128x128xf32, #tpu.memory_space<vmem>>
        tpu.enqueue_dma source(%dma_start3A_151 : memref<128x128xf32, #tpu.memory_space<vmem>>) target(%dma_start3A_148 : memref<128x128xf32, #tpu.memory_space<hbm>>) target_semaphore(%run_scoped3A : memref<!tpu.dma_semaphore, #tpu.memory_space<semaphore_mem>>)
        %dma_wait3A = arith.constant 0 : i32
        %dma_wait3A_152 = arith.constant 0 : i32
        %dma_wait3A_153 = tpu.memref_slice %arg8[%dma_wait3A, %dma_wait3A_152] : memref<512x128xf32, #tpu.memory_space<vmem>> -> memref<128x128xf32, #tpu.memory_space<vmem>>
        %dma_wait3A_154 = arith.constant 0 : i32
        %dma_wait3A_155 = tpu.memref_slice %arg5[%add3A_112, %dma_wait3A_154] : memref<20480x128xf32, #tpu.memory_space<hbm>> -> memref<128x128xf32, #tpu.memory_space<hbm>>
        %dma_wait3A_156 = arith.constant 0 : i32
        %dma_wait3A_157 = tpu.memref_slice %arg5[%add3A_112, %dma_wait3A_156] : memref<20480x128xf32, #tpu.memory_space<hbm>> -> memref<128x128xf32, #tpu.memory_space<hbm>>
        %dma_wait3A_158 = arith.constant 0 : i32
        %dma_wait3A_159 = arith.constant 0 : i32
        %dma_wait3A_160 = tpu.memref_slice %arg8[%dma_wait3A_158, %dma_wait3A_159] : memref<512x128xf32, #tpu.memory_space<vmem>> -> memref<128x128xf32, #tpu.memory_space<vmem>>
        tpu.wait_dma2 semaphore(%run_scoped3A : memref<!tpu.dma_semaphore, #tpu.memory_space<semaphore_mem>>) src(%dma_wait3A_160 : memref<128x128xf32, #tpu.memory_space<vmem>>) dst(%dma_wait3A_157 : memref<128x128xf32, #tpu.memory_space<hbm>>)
        tpu.yield
      }) : () -> ()
      %mul3A_113 = arith.constant 640 : i32
      %mul3A_114 = arith.muli %arg1, %mul3A_113 : i32
      %add3A_115 = arith.constant 384 : i32
      %add3A_116 = arith.addi %mul3A_114, %add3A_115 : i32
      "tpu.region"() ({
        %run_scoped3A = tpu.sem_alloc : memref<!tpu.dma_semaphore, #tpu.memory_space<semaphore_mem>>
        %dma_start3A = arith.constant 0 : i32
        %dma_start3A_143 = arith.constant 0 : i32
        %dma_start3A_144 = tpu.memref_slice %arg8[%dma_start3A, %dma_start3A_143] : memref<512x128xf32, #tpu.memory_space<vmem>> -> memref<128x128xf32, #tpu.memory_space<vmem>>
        %dma_start3A_145 = arith.constant 0 : i32
        %dma_start3A_146 = tpu.memref_slice %arg9[%add3A_116, %dma_start3A_145] : memref<5120x128xf32, #tpu.memory_space<vmem_shared>> -> memref<128x128xf32, #tpu.memory_space<vmem_shared>>
        %dma_start3A_147 = arith.constant 0 : i32
        %dma_start3A_148 = arith.constant 0 : i32
        %dma_start3A_149 = tpu.memref_slice %arg8[%dma_start3A_147, %dma_start3A_148] : memref<512x128xf32, #tpu.memory_space<vmem>> -> memref<128x128xf32, #tpu.memory_space<vmem>>
        %dma_start3A_150 = arith.constant 0 : i32
        %dma_start3A_151 = tpu.memref_slice %arg9[%add3A_116, %dma_start3A_150] : memref<5120x128xf32, #tpu.memory_space<vmem_shared>> -> memref<128x128xf32, #tpu.memory_space<vmem_shared>>
        tpu.enqueue_dma source(%dma_start3A_151 : memref<128x128xf32, #tpu.memory_space<vmem_shared>>) target(%dma_start3A_149 : memref<128x128xf32, #tpu.memory_space<vmem>>) target_semaphore(%run_scoped3A : memref<!tpu.dma_semaphore, #tpu.memory_space<semaphore_mem>>)
        %dma_wait3A = arith.constant 0 : i32
        %dma_wait3A_152 = arith.constant 0 : i32
        %dma_wait3A_153 = tpu.memref_slice %arg8[%dma_wait3A, %dma_wait3A_152] : memref<512x128xf32, #tpu.memory_space<vmem>> -> memref<128x128xf32, #tpu.memory_space<vmem>>
        %dma_wait3A_154 = arith.constant 0 : i32
        %dma_wait3A_155 = tpu.memref_slice %arg9[%add3A_116, %dma_wait3A_154] : memref<5120x128xf32, #tpu.memory_space<vmem_shared>> -> memref<128x128xf32, #tpu.memory_space<vmem_shared>>
        %dma_wait3A_156 = arith.constant 0 : i32
        %dma_wait3A_157 = arith.constant 0 : i32
        %dma_wait3A_158 = tpu.memref_slice %arg8[%dma_wait3A_156, %dma_wait3A_157] : memref<512x128xf32, #tpu.memory_space<vmem>> -> memref<128x128xf32, #tpu.memory_space<vmem>>
        %dma_wait3A_159 = arith.constant 0 : i32
        %dma_wait3A_160 = tpu.memref_slice %arg9[%add3A_116, %dma_wait3A_159] : memref<5120x128xf32, #tpu.memory_space<vmem_shared>> -> memref<128x128xf32, #tpu.memory_space<vmem_shared>>
        tpu.wait_dma2 semaphore(%run_scoped3A : memref<!tpu.dma_semaphore, #tpu.memory_space<semaphore_mem>>) src(%dma_wait3A_160 : memref<128x128xf32, #tpu.memory_space<vmem_shared>>) dst(%dma_wait3A_158 : memref<128x128xf32, #tpu.memory_space<vmem>>)
        tpu.yield
      }) : () -> ()
      %mul3A_117 = arith.constant 2 : i32
      %mul3A_118 = arith.muli %arg0, %mul3A_117 : i32
      %mul3A_119 = arith.constant 5120 : i32
      %mul3A_120 = arith.muli %mul3A_118, %mul3A_119 : i32
      %add3A_121 = arith.constant 0 : i32
      %add3A_122 = arith.addi %mul3A_120, %add3A_121 : i32
      %mul3A_123 = arith.constant 640 : i32
      %mul3A_124 = arith.muli %arg1, %mul3A_123 : i32
      %add3A_125 = arith.addi %add3A_122, %mul3A_124 : i32
      %add3A_126 = arith.constant 384 : i32
      %add3A_127 = arith.addi %add3A_125, %add3A_126 : i32
      "tpu.region"() ({
        %run_scoped3A = tpu.sem_alloc : memref<!tpu.dma_semaphore, #tpu.memory_space<semaphore_mem>>
        %dma_start3A = arith.constant 0 : i32
        %dma_start3A_143 = arith.constant 0 : i32
        %dma_start3A_144 = tpu.memref_slice %arg8[%dma_start3A, %dma_start3A_143] : memref<512x128xf32, #tpu.memory_space<vmem>> -> memref<128x128xf32, #tpu.memory_space<vmem>>
        %dma_start3A_145 = arith.constant 0 : i32
        %dma_start3A_146 = tpu.memref_slice %arg5[%add3A_127, %dma_start3A_145] : memref<20480x128xf32, #tpu.memory_space<hbm>> -> memref<128x128xf32, #tpu.memory_space<hbm>>
        %dma_start3A_147 = arith.constant 0 : i32
        %dma_start3A_148 = tpu.memref_slice %arg5[%add3A_127, %dma_start3A_147] : memref<20480x128xf32, #tpu.memory_space<hbm>> -> memref<128x128xf32, #tpu.memory_space<hbm>>
        %dma_start3A_149 = arith.constant 0 : i32
        %dma_start3A_150 = arith.constant 0 : i32
        %dma_start3A_151 = tpu.memref_slice %arg8[%dma_start3A_149, %dma_start3A_150] : memref<512x128xf32, #tpu.memory_space<vmem>> -> memref<128x128xf32, #tpu.memory_space<vmem>>
        tpu.enqueue_dma source(%dma_start3A_151 : memref<128x128xf32, #tpu.memory_space<vmem>>) target(%dma_start3A_148 : memref<128x128xf32, #tpu.memory_space<hbm>>) target_semaphore(%run_scoped3A : memref<!tpu.dma_semaphore, #tpu.memory_space<semaphore_mem>>)
        %dma_wait3A = arith.constant 0 : i32
        %dma_wait3A_152 = arith.constant 0 : i32
        %dma_wait3A_153 = tpu.memref_slice %arg8[%dma_wait3A, %dma_wait3A_152] : memref<512x128xf32, #tpu.memory_space<vmem>> -> memref<128x128xf32, #tpu.memory_space<vmem>>
        %dma_wait3A_154 = arith.constant 0 : i32
        %dma_wait3A_155 = tpu.memref_slice %arg5[%add3A_127, %dma_wait3A_154] : memref<20480x128xf32, #tpu.memory_space<hbm>> -> memref<128x128xf32, #tpu.memory_space<hbm>>
        %dma_wait3A_156 = arith.constant 0 : i32
        %dma_wait3A_157 = tpu.memref_slice %arg5[%add3A_127, %dma_wait3A_156] : memref<20480x128xf32, #tpu.memory_space<hbm>> -> memref<128x128xf32, #tpu.memory_space<hbm>>
        %dma_wait3A_158 = arith.constant 0 : i32
        %dma_wait3A_159 = arith.constant 0 : i32
        %dma_wait3A_160 = tpu.memref_slice %arg8[%dma_wait3A_158, %dma_wait3A_159] : memref<512x128xf32, #tpu.memory_space<vmem>> -> memref<128x128xf32, #tpu.memory_space<vmem>>
        tpu.wait_dma2 semaphore(%run_scoped3A : memref<!tpu.dma_semaphore, #tpu.memory_space<semaphore_mem>>) src(%dma_wait3A_160 : memref<128x128xf32, #tpu.memory_space<vmem>>) dst(%dma_wait3A_157 : memref<128x128xf32, #tpu.memory_space<hbm>>)
        tpu.yield
      }) : () -> ()
      %mul3A_128 = arith.constant 640 : i32
      %mul3A_129 = arith.muli %arg1, %mul3A_128 : i32
      %add3A_130 = arith.constant 512 : i32
      %add3A_131 = arith.addi %mul3A_129, %add3A_130 : i32
      "tpu.region"() ({
        %run_scoped3A = tpu.sem_alloc : memref<!tpu.dma_semaphore, #tpu.memory_space<semaphore_mem>>
        %dma_start3A = arith.constant 0 : i32
        %dma_start3A_143 = arith.constant 0 : i32
        %dma_start3A_144 = tpu.memref_slice %arg8[%dma_start3A, %dma_start3A_143] : memref<512x128xf32, #tpu.memory_space<vmem>> -> memref<128x128xf32, #tpu.memory_space<vmem>>
        %dma_start3A_145 = arith.constant 0 : i32
        %dma_start3A_146 = tpu.memref_slice %arg9[%add3A_131, %dma_start3A_145] : memref<5120x128xf32, #tpu.memory_space<vmem_shared>> -> memref<128x128xf32, #tpu.memory_space<vmem_shared>>
        %dma_start3A_147 = arith.constant 0 : i32
        %dma_start3A_148 = arith.constant 0 : i32
        %dma_start3A_149 = tpu.memref_slice %arg8[%dma_start3A_147, %dma_start3A_148] : memref<512x128xf32, #tpu.memory_space<vmem>> -> memref<128x128xf32, #tpu.memory_space<vmem>>
        %dma_start3A_150 = arith.constant 0 : i32
        %dma_start3A_151 = tpu.memref_slice %arg9[%add3A_131, %dma_start3A_150] : memref<5120x128xf32, #tpu.memory_space<vmem_shared>> -> memref<128x128xf32, #tpu.memory_space<vmem_shared>>
        tpu.enqueue_dma source(%dma_start3A_151 : memref<128x128xf32, #tpu.memory_space<vmem_shared>>) target(%dma_start3A_149 : memref<128x128xf32, #tpu.memory_space<vmem>>) target_semaphore(%run_scoped3A : memref<!tpu.dma_semaphore, #tpu.memory_space<semaphore_mem>>)
        %dma_wait3A = arith.constant 0 : i32
        %dma_wait3A_152 = arith.constant 0 : i32
        %dma_wait3A_153 = tpu.memref_slice %arg8[%dma_wait3A, %dma_wait3A_152] : memref<512x128xf32, #tpu.memory_space<vmem>> -> memref<128x128xf32, #tpu.memory_space<vmem>>
        %dma_wait3A_154 = arith.constant 0 : i32
        %dma_wait3A_155 = tpu.memref_slice %arg9[%add3A_131, %dma_wait3A_154] : memref<5120x128xf32, #tpu.memory_space<vmem_shared>> -> memref<128x128xf32, #tpu.memory_space<vmem_shared>>
        %dma_wait3A_156 = arith.constant 0 : i32
        %dma_wait3A_157 = arith.constant 0 : i32
        %dma_wait3A_158 = tpu.memref_slice %arg8[%dma_wait3A_156, %dma_wait3A_157] : memref<512x128xf32, #tpu.memory_space<vmem>> -> memref<128x128xf32, #tpu.memory_space<vmem>>
        %dma_wait3A_159 = arith.constant 0 : i32
        %dma_wait3A_160 = tpu.memref_slice %arg9[%add3A_131, %dma_wait3A_159] : memref<5120x128xf32, #tpu.memory_space<vmem_shared>> -> memref<128x128xf32, #tpu.memory_space<vmem_shared>>
        tpu.wait_dma2 semaphore(%run_scoped3A : memref<!tpu.dma_semaphore, #tpu.memory_space<semaphore_mem>>) src(%dma_wait3A_160 : memref<128x128xf32, #tpu.memory_space<vmem_shared>>) dst(%dma_wait3A_158 : memref<128x128xf32, #tpu.memory_space<vmem>>)
        tpu.yield
      }) : () -> ()
      %mul3A_132 = arith.constant 2 : i32
      %mul3A_133 = arith.muli %arg0, %mul3A_132 : i32
      %mul3A_134 = arith.constant 5120 : i32
      %mul3A_135 = arith.muli %mul3A_133, %mul3A_134 : i32
      %add3A_136 = arith.constant 0 : i32
      %add3A_137 = arith.addi %mul3A_135, %add3A_136 : i32
      %mul3A_138 = arith.constant 640 : i32
      %mul3A_139 = arith.muli %arg1, %mul3A_138 : i32
      %add3A_140 = arith.addi %add3A_137, %mul3A_139 : i32
      %add3A_141 = arith.constant 512 : i32
      %add3A_142 = arith.addi %add3A_140, %add3A_141 : i32
      "tpu.region"() ({
        %run_scoped3A = tpu.sem_alloc : memref<!tpu.dma_semaphore, #tpu.memory_space<semaphore_mem>>
        %dma_start3A = arith.constant 0 : i32
        %dma_start3A_143 = arith.constant 0 : i32
        %dma_start3A_144 = tpu.memref_slice %arg8[%dma_start3A, %dma_start3A_143] : memref<512x128xf32, #tpu.memory_space<vmem>> -> memref<128x128xf32, #tpu.memory_space<vmem>>
        %dma_start3A_145 = arith.constant 0 : i32
        %dma_start3A_146 = tpu.memref_slice %arg5[%add3A_142, %dma_start3A_145] : memref<20480x128xf32, #tpu.memory_space<hbm>> -> memref<128x128xf32, #tpu.memory_space<hbm>>
        %dma_start3A_147 = arith.constant 0 : i32
        %dma_start3A_148 = tpu.memref_slice %arg5[%add3A_142, %dma_start3A_147] : memref<20480x128xf32, #tpu.memory_space<hbm>> -> memref<128x128xf32, #tpu.memory_space<hbm>>
        %dma_start3A_149 = arith.constant 0 : i32
        %dma_start3A_150 = arith.constant 0 : i32
        %dma_start3A_151 = tpu.memref_slice %arg8[%dma_start3A_149, %dma_start3A_150] : memref<512x128xf32, #tpu.memory_space<vmem>> -> memref<128x128xf32, #tpu.memory_space<vmem>>
        tpu.enqueue_dma source(%dma_start3A_151 : memref<128x128xf32, #tpu.memory_space<vmem>>) target(%dma_start3A_148 : memref<128x128xf32, #tpu.memory_space<hbm>>) target_semaphore(%run_scoped3A : memref<!tpu.dma_semaphore, #tpu.memory_space<semaphore_mem>>)
        %dma_wait3A = arith.constant 0 : i32
        %dma_wait3A_152 = arith.constant 0 : i32
        %dma_wait3A_153 = tpu.memref_slice %arg8[%dma_wait3A, %dma_wait3A_152] : memref<512x128xf32, #tpu.memory_space<vmem>> -> memref<128x128xf32, #tpu.memory_space<vmem>>
        %dma_wait3A_154 = arith.constant 0 : i32
        %dma_wait3A_155 = tpu.memref_slice %arg5[%add3A_142, %dma_wait3A_154] : memref<20480x128xf32, #tpu.memory_space<hbm>> -> memref<128x128xf32, #tpu.memory_space<hbm>>
        %dma_wait3A_156 = arith.constant 0 : i32
        %dma_wait3A_157 = tpu.memref_slice %arg5[%add3A_142, %dma_wait3A_156] : memref<20480x128xf32, #tpu.memory_space<hbm>> -> memref<128x128xf32, #tpu.memory_space<hbm>>
        %dma_wait3A_158 = arith.constant 0 : i32
        %dma_wait3A_159 = arith.constant 0 : i32
        %dma_wait3A_160 = tpu.memref_slice %arg8[%dma_wait3A_158, %dma_wait3A_159] : memref<512x128xf32, #tpu.memory_space<vmem>> -> memref<128x128xf32, #tpu.memory_space<vmem>>
        tpu.wait_dma2 semaphore(%run_scoped3A : memref<!tpu.dma_semaphore, #tpu.memory_space<semaphore_mem>>) src(%dma_wait3A_160 : memref<128x128xf32, #tpu.memory_space<vmem>>) dst(%dma_wait3A_157 : memref<128x128xf32, #tpu.memory_space<hbm>>)
        tpu.yield
      }) : () -> ()
    } else {
    }
    %scan3A_30 = arith.constant 0 : i32
    %scan3A_31 = arith.constant 0 : i32
    %scan3A_32 = arith.constant 128 : i32
    %scan3A_33 = arith.addi %scan3A_31, %scan3A_32 : i32
    %scan3A_34 = arith.constant 1 : i32
    scf.for %scan3A_68 = %scan3A_31 to %scan3A_33 step %scan3A_34  : i32 {
      %broadcast_in_dim3A = arith.constant 0.000000e+00 : f32
      %broadcast_in_dim3A_69 = vector.broadcast %broadcast_in_dim3A : f32 to vector<16xf32>
      %swap3A = arith.index_cast %scan3A_68 : i32 to index
      %swap3A_70 = arith.constant 0 : index
      %swap3A_71 = tpu.vector_load %arg8[%swap3A, %swap3A_70] {strides = array<i32>} : memref<512x128xf32, #tpu.memory_space<vmem>>, vector<1x16xf32>,
      %swap3A_72 = vector.shape_cast %swap3A_71 : vector<1x16xf32> to vector<16xf32>
      %swap3A_73 = vector.shape_cast %broadcast_in_dim3A_69 : vector<16xf32> to vector<1x16xf32>
      tpu.vector_store %arg8[%swap3A, %swap3A_70], %swap3A_73 {strides = array<i32>} : memref<512x128xf32, #tpu.memory_space<vmem>>, vector<1x16xf32>,
      %broadcast_in_dim3A_74 = arith.constant 0.000000e+00 : f32
      %broadcast_in_dim3A_75 = vector.broadcast %broadcast_in_dim3A_74 : f32 to vector<16xf32>
      %swap3A_76 = arith.index_cast %scan3A_68 : i32 to index
      %swap3A_77 = arith.constant 16 : index
      %swap3A_78 = tpu.vector_load %arg8[%swap3A_76, %swap3A_77] {strides = array<i32>} : memref<512x128xf32, #tpu.memory_space<vmem>>, vector<1x16xf32>,
      %swap3A_79 = vector.shape_cast %swap3A_78 : vector<1x16xf32> to vector<16xf32>
      %swap3A_80 = vector.shape_cast %broadcast_in_dim3A_75 : vector<16xf32> to vector<1x16xf32>
      tpu.vector_store %arg8[%swap3A_76, %swap3A_77], %swap3A_80 {strides = array<i32>} : memref<512x128xf32, #tpu.memory_space<vmem>>, vector<1x16xf32>,
      %broadcast_in_dim3A_81 = arith.constant 0.000000e+00 : f32
      %broadcast_in_dim3A_82 = vector.broadcast %broadcast_in_dim3A_81 : f32 to vector<16xf32>
      %swap3A_83 = arith.index_cast %scan3A_68 : i32 to index
      %swap3A_84 = arith.constant 32 : index
      %swap3A_85 = tpu.vector_load %arg8[%swap3A_83, %swap3A_84] {strides = array<i32>} : memref<512x128xf32, #tpu.memory_space<vmem>>, vector<1x16xf32>,
      %swap3A_86 = vector.shape_cast %swap3A_85 : vector<1x16xf32> to vector<16xf32>
      %swap3A_87 = vector.shape_cast %broadcast_in_dim3A_82 : vector<16xf32> to vector<1x16xf32>
      tpu.vector_store %arg8[%swap3A_83, %swap3A_84], %swap3A_87 {strides = array<i32>} : memref<512x128xf32, #tpu.memory_space<vmem>>, vector<1x16xf32>,
      %broadcast_in_dim3A_88 = arith.constant 0.000000e+00 : f32
      %broadcast_in_dim3A_89 = vector.broadcast %broadcast_in_dim3A_88 : f32 to vector<16xf32>
      %swap3A_90 = arith.index_cast %scan3A_68 : i32 to index
      %swap3A_91 = arith.constant 48 : index
      %swap3A_92 = tpu.vector_load %arg8[%swap3A_90, %swap3A_91] {strides = array<i32>} : memref<512x128xf32, #tpu.memory_space<vmem>>, vector<1x16xf32>,
      %swap3A_93 = vector.shape_cast %swap3A_92 : vector<1x16xf32> to vector<16xf32>
      %swap3A_94 = vector.shape_cast %broadcast_in_dim3A_89 : vector<16xf32> to vector<1x16xf32>
      tpu.vector_store %arg8[%swap3A_90, %swap3A_91], %swap3A_94 {strides = array<i32>} : memref<512x128xf32, #tpu.memory_space<vmem>>, vector<1x16xf32>,
      %broadcast_in_dim3A_95 = arith.constant 0.000000e+00 : f32
      %broadcast_in_dim3A_96 = vector.broadcast %broadcast_in_dim3A_95 : f32 to vector<16xf32>
      %swap3A_97 = arith.index_cast %scan3A_68 : i32 to index
      %swap3A_98 = arith.constant 64 : index
      %swap3A_99 = tpu.vector_load %arg8[%swap3A_97, %swap3A_98] {strides = array<i32>} : memref<512x128xf32, #tpu.memory_space<vmem>>, vector<1x16xf32>,
      %swap3A_100 = vector.shape_cast %swap3A_99 : vector<1x16xf32> to vector<16xf32>
      %swap3A_101 = vector.shape_cast %broadcast_in_dim3A_96 : vector<16xf32> to vector<1x16xf32>
      tpu.vector_store %arg8[%swap3A_97, %swap3A_98], %swap3A_101 {strides = array<i32>} : memref<512x128xf32, #tpu.memory_space<vmem>>, vector<1x16xf32>,
      %broadcast_in_dim3A_102 = arith.constant 0.000000e+00 : f32
      %broadcast_in_dim3A_103 = vector.broadcast %broadcast_in_dim3A_102 : f32 to vector<16xf32>
      %swap3A_104 = arith.index_cast %scan3A_68 : i32 to index
      %swap3A_105 = arith.constant 80 : index
      %swap3A_106 = tpu.vector_load %arg8[%swap3A_104, %swap3A_105] {strides = array<i32>} : memref<512x128xf32, #tpu.memory_space<vmem>>, vector<1x16xf32>,
      %swap3A_107 = vector.shape_cast %swap3A_106 : vector<1x16xf32> to vector<16xf32>
      %swap3A_108 = vector.shape_cast %broadcast_in_dim3A_103 : vector<16xf32> to vector<1x16xf32>
      tpu.vector_store %arg8[%swap3A_104, %swap3A_105], %swap3A_108 {strides = array<i32>} : memref<512x128xf32, #tpu.memory_space<vmem>>, vector<1x16xf32>,
      %broadcast_in_dim3A_109 = arith.constant 0.000000e+00 : f32
      %broadcast_in_dim3A_110 = vector.broadcast %broadcast_in_dim3A_109 : f32 to vector<16xf32>
      %swap3A_111 = arith.index_cast %scan3A_68 : i32 to index
      %swap3A_112 = arith.constant 96 : index
      %swap3A_113 = tpu.vector_load %arg8[%swap3A_111, %swap3A_112] {strides = array<i32>} : memref<512x128xf32, #tpu.memory_space<vmem>>, vector<1x16xf32>,
      %swap3A_114 = vector.shape_cast %swap3A_113 : vector<1x16xf32> to vector<16xf32>
      %swap3A_115 = vector.shape_cast %broadcast_in_dim3A_110 : vector<16xf32> to vector<1x16xf32>
      tpu.vector_store %arg8[%swap3A_111, %swap3A_112], %swap3A_115 {strides = array<i32>} : memref<512x128xf32, #tpu.memory_space<vmem>>, vector<1x16xf32>,
      %broadcast_in_dim3A_116 = arith.constant 0.000000e+00 : f32
      %broadcast_in_dim3A_117 = vector.broadcast %broadcast_in_dim3A_116 : f32 to vector<16xf32>
      %swap3A_118 = arith.index_cast %scan3A_68 : i32 to index
      %swap3A_119 = arith.constant 112 : index
      %swap3A_120 = tpu.vector_load %arg8[%swap3A_118, %swap3A_119] {strides = array<i32>} : memref<512x128xf32, #tpu.memory_space<vmem>>, vector<1x16xf32>,
      %swap3A_121 = vector.shape_cast %swap3A_120 : vector<1x16xf32> to vector<16xf32>
      %swap3A_122 = vector.shape_cast %broadcast_in_dim3A_117 : vector<16xf32> to vector<1x16xf32>
      tpu.vector_store %arg8[%swap3A_118, %swap3A_119], %swap3A_122 {strides = array<i32>} : memref<512x128xf32, #tpu.memory_space<vmem>>, vector<1x16xf32>,
    }
    %scan3A_35 = arith.constant 128 : i32
    %barrier3A_36 = arith.constant 0 : index
    tpu.barrier barrier_id(%barrier3A_36)
    %lt3A_37 = arith.constant 8 : i32
    %lt3A_38 = arith.cmpi slt, %arg1, %lt3A_37 : i32
    %convert_element_type3A_39 = arith.extui %lt3A_38 : i1 to i32
    %cond3A_40 = arith.constant 0 : i32
    %cond3A_41 = arith.cmpi ne, %convert_element_type3A_39, %cond3A_40 : i32
    scf.if %cond3A_41 {
      %mul3A_68 = arith.constant 640 : i32
      %mul3A_69 = arith.muli %arg1, %mul3A_68 : i32
      %add3A_70 = arith.constant 0 : i32
      %add3A_71 = arith.addi %mul3A_69, %add3A_70 : i32
      "tpu.region"() ({
        %run_scoped3A = tpu.sem_alloc : memref<!tpu.dma_semaphore, #tpu.memory_space<semaphore_mem>>
        %dma_start3A = arith.constant 0 : i32
        %dma_start3A_88 = arith.constant 0 : i32
        %dma_start3A_89 = tpu.memref_slice %arg8[%dma_start3A, %dma_start3A_88] : memref<512x128xf32, #tpu.memory_space<vmem>> -> memref<128x128xf32, #tpu.memory_space<vmem>>
        %dma_start3A_90 = arith.constant 0 : i32
        %dma_start3A_91 = tpu.memref_slice %arg9[%add3A_71, %dma_start3A_90] : memref<5120x128xf32, #tpu.memory_space<vmem_shared>> -> memref<128x128xf32, #tpu.memory_space<vmem_shared>>
        %dma_start3A_92 = arith.constant 0 : i32
        %dma_start3A_93 = tpu.memref_slice %arg9[%add3A_71, %dma_start3A_92] : memref<5120x128xf32, #tpu.memory_space<vmem_shared>> -> memref<128x128xf32, #tpu.memory_space<vmem_shared>>
        %dma_start3A_94 = arith.constant 0 : i32
        %dma_start3A_95 = arith.constant 0 : i32
        %dma_start3A_96 = tpu.memref_slice %arg8[%dma_start3A_94, %dma_start3A_95] : memref<512x128xf32, #tpu.memory_space<vmem>> -> memref<128x128xf32, #tpu.memory_space<vmem>>
        tpu.enqueue_dma source(%dma_start3A_96 : memref<128x128xf32, #tpu.memory_space<vmem>>) target(%dma_start3A_93 : memref<128x128xf32, #tpu.memory_space<vmem_shared>>) target_semaphore(%run_scoped3A : memref<!tpu.dma_semaphore, #tpu.memory_space<semaphore_mem>>)
        %dma_wait3A = arith.constant 0 : i32
        %dma_wait3A_97 = arith.constant 0 : i32
        %dma_wait3A_98 = tpu.memref_slice %arg8[%dma_wait3A, %dma_wait3A_97] : memref<512x128xf32, #tpu.memory_space<vmem>> -> memref<128x128xf32, #tpu.memory_space<vmem>>
        %dma_wait3A_99 = arith.constant 0 : i32
        %dma_wait3A_100 = tpu.memref_slice %arg9[%add3A_71, %dma_wait3A_99] : memref<5120x128xf32, #tpu.memory_space<vmem_shared>> -> memref<128x128xf32, #tpu.memory_space<vmem_shared>>
        %dma_wait3A_101 = arith.constant 0 : i32
        %dma_wait3A_102 = tpu.memref_slice %arg9[%add3A_71, %dma_wait3A_101] : memref<5120x128xf32, #tpu.memory_space<vmem_shared>> -> memref<128x128xf32, #tpu.memory_space<vmem_shared>>
        %dma_wait3A_103 = arith.constant 0 : i32
        %dma_wait3A_104 = arith.constant 0 : i32
        %dma_wait3A_105 = tpu.memref_slice %arg8[%dma_wait3A_103, %dma_wait3A_104] : memref<512x128xf32, #tpu.memory_space<vmem>> -> memref<128x128xf32, #tpu.memory_space<vmem>>
        tpu.wait_dma2 semaphore(%run_scoped3A : memref<!tpu.dma_semaphore, #tpu.memory_space<semaphore_mem>>) src(%dma_wait3A_105 : memref<128x128xf32, #tpu.memory_space<vmem>>) dst(%dma_wait3A_102 : memref<128x128xf32, #tpu.memory_space<vmem_shared>>)
        tpu.yield
      }) : () -> ()
      %mul3A_72 = arith.constant 640 : i32
      %mul3A_73 = arith.muli %arg1, %mul3A_72 : i32
      %add3A_74 = arith.constant 128 : i32
      %add3A_75 = arith.addi %mul3A_73, %add3A_74 : i32
      "tpu.region"() ({
        %run_scoped3A = tpu.sem_alloc : memref<!tpu.dma_semaphore, #tpu.memory_space<semaphore_mem>>
        %dma_start3A = arith.constant 0 : i32
        %dma_start3A_88 = arith.constant 0 : i32
        %dma_start3A_89 = tpu.memref_slice %arg8[%dma_start3A, %dma_start3A_88] : memref<512x128xf32, #tpu.memory_space<vmem>> -> memref<128x128xf32, #tpu.memory_space<vmem>>
        %dma_start3A_90 = arith.constant 0 : i32
        %dma_start3A_91 = tpu.memref_slice %arg9[%add3A_75, %dma_start3A_90] : memref<5120x128xf32, #tpu.memory_space<vmem_shared>> -> memref<128x128xf32, #tpu.memory_space<vmem_shared>>
        %dma_start3A_92 = arith.constant 0 : i32
        %dma_start3A_93 = tpu.memref_slice %arg9[%add3A_75, %dma_start3A_92] : memref<5120x128xf32, #tpu.memory_space<vmem_shared>> -> memref<128x128xf32, #tpu.memory_space<vmem_shared>>
        %dma_start3A_94 = arith.constant 0 : i32
        %dma_start3A_95 = arith.constant 0 : i32
        %dma_start3A_96 = tpu.memref_slice %arg8[%dma_start3A_94, %dma_start3A_95] : memref<512x128xf32, #tpu.memory_space<vmem>> -> memref<128x128xf32, #tpu.memory_space<vmem>>
        tpu.enqueue_dma source(%dma_start3A_96 : memref<128x128xf32, #tpu.memory_space<vmem>>) target(%dma_start3A_93 : memref<128x128xf32, #tpu.memory_space<vmem_shared>>) target_semaphore(%run_scoped3A : memref<!tpu.dma_semaphore, #tpu.memory_space<semaphore_mem>>)
        %dma_wait3A = arith.constant 0 : i32
        %dma_wait3A_97 = arith.constant 0 : i32
        %dma_wait3A_98 = tpu.memref_slice %arg8[%dma_wait3A, %dma_wait3A_97] : memref<512x128xf32, #tpu.memory_space<vmem>> -> memref<128x128xf32, #tpu.memory_space<vmem>>
        %dma_wait3A_99 = arith.constant 0 : i32
        %dma_wait3A_100 = tpu.memref_slice %arg9[%add3A_75, %dma_wait3A_99] : memref<5120x128xf32, #tpu.memory_space<vmem_shared>> -> memref<128x128xf32, #tpu.memory_space<vmem_shared>>
        %dma_wait3A_101 = arith.constant 0 : i32
        %dma_wait3A_102 = tpu.memref_slice %arg9[%add3A_75, %dma_wait3A_101] : memref<5120x128xf32, #tpu.memory_space<vmem_shared>> -> memref<128x128xf32, #tpu.memory_space<vmem_shared>>
        %dma_wait3A_103 = arith.constant 0 : i32
        %dma_wait3A_104 = arith.constant 0 : i32
        %dma_wait3A_105 = tpu.memref_slice %arg8[%dma_wait3A_103, %dma_wait3A_104] : memref<512x128xf32, #tpu.memory_space<vmem>> -> memref<128x128xf32, #tpu.memory_space<vmem>>
        tpu.wait_dma2 semaphore(%run_scoped3A : memref<!tpu.dma_semaphore, #tpu.memory_space<semaphore_mem>>) src(%dma_wait3A_105 : memref<128x128xf32, #tpu.memory_space<vmem>>) dst(%dma_wait3A_102 : memref<128x128xf32, #tpu.memory_space<vmem_shared>>)
        tpu.yield
      }) : () -> ()
      %mul3A_76 = arith.constant 640 : i32
      %mul3A_77 = arith.muli %arg1, %mul3A_76 : i32
      %add3A_78 = arith.constant 256 : i32
      %add3A_79 = arith.addi %mul3A_77, %add3A_78 : i32
      "tpu.region"() ({
        %run_scoped3A = tpu.sem_alloc : memref<!tpu.dma_semaphore, #tpu.memory_space<semaphore_mem>>
        %dma_start3A = arith.constant 0 : i32
        %dma_start3A_88 = arith.constant 0 : i32
        %dma_start3A_89 = tpu.memref_slice %arg8[%dma_start3A, %dma_start3A_88] : memref<512x128xf32, #tpu.memory_space<vmem>> -> memref<128x128xf32, #tpu.memory_space<vmem>>
        %dma_start3A_90 = arith.constant 0 : i32
        %dma_start3A_91 = tpu.memref_slice %arg9[%add3A_79, %dma_start3A_90] : memref<5120x128xf32, #tpu.memory_space<vmem_shared>> -> memref<128x128xf32, #tpu.memory_space<vmem_shared>>
        %dma_start3A_92 = arith.constant 0 : i32
        %dma_start3A_93 = tpu.memref_slice %arg9[%add3A_79, %dma_start3A_92] : memref<5120x128xf32, #tpu.memory_space<vmem_shared>> -> memref<128x128xf32, #tpu.memory_space<vmem_shared>>
        %dma_start3A_94 = arith.constant 0 : i32
        %dma_start3A_95 = arith.constant 0 : i32
        %dma_start3A_96 = tpu.memref_slice %arg8[%dma_start3A_94, %dma_start3A_95] : memref<512x128xf32, #tpu.memory_space<vmem>> -> memref<128x128xf32, #tpu.memory_space<vmem>>
        tpu.enqueue_dma source(%dma_start3A_96 : memref<128x128xf32, #tpu.memory_space<vmem>>) target(%dma_start3A_93 : memref<128x128xf32, #tpu.memory_space<vmem_shared>>) target_semaphore(%run_scoped3A : memref<!tpu.dma_semaphore, #tpu.memory_space<semaphore_mem>>)
        %dma_wait3A = arith.constant 0 : i32
        %dma_wait3A_97 = arith.constant 0 : i32
        %dma_wait3A_98 = tpu.memref_slice %arg8[%dma_wait3A, %dma_wait3A_97] : memref<512x128xf32, #tpu.memory_space<vmem>> -> memref<128x128xf32, #tpu.memory_space<vmem>>
        %dma_wait3A_99 = arith.constant 0 : i32
        %dma_wait3A_100 = tpu.memref_slice %arg9[%add3A_79, %dma_wait3A_99] : memref<5120x128xf32, #tpu.memory_space<vmem_shared>> -> memref<128x128xf32, #tpu.memory_space<vmem_shared>>
        %dma_wait3A_101 = arith.constant 0 : i32
        %dma_wait3A_102 = tpu.memref_slice %arg9[%add3A_79, %dma_wait3A_101] : memref<5120x128xf32, #tpu.memory_space<vmem_shared>> -> memref<128x128xf32, #tpu.memory_space<vmem_shared>>
        %dma_wait3A_103 = arith.constant 0 : i32
        %dma_wait3A_104 = arith.constant 0 : i32
        %dma_wait3A_105 = tpu.memref_slice %arg8[%dma_wait3A_103, %dma_wait3A_104] : memref<512x128xf32, #tpu.memory_space<vmem>> -> memref<128x128xf32, #tpu.memory_space<vmem>>
        tpu.wait_dma2 semaphore(%run_scoped3A : memref<!tpu.dma_semaphore, #tpu.memory_space<semaphore_mem>>) src(%dma_wait3A_105 : memref<128x128xf32, #tpu.memory_space<vmem>>) dst(%dma_wait3A_102 : memref<128x128xf32, #tpu.memory_space<vmem_shared>>)
        tpu.yield
      }) : () -> ()
      %mul3A_80 = arith.constant 640 : i32
      %mul3A_81 = arith.muli %arg1, %mul3A_80 : i32
      %add3A_82 = arith.constant 384 : i32
      %add3A_83 = arith.addi %mul3A_81, %add3A_82 : i32
      "tpu.region"() ({
        %run_scoped3A = tpu.sem_alloc : memref<!tpu.dma_semaphore, #tpu.memory_space<semaphore_mem>>
        %dma_start3A = arith.constant 0 : i32
        %dma_start3A_88 = arith.constant 0 : i32
        %dma_start3A_89 = tpu.memref_slice %arg8[%dma_start3A, %dma_start3A_88] : memref<512x128xf32, #tpu.memory_space<vmem>> -> memref<128x128xf32, #tpu.memory_space<vmem>>
        %dma_start3A_90 = arith.constant 0 : i32
        %dma_start3A_91 = tpu.memref_slice %arg9[%add3A_83, %dma_start3A_90] : memref<5120x128xf32, #tpu.memory_space<vmem_shared>> -> memref<128x128xf32, #tpu.memory_space<vmem_shared>>
        %dma_start3A_92 = arith.constant 0 : i32
        %dma_start3A_93 = tpu.memref_slice %arg9[%add3A_83, %dma_start3A_92] : memref<5120x128xf32, #tpu.memory_space<vmem_shared>> -> memref<128x128xf32, #tpu.memory_space<vmem_shared>>
        %dma_start3A_94 = arith.constant 0 : i32
        %dma_start3A_95 = arith.constant 0 : i32
        %dma_start3A_96 = tpu.memref_slice %arg8[%dma_start3A_94, %dma_start3A_95] : memref<512x128xf32, #tpu.memory_space<vmem>> -> memref<128x128xf32, #tpu.memory_space<vmem>>
        tpu.enqueue_dma source(%dma_start3A_96 : memref<128x128xf32, #tpu.memory_space<vmem>>) target(%dma_start3A_93 : memref<128x128xf32, #tpu.memory_space<vmem_shared>>) target_semaphore(%run_scoped3A : memref<!tpu.dma_semaphore, #tpu.memory_space<semaphore_mem>>)
        %dma_wait3A = arith.constant 0 : i32
        %dma_wait3A_97 = arith.constant 0 : i32
        %dma_wait3A_98 = tpu.memref_slice %arg8[%dma_wait3A, %dma_wait3A_97] : memref<512x128xf32, #tpu.memory_space<vmem>> -> memref<128x128xf32, #tpu.memory_space<vmem>>
        %dma_wait3A_99 = arith.constant 0 : i32
        %dma_wait3A_100 = tpu.memref_slice %arg9[%add3A_83, %dma_wait3A_99] : memref<5120x128xf32, #tpu.memory_space<vmem_shared>> -> memref<128x128xf32, #tpu.memory_space<vmem_shared>>
        %dma_wait3A_101 = arith.constant 0 : i32
        %dma_wait3A_102 = tpu.memref_slice %arg9[%add3A_83, %dma_wait3A_101] : memref<5120x128xf32, #tpu.memory_space<vmem_shared>> -> memref<128x128xf32, #tpu.memory_space<vmem_shared>>
        %dma_wait3A_103 = arith.constant 0 : i32
        %dma_wait3A_104 = arith.constant 0 : i32
        %dma_wait3A_105 = tpu.memref_slice %arg8[%dma_wait3A_103, %dma_wait3A_104] : memref<512x128xf32, #tpu.memory_space<vmem>> -> memref<128x128xf32, #tpu.memory_space<vmem>>
        tpu.wait_dma2 semaphore(%run_scoped3A : memref<!tpu.dma_semaphore, #tpu.memory_space<semaphore_mem>>) src(%dma_wait3A_105 : memref<128x128xf32, #tpu.memory_space<vmem>>) dst(%dma_wait3A_102 : memref<128x128xf32, #tpu.memory_space<vmem_shared>>)
        tpu.yield
      }) : () -> ()
      %mul3A_84 = arith.constant 640 : i32
      %mul3A_85 = arith.muli %arg1, %mul3A_84 : i32
      %add3A_86 = arith.constant 512 : i32
      %add3A_87 = arith.addi %mul3A_85, %add3A_86 : i32
      "tpu.region"() ({
        %run_scoped3A = tpu.sem_alloc : memref<!tpu.dma_semaphore, #tpu.memory_space<semaphore_mem>>
        %dma_start3A = arith.constant 0 : i32
        %dma_start3A_88 = arith.constant 0 : i32
        %dma_start3A_89 = tpu.memref_slice %arg8[%dma_start3A, %dma_start3A_88] : memref<512x128xf32, #tpu.memory_space<vmem>> -> memref<128x128xf32, #tpu.memory_space<vmem>>
        %dma_start3A_90 = arith.constant 0 : i32
        %dma_start3A_91 = tpu.memref_slice %arg9[%add3A_87, %dma_start3A_90] : memref<5120x128xf32, #tpu.memory_space<vmem_shared>> -> memref<128x128xf32, #tpu.memory_space<vmem_shared>>
        %dma_start3A_92 = arith.constant 0 : i32
        %dma_start3A_93 = tpu.memref_slice %arg9[%add3A_87, %dma_start3A_92] : memref<5120x128xf32, #tpu.memory_space<vmem_shared>> -> memref<128x128xf32, #tpu.memory_space<vmem_shared>>
        %dma_start3A_94 = arith.constant 0 : i32
        %dma_start3A_95 = arith.constant 0 : i32
        %dma_start3A_96 = tpu.memref_slice %arg8[%dma_start3A_94, %dma_start3A_95] : memref<512x128xf32, #tpu.memory_space<vmem>> -> memref<128x128xf32, #tpu.memory_space<vmem>>
        tpu.enqueue_dma source(%dma_start3A_96 : memref<128x128xf32, #tpu.memory_space<vmem>>) target(%dma_start3A_93 : memref<128x128xf32, #tpu.memory_space<vmem_shared>>) target_semaphore(%run_scoped3A : memref<!tpu.dma_semaphore, #tpu.memory_space<semaphore_mem>>)
        %dma_wait3A = arith.constant 0 : i32
        %dma_wait3A_97 = arith.constant 0 : i32
        %dma_wait3A_98 = tpu.memref_slice %arg8[%dma_wait3A, %dma_wait3A_97] : memref<512x128xf32, #tpu.memory_space<vmem>> -> memref<128x128xf32, #tpu.memory_space<vmem>>
        %dma_wait3A_99 = arith.constant 0 : i32
        %dma_wait3A_100 = tpu.memref_slice %arg9[%add3A_87, %dma_wait3A_99] : memref<5120x128xf32, #tpu.memory_space<vmem_shared>> -> memref<128x128xf32, #tpu.memory_space<vmem_shared>>
        %dma_wait3A_101 = arith.constant 0 : i32
        %dma_wait3A_102 = tpu.memref_slice %arg9[%add3A_87, %dma_wait3A_101] : memref<5120x128xf32, #tpu.memory_space<vmem_shared>> -> memref<128x128xf32, #tpu.memory_space<vmem_shared>>
        %dma_wait3A_103 = arith.constant 0 : i32
        %dma_wait3A_104 = arith.constant 0 : i32
        %dma_wait3A_105 = tpu.memref_slice %arg8[%dma_wait3A_103, %dma_wait3A_104] : memref<512x128xf32, #tpu.memory_space<vmem>> -> memref<128x128xf32, #tpu.memory_space<vmem>>
        tpu.wait_dma2 semaphore(%run_scoped3A : memref<!tpu.dma_semaphore, #tpu.memory_space<semaphore_mem>>) src(%dma_wait3A_105 : memref<128x128xf32, #tpu.memory_space<vmem>>) dst(%dma_wait3A_102 : memref<128x128xf32, #tpu.memory_space<vmem_shared>>)
        tpu.yield
      }) : () -> ()
    } else {
    }
    %mul3A_42 = arith.constant 2 : i32
    %mul3A_43 = arith.muli %arg0, %mul3A_42 : i32
    %add3A_44 = arith.constant 1 : i32
    %add3A_45 = arith.addi %mul3A_43, %add3A_44 : i32
    %mul3A_46 = arith.constant 163840 : i32
    %mul3A_47 = arith.muli %add3A_45, %mul3A_46 : i32
    %mul3A_48 = arith.constant 10240 : i32
    %mul3A_49 = arith.muli %arg1, %mul3A_48 : i32
    %add3A_50 = arith.addi %mul3A_47, %mul3A_49 : i32
    "tpu.region"() ({
      %run_scoped3A = tpu.sem_alloc : memref<!tpu.dma_semaphore, #tpu.memory_space<semaphore_mem>>
      %dma_start3A = tpu.memref_slice %arg3[%add3A_50] : memref<655360xi32, #tpu.memory_space<hbm>> -> memref<10240xi32, #tpu.memory_space<hbm>>
      %dma_start3A_68 = tpu.memref_slice %arg3[%add3A_50] : memref<655360xi32, #tpu.memory_space<hbm>> -> memref<10240xi32, #tpu.memory_space<hbm>>
      tpu.enqueue_dma source(%dma_start3A_68 : memref<10240xi32, #tpu.memory_space<hbm>>) target(%arg6 : memref<10240xi32, #tpu.memory_space<vmem>>) target_semaphore(%run_scoped3A : memref<!tpu.dma_semaphore, #tpu.memory_space<semaphore_mem>>)
      %dma_wait3A = tpu.memref_slice %arg3[%add3A_50] : memref<655360xi32, #tpu.memory_space<hbm>> -> memref<10240xi32, #tpu.memory_space<hbm>>
      %dma_wait3A_69 = tpu.memref_slice %arg3[%add3A_50] : memref<655360xi32, #tpu.memory_space<hbm>> -> memref<10240xi32, #tpu.memory_space<hbm>>
      tpu.wait_dma2 semaphore(%run_scoped3A : memref<!tpu.dma_semaphore, #tpu.memory_space<semaphore_mem>>) src(%dma_wait3A_69 : memref<10240xi32, #tpu.memory_space<hbm>>) dst(%arg6 : memref<10240xi32, #tpu.memory_space<vmem>>)
      tpu.yield
    }) : () -> ()
    %mul3A_51 = arith.constant 10240 : i32
    %mul3A_52 = arith.muli %arg1, %mul3A_51 : i32
    %add3A_53 = arith.constant 163840 : i32
    %add3A_54 = arith.addi %add3A_53, %mul3A_52 : i32
    "tpu.region"() ({
      %run_scoped3A = tpu.sem_alloc : memref<!tpu.dma_semaphore, #tpu.memory_space<semaphore_mem>>
      %dma_start3A = tpu.memref_slice %arg4[%add3A_54] : memref<327680xi32, #tpu.memory_space<hbm>> -> memref<10240xi32, #tpu.memory_space<hbm>>
      %dma_start3A_68 = tpu.memref_slice %arg4[%add3A_54] : memref<327680xi32, #tpu.memory_space<hbm>> -> memref<10240xi32, #tpu.memory_space<hbm>>
      tpu.enqueue_dma source(%dma_start3A_68 : memref<10240xi32, #tpu.memory_space<hbm>>) target(%arg7 : memref<10240xi32, #tpu.memory_space<vmem>>) target_semaphore(%run_scoped3A : memref<!tpu.dma_semaphore, #tpu.memory_space<semaphore_mem>>)
      %dma_wait3A = tpu.memref_slice %arg4[%add3A_54] : memref<327680xi32, #tpu.memory_space<hbm>> -> memref<10240xi32, #tpu.memory_space<hbm>>
      %dma_wait3A_69 = tpu.memref_slice %arg4[%add3A_54] : memref<327680xi32, #tpu.memory_space<hbm>> -> memref<10240xi32, #tpu.memory_space<hbm>>
      tpu.wait_dma2 semaphore(%run_scoped3A : memref<!tpu.dma_semaphore, #tpu.memory_space<semaphore_mem>>) src(%dma_wait3A_69 : memref<10240xi32, #tpu.memory_space<hbm>>) dst(%arg7 : memref<10240xi32, #tpu.memory_space<vmem>>)
      tpu.yield
    }) : () -> ()
    %barrier3A_55 = arith.constant 0 : index
    tpu.barrier barrier_id(%barrier3A_55)
    %scan3A_56 = arith.constant 0 : i32
    %scan3A_57 = arith.constant 0 : i32
    %scan3A_58 = arith.constant 20 : i32
    %scan3A_59 = arith.addi %scan3A_57, %scan3A_58 : i32
    %scan3A_60 = arith.constant 1 : i32
    scf.for %scan3A_68 = %scan3A_57 to %scan3A_59 step %scan3A_60  : i32 {
      %mul3A_69 = arith.constant 512 : i32
      %mul3A_70 = arith.muli %scan3A_68, %mul3A_69 : i32
      %dma_start3A = tpu.memref_slice %arg6[%mul3A_70] : memref<10240xi32, #tpu.memory_space<vmem>> -> memref<512xi32, #tpu.memory_space<vmem>>
      %dma_start3A_71 = arith.constant 0 : i32
      %dma_start3A_72 = arith.constant 0 : i32
      %dma_start3A_73 = tpu.memref_slice %arg2[%dma_start3A_71, %dma_start3A_72] : memref<20480x128xf32, #tpu.memory_space<hbm>> -> memref<20480x128xf32, #tpu.memory_space<hbm>>
      tpu.enqueue_indirect_dma source(%dma_start3A_73 : memref<20480x128xf32, #tpu.memory_space<hbm>>) target(%arg8 : memref<512x128xf32, #tpu.memory_space<vmem>>) offsets(%dma_start3A : memref<512xi32, #tpu.memory_space<vmem>>) semaphore(%arg10 : memref<!tpu.dma_semaphore, #tpu.memory_space<semaphore_mem>>)
      %dma_wait3A = tpu.memref_slice %arg6[%mul3A_70] : memref<10240xi32, #tpu.memory_space<vmem>> -> memref<512xi32, #tpu.memory_space<vmem>>
      %dma_wait3A_74 = arith.constant 0 : i32
      %dma_wait3A_75 = arith.constant 0 : i32
      %dma_wait3A_76 = tpu.memref_slice %arg2[%dma_wait3A_74, %dma_wait3A_75] : memref<20480x128xf32, #tpu.memory_space<hbm>> -> memref<20480x128xf32, #tpu.memory_space<hbm>>
      tpu.wait_indirect_dma semaphore(%arg10 : memref<!tpu.dma_semaphore, #tpu.memory_space<semaphore_mem>>) src(%dma_wait3A_76 : memref<20480x128xf32, #tpu.memory_space<hbm>>) dst(%arg8 : memref<512x128xf32, #tpu.memory_space<vmem>>)
      %mul3A_77 = arith.constant 512 : i32
      %mul3A_78 = arith.muli %scan3A_68, %mul3A_77 : i32
      "tpu.region"() ({
        %run_scoped3A = tpu.sem_alloc : memref<!tpu.dma_semaphore, #tpu.memory_space<semaphore_mem>>
        %dma_start3A_79 = tpu.memref_slice %arg7[%mul3A_78] : memref<10240xi32, #tpu.memory_space<vmem>> -> memref<512xi32, #tpu.memory_space<vmem>>
        %dma_start3A_80 = arith.constant 0 : i32
        %dma_start3A_81 = arith.constant 0 : i32
        %dma_start3A_82 = tpu.memref_slice %arg9[%dma_start3A_80, %dma_start3A_81] : memref<5120x128xf32, #tpu.memory_space<vmem_shared>> -> memref<5120x128xf32, #tpu.memory_space<vmem_shared>>
        tpu.enqueue_indirect_dma source(%arg8 : memref<512x128xf32, #tpu.memory_space<vmem>>) target(%dma_start3A_82 : memref<5120x128xf32, #tpu.memory_space<vmem_shared>>) offsets(%dma_start3A_79 : memref<512xi32, #tpu.memory_space<vmem>>) semaphore(%run_scoped3A : memref<!tpu.dma_semaphore, #tpu.memory_space<semaphore_mem>>) {add = true}
        %dma_wait3A_83 = tpu.memref_slice %arg7[%mul3A_78] : memref<10240xi32, #tpu.memory_space<vmem>> -> memref<512xi32, #tpu.memory_space<vmem>>
        %dma_wait3A_84 = arith.constant 0 : i32
        %dma_wait3A_85 = arith.constant 0 : i32
        %dma_wait3A_86 = tpu.memref_slice %arg9[%dma_wait3A_84, %dma_wait3A_85] : memref<5120x128xf32, #tpu.memory_space<vmem_shared>> -> memref<5120x128xf32, #tpu.memory_space<vmem_shared>>
        tpu.wait_indirect_dma semaphore(%run_scoped3A : memref<!tpu.dma_semaphore, #tpu.memory_space<semaphore_mem>>) src(%arg8 : memref<512x128xf32, #tpu.memory_space<vmem>>) dst(%dma_wait3A_86 : memref<5120x128xf32, #tpu.memory_space<vmem_shared>>)
        tpu.yield
      }) : () -> ()
    }
    %scan3A_61 = arith.constant 20 : i32
    %barrier3A_62 = arith.constant 0 : index
    tpu.barrier barrier_id(%barrier3A_62)
    %lt3A_63 = arith.constant 8 : i32
    %lt3A_64 = arith.cmpi slt, %arg1, %lt3A_63 : i32
    %convert_element_type3A_65 = arith.extui %lt3A_64 : i1 to i32
    %cond3A_66 = arith.constant 0 : i32
    %cond3A_67 = arith.cmpi ne, %convert_element_type3A_65, %cond3A_66 : i32
    scf.if %cond3A_67 {
      %mul3A_68 = arith.constant 640 : i32
      %mul3A_69 = arith.muli %arg1, %mul3A_68 : i32
      %add3A_70 = arith.constant 0 : i32
      %add3A_71 = arith.addi %mul3A_69, %add3A_70 : i32
      "tpu.region"() ({
        %run_scoped3A = tpu.sem_alloc : memref<!tpu.dma_semaphore, #tpu.memory_space<semaphore_mem>>
        %dma_start3A = arith.constant 0 : i32
        %dma_start3A_143 = arith.constant 0 : i32
        %dma_start3A_144 = tpu.memref_slice %arg8[%dma_start3A, %dma_start3A_143] : memref<512x128xf32, #tpu.memory_space<vmem>> -> memref<128x128xf32, #tpu.memory_space<vmem>>
        %dma_start3A_145 = arith.constant 0 : i32
        %dma_start3A_146 = tpu.memref_slice %arg9[%add3A_71, %dma_start3A_145] : memref<5120x128xf32, #tpu.memory_space<vmem_shared>> -> memref<128x128xf32, #tpu.memory_space<vmem_shared>>
        %dma_start3A_147 = arith.constant 0 : i32
        %dma_start3A_148 = arith.constant 0 : i32
        %dma_start3A_149 = tpu.memref_slice %arg8[%dma_start3A_147, %dma_start3A_148] : memref<512x128xf32, #tpu.memory_space<vmem>> -> memref<128x128xf32, #tpu.memory_space<vmem>>
        %dma_start3A_150 = arith.constant 0 : i32
        %dma_start3A_151 = tpu.memref_slice %arg9[%add3A_71, %dma_start3A_150] : memref<5120x128xf32, #tpu.memory_space<vmem_shared>> -> memref<128x128xf32, #tpu.memory_space<vmem_shared>>
        tpu.enqueue_dma source(%dma_start3A_151 : memref<128x128xf32, #tpu.memory_space<vmem_shared>>) target(%dma_start3A_149 : memref<128x128xf32, #tpu.memory_space<vmem>>) target_semaphore(%run_scoped3A : memref<!tpu.dma_semaphore, #tpu.memory_space<semaphore_mem>>)
        %dma_wait3A = arith.constant 0 : i32
        %dma_wait3A_152 = arith.constant 0 : i32
        %dma_wait3A_153 = tpu.memref_slice %arg8[%dma_wait3A, %dma_wait3A_152] : memref<512x128xf32, #tpu.memory_space<vmem>> -> memref<128x128xf32, #tpu.memory_space<vmem>>
        %dma_wait3A_154 = arith.constant 0 : i32
        %dma_wait3A_155 = tpu.memref_slice %arg9[%add3A_71, %dma_wait3A_154] : memref<5120x128xf32, #tpu.memory_space<vmem_shared>> -> memref<128x128xf32, #tpu.memory_space<vmem_shared>>
        %dma_wait3A_156 = arith.constant 0 : i32
        %dma_wait3A_157 = arith.constant 0 : i32
        %dma_wait3A_158 = tpu.memref_slice %arg8[%dma_wait3A_156, %dma_wait3A_157] : memref<512x128xf32, #tpu.memory_space<vmem>> -> memref<128x128xf32, #tpu.memory_space<vmem>>
        %dma_wait3A_159 = arith.constant 0 : i32
        %dma_wait3A_160 = tpu.memref_slice %arg9[%add3A_71, %dma_wait3A_159] : memref<5120x128xf32, #tpu.memory_space<vmem_shared>> -> memref<128x128xf32, #tpu.memory_space<vmem_shared>>
        tpu.wait_dma2 semaphore(%run_scoped3A : memref<!tpu.dma_semaphore, #tpu.memory_space<semaphore_mem>>) src(%dma_wait3A_160 : memref<128x128xf32, #tpu.memory_space<vmem_shared>>) dst(%dma_wait3A_158 : memref<128x128xf32, #tpu.memory_space<vmem>>)
        tpu.yield
      }) : () -> ()
      %mul3A_72 = arith.constant 2 : i32
      %mul3A_73 = arith.muli %arg0, %mul3A_72 : i32
      %mul3A_74 = arith.constant 5120 : i32
      %mul3A_75 = arith.muli %mul3A_73, %mul3A_74 : i32
      %add3A_76 = arith.constant 5120 : i32
      %add3A_77 = arith.addi %mul3A_75, %add3A_76 : i32
      %mul3A_78 = arith.constant 640 : i32
      %mul3A_79 = arith.muli %arg1, %mul3A_78 : i32
      %add3A_80 = arith.addi %add3A_77, %mul3A_79 : i32
      %add3A_81 = arith.constant 0 : i32
      %add3A_82 = arith.addi %add3A_80, %add3A_81 : i32
      "tpu.region"() ({
        %run_scoped3A = tpu.sem_alloc : memref<!tpu.dma_semaphore, #tpu.memory_space<semaphore_mem>>
        %dma_start3A = arith.constant 0 : i32
        %dma_start3A_143 = arith.constant 0 : i32
        %dma_start3A_144 = tpu.memref_slice %arg8[%dma_start3A, %dma_start3A_143] : memref<512x128xf32, #tpu.memory_space<vmem>> -> memref<128x128xf32, #tpu.memory_space<vmem>>
        %dma_start3A_145 = arith.constant 0 : i32
        %dma_start3A_146 = tpu.memref_slice %arg5[%add3A_82, %dma_start3A_145] : memref<20480x128xf32, #tpu.memory_space<hbm>> -> memref<128x128xf32, #tpu.memory_space<hbm>>
        %dma_start3A_147 = arith.constant 0 : i32
        %dma_start3A_148 = tpu.memref_slice %arg5[%add3A_82, %dma_start3A_147] : memref<20480x128xf32, #tpu.memory_space<hbm>> -> memref<128x128xf32, #tpu.memory_space<hbm>>
        %dma_start3A_149 = arith.constant 0 : i32
        %dma_start3A_150 = arith.constant 0 : i32
        %dma_start3A_151 = tpu.memref_slice %arg8[%dma_start3A_149, %dma_start3A_150] : memref<512x128xf32, #tpu.memory_space<vmem>> -> memref<128x128xf32, #tpu.memory_space<vmem>>
        tpu.enqueue_dma source(%dma_start3A_151 : memref<128x128xf32, #tpu.memory_space<vmem>>) target(%dma_start3A_148 : memref<128x128xf32, #tpu.memory_space<hbm>>) target_semaphore(%run_scoped3A : memref<!tpu.dma_semaphore, #tpu.memory_space<semaphore_mem>>)
        %dma_wait3A = arith.constant 0 : i32
        %dma_wait3A_152 = arith.constant 0 : i32
        %dma_wait3A_153 = tpu.memref_slice %arg8[%dma_wait3A, %dma_wait3A_152] : memref<512x128xf32, #tpu.memory_space<vmem>> -> memref<128x128xf32, #tpu.memory_space<vmem>>
        %dma_wait3A_154 = arith.constant 0 : i32
        %dma_wait3A_155 = tpu.memref_slice %arg5[%add3A_82, %dma_wait3A_154] : memref<20480x128xf32, #tpu.memory_space<hbm>> -> memref<128x128xf32, #tpu.memory_space<hbm>>
        %dma_wait3A_156 = arith.constant 0 : i32
        %dma_wait3A_157 = tpu.memref_slice %arg5[%add3A_82, %dma_wait3A_156] : memref<20480x128xf32, #tpu.memory_space<hbm>> -> memref<128x128xf32, #tpu.memory_space<hbm>>
        %dma_wait3A_158 = arith.constant 0 : i32
        %dma_wait3A_159 = arith.constant 0 : i32
        %dma_wait3A_160 = tpu.memref_slice %arg8[%dma_wait3A_158, %dma_wait3A_159] : memref<512x128xf32, #tpu.memory_space<vmem>> -> memref<128x128xf32, #tpu.memory_space<vmem>>
        tpu.wait_dma2 semaphore(%run_scoped3A : memref<!tpu.dma_semaphore, #tpu.memory_space<semaphore_mem>>) src(%dma_wait3A_160 : memref<128x128xf32, #tpu.memory_space<vmem>>) dst(%dma_wait3A_157 : memref<128x128xf32, #tpu.memory_space<hbm>>)
        tpu.yield
      }) : () -> ()
      %mul3A_83 = arith.constant 640 : i32
      %mul3A_84 = arith.muli %arg1, %mul3A_83 : i32
      %add3A_85 = arith.constant 128 : i32
      %add3A_86 = arith.addi %mul3A_84, %add3A_85 : i32
      "tpu.region"() ({
        %run_scoped3A = tpu.sem_alloc : memref<!tpu.dma_semaphore, #tpu.memory_space<semaphore_mem>>
        %dma_start3A = arith.constant 0 : i32
        %dma_start3A_143 = arith.constant 0 : i32
        %dma_start3A_144 = tpu.memref_slice %arg8[%dma_start3A, %dma_start3A_143] : memref<512x128xf32, #tpu.memory_space<vmem>> -> memref<128x128xf32, #tpu.memory_space<vmem>>
        %dma_start3A_145 = arith.constant 0 : i32
        %dma_start3A_146 = tpu.memref_slice %arg9[%add3A_86, %dma_start3A_145] : memref<5120x128xf32, #tpu.memory_space<vmem_shared>> -> memref<128x128xf32, #tpu.memory_space<vmem_shared>>
        %dma_start3A_147 = arith.constant 0 : i32
        %dma_start3A_148 = arith.constant 0 : i32
        %dma_start3A_149 = tpu.memref_slice %arg8[%dma_start3A_147, %dma_start3A_148] : memref<512x128xf32, #tpu.memory_space<vmem>> -> memref<128x128xf32, #tpu.memory_space<vmem>>
        %dma_start3A_150 = arith.constant 0 : i32
        %dma_start3A_151 = tpu.memref_slice %arg9[%add3A_86, %dma_start3A_150] : memref<5120x128xf32, #tpu.memory_space<vmem_shared>> -> memref<128x128xf32, #tpu.memory_space<vmem_shared>>
        tpu.enqueue_dma source(%dma_start3A_151 : memref<128x128xf32, #tpu.memory_space<vmem_shared>>) target(%dma_start3A_149 : memref<128x128xf32, #tpu.memory_space<vmem>>) target_semaphore(%run_scoped3A : memref<!tpu.dma_semaphore, #tpu.memory_space<semaphore_mem>>)
        %dma_wait3A = arith.constant 0 : i32
        %dma_wait3A_152 = arith.constant 0 : i32
        %dma_wait3A_153 = tpu.memref_slice %arg8[%dma_wait3A, %dma_wait3A_152] : memref<512x128xf32, #tpu.memory_space<vmem>> -> memref<128x128xf32, #tpu.memory_space<vmem>>
        %dma_wait3A_154 = arith.constant 0 : i32
        %dma_wait3A_155 = tpu.memref_slice %arg9[%add3A_86, %dma_wait3A_154] : memref<5120x128xf32, #tpu.memory_space<vmem_shared>> -> memref<128x128xf32, #tpu.memory_space<vmem_shared>>
        %dma_wait3A_156 = arith.constant 0 : i32
        %dma_wait3A_157 = arith.constant 0 : i32
        %dma_wait3A_158 = tpu.memref_slice %arg8[%dma_wait3A_156, %dma_wait3A_157] : memref<512x128xf32, #tpu.memory_space<vmem>> -> memref<128x128xf32, #tpu.memory_space<vmem>>
        %dma_wait3A_159 = arith.constant 0 : i32
        %dma_wait3A_160 = tpu.memref_slice %arg9[%add3A_86, %dma_wait3A_159] : memref<5120x128xf32, #tpu.memory_space<vmem_shared>> -> memref<128x128xf32, #tpu.memory_space<vmem_shared>>
        tpu.wait_dma2 semaphore(%run_scoped3A : memref<!tpu.dma_semaphore, #tpu.memory_space<semaphore_mem>>) src(%dma_wait3A_160 : memref<128x128xf32, #tpu.memory_space<vmem_shared>>) dst(%dma_wait3A_158 : memref<128x128xf32, #tpu.memory_space<vmem>>)
        tpu.yield
      }) : () -> ()
      %mul3A_87 = arith.constant 2 : i32
      %mul3A_88 = arith.muli %arg0, %mul3A_87 : i32
      %mul3A_89 = arith.constant 5120 : i32
      %mul3A_90 = arith.muli %mul3A_88, %mul3A_89 : i32
      %add3A_91 = arith.constant 5120 : i32
      %add3A_92 = arith.addi %mul3A_90, %add3A_91 : i32
      %mul3A_93 = arith.constant 640 : i32
      %mul3A_94 = arith.muli %arg1, %mul3A_93 : i32
      %add3A_95 = arith.addi %add3A_92, %mul3A_94 : i32
      %add3A_96 = arith.constant 128 : i32
      %add3A_97 = arith.addi %add3A_95, %add3A_96 : i32
      "tpu.region"() ({
        %run_scoped3A = tpu.sem_alloc : memref<!tpu.dma_semaphore, #tpu.memory_space<semaphore_mem>>
        %dma_start3A = arith.constant 0 : i32
        %dma_start3A_143 = arith.constant 0 : i32
        %dma_start3A_144 = tpu.memref_slice %arg8[%dma_start3A, %dma_start3A_143] : memref<512x128xf32, #tpu.memory_space<vmem>> -> memref<128x128xf32, #tpu.memory_space<vmem>>
        %dma_start3A_145 = arith.constant 0 : i32
        %dma_start3A_146 = tpu.memref_slice %arg5[%add3A_97, %dma_start3A_145] : memref<20480x128xf32, #tpu.memory_space<hbm>> -> memref<128x128xf32, #tpu.memory_space<hbm>>
        %dma_start3A_147 = arith.constant 0 : i32
        %dma_start3A_148 = tpu.memref_slice %arg5[%add3A_97, %dma_start3A_147] : memref<20480x128xf32, #tpu.memory_space<hbm>> -> memref<128x128xf32, #tpu.memory_space<hbm>>
        %dma_start3A_149 = arith.constant 0 : i32
        %dma_start3A_150 = arith.constant 0 : i32
        %dma_start3A_151 = tpu.memref_slice %arg8[%dma_start3A_149, %dma_start3A_150] : memref<512x128xf32, #tpu.memory_space<vmem>> -> memref<128x128xf32, #tpu.memory_space<vmem>>
        tpu.enqueue_dma source(%dma_start3A_151 : memref<128x128xf32, #tpu.memory_space<vmem>>) target(%dma_start3A_148 : memref<128x128xf32, #tpu.memory_space<hbm>>) target_semaphore(%run_scoped3A : memref<!tpu.dma_semaphore, #tpu.memory_space<semaphore_mem>>)
        %dma_wait3A = arith.constant 0 : i32
        %dma_wait3A_152 = arith.constant 0 : i32
        %dma_wait3A_153 = tpu.memref_slice %arg8[%dma_wait3A, %dma_wait3A_152] : memref<512x128xf32, #tpu.memory_space<vmem>> -> memref<128x128xf32, #tpu.memory_space<vmem>>
        %dma_wait3A_154 = arith.constant 0 : i32
        %dma_wait3A_155 = tpu.memref_slice %arg5[%add3A_97, %dma_wait3A_154] : memref<20480x128xf32, #tpu.memory_space<hbm>> -> memref<128x128xf32, #tpu.memory_space<hbm>>
        %dma_wait3A_156 = arith.constant 0 : i32
        %dma_wait3A_157 = tpu.memref_slice %arg5[%add3A_97, %dma_wait3A_156] : memref<20480x128xf32, #tpu.memory_space<hbm>> -> memref<128x128xf32, #tpu.memory_space<hbm>>
        %dma_wait3A_158 = arith.constant 0 : i32
        %dma_wait3A_159 = arith.constant 0 : i32
        %dma_wait3A_160 = tpu.memref_slice %arg8[%dma_wait3A_158, %dma_wait3A_159] : memref<512x128xf32, #tpu.memory_space<vmem>> -> memref<128x128xf32, #tpu.memory_space<vmem>>
        tpu.wait_dma2 semaphore(%run_scoped3A : memref<!tpu.dma_semaphore, #tpu.memory_space<semaphore_mem>>) src(%dma_wait3A_160 : memref<128x128xf32, #tpu.memory_space<vmem>>) dst(%dma_wait3A_157 : memref<128x128xf32, #tpu.memory_space<hbm>>)
        tpu.yield
      }) : () -> ()
      %mul3A_98 = arith.constant 640 : i32
      %mul3A_99 = arith.muli %arg1, %mul3A_98 : i32
      %add3A_100 = arith.constant 256 : i32
      %add3A_101 = arith.addi %mul3A_99, %add3A_100 : i32
      "tpu.region"() ({
        %run_scoped3A = tpu.sem_alloc : memref<!tpu.dma_semaphore, #tpu.memory_space<semaphore_mem>>
        %dma_start3A = arith.constant 0 : i32
        %dma_start3A_143 = arith.constant 0 : i32
        %dma_start3A_144 = tpu.memref_slice %arg8[%dma_start3A, %dma_start3A_143] : memref<512x128xf32, #tpu.memory_space<vmem>> -> memref<128x128xf32, #tpu.memory_space<vmem>>
        %dma_start3A_145 = arith.constant 0 : i32
        %dma_start3A_146 = tpu.memref_slice %arg9[%add3A_101, %dma_start3A_145] : memref<5120x128xf32, #tpu.memory_space<vmem_shared>> -> memref<128x128xf32, #tpu.memory_space<vmem_shared>>
        %dma_start3A_147 = arith.constant 0 : i32
        %dma_start3A_148 = arith.constant 0 : i32
        %dma_start3A_149 = tpu.memref_slice %arg8[%dma_start3A_147, %dma_start3A_148] : memref<512x128xf32, #tpu.memory_space<vmem>> -> memref<128x128xf32, #tpu.memory_space<vmem>>
        %dma_start3A_150 = arith.constant 0 : i32
        %dma_start3A_151 = tpu.memref_slice %arg9[%add3A_101, %dma_start3A_150] : memref<5120x128xf32, #tpu.memory_space<vmem_shared>> -> memref<128x128xf32, #tpu.memory_space<vmem_shared>>
        tpu.enqueue_dma source(%dma_start3A_151 : memref<128x128xf32, #tpu.memory_space<vmem_shared>>) target(%dma_start3A_149 : memref<128x128xf32, #tpu.memory_space<vmem>>) target_semaphore(%run_scoped3A : memref<!tpu.dma_semaphore, #tpu.memory_space<semaphore_mem>>)
        %dma_wait3A = arith.constant 0 : i32
        %dma_wait3A_152 = arith.constant 0 : i32
        %dma_wait3A_153 = tpu.memref_slice %arg8[%dma_wait3A, %dma_wait3A_152] : memref<512x128xf32, #tpu.memory_space<vmem>> -> memref<128x128xf32, #tpu.memory_space<vmem>>
        %dma_wait3A_154 = arith.constant 0 : i32
        %dma_wait3A_155 = tpu.memref_slice %arg9[%add3A_101, %dma_wait3A_154] : memref<5120x128xf32, #tpu.memory_space<vmem_shared>> -> memref<128x128xf32, #tpu.memory_space<vmem_shared>>
        %dma_wait3A_156 = arith.constant 0 : i32
        %dma_wait3A_157 = arith.constant 0 : i32
        %dma_wait3A_158 = tpu.memref_slice %arg8[%dma_wait3A_156, %dma_wait3A_157] : memref<512x128xf32, #tpu.memory_space<vmem>> -> memref<128x128xf32, #tpu.memory_space<vmem>>
        %dma_wait3A_159 = arith.constant 0 : i32
        %dma_wait3A_160 = tpu.memref_slice %arg9[%add3A_101, %dma_wait3A_159] : memref<5120x128xf32, #tpu.memory_space<vmem_shared>> -> memref<128x128xf32, #tpu.memory_space<vmem_shared>>
        tpu.wait_dma2 semaphore(%run_scoped3A : memref<!tpu.dma_semaphore, #tpu.memory_space<semaphore_mem>>) src(%dma_wait3A_160 : memref<128x128xf32, #tpu.memory_space<vmem_shared>>) dst(%dma_wait3A_158 : memref<128x128xf32, #tpu.memory_space<vmem>>)
        tpu.yield
      }) : () -> ()
      %mul3A_102 = arith.constant 2 : i32
      %mul3A_103 = arith.muli %arg0, %mul3A_102 : i32
      %mul3A_104 = arith.constant 5120 : i32
      %mul3A_105 = arith.muli %mul3A_103, %mul3A_104 : i32
      %add3A_106 = arith.constant 5120 : i32
      %add3A_107 = arith.addi %mul3A_105, %add3A_106 : i32
      %mul3A_108 = arith.constant 640 : i32
      %mul3A_109 = arith.muli %arg1, %mul3A_108 : i32
      %add3A_110 = arith.addi %add3A_107, %mul3A_109 : i32
      %add3A_111 = arith.constant 256 : i32
      %add3A_112 = arith.addi %add3A_110, %add3A_111 : i32
      "tpu.region"() ({
        %run_scoped3A = tpu.sem_alloc : memref<!tpu.dma_semaphore, #tpu.memory_space<semaphore_mem>>
        %dma_start3A = arith.constant 0 : i32
        %dma_start3A_143 = arith.constant 0 : i32
        %dma_start3A_144 = tpu.memref_slice %arg8[%dma_start3A, %dma_start3A_143] : memref<512x128xf32, #tpu.memory_space<vmem>> -> memref<128x128xf32, #tpu.memory_space<vmem>>
        %dma_start3A_145 = arith.constant 0 : i32
        %dma_start3A_146 = tpu.memref_slice %arg5[%add3A_112, %dma_start3A_145] : memref<20480x128xf32, #tpu.memory_space<hbm>> -> memref<128x128xf32, #tpu.memory_space<hbm>>
        %dma_start3A_147 = arith.constant 0 : i32
        %dma_start3A_148 = tpu.memref_slice %arg5[%add3A_112, %dma_start3A_147] : memref<20480x128xf32, #tpu.memory_space<hbm>> -> memref<128x128xf32, #tpu.memory_space<hbm>>
        %dma_start3A_149 = arith.constant 0 : i32
        %dma_start3A_150 = arith.constant 0 : i32
        %dma_start3A_151 = tpu.memref_slice %arg8[%dma_start3A_149, %dma_start3A_150] : memref<512x128xf32, #tpu.memory_space<vmem>> -> memref<128x128xf32, #tpu.memory_space<vmem>>
        tpu.enqueue_dma source(%dma_start3A_151 : memref<128x128xf32, #tpu.memory_space<vmem>>) target(%dma_start3A_148 : memref<128x128xf32, #tpu.memory_space<hbm>>) target_semaphore(%run_scoped3A : memref<!tpu.dma_semaphore, #tpu.memory_space<semaphore_mem>>)
        %dma_wait3A = arith.constant 0 : i32
        %dma_wait3A_152 = arith.constant 0 : i32
        %dma_wait3A_153 = tpu.memref_slice %arg8[%dma_wait3A, %dma_wait3A_152] : memref<512x128xf32, #tpu.memory_space<vmem>> -> memref<128x128xf32, #tpu.memory_space<vmem>>
        %dma_wait3A_154 = arith.constant 0 : i32
        %dma_wait3A_155 = tpu.memref_slice %arg5[%add3A_112, %dma_wait3A_154] : memref<20480x128xf32, #tpu.memory_space<hbm>> -> memref<128x128xf32, #tpu.memory_space<hbm>>
        %dma_wait3A_156 = arith.constant 0 : i32
        %dma_wait3A_157 = tpu.memref_slice %arg5[%add3A_112, %dma_wait3A_156] : memref<20480x128xf32, #tpu.memory_space<hbm>> -> memref<128x128xf32, #tpu.memory_space<hbm>>
        %dma_wait3A_158 = arith.constant 0 : i32
        %dma_wait3A_159 = arith.constant 0 : i32
        %dma_wait3A_160 = tpu.memref_slice %arg8[%dma_wait3A_158, %dma_wait3A_159] : memref<512x128xf32, #tpu.memory_space<vmem>> -> memref<128x128xf32, #tpu.memory_space<vmem>>
        tpu.wait_dma2 semaphore(%run_scoped3A : memref<!tpu.dma_semaphore, #tpu.memory_space<semaphore_mem>>) src(%dma_wait3A_160 : memref<128x128xf32, #tpu.memory_space<vmem>>) dst(%dma_wait3A_157 : memref<128x128xf32, #tpu.memory_space<hbm>>)
        tpu.yield
      }) : () -> ()
      %mul3A_113 = arith.constant 640 : i32
      %mul3A_114 = arith.muli %arg1, %mul3A_113 : i32
      %add3A_115 = arith.constant 384 : i32
      %add3A_116 = arith.addi %mul3A_114, %add3A_115 : i32
      "tpu.region"() ({
        %run_scoped3A = tpu.sem_alloc : memref<!tpu.dma_semaphore, #tpu.memory_space<semaphore_mem>>
        %dma_start3A = arith.constant 0 : i32
        %dma_start3A_143 = arith.constant 0 : i32
        %dma_start3A_144 = tpu.memref_slice %arg8[%dma_start3A, %dma_start3A_143] : memref<512x128xf32, #tpu.memory_space<vmem>> -> memref<128x128xf32, #tpu.memory_space<vmem>>
        %dma_start3A_145 = arith.constant 0 : i32
        %dma_start3A_146 = tpu.memref_slice %arg9[%add3A_116, %dma_start3A_145] : memref<5120x128xf32, #tpu.memory_space<vmem_shared>> -> memref<128x128xf32, #tpu.memory_space<vmem_shared>>
        %dma_start3A_147 = arith.constant 0 : i32
        %dma_start3A_148 = arith.constant 0 : i32
        %dma_start3A_149 = tpu.memref_slice %arg8[%dma_start3A_147, %dma_start3A_148] : memref<512x128xf32, #tpu.memory_space<vmem>> -> memref<128x128xf32, #tpu.memory_space<vmem>>
        %dma_start3A_150 = arith.constant 0 : i32
        %dma_start3A_151 = tpu.memref_slice %arg9[%add3A_116, %dma_start3A_150] : memref<5120x128xf32, #tpu.memory_space<vmem_shared>> -> memref<128x128xf32, #tpu.memory_space<vmem_shared>>
        tpu.enqueue_dma source(%dma_start3A_151 : memref<128x128xf32, #tpu.memory_space<vmem_shared>>) target(%dma_start3A_149 : memref<128x128xf32, #tpu.memory_space<vmem>>) target_semaphore(%run_scoped3A : memref<!tpu.dma_semaphore, #tpu.memory_space<semaphore_mem>>)
        %dma_wait3A = arith.constant 0 : i32
        %dma_wait3A_152 = arith.constant 0 : i32
        %dma_wait3A_153 = tpu.memref_slice %arg8[%dma_wait3A, %dma_wait3A_152] : memref<512x128xf32, #tpu.memory_space<vmem>> -> memref<128x128xf32, #tpu.memory_space<vmem>>
        %dma_wait3A_154 = arith.constant 0 : i32
        %dma_wait3A_155 = tpu.memref_slice %arg9[%add3A_116, %dma_wait3A_154] : memref<5120x128xf32, #tpu.memory_space<vmem_shared>> -> memref<128x128xf32, #tpu.memory_space<vmem_shared>>
        %dma_wait3A_156 = arith.constant 0 : i32
        %dma_wait3A_157 = arith.constant 0 : i32
        %dma_wait3A_158 = tpu.memref_slice %arg8[%dma_wait3A_156, %dma_wait3A_157] : memref<512x128xf32, #tpu.memory_space<vmem>> -> memref<128x128xf32, #tpu.memory_space<vmem>>
        %dma_wait3A_159 = arith.constant 0 : i32
        %dma_wait3A_160 = tpu.memref_slice %arg9[%add3A_116, %dma_wait3A_159] : memref<5120x128xf32, #tpu.memory_space<vmem_shared>> -> memref<128x128xf32, #tpu.memory_space<vmem_shared>>
        tpu.wait_dma2 semaphore(%run_scoped3A : memref<!tpu.dma_semaphore, #tpu.memory_space<semaphore_mem>>) src(%dma_wait3A_160 : memref<128x128xf32, #tpu.memory_space<vmem_shared>>) dst(%dma_wait3A_158 : memref<128x128xf32, #tpu.memory_space<vmem>>)
        tpu.yield
      }) : () -> ()
      %mul3A_117 = arith.constant 2 : i32
      %mul3A_118 = arith.muli %arg0, %mul3A_117 : i32
      %mul3A_119 = arith.constant 5120 : i32
      %mul3A_120 = arith.muli %mul3A_118, %mul3A_119 : i32
      %add3A_121 = arith.constant 5120 : i32
      %add3A_122 = arith.addi %mul3A_120, %add3A_121 : i32
      %mul3A_123 = arith.constant 640 : i32
      %mul3A_124 = arith.muli %arg1, %mul3A_123 : i32
      %add3A_125 = arith.addi %add3A_122, %mul3A_124 : i32
      %add3A_126 = arith.constant 384 : i32
      %add3A_127 = arith.addi %add3A_125, %add3A_126 : i32
      "tpu.region"() ({
        %run_scoped3A = tpu.sem_alloc : memref<!tpu.dma_semaphore, #tpu.memory_space<semaphore_mem>>
        %dma_start3A = arith.constant 0 : i32
        %dma_start3A_143 = arith.constant 0 : i32
        %dma_start3A_144 = tpu.memref_slice %arg8[%dma_start3A, %dma_start3A_143] : memref<512x128xf32, #tpu.memory_space<vmem>> -> memref<128x128xf32, #tpu.memory_space<vmem>>
        %dma_start3A_145 = arith.constant 0 : i32
        %dma_start3A_146 = tpu.memref_slice %arg5[%add3A_127, %dma_start3A_145] : memref<20480x128xf32, #tpu.memory_space<hbm>> -> memref<128x128xf32, #tpu.memory_space<hbm>>
        %dma_start3A_147 = arith.constant 0 : i32
        %dma_start3A_148 = tpu.memref_slice %arg5[%add3A_127, %dma_start3A_147] : memref<20480x128xf32, #tpu.memory_space<hbm>> -> memref<128x128xf32, #tpu.memory_space<hbm>>
        %dma_start3A_149 = arith.constant 0 : i32
        %dma_start3A_150 = arith.constant 0 : i32
        %dma_start3A_151 = tpu.memref_slice %arg8[%dma_start3A_149, %dma_start3A_150] : memref<512x128xf32, #tpu.memory_space<vmem>> -> memref<128x128xf32, #tpu.memory_space<vmem>>
        tpu.enqueue_dma source(%dma_start3A_151 : memref<128x128xf32, #tpu.memory_space<vmem>>) target(%dma_start3A_148 : memref<128x128xf32, #tpu.memory_space<hbm>>) target_semaphore(%run_scoped3A : memref<!tpu.dma_semaphore, #tpu.memory_space<semaphore_mem>>)
        %dma_wait3A = arith.constant 0 : i32
        %dma_wait3A_152 = arith.constant 0 : i32
        %dma_wait3A_153 = tpu.memref_slice %arg8[%dma_wait3A, %dma_wait3A_152] : memref<512x128xf32, #tpu.memory_space<vmem>> -> memref<128x128xf32, #tpu.memory_space<vmem>>
        %dma_wait3A_154 = arith.constant 0 : i32
        %dma_wait3A_155 = tpu.memref_slice %arg5[%add3A_127, %dma_wait3A_154] : memref<20480x128xf32, #tpu.memory_space<hbm>> -> memref<128x128xf32, #tpu.memory_space<hbm>>
        %dma_wait3A_156 = arith.constant 0 : i32
        %dma_wait3A_157 = tpu.memref_slice %arg5[%add3A_127, %dma_wait3A_156] : memref<20480x128xf32, #tpu.memory_space<hbm>> -> memref<128x128xf32, #tpu.memory_space<hbm>>
        %dma_wait3A_158 = arith.constant 0 : i32
        %dma_wait3A_159 = arith.constant 0 : i32
        %dma_wait3A_160 = tpu.memref_slice %arg8[%dma_wait3A_158, %dma_wait3A_159] : memref<512x128xf32, #tpu.memory_space<vmem>> -> memref<128x128xf32, #tpu.memory_space<vmem>>
        tpu.wait_dma2 semaphore(%run_scoped3A : memref<!tpu.dma_semaphore, #tpu.memory_space<semaphore_mem>>) src(%dma_wait3A_160 : memref<128x128xf32, #tpu.memory_space<vmem>>) dst(%dma_wait3A_157 : memref<128x128xf32, #tpu.memory_space<hbm>>)
        tpu.yield
      }) : () -> ()
      %mul3A_128 = arith.constant 640 : i32
      %mul3A_129 = arith.muli %arg1, %mul3A_128 : i32
      %add3A_130 = arith.constant 512 : i32
      %add3A_131 = arith.addi %mul3A_129, %add3A_130 : i32
      "tpu.region"() ({
        %run_scoped3A = tpu.sem_alloc : memref<!tpu.dma_semaphore, #tpu.memory_space<semaphore_mem>>
        %dma_start3A = arith.constant 0 : i32
        %dma_start3A_143 = arith.constant 0 : i32
        %dma_start3A_144 = tpu.memref_slice %arg8[%dma_start3A, %dma_start3A_143] : memref<512x128xf32, #tpu.memory_space<vmem>> -> memref<128x128xf32, #tpu.memory_space<vmem>>
        %dma_start3A_145 = arith.constant 0 : i32
        %dma_start3A_146 = tpu.memref_slice %arg9[%add3A_131, %dma_start3A_145] : memref<5120x128xf32, #tpu.memory_space<vmem_shared>> -> memref<128x128xf32, #tpu.memory_space<vmem_shared>>
        %dma_start3A_147 = arith.constant 0 : i32
        %dma_start3A_148 = arith.constant 0 : i32
        %dma_start3A_149 = tpu.memref_slice %arg8[%dma_start3A_147, %dma_start3A_148] : memref<512x128xf32, #tpu.memory_space<vmem>> -> memref<128x128xf32, #tpu.memory_space<vmem>>
        %dma_start3A_150 = arith.constant 0 : i32
        %dma_start3A_151 = tpu.memref_slice %arg9[%add3A_131, %dma_start3A_150] : memref<5120x128xf32, #tpu.memory_space<vmem_shared>> -> memref<128x128xf32, #tpu.memory_space<vmem_shared>>
        tpu.enqueue_dma source(%dma_start3A_151 : memref<128x128xf32, #tpu.memory_space<vmem_shared>>) target(%dma_start3A_149 : memref<128x128xf32, #tpu.memory_space<vmem>>) target_semaphore(%run_scoped3A : memref<!tpu.dma_semaphore, #tpu.memory_space<semaphore_mem>>)
        %dma_wait3A = arith.constant 0 : i32
        %dma_wait3A_152 = arith.constant 0 : i32
        %dma_wait3A_153 = tpu.memref_slice %arg8[%dma_wait3A, %dma_wait3A_152] : memref<512x128xf32, #tpu.memory_space<vmem>> -> memref<128x128xf32, #tpu.memory_space<vmem>>
        %dma_wait3A_154 = arith.constant 0 : i32
        %dma_wait3A_155 = tpu.memref_slice %arg9[%add3A_131, %dma_wait3A_154] : memref<5120x128xf32, #tpu.memory_space<vmem_shared>> -> memref<128x128xf32, #tpu.memory_space<vmem_shared>>
        %dma_wait3A_156 = arith.constant 0 : i32
        %dma_wait3A_157 = arith.constant 0 : i32
        %dma_wait3A_158 = tpu.memref_slice %arg8[%dma_wait3A_156, %dma_wait3A_157] : memref<512x128xf32, #tpu.memory_space<vmem>> -> memref<128x128xf32, #tpu.memory_space<vmem>>
        %dma_wait3A_159 = arith.constant 0 : i32
        %dma_wait3A_160 = tpu.memref_slice %arg9[%add3A_131, %dma_wait3A_159] : memref<5120x128xf32, #tpu.memory_space<vmem_shared>> -> memref<128x128xf32, #tpu.memory_space<vmem_shared>>
        tpu.wait_dma2 semaphore(%run_scoped3A : memref<!tpu.dma_semaphore, #tpu.memory_space<semaphore_mem>>) src(%dma_wait3A_160 : memref<128x128xf32, #tpu.memory_space<vmem_shared>>) dst(%dma_wait3A_158 : memref<128x128xf32, #tpu.memory_space<vmem>>)
        tpu.yield
      }) : () -> ()
      %mul3A_132 = arith.constant 2 : i32
      %mul3A_133 = arith.muli %arg0, %mul3A_132 : i32
      %mul3A_134 = arith.constant 5120 : i32
      %mul3A_135 = arith.muli %mul3A_133, %mul3A_134 : i32
      %add3A_136 = arith.constant 5120 : i32
      %add3A_137 = arith.addi %mul3A_135, %add3A_136 : i32
      %mul3A_138 = arith.constant 640 : i32
      %mul3A_139 = arith.muli %arg1, %mul3A_138 : i32
      %add3A_140 = arith.addi %add3A_137, %mul3A_139 : i32
      %add3A_141 = arith.constant 512 : i32
      %add3A_142 = arith.addi %add3A_140, %add3A_141 : i32
      "tpu.region"() ({
        %run_scoped3A = tpu.sem_alloc : memref<!tpu.dma_semaphore, #tpu.memory_space<semaphore_mem>>
        %dma_start3A = arith.constant 0 : i32
        %dma_start3A_143 = arith.constant 0 : i32
        %dma_start3A_144 = tpu.memref_slice %arg8[%dma_start3A, %dma_start3A_143] : memref<512x128xf32, #tpu.memory_space<vmem>> -> memref<128x128xf32, #tpu.memory_space<vmem>>
        %dma_start3A_145 = arith.constant 0 : i32
        %dma_start3A_146 = tpu.memref_slice %arg5[%add3A_142, %dma_start3A_145] : memref<20480x128xf32, #tpu.memory_space<hbm>> -> memref<128x128xf32, #tpu.memory_space<hbm>>
        %dma_start3A_147 = arith.constant 0 : i32
        %dma_start3A_148 = tpu.memref_slice %arg5[%add3A_142, %dma_start3A_147] : memref<20480x128xf32, #tpu.memory_space<hbm>> -> memref<128x128xf32, #tpu.memory_space<hbm>>
        %dma_start3A_149 = arith.constant 0 : i32
        %dma_start3A_150 = arith.constant 0 : i32
        %dma_start3A_151 = tpu.memref_slice %arg8[%dma_start3A_149, %dma_start3A_150] : memref<512x128xf32, #tpu.memory_space<vmem>> -> memref<128x128xf32, #tpu.memory_space<vmem>>
        tpu.enqueue_dma source(%dma_start3A_151 : memref<128x128xf32, #tpu.memory_space<vmem>>) target(%dma_start3A_148 : memref<128x128xf32, #tpu.memory_space<hbm>>) target_semaphore(%run_scoped3A : memref<!tpu.dma_semaphore, #tpu.memory_space<semaphore_mem>>)
        %dma_wait3A = arith.constant 0 : i32
        %dma_wait3A_152 = arith.constant 0 : i32
        %dma_wait3A_153 = tpu.memref_slice %arg8[%dma_wait3A, %dma_wait3A_152] : memref<512x128xf32, #tpu.memory_space<vmem>> -> memref<128x128xf32, #tpu.memory_space<vmem>>
        %dma_wait3A_154 = arith.constant 0 : i32
        %dma_wait3A_155 = tpu.memref_slice %arg5[%add3A_142, %dma_wait3A_154] : memref<20480x128xf32, #tpu.memory_space<hbm>> -> memref<128x128xf32, #tpu.memory_space<hbm>>
        %dma_wait3A_156 = arith.constant 0 : i32
        %dma_wait3A_157 = tpu.memref_slice %arg5[%add3A_142, %dma_wait3A_156] : memref<20480x128xf32, #tpu.memory_space<hbm>> -> memref<128x128xf32, #tpu.memory_space<hbm>>
        %dma_wait3A_158 = arith.constant 0 : i32
        %dma_wait3A_159 = arith.constant 0 : i32
        %dma_wait3A_160 = tpu.memref_slice %arg8[%dma_wait3A_158, %dma_wait3A_159] : memref<512x128xf32, #tpu.memory_space<vmem>> -> memref<128x128xf32, #tpu.memory_space<vmem>>
        tpu.wait_dma2 semaphore(%run_scoped3A : memref<!tpu.dma_semaphore, #tpu.memory_space<semaphore_mem>>) src(%dma_wait3A_160 : memref<128x128xf32, #tpu.memory_space<vmem>>) dst(%dma_wait3A_157 : memref<128x128xf32, #tpu.memory_space<hbm>>)
        tpu.yield
      }) : () -> ()
    } else {
    }
    return
  }
}

module attributes {stable_mosaic.version = 14 : i64} {
  func.func @body(%arg0: i32, %arg1: memref<1000x2xf32, #tpu.memory_space<vmem>>, %arg2: memref<1000x256xf32, #tpu.memory_space<vmem>>, %arg3: memref<2x1000x128xf32, #tpu.memory_space<vmem>>) attributes {dimension_semantics = [#tpu.dimension_semantics<arbitrary>], iteration_bounds = array<i64: 10>, scalar_prefetch = 0 : i64, scratch_operands = 0 : i64, tpu.core_type = #tpu.core_type<tc>, window_params = [{transform_indices = @transform_0, window_bounds = array<i64: 1000, 2>}, {transform_indices = @transform_1, window_bounds = array<i64: 1000, 256>}, {transform_indices = @transform_2, window_bounds = array<i64: 2, 1000, 128>}]} {
    %get3A = arith.constant 0 : index
    %get3A_0 = arith.constant 0 : index
    %get3A_1 = vector.load %arg1[%get3A, %get3A_0] : memref<1000x2xf32, #tpu.memory_space<vmem>>, vector<1000x2xf32>
    %slice3A = vector.extract_strided_slice %get3A_1 {offsets = [0, 0], sizes = [1000, 1], strides = [1, 1]} : vector<1000x2xf32> to vector<1000x1xf32>
    %slice3A_2 = vector.extract_strided_slice %get3A_1 {offsets = [0, 1], sizes = [1000, 1], strides = [1, 1]} : vector<1000x2xf32> to vector<1000x1xf32>
    %add3A = arith.addf %slice3A, %slice3A_2 : vector<1000x1xf32>
    %add3A_3 = arith.constant 1.000000e+00 : f32
    %add3A_4 = vector.broadcast %add3A_3 : f32 to vector<1000x1xf32>
    %add3A_5 = arith.addf %add3A, %add3A_4 : vector<1000x1xf32>
    %rsqrt3A = math.rsqrt %add3A_5 : vector<1000x1xf32>
    %get3A_6 = arith.constant 0 : index
    %get3A_7 = arith.constant 0 : index
    %get3A_8 = vector.load %arg2[%get3A_6, %get3A_7] : memref<1000x256xf32, #tpu.memory_space<vmem>>, vector<1000x256xf32>
    %slice3A_9 = vector.extract_strided_slice %get3A_8 {offsets = [0, 0], sizes = [1000, 128], strides = [1, 1]} : vector<1000x256xf32> to vector<1000x128xf32>
    %mul3A = vector.broadcast %rsqrt3A : vector<1000x1xf32> to vector<1000x128xf32>
    %mul3A_10 = arith.mulf %slice3A_9, %mul3A : vector<1000x128xf32>
    %swap3A = arith.constant 0 : index
    %swap3A_11 = arith.constant 0 : index
    %swap3A_12 = arith.constant 0 : index
    %swap3A_13 = vector.load %arg3[%swap3A, %swap3A_11, %swap3A_12] : memref<2x1000x128xf32, #tpu.memory_space<vmem>>, vector<1x1000x128xf32>
    %swap3A_14 = vector.shape_cast %swap3A_13 : vector<1x1000x128xf32> to vector<1000x128xf32>
    %swap3A_15 = vector.shape_cast %mul3A_10 : vector<1000x128xf32> to vector<1x1000x128xf32>
    tpu.vector_store %arg3[%swap3A, %swap3A_11, %swap3A_12], %swap3A_15 {strides = array<i32>} : memref<2x1000x128xf32, #tpu.memory_space<vmem>>, vector<1x1000x128xf32>,
    %slice3A_16 = vector.extract_strided_slice %get3A_8 {offsets = [0, 128], sizes = [1000, 128], strides = [1, 1]} : vector<1000x256xf32> to vector<1000x128xf32>
    %mul3A_17 = vector.broadcast %rsqrt3A : vector<1000x1xf32> to vector<1000x128xf32>
    %mul3A_18 = arith.mulf %slice3A_16, %mul3A_17 : vector<1000x128xf32>
    %swap3A_19 = arith.constant 1 : index
    %swap3A_20 = arith.constant 0 : index
    %swap3A_21 = arith.constant 0 : index
    %swap3A_22 = vector.load %arg3[%swap3A_19, %swap3A_20, %swap3A_21] : memref<2x1000x128xf32, #tpu.memory_space<vmem>>, vector<1x1000x128xf32>
    %swap3A_23 = vector.shape_cast %swap3A_22 : vector<1x1000x128xf32> to vector<1000x128xf32>
    %swap3A_24 = vector.shape_cast %mul3A_18 : vector<1000x128xf32> to vector<1x1000x128xf32>
    tpu.vector_store %arg3[%swap3A_19, %swap3A_20, %swap3A_21], %swap3A_24 {strides = array<i32>} : memref<2x1000x128xf32, #tpu.memory_space<vmem>>, vector<1x1000x128xf32>,
    return
  }
  func.func @transform_0(%arg0: i32) -> (i32, i32) {
    %c0_i32 = arith.constant 0 : i32
    %c0_i32_0 = arith.constant 0 : i32
    return %arg0, %c0_i32 : i32, i32
  }
  func.func @transform_1(%arg0: i32) -> (i32, i32) {
    %c0_i32 = arith.constant 0 : i32
    %c0_i32_0 = arith.constant 0 : i32
    return %arg0, %c0_i32 : i32, i32
  }
  func.func @transform_2(%arg0: i32) -> (i32, i32, i32) {
    %c0_i32 = arith.constant 0 : i32
    %c0_i32_0 = arith.constant 0 : i32
    %c0_i32_1 = arith.constant 0 : i32
    return %c0_i32, %arg0, %c0_i32_0 : i32, i32, i32
  }
}

module attributes {stable_mosaic.version = 14 : i64} {
  func.func @body(%arg0: i32, %arg1: memref<1000x2xf32, #tpu.memory_space<vmem>>, %arg2: memref<2x1000x128xf32, #tpu.memory_space<vmem>>, %arg3: memref<2x1000x128xf32, #tpu.memory_space<vmem>>, %arg4: memref<256x512xf32, #tpu.memory_space<vmem>>, %arg5: memref<1x512xf32, #tpu.memory_space<vmem>>, %arg6: memref<512x256xf32, #tpu.memory_space<vmem>>, %arg7: memref<2x1000x128xf32, #tpu.memory_space<vmem>>) attributes {dimension_semantics = [#tpu.dimension_semantics<arbitrary>], iteration_bounds = array<i64: 10>, scalar_prefetch = 0 : i64, scratch_operands = 0 : i64, tpu.core_type = #tpu.core_type<tc>, window_params = [{transform_indices = @transform_0, window_bounds = array<i64: 1000, 2>}, {transform_indices = @transform_1, window_bounds = array<i64: 2, 1000, 128>}, {transform_indices = @transform_2, window_bounds = array<i64: 2, 1000, 128>}, {pipeline_mode = #tpu.pipeline_mode<synchronous>, transform_indices = @transform_3, window_bounds = array<i64: 256, 512>}, {pipeline_mode = #tpu.pipeline_mode<synchronous>, transform_indices = @transform_4, window_bounds = array<i64: 1, 512>}, {pipeline_mode = #tpu.pipeline_mode<synchronous>, transform_indices = @transform_5, window_bounds = array<i64: 512, 256>}, {transform_indices = @transform_6, window_bounds = array<i64: 2, 1000, 128>}]} {
    %get3A = arith.constant 0 : index
    %get3A_0 = arith.constant 0 : index
    %get3A_1 = vector.load %arg1[%get3A, %get3A_0] : memref<1000x2xf32, #tpu.memory_space<vmem>>, vector<1000x2xf32>
    %slice3A = vector.extract_strided_slice %get3A_1 {offsets = [0, 0], sizes = [1000, 1], strides = [1, 1]} : vector<1000x2xf32> to vector<1000x1xf32>
    %slice3A_2 = vector.extract_strided_slice %get3A_1 {offsets = [0, 1], sizes = [1000, 1], strides = [1, 1]} : vector<1000x2xf32> to vector<1000x1xf32>
    %add3A = arith.addf %slice3A, %slice3A_2 : vector<1000x1xf32>
    %add3A_3 = arith.constant 1.000000e+00 : f32
    %add3A_4 = vector.broadcast %add3A_3 : f32 to vector<1000x1xf32>
    %add3A_5 = arith.addf %add3A, %add3A_4 : vector<1000x1xf32>
    %rsqrt3A = math.rsqrt %add3A_5 : vector<1000x1xf32>
    %get3A_6 = arith.constant 0 : index
    %get3A_7 = arith.constant 0 : index
    %get3A_8 = arith.constant 0 : index
    %get3A_9 = vector.load %arg2[%get3A_6, %get3A_7, %get3A_8] : memref<2x1000x128xf32, #tpu.memory_space<vmem>>, vector<1x1000x128xf32>
    %get3A_10 = vector.shape_cast %get3A_9 : vector<1x1000x128xf32> to vector<1000x128xf32>
    %get3A_11 = arith.constant 0 : index
    %get3A_12 = arith.constant 0 : index
    %get3A_13 = arith.constant 0 : index
    %get3A_14 = vector.load %arg3[%get3A_11, %get3A_12, %get3A_13] : memref<2x1000x128xf32, #tpu.memory_space<vmem>>, vector<1x1000x128xf32>
    %get3A_15 = vector.shape_cast %get3A_14 : vector<1x1000x128xf32> to vector<1000x128xf32>
    %add3A_16 = arith.addf %get3A_10, %get3A_15 : vector<1000x128xf32>
    %mul3A = vector.broadcast %rsqrt3A : vector<1000x1xf32> to vector<1000x128xf32>
    %mul3A_17 = arith.mulf %add3A_16, %mul3A : vector<1000x128xf32>
    %get3A_18 = arith.constant 1 : index
    %get3A_19 = arith.constant 0 : index
    %get3A_20 = arith.constant 0 : index
    %get3A_21 = vector.load %arg2[%get3A_18, %get3A_19, %get3A_20] : memref<2x1000x128xf32, #tpu.memory_space<vmem>>, vector<1x1000x128xf32>
    %get3A_22 = vector.shape_cast %get3A_21 : vector<1x1000x128xf32> to vector<1000x128xf32>
    %get3A_23 = arith.constant 1 : index
    %get3A_24 = arith.constant 0 : index
    %get3A_25 = arith.constant 0 : index
    %get3A_26 = vector.load %arg3[%get3A_23, %get3A_24, %get3A_25] : memref<2x1000x128xf32, #tpu.memory_space<vmem>>, vector<1x1000x128xf32>
    %get3A_27 = vector.shape_cast %get3A_26 : vector<1x1000x128xf32> to vector<1000x128xf32>
    %add3A_28 = arith.addf %get3A_22, %get3A_27 : vector<1000x128xf32>
    %mul3A_29 = vector.broadcast %rsqrt3A : vector<1000x1xf32> to vector<1000x128xf32>
    %mul3A_30 = arith.mulf %add3A_28, %mul3A_29 : vector<1000x128xf32>
    %concatenate3A = tpu.concatenate %mul3A_17, %mul3A_30 in 1 : vector<1000x128xf32>, vector<1000x128xf32> -> vector<1000x256xf32>
    %get3A_31 = arith.constant 0 : index
    %get3A_32 = arith.constant 0 : index
    %get3A_33 = vector.load %arg4[%get3A_31, %get3A_32] : memref<256x512xf32, #tpu.memory_space<vmem>>, vector<256x512xf32>
    %dot_general3A = arith.constant dense<0.000000e+00> : vector<1000x512xf32>
    %dot_general3A_34 = tpu.matmul %concatenate3A, %get3A_33, %dot_general3A {dimension_numbers = #tpu.dot_dimension_numbers<[1], [0], [0], [1], [0, 0, 1, 1], [], []>, transpose_lhs_hint = false} : vector<1000x256xf32>, vector<256x512xf32>, vector<1000x512xf32> -> vector<1000x512xf32>
    %get3A_35 = arith.constant 0 : index
    %get3A_36 = arith.constant 0 : index
    %get3A_37 = vector.load %arg5[%get3A_35, %get3A_36] : memref<1x512xf32, #tpu.memory_space<vmem>>, vector<1x512xf32>
    %add3A_38 = vector.broadcast %get3A_37 : vector<1x512xf32> to vector<1000x512xf32>
    %add3A_39 = arith.addf %dot_general3A_34, %add3A_38 : vector<1000x512xf32>
    %max3A = arith.constant 0.000000e+00 : f32
    %max3A_40 = vector.broadcast %max3A : f32 to vector<1000x512xf32>
    %max3A_41 = arith.maximumf %add3A_39, %max3A_40 : vector<1000x512xf32>
    %get3A_42 = arith.constant 0 : index
    %get3A_43 = arith.constant 0 : index
    %get3A_44 = vector.load %arg6[%get3A_42, %get3A_43] : memref<512x256xf32, #tpu.memory_space<vmem>>, vector<512x256xf32>
    %dot_general3A_45 = arith.constant dense<0.000000e+00> : vector<1000x256xf32>
    %dot_general3A_46 = tpu.matmul %max3A_41, %get3A_44, %dot_general3A_45 {dimension_numbers = #tpu.dot_dimension_numbers<[1], [0], [0], [1], [0, 0, 1, 1], [], []>, transpose_lhs_hint = false} : vector<1000x512xf32>, vector<512x256xf32>, vector<1000x256xf32> -> vector<1000x256xf32>
    %slice3A_47 = vector.extract_strided_slice %dot_general3A_46 {offsets = [0, 0], sizes = [1000, 128], strides = [1, 1]} : vector<1000x256xf32> to vector<1000x128xf32>
    %mul3A_48 = vector.broadcast %rsqrt3A : vector<1000x1xf32> to vector<1000x128xf32>
    %mul3A_49 = arith.mulf %slice3A_47, %mul3A_48 : vector<1000x128xf32>
    %swap3A = arith.constant 0 : index
    %swap3A_50 = arith.constant 0 : index
    %swap3A_51 = arith.constant 0 : index
    %swap3A_52 = vector.load %arg7[%swap3A, %swap3A_50, %swap3A_51] : memref<2x1000x128xf32, #tpu.memory_space<vmem>>, vector<1x1000x128xf32>
    %swap3A_53 = vector.shape_cast %swap3A_52 : vector<1x1000x128xf32> to vector<1000x128xf32>
    %swap3A_54 = vector.shape_cast %mul3A_49 : vector<1000x128xf32> to vector<1x1000x128xf32>
    tpu.vector_store %arg7[%swap3A, %swap3A_50, %swap3A_51], %swap3A_54 {strides = array<i32>} : memref<2x1000x128xf32, #tpu.memory_space<vmem>>, vector<1x1000x128xf32>,
    %slice3A_55 = vector.extract_strided_slice %dot_general3A_46 {offsets = [0, 128], sizes = [1000, 128], strides = [1, 1]} : vector<1000x256xf32> to vector<1000x128xf32>
    %mul3A_56 = vector.broadcast %rsqrt3A : vector<1000x1xf32> to vector<1000x128xf32>
    %mul3A_57 = arith.mulf %slice3A_55, %mul3A_56 : vector<1000x128xf32>
    %swap3A_58 = arith.constant 1 : index
    %swap3A_59 = arith.constant 0 : index
    %swap3A_60 = arith.constant 0 : index
    %swap3A_61 = vector.load %arg7[%swap3A_58, %swap3A_59, %swap3A_60] : memref<2x1000x128xf32, #tpu.memory_space<vmem>>, vector<1x1000x128xf32>
    %swap3A_62 = vector.shape_cast %swap3A_61 : vector<1x1000x128xf32> to vector<1000x128xf32>
    %swap3A_63 = vector.shape_cast %mul3A_57 : vector<1000x128xf32> to vector<1x1000x128xf32>
    tpu.vector_store %arg7[%swap3A_58, %swap3A_59, %swap3A_60], %swap3A_63 {strides = array<i32>} : memref<2x1000x128xf32, #tpu.memory_space<vmem>>, vector<1x1000x128xf32>,
    return
  }
  func.func @transform_0(%arg0: i32) -> (i32, i32) {
    %c0_i32 = arith.constant 0 : i32
    %c0_i32_0 = arith.constant 0 : i32
    return %arg0, %c0_i32 : i32, i32
  }
  func.func @transform_1(%arg0: i32) -> (i32, i32, i32) {
    %c0_i32 = arith.constant 0 : i32
    %c0_i32_0 = arith.constant 0 : i32
    %c0_i32_1 = arith.constant 0 : i32
    return %c0_i32, %arg0, %c0_i32_0 : i32, i32, i32
  }
  func.func @transform_2(%arg0: i32) -> (i32, i32, i32) {
    %c0_i32 = arith.constant 0 : i32
    %c0_i32_0 = arith.constant 0 : i32
    %c0_i32_1 = arith.constant 0 : i32
    return %c0_i32, %arg0, %c0_i32_0 : i32, i32, i32
  }
  func.func @transform_3(%arg0: i32) -> (i32, i32) {
    %c0_i32 = arith.constant 0 : i32
    %c0_i32_0 = arith.constant 0 : i32
    %c0_i32_1 = arith.constant 0 : i32
    return %c0_i32, %c0_i32_0 : i32, i32
  }
  func.func @transform_4(%arg0: i32) -> (i32, i32) {
    %c0_i32 = arith.constant 0 : i32
    %c0_i32_0 = arith.constant 0 : i32
    %c0_i32_1 = arith.constant 0 : i32
    return %c0_i32, %c0_i32_0 : i32, i32
  }
  func.func @transform_5(%arg0: i32) -> (i32, i32) {
    %c0_i32 = arith.constant 0 : i32
    %c0_i32_0 = arith.constant 0 : i32
    %c0_i32_1 = arith.constant 0 : i32
    return %c0_i32, %c0_i32_0 : i32, i32
  }
  func.func @transform_6(%arg0: i32) -> (i32, i32, i32) {
    %c0_i32 = arith.constant 0 : i32
    %c0_i32_0 = arith.constant 0 : i32
    %c0_i32_1 = arith.constant 0 : i32
    return %c0_i32, %arg0, %c0_i32_0 : i32, i32, i32
  }
}

module attributes {stable_mosaic.version = 14 : i64} {
  func.func @body(%arg0: i32, %arg1: memref<1000x2xf32, #tpu.memory_space<vmem>>, %arg2: memref<2x1000x128xf32, #tpu.memory_space<vmem>>, %arg3: memref<2x1000x128xf32, #tpu.memory_space<vmem>>, %arg4: memref<1x256xf32, #tpu.memory_space<vmem>>, %arg5: memref<1000x256xf32, #tpu.memory_space<vmem>>) attributes {dimension_semantics = [#tpu.dimension_semantics<arbitrary>], iteration_bounds = array<i64: 10>, scalar_prefetch = 0 : i64, scratch_operands = 0 : i64, tpu.core_type = #tpu.core_type<tc>, window_params = [{transform_indices = @transform_0, window_bounds = array<i64: 1000, 2>}, {transform_indices = @transform_1, window_bounds = array<i64: 2, 1000, 128>}, {transform_indices = @transform_2, window_bounds = array<i64: 2, 1000, 128>}, {pipeline_mode = #tpu.pipeline_mode<synchronous>, transform_indices = @transform_3, window_bounds = array<i64: 1, 256>}, {transform_indices = @transform_4, window_bounds = array<i64: 1000, 256>}]} {
    %get3A = arith.constant 0 : index
    %get3A_0 = arith.constant 0 : index
    %get3A_1 = vector.load %arg1[%get3A, %get3A_0] : memref<1000x2xf32, #tpu.memory_space<vmem>>, vector<1000x2xf32>
    %slice3A = vector.extract_strided_slice %get3A_1 {offsets = [0, 0], sizes = [1000, 1], strides = [1, 1]} : vector<1000x2xf32> to vector<1000x1xf32>
    %slice3A_2 = vector.extract_strided_slice %get3A_1 {offsets = [0, 1], sizes = [1000, 1], strides = [1, 1]} : vector<1000x2xf32> to vector<1000x1xf32>
    %add3A = arith.addf %slice3A, %slice3A_2 : vector<1000x1xf32>
    %add3A_3 = arith.constant 1.000000e+00 : f32
    %add3A_4 = vector.broadcast %add3A_3 : f32 to vector<1000x1xf32>
    %add3A_5 = arith.addf %add3A, %add3A_4 : vector<1000x1xf32>
    %rsqrt3A = math.rsqrt %add3A_5 : vector<1000x1xf32>
    %get3A_6 = arith.constant 0 : index
    %get3A_7 = arith.constant 0 : index
    %get3A_8 = arith.constant 0 : index
    %get3A_9 = vector.load %arg2[%get3A_6, %get3A_7, %get3A_8] : memref<2x1000x128xf32, #tpu.memory_space<vmem>>, vector<1x1000x128xf32>
    %get3A_10 = vector.shape_cast %get3A_9 : vector<1x1000x128xf32> to vector<1000x128xf32>
    %get3A_11 = arith.constant 0 : index
    %get3A_12 = arith.constant 0 : index
    %get3A_13 = arith.constant 0 : index
    %get3A_14 = vector.load %arg3[%get3A_11, %get3A_12, %get3A_13] : memref<2x1000x128xf32, #tpu.memory_space<vmem>>, vector<1x1000x128xf32>
    %get3A_15 = vector.shape_cast %get3A_14 : vector<1x1000x128xf32> to vector<1000x128xf32>
    %add3A_16 = arith.addf %get3A_10, %get3A_15 : vector<1000x128xf32>
    %mul3A = vector.broadcast %rsqrt3A : vector<1000x1xf32> to vector<1000x128xf32>
    %mul3A_17 = arith.mulf %add3A_16, %mul3A : vector<1000x128xf32>
    %get3A_18 = arith.constant 1 : index
    %get3A_19 = arith.constant 0 : index
    %get3A_20 = arith.constant 0 : index
    %get3A_21 = vector.load %arg2[%get3A_18, %get3A_19, %get3A_20] : memref<2x1000x128xf32, #tpu.memory_space<vmem>>, vector<1x1000x128xf32>
    %get3A_22 = vector.shape_cast %get3A_21 : vector<1x1000x128xf32> to vector<1000x128xf32>
    %get3A_23 = arith.constant 1 : index
    %get3A_24 = arith.constant 0 : index
    %get3A_25 = arith.constant 0 : index
    %get3A_26 = vector.load %arg3[%get3A_23, %get3A_24, %get3A_25] : memref<2x1000x128xf32, #tpu.memory_space<vmem>>, vector<1x1000x128xf32>
    %get3A_27 = vector.shape_cast %get3A_26 : vector<1x1000x128xf32> to vector<1000x128xf32>
    %add3A_28 = arith.addf %get3A_22, %get3A_27 : vector<1000x128xf32>
    %mul3A_29 = vector.broadcast %rsqrt3A : vector<1000x1xf32> to vector<1000x128xf32>
    %mul3A_30 = arith.mulf %add3A_28, %mul3A_29 : vector<1000x128xf32>
    %concatenate3A = tpu.concatenate %mul3A_17, %mul3A_30 in 1 : vector<1000x128xf32>, vector<1000x128xf32> -> vector<1000x256xf32>
    %get3A_31 = arith.constant 0 : index
    %get3A_32 = arith.constant 0 : index
    %get3A_33 = vector.load %arg4[%get3A_31, %get3A_32] : memref<1x256xf32, #tpu.memory_space<vmem>>, vector<1x256xf32>
    %add3A_34 = vector.broadcast %get3A_33 : vector<1x256xf32> to vector<1000x256xf32>
    %add3A_35 = arith.addf %concatenate3A, %add3A_34 : vector<1000x256xf32>
    %swap3A = arith.constant 0 : index
    %swap3A_36 = arith.constant 0 : index
    %swap3A_37 = vector.load %arg5[%swap3A, %swap3A_36] : memref<1000x256xf32, #tpu.memory_space<vmem>>, vector<1000x256xf32>
    tpu.vector_store %arg5[%swap3A, %swap3A_36], %add3A_35 {strides = array<i32>} : memref<1000x256xf32, #tpu.memory_space<vmem>>, vector<1000x256xf32>,
    return
  }
  func.func @transform_0(%arg0: i32) -> (i32, i32) {
    %c0_i32 = arith.constant 0 : i32
    %c0_i32_0 = arith.constant 0 : i32
    return %arg0, %c0_i32 : i32, i32
  }
  func.func @transform_1(%arg0: i32) -> (i32, i32, i32) {
    %c0_i32 = arith.constant 0 : i32
    %c0_i32_0 = arith.constant 0 : i32
    %c0_i32_1 = arith.constant 0 : i32
    return %c0_i32, %arg0, %c0_i32_0 : i32, i32, i32
  }
  func.func @transform_2(%arg0: i32) -> (i32, i32, i32) {
    %c0_i32 = arith.constant 0 : i32
    %c0_i32_0 = arith.constant 0 : i32
    %c0_i32_1 = arith.constant 0 : i32
    return %c0_i32, %arg0, %c0_i32_0 : i32, i32, i32
  }
  func.func @transform_3(%arg0: i32) -> (i32, i32) {
    %c0_i32 = arith.constant 0 : i32
    %c0_i32_0 = arith.constant 0 : i32
    %c0_i32_1 = arith.constant 0 : i32
    return %c0_i32, %c0_i32_0 : i32, i32
  }
  func.func @transform_4(%arg0: i32) -> (i32, i32) {
    %c0_i32 = arith.constant 0 : i32
    %c0_i32_0 = arith.constant 0 : i32
    return %arg0, %c0_i32 : i32, i32
  }
}

</mosaic_0001>

<sc_bundles>
// kernel: kernel.11.cloned.1.call-start
scs
__scs_entry_jumppad:
0x0: {  	(pc) =	sbr.rel $0x88, $3  }
0x1: {  	(tag) =	ssettag $0x0;
	lr =	simm.s32 $0x1  }
0x2: {  	[smem:$0x3F9B] =	sst lr;
	_ =	strace $0xD0000000  }
0x3: {  	_ = 	snop  }
0x4: {  	_ = 	snop  }
0x5: {  	_ = 	snop  }
0x6: {  	_ = 	snop  }
0x7: {  	_ = 	snop  }
__scs_overlays_trampoline_lowered:
0x8: {  	[smem:$0x3FAA] =	sst s0  }
0x9: {  	[smem:$0x3FAB] =	sst s1  }
0xa: {  	[smem:$0x3FAC] =	sst s2  }
0xb: {  	[smem:$0x3FAD] =	sst s3  }
0xc: {  	[smem:$0x3FAE] =	sst s4  }
0xd: {  	[smem:$0x3FAF] =	sst s5  }
0xe: {  	[smem:$0x3FB0] =	sst s6  }
0xf: {  	[smem:$0x3FB1] =	sst s7  }
0x10: {  	[smem:$0x3FB2] =	sst s8  }
0x11: {  	[smem:$0x3FB3] =	sst s9;
	s0 =	simm.s32 @!p0 $0x0  }
0x12: {  	s1 =	sld [smem:$0x3F99];
	s0 =	simm.s32 @p0 $0x1  }
0x13: {  	[smem:$0x3FB4] =	sst s0;
	s0 =	simm.s32 @!p1 $0x0  }
0x14: {  	s2 =	sld [smem:$0x3F98];
	s0 =	simm.s32 @p1 $0x1  }
0x15: {  	[smem:$0x3FB5] =	sst s0;
	s0 =	simm.s32 @!p2 $0x0  }
0x16: {  	s3 =	sld [smem:$0x3FDB];
	s0 =	simm.s32 @p2 $0x1  }
0x17: {  	s4 =	simm.s32 $0x1BF5;
	[smem:$0x3FB7] =	sst s0  }
0x18: {  	s0 =	sld [smem:$0x3F9A];
	_ =	swait.ge [sflag:s4], $0x0  }
0x19: {  	s7 =	sld [smem:$0x3F9B]  }
0x1a: {  	s8 =	sadd.s32 $0xFFFFE003, lr  }
0x1b: {  	s9 =	sadd.s32 $0xFFFFFEF7, lr;
	s5 =	simm.s32 $0xFFFFFFFF;
	p2 =	slt.u32 s8, $0xFFFFF086  }
0x1c: {  	p1 =	slt.u32 s9, $0xF7A;
	s5 =	simm.s32 @!p2 $0x0  }
0x1d: {  	s5 =	simm.s32 @p1 $0x1;
	p0 =	seq.s32 s7, s2  }
0x1e: {  	s7 =	smul.u32 @!p0 $0xF7A, s2;
	p2 =	seq.s32 @!p0 s5, $0x0  }
0x1f: {  	s9 =	smul.u32 $0xF7A, s1;
	s8 =	simm.s32 @!p0 $0x1BF5;
	p2 =	por !p2, p0  }
0x20: {  	[sflag:s8] =	ssyncset.s32 @!p0 $0xFFFFF086;
	s6 =	sadd.s32 @!p0 s3, s7;
	s7 =	simm.s32 @!p0 $0x108  }
0x21: {  	s3 =	sadd.s32 s3, s9;
	s6 =	sadd.s32 @!p0 $0x88, s6;
	s7 =	simm.s32 @p2 $0x1082  }
0x22: {  	[simem:s7], [sflag:s8] =	dma.local @!p0 [hbm:s6], $0xF7A  }
0x23: {  	s9 =	sor.u32 $0xD0000000, s2;
	s6 =	simm.s32 $0x108;
	_ =	swait.ge @!p0 [sflag:s8], $0x0  }
0x24: {  	s3 =	sadd.s32 $0x88, s3;
	s6 =	simm.s32 @!p1 $0x1082;
	[sflag:s4] =	ssyncset.s32 $0xFFFFF086  }
0x25: {  	[simem:s6], [sflag:s4] =	dma.local [hbm:s3], $0xF7A  }
0x26: {  	[smem:$0x3F9B] =	sst s1;
	(tag) =	ssettag s2;
	_ =	strace s9  }
0x27: {  	s1 =	sld [smem:$0x3FAB]  }
0x28: {  	s2 =	sld [smem:$0x3FAC]  }
0x29: {  	s4 =	sld [smem:$0x3FAE]  }
0x2a: {  	p0 =	seq.s32 s5, $0x0;
	s5 =	sld [smem:$0x3FAF]  }
0x2b: {  	s6 =	sld [smem:$0x3FB0]  }
0x2c: {  	s7 =	sld [smem:$0x3FB1]  }
0x2d: {  	s3 =	simm.s32 $0x108;
	s8 =	sld [smem:$0x3FB2]  }
0x2e: {  	s3 =	simm.s32 @!p0 $0x1082;
	s9 =	sld [smem:$0x3FB3]  }
0x2f: {  	lr =	sadd.s32 s0, s3;
	s0 =	sld [smem:$0x3FAA]  }
0x30: {  	s3 =	sld [smem:$0x3FAD]  }
0x31: {  	[smem:$0x3FB6] =	sst s10  }
0x32: {  	s10 =	sld [smem:$0x3FB4];
	_ =	sdelay $0x3  }
0x33: {  	p0 =	seq.s32 s10, $0x1;
	s10 =	sld [smem:$0x3FB6];
	_ =	sdelay $0x3  }
0x34: {  	[smem:$0x3FB6] =	sst s10  }
0x35: {  	s10 =	sld [smem:$0x3FB5];
	_ =	sdelay $0x3  }
0x36: {  	p1 =	seq.s32 s10, $0x1;
	s10 =	sld [smem:$0x3FB6];
	_ =	sdelay $0x3  }
0x37: {  	[smem:$0x3FB6] =	sst s10  }
0x38: {  	s10 =	sld [smem:$0x3FB7]  }
0x39: {  	_ = 	snop;
	(pc) =	sbr.ind lr, $3  }
0x3a: {  	_ = 	snop  }
0x3b: {  	_ = 	snop  }
0x3c: {  	p2 =	seq.s32 s10, $0x1;
	s10 =	sld [smem:$0x3FB6]  }
0x3d: {  	_ =	shalt  }
0x3e: {  	_ =	shalt  }
0x3f: {  	_ =	shalt  }
0x40: {  	_ =	shalt  }
0x41: {  	_ =	shalt  }
0x42: {  	_ =	shalt  }
0x43: {  	_ =	shalt  }
0x44: {  	_ =	shalt  }
0x45: {  	_ =	shalt  }
0x46: {  	_ =	shalt  }
0x47: {  	_ =	shalt  }
0x48: {  	_ =	shalt  }
0x49: {  	_ =	shalt  }
0x4a: {  	_ =	shalt  }
0x4b: {  	_ =	shalt  }
0x4c: {  	_ =	shalt  }
0x4d: {  	_ =	shalt  }
0x4e: {  	_ =	shalt  }
0x4f: {  	_ =	shalt  }
0x50: {  	_ =	shalt  }
0x51: {  	_ =	shalt  }
0x52: {  	_ =	shalt  }
0x53: {  	_ =	shalt  }
0x54: {  	_ =	shalt  }
0x55: {  	_ =	shalt  }
0x56: {  	_ =	shalt  }
0x57: {  	_ =	shalt  }
0x58: {  	_ =	shalt  }
0x59: {  	_ =	shalt  }
0x5a: {  	_ =	shalt  }
0x5b: {  	_ =	shalt  }
0x5c: {  	_ =	shalt  }
0x5d: {  	_ =	shalt  }
0x5e: {  	_ =	shalt  }
0x5f: {  	_ =	shalt  }
0x60: {  	_ =	shalt  }
0x61: {  	_ =	shalt  }
0x62: {  	_ =	shalt  }
0x63: {  	_ =	shalt  }
0x64: {  	_ =	shalt  }
0x65: {  	_ =	shalt  }
0x66: {  	_ =	shalt  }
0x67: {  	_ =	shalt  }
0x68: {  	_ =	shalt  }
0x69: {  	_ =	shalt  }
0x6a: {  	_ =	shalt  }
0x6b: {  	_ =	shalt  }
0x6c: {  	_ =	shalt  }
0x6d: {  	_ =	shalt  }
0x6e: {  	_ =	shalt  }
0x6f: {  	_ =	shalt  }
0x70: {  	_ =	shalt  }
0x71: {  	_ =	shalt  }
0x72: {  	_ =	shalt  }
0x73: {  	_ =	shalt  }
0x74: {  	_ =	shalt  }
0x75: {  	_ =	shalt  }
0x76: {  	_ =	shalt  }
0x77: {  	_ =	shalt  }
0x78: {  	_ =	shalt  }
0x79: {  	_ =	shalt  }
0x7a: {  	_ =	shalt  }
0x7b: {  	_ =	shalt  }
0x7c: {  	_ =	shalt  }
0x7d: {  	_ =	shalt  }
0x7e: {  	_ =	shalt  }
0x7f: {  	_ =	shalt  }
0x80: {  	_ =	shalt  }
0x81: {  	_ =	shalt  }
0x82: {  	_ =	shalt  }
0x83: {  	_ =	shalt  }
0x84: {  	_ =	shalt  }
0x85: {  	_ =	shalt  }
0x86: {  	_ =	shalt  }
0x87: {  	_ =	shalt  }
.Lfunc_end0:
.L_simem_size_0:
called_computation.1_lowered:
.L_overlay_start_0:
0x88: {  	s2 =	sld [smem:$0x3FD9]  }
0x89: {  	s3 =	sld [smem:$0x3FFE];
	_ =	sdelay $0x1  }
0x8a: {  	s1 =	srdreg.scid  }
0x8b: {  	s0 =	sand.u32 $0x1, s1  }
0x8c: {  	s16 =	sshll.u32 s0, $0xA;
	s2 =	sadd.s32 s3, s2  }
0x8d: {  	s2 =	sadd.s32 s2, s16  }
0x8e: {  	[smem:$0x3FC2] =	sst s2  }
0x8f: {  	_ = 	snop  }
0x90: {  	(tm) =	ssettm $0x1  }
0x91: {  	s17 =	sld [smem:$0x3FFB];
	_ =	sdelay $0x3  }
0x92: {  	_ =	strace s17  }
0x93: {  	s2 =	sld [smem:$0x3FFC];
	_ =	sdelay $0x3  }
0x94: {  	_ =	strace s2  }
0x95: {  	s2 =	sld [smem:$0x3FFD];
	_ =	sdelay $0x3  }
0x96: {  	_ =	strace s2  }
0x97: {  	_ =	strace $0x8FFFFFFF  }
0x98: {  	s18 =	sld [smem:$0x3FDB];
	_ =	sdelay $0x1  }
0x99: {  	s19 =	simm.s32 $_scs_section_size  }
0x9a: {  	s4 =	simm.s32 $_size__tile_overlayer_lowered;
	s5 =	simm.s32 $_tile_overlayer_lowered  }
0x9b: {  	s22 =	simm.s32 $0x1BFF;
	s21 =	sshll.u32 s5, $0x1;
	s2 =	sadd.s32 s19, s18  }
0x9c: {  	s6 =	simm.s32 $0x0;
	s20 =	sshll.u32 s4, $0x1;
	s4 =	sadd.s32 s21, s2  }
0x9d: {  	[timem:s6], [sflag:s22] =	dma.local [hbm:s4], s20  }
0x9e: {  	_ =	swait.ge [sflag:s22], s20  }
0x9f: {  	s3 =	ssub.s32 $0x0, s20;
	[sflag:s22] =	ssyncset.done $0x0  }
0xa0: {  	[sflag:s22] =	ssyncadd.s32 s3;
	_ =	sdelay $0x1  }
0xa1: {  	s23 =	simm.s32 $0x1B8B  }
0xa2: {  	_ =	swait.ge [sflag:s23], $0x1  }
0xa3: {  	[sflag:s23] =	ssyncset.done $0x0  }
0xa4: {  	s25 =	simm.s32 $0x1B8E;
	s24 =	sld [smem:$0x3FFE];
	[sflag:s23] =	ssyncadd.s32 $0xFFFFFFFF  }
0xa5: {  	s26 =	simm.s32 $execute0_lowered;
	[smem:$0x3FD2] =	sst s25  }
0xa6: {  	s4 =	sshll.u32 s26, $0x1;
	_ =	strace $0x80000049;
	[dreg:$0x1] =	wrdreg $0xFFFFFFFF  }
0xa7: {  	s28 =	simm.s32 $_size_execute0_lowered;
	s2 =	sadd.s32 s2, s4;
	[dreg:$0x0] =	wrdreg $0x0  }
0xa8: {  	s4 =	sshll.u32 s28, $0x1;
	[dreg:$0x2] =	wrdreg s2  }
0xa9: {  	[dreg:$0x3] =	wrdreg s4  }
0xaa: {  	[dreg:$0x4] =	wrdreg $0xC0  }
0xab: {  	_ =	task [dreg:s6], $0x5FFFF  }
0xac: {  	[dreg:$0x1] =	wrdreg $0xFFFFFFFF  }
0xad: {  	[dreg:$0x0] =	wrdreg $0x60  }
0xae: {  	[dreg:$0x2] =	wrdreg s24  }
0xaf: {  	[dreg:$0x3] =	wrdreg $0x150000  }
0xb0: {  	[dreg:$0x4] =	wrdreg $0x9  }
0xb1: {  	_ =	task.clear_ibuf [dreg:s6], $0x5FFFF;
	_ =	strace $0x90000049  }
0xb2: {  	s29 =	simm.s32 $0x9;
	_ =	strace $0x8000004B  }
0xb3: {  	_ =	swait.ge [sflag:s29], $0x1  }
0xb4: {  	[sflag:s29] =	ssyncadd.s32 $0xFFFFFFFF  }
0xb5: {  	_ =	strace $0x9000004B  }
0xb6: {  	_ =	sfence  }
0xb7: {  	s30 =	sld [smem:$0x0];
	_ =	sdelay $0x2  }
0xb8: {  	s31 =	sshll.u32 s1, $0xD;
	s1 =	sshrl.u32 s1, $0x2  }
0xb9: {  	s3 =	sand.u32 $0x4000, s31;
	s1 =	sadd.s32 s1, s30  }
0xba: {  	s0 =	sor.u32 s3, s0;
	s1 =	sshll.u32 s1, $0x11  }
0xbb: {  	s0 =	sor.u32 s1, s0  }
0xbc: {  	s0 =	sadd.s32 $0x8F2B, s0  }
0xbd: {  	[sflag:s0] =	ssyncadd.remote.s32 $0x1  }
0xbe: {  	_ =	sfence.sel $0xFFFF  }
0xbf: {  	[dreg:$0x0] =	wrdreg $0xFFFFFFFF;
	(pc) =	sbr.abs _section_cstart, $3  }
0xc0: {  	[dreg:$0x1] =	wrdreg $0xFFFFFFFF  }
0xc1: {  	_ =	task.clear_ibuf [dreg:s6], $0x2FFFF;
	_ =	strace $0x9FFFFFFF  }
0xc2: {  	(tm) =	ssettm $0x7FFFFFFF  }
0xc3: {  	_ =	shalt  }
tec
execute0_lowered:
.L_overlay_start_1:
0x0: {  	(tag) =	ssettag $0x1  }
0x1: {  	s0 =	rddreg [dreg:$0x0]  }
0x2: {  	s2 =	rddreg [dreg:$0x1];
	s4 =	srdreg.scid  }
0x3: {  	s1 =	stileid.u32;
	s3 =	simm.s32 $0x0;
	s25 =	simm.s32 $0x2  }
0x4: {  	s28 =	simm.s32 $0x200;
	s29 =	simm.s32 $0x5000;
	s30 =	simm.s32 $0x1  }
0x5: {  	s5 =	sand.u32 $0x1, s4;
	s6 =	smul.u32 $0x280, s1;
	[smem:$0x7FF] =	sst s3  }
0x6: {  	s4 =	sadd.s32 $0x6E600, s0;
	s17 =	sadd.s32 $0x2400, s0;
	s26 =	smul.u32 $0x50000, s1  }
0x7: {  	s18 =	sadd.s32 $0x16400, s0;
	s13 =	smul.u32 $0x2800, s1;
	p0 =	sgt.u32 s1, $0x7  }
0x8: {  	s7 =	smul.u32 $0x2800, s5;
	_ =	strace $0x8000004A;
	s8 =	ssub.s32 $0x2, s5  }
0x9: {  	s15 =	smul.u32 $0x50000, s5;
	s31 =	sshrl.u32 s8, $0x1;
	s11 =	sshrl.u32 s13, $0x3  }
0xa: {  	s16 =	sadd.s32 $0x28000, s13;
	s6 =	sadd.s32 s6, s7;
	s7 =	sshrl.u32 s26, $0x2  }
0xb: {  	s24 =	ssub.s32 s8, s31;
	s9 =	sadd.s32 s13, s15;
	s11 =	sadd.s32 s18, s11  }
0xc: {  	s19 =	sadd.s32 s15, s16;
	s20 =	sshrl.u32 s16, $0x3;
	s26 =	simm.s32 $0x2800  }
0xd: {  	s6 =	sshll.u32 s6, $0x4;
	s5 =	sadd.s32 s7, s2;
	s10 =	sshrl.u32 s9, $0x3  }
0xe: {  	s19 =	sshrl.u32 s19, $0x3;
	s18 =	sadd.s32 s18, s20;
	s24 =	smax.u32 s24, $0x1  }
0xf: {  	s0 =	sadd.s32 s6, s0;
	s6 =	sadd.s32 $0x4000, s5;
	s7 =	sadd.s32 $0x8000, s5  }
0x10: {  	s8 =	sadd.s32 $0xC000, s5;
	s9 =	sadd.s32 $0x10000, s5;
	s10 =	sadd.s32 s17, s10  }
0x11: {  	s17 =	sadd.s32 s17, s19;
	[dreg:$0x3] =	wrdreg s10;
	s12 =	sadd.s32 $0xBE600, s0  }
0x12: {  	s13 =	sadd.s32 $0xBEE00, s0;
	s14 =	sadd.s32 $0xBF600, s0;
	s15 =	sadd.s32 $0xBFE00, s0  }
0x13: {  	s16 =	sadd.s32 $0xC0600, s0;
	s19 =	sadd.s32 $0xD2600, s0;
	s20 =	sadd.s32 $0xD2E00, s0  }
0x14: {  	v0 =	vimm.f32 $0.0e+00;
	s21 =	sadd.s32 $0xD3600, s0;
	s22 =	sadd.s32 $0xD3E00, s0;
	s23 =	sadd.s32 $0xD4600, s0  }
.LBB2_1:
0x15: {  	s31 =	simm.s32 $0x0;
	s0 =	simm.s32 $0x200  }
.LBB2_2:
0x16: {  	p1 =	sne.s32 s0, $0xFE00;
	[tilespmem:s31+$0x5070] =	vst v0  }
0x17: {  	[tilespmem:s31+$0x5000] =	vst v0  }
0x18: {  	[tilespmem:s31+$0x5010] =	vst v0  }
.Ltmp0:
0x19: {  	[tilespmem:s31+$0x5020] =	vst v0;
	(pc) =	sbr.rel @p1 .LBB2_2-.Ltmp0, $4  }
0x1a: {  	[tilespmem:s31+$0x5030] =	vst v0  }
0x1b: {  	[tilespmem:s31+$0x5040] =	vst v0  }
0x1c: {  	[tilespmem:s31+$0x5050] =	vst v0  }
0x1d: {  	[tilespmem:s31+$0x5060] =	vst v0;
	s31 =	sshra.s32 s0, $0x2;
	s0 =	sadd.s32 $0x200, s0  }
0x1e: {  	[tilespmem:s31+$0x5070] =	vst v0  }
0x1f: {  	[tilespmem:s31+$0x5000] =	vst v0  }
0x20: {  	[tilespmem:s31+$0x5010] =	vst v0  }
0x21: {  	[tilespmem:s31+$0x5020] =	vst v0  }
0x22: {  	[tilespmem:s31+$0x5030] =	vst v0  }
0x23: {  	[tilespmem:s31+$0x5040] =	vst v0  }
0x24: {  	[tilespmem:s31+$0x5050] =	vst v0  }
0x25: {  	[tilespmem:s31+$0x5060] =	vst v0;
	s0 =	simm.s32 @!p0 $0x5000;
	s31 =	simm.s32 @!p0 $0x2  }
0x26: {  	[spmem:s5] =	stream.linear.scatter @!p0 [tilespmem:s0], [sflag:$0x2], $0x4000, $0x38;
	[tilespmem:$0x1F000] =	vst v63  }
0x27: {  	_ =	swait.ge @!p0 [sflag:s31], $0x4000  }
0x28: {  	[sflag:s31] =	ssyncset.done @!p0 $0x0  }
0x29: {  	[sflag:s31] =	ssyncadd.s32 @!p0 $0xFFFFC000  }
0x2a: {  	[spmem:s6] =	stream.linear.scatter @!p0 [tilespmem:s0], [sflag:$0x2], $0x4000, $0x38;
	[tilespmem:$0x1F000] =	vst v63  }
0x2b: {  	_ =	swait.ge @!p0 [sflag:s31], $0x4000  }
0x2c: {  	[sflag:s31] =	ssyncset.done @!p0 $0x0  }
0x2d: {  	[sflag:s31] =	ssyncadd.s32 @!p0 $0xFFFFC000  }
0x2e: {  	[spmem:s7] =	stream.linear.scatter @!p0 [tilespmem:s0], [sflag:$0x2], $0x4000, $0x38;
	[tilespmem:$0x1F000] =	vst v63  }
0x2f: {  	_ =	swait.ge @!p0 [sflag:s31], $0x4000  }
0x30: {  	[sflag:s31] =	ssyncset.done @!p0 $0x0  }
0x31: {  	[sflag:s31] =	ssyncadd.s32 @!p0 $0xFFFFC000  }
0x32: {  	[spmem:s8] =	stream.linear.scatter @!p0 [tilespmem:s0], [sflag:$0x2], $0x4000, $0x38;
	[tilespmem:$0x1F000] =	vst v63  }
0x33: {  	_ =	swait.ge @!p0 [sflag:s31], $0x4000  }
0x34: {  	[sflag:s31] =	ssyncset.done @!p0 $0x0  }
0x35: {  	[sflag:s31] =	ssyncadd.s32 @!p0 $0xFFFFC000  }
0x36: {  	[spmem:s9] =	stream.linear.scatter @!p0 [tilespmem:s0], [sflag:$0x2], $0x4000, $0x38;
	[tilespmem:$0x1F000] =	vst v63  }
0x37: {  	_ =	swait.ge @!p0 [sflag:s31], $0x4000  }
0x38: {  	[sflag:s31] =	ssyncset.done @!p0 $0x0  }
0x39: {  	s10 =	simm.s32 $0x0;
	s1 =	rddreg [dreg:$0x3];
	[sflag:s31] =	ssyncadd.s32 @!p0 $0xFFFFC000  }
0x3a: {  	[tilespmem:s10], [sflag:$0x2] =	stream.linear.gather [hbm4b:s1+s10], $0x2800, $0x38;
	[tilespmem:$0x1F000] =	vst v63  }
0x3b: {  	_ =	swait.ge [sflag:s25], $0x2800  }
0x3c: {  	[sflag:s25] =	ssyncset.done $0x0  }
0x3d: {  	[sflag:s25] =	ssyncadd.s32 $0xFFFFD800  }
0x3e: {  	[tilespmem:s26], [sflag:$0x2] =	stream.linear.gather [hbm4b:s11+s10], $0x2800, $0x38;
	[tilespmem:$0x1F000] =	vst v63  }
0x3f: {  	_ =	swait.ge [sflag:s25], $0x2800  }
0x40: {  	[sflag:s25] =	ssyncset.done $0x0  }
0x41: {  	[sflag:s25] =	ssyncadd.s32 $0xFFFFD800  }
0x42: {  	s1 =	simm.s32 $0x0;
	[bflag:$0x0] =	sbarrier.arrive $0xFFFF  }
0x43: {  	[tilespmem:s29], [sflag:$0x1] =	stream.indirect.gather [hbm4b:s4+s28], $0x80, s1, s28, $0xb8;
	[tilespmem:$0x1F000] =	vst v63  }
0x44: {  	_ =	swait.ge [sflag:s30], $0x10000  }
0x45: {  	[sflag:s30] =	ssyncset.done $0x0  }
0x46: {  	s10 =	simm.s32 $0x2800;
	[sflag:s30] =	ssyncadd.s32 $0xFFFF0000  }
0x47: {  	[spmem:s2] =	stream.indirect.scatter.add.f32 [tilespmem:s29], [sflag:$0x2], $0x80, s10, s28, $0xb8;
	[tilespmem:$0x1F000] =	vst v63  }
0x48: {  	_ =	swait.ge [sflag:s25], $0x10000  }
0x49: {  	s0 =	simm.s32 $0x1000;
	s31 =	simm.s32 $0x800;
	[sflag:s25] =	ssyncset.done $0x0  }
.LBB2_4:
0x4a: {  	s1 =	sshra.s32 s31, $0x2  }
0x4b: {  	[sflag:s25] =	ssyncadd.s32 $0xFFFF0000;
	s31 =	smov.u32 s0;
	s10 =	sadd.s32 $0x800, s0  }
0x4c: {  	[tilespmem:s29], [sflag:$0x1] =	stream.indirect.gather [hbm4b:s4+s28], $0x80, s1, s28, $0xb8;
	[tilespmem:$0x1F000] =	vst v63  }
0x4d: {  	p1 =	sne.s32 s0, $0x9800;
	_ =	swait.ge [sflag:s30], $0x10000  }
.Ltmp1:
0x4e: {  	[sflag:s30] =	ssyncset.done $0x0;
	(pc) =	sbr.rel @p1 .LBB2_4-.Ltmp1, $4  }
0x4f: {  	s0 =	sadd.s32 $0x2800, s1;
	[sflag:s30] =	ssyncadd.s32 $0xFFFF0000  }
0x50: {  	[spmem:s2] =	stream.indirect.scatter.add.f32 [tilespmem:s29], [sflag:$0x2], $0x80, s0, s28, $0xb8;
	[tilespmem:$0x1F000] =	vst v63  }
0x51: {  	_ =	swait.ge [sflag:s25], $0x10000  }
0x52: {  	s0 =	smov.u32 s10;
	[sflag:s25] =	ssyncset.done $0x0  }
0x53: {  	s0 =	sshra.s32 s31, $0x2;
	[sflag:s25] =	ssyncadd.s32 $0xFFFF0000  }
0x54: {  	[tilespmem:s29], [sflag:$0x1] =	stream.indirect.gather [hbm4b:s4+s28], $0x80, s0, s28, $0xb8;
	[tilespmem:$0x1F000] =	vst v63  }
0x55: {  	_ =	swait.ge [sflag:s30], $0x10000  }
0x56: {  	[sflag:s30] =	ssyncset.done $0x0  }
0x57: {  	s0 =	sadd.s32 $0x2800, s0;
	[sflag:s30] =	ssyncadd.s32 $0xFFFF0000  }
0x58: {  	[spmem:s2] =	stream.indirect.scatter.add.f32 [tilespmem:s29], [sflag:$0x2], $0x80, s0, s28, $0xb8;
	[tilespmem:$0x1F000] =	vst v63  }
0x59: {  	_ =	swait.ge [sflag:s25], $0x10000  }
0x5a: {  	[sflag:s25] =	ssyncset.done $0x0  }
0x5b: {  	[sflag:s25] =	ssyncadd.s32 $0xFFFF0000  }
0x5c: {  	s1 =	simm.s32 @!p0 $0x2;
	s0 =	simm.s32 @!p0 $0x5000;
	[bflag:$0x0] =	sbarrier.arrive $0xFFFF  }
0x5d: {  	[tilespmem:s0], [sflag:$0x2] =	stream.linear.gather @!p0 [spmem:s5], $0x4000, $0x38;
	[tilespmem:$0x1F000] =	vst v63  }
0x5e: {  	_ =	swait.ge @!p0 [sflag:s1], $0x4000  }
0x5f: {  	[sflag:s1] =	ssyncset.done @!p0 $0x0  }
0x60: {  	s10 =	simm.s32 @!p0 $0x0;
	[sflag:s1] =	ssyncadd.s32 @!p0 $0xFFFFC000  }
0x61: {  	[hbm4b:s12+s10] =	stream.linear.scatter @!p0 [tilespmem:s0], [sflag:$0x2], $0x4000, $0x38;
	[tilespmem:$0x1F000] =	vst v63  }
0x62: {  	_ =	swait.ge @!p0 [sflag:s1], $0x4000  }
0x63: {  	[sflag:s1] =	ssyncset.done @!p0 $0x0  }
0x64: {  	[sflag:s1] =	ssyncadd.s32 @!p0 $0xFFFFC000  }
0x65: {  	[tilespmem:s0], [sflag:$0x2] =	stream.linear.gather @!p0 [spmem:s6], $0x4000, $0x38;
	[tilespmem:$0x1F000] =	vst v63  }
0x66: {  	_ =	swait.ge @!p0 [sflag:s1], $0x4000  }
0x67: {  	[sflag:s1] =	ssyncset.done @!p0 $0x0  }
0x68: {  	[sflag:s1] =	ssyncadd.s32 @!p0 $0xFFFFC000  }
0x69: {  	[hbm4b:s13+s10] =	stream.linear.scatter @!p0 [tilespmem:s0], [sflag:$0x2], $0x4000, $0x38;
	[tilespmem:$0x1F000] =	vst v63  }
0x6a: {  	_ =	swait.ge @!p0 [sflag:s1], $0x4000  }
0x6b: {  	[sflag:s1] =	ssyncset.done @!p0 $0x0  }
0x6c: {  	[sflag:s1] =	ssyncadd.s32 @!p0 $0xFFFFC000  }
0x6d: {  	[tilespmem:s0], [sflag:$0x2] =	stream.linear.gather @!p0 [spmem:s7], $0x4000, $0x38;
	[tilespmem:$0x1F000] =	vst v63  }
0x6e: {  	_ =	swait.ge @!p0 [sflag:s1], $0x4000  }
0x6f: {  	[sflag:s1] =	ssyncset.done @!p0 $0x0  }
0x70: {  	[sflag:s1] =	ssyncadd.s32 @!p0 $0xFFFFC000  }
0x71: {  	[hbm4b:s14+s10] =	stream.linear.scatter @!p0 [tilespmem:s0], [sflag:$0x2], $0x4000, $0x38;
	[tilespmem:$0x1F000] =	vst v63  }
0x72: {  	_ =	swait.ge @!p0 [sflag:s1], $0x4000  }
0x73: {  	[sflag:s1] =	ssyncset.done @!p0 $0x0  }
0x74: {  	[sflag:s1] =	ssyncadd.s32 @!p0 $0xFFFFC000  }
0x75: {  	[tilespmem:s0], [sflag:$0x2] =	stream.linear.gather @!p0 [spmem:s8], $0x4000, $0x38;
	[tilespmem:$0x1F000] =	vst v63  }
0x76: {  	_ =	swait.ge @!p0 [sflag:s1], $0x4000  }
0x77: {  	[sflag:s1] =	ssyncset.done @!p0 $0x0  }
0x78: {  	[sflag:s1] =	ssyncadd.s32 @!p0 $0xFFFFC000  }
0x79: {  	[hbm4b:s15+s10] =	stream.linear.scatter @!p0 [tilespmem:s0], [sflag:$0x2], $0x4000, $0x38;
	[tilespmem:$0x1F000] =	vst v63  }
0x7a: {  	_ =	swait.ge @!p0 [sflag:s1], $0x4000  }
0x7b: {  	[sflag:s1] =	ssyncset.done @!p0 $0x0  }
0x7c: {  	[sflag:s1] =	ssyncadd.s32 @!p0 $0xFFFFC000  }
0x7d: {  	[tilespmem:s0], [sflag:$0x2] =	stream.linear.gather @!p0 [spmem:s9], $0x4000, $0x38;
	[tilespmem:$0x1F000] =	vst v63  }
0x7e: {  	_ =	swait.ge @!p0 [sflag:s1], $0x4000  }
0x7f: {  	[sflag:s1] =	ssyncset.done @!p0 $0x0  }
0x80: {  	[sflag:s1] =	ssyncadd.s32 @!p0 $0xFFFFC000  }
0x81: {  	[hbm4b:s16+s10] =	stream.linear.scatter @!p0 [tilespmem:s0], [sflag:$0x2], $0x4000, $0x38;
	[tilespmem:$0x1F000] =	vst v63  }
0x82: {  	_ =	swait.ge @!p0 [sflag:s1], $0x4000  }
0x83: {  	[sflag:s1] =	ssyncset.done @!p0 $0x0  }
0x84: {  	s31 =	simm.s32 $0x0;
	s0 =	simm.s32 $0x200;
	[sflag:s1] =	ssyncadd.s32 @!p0 $0xFFFFC000  }
.LBB2_6:
0x85: {  	p1 =	sne.s32 s0, $0xFE00;
	[tilespmem:s31+$0x5070] =	vst v0  }
0x86: {  	[tilespmem:s31+$0x5000] =	vst v0  }
0x87: {  	[tilespmem:s31+$0x5010] =	vst v0  }
.Ltmp2:
0x88: {  	[tilespmem:s31+$0x5020] =	vst v0;
	(pc) =	sbr.rel @p1 .LBB2_6-.Ltmp2, $4  }
0x89: {  	[tilespmem:s31+$0x5030] =	vst v0  }
0x8a: {  	[tilespmem:s31+$0x5040] =	vst v0  }
0x8b: {  	[tilespmem:s31+$0x5050] =	vst v0  }
0x8c: {  	[tilespmem:s31+$0x5060] =	vst v0;
	s31 =	sshra.s32 s0, $0x2;
	s0 =	sadd.s32 $0x200, s0  }
0x8d: {  	[tilespmem:s31+$0x5070] =	vst v0  }
0x8e: {  	[tilespmem:s31+$0x5000] =	vst v0  }
0x8f: {  	[tilespmem:s31+$0x5010] =	vst v0  }
0x90: {  	[tilespmem:s31+$0x5020] =	vst v0  }
0x91: {  	[tilespmem:s31+$0x5030] =	vst v0  }
0x92: {  	[tilespmem:s31+$0x5040] =	vst v0  }
0x93: {  	[tilespmem:s31+$0x5050] =	vst v0  }
0x94: {  	[tilespmem:s31+$0x5060] =	vst v0  }
0x95: {  	s0 =	simm.s32 @!p0 $0x5000;
	s1 =	simm.s32 @!p0 $0x2;
	[bflag:$0x0] =	sbarrier.arrive $0xFFFF  }
0x96: {  	[spmem:s5] =	stream.linear.scatter @!p0 [tilespmem:s0], [sflag:$0x2], $0x4000, $0x38;
	[tilespmem:$0x1F000] =	vst v63  }
0x97: {  	_ =	swait.ge @!p0 [sflag:s1], $0x4000  }
0x98: {  	[sflag:s1] =	ssyncset.done @!p0 $0x0  }
0x99: {  	[sflag:s1] =	ssyncadd.s32 @!p0 $0xFFFFC000  }
0x9a: {  	[spmem:s6] =	stream.linear.scatter @!p0 [tilespmem:s0], [sflag:$0x2], $0x4000, $0x38;
	[tilespmem:$0x1F000] =	vst v63  }
0x9b: {  	_ =	swait.ge @!p0 [sflag:s1], $0x4000  }
0x9c: {  	[sflag:s1] =	ssyncset.done @!p0 $0x0  }
0x9d: {  	[sflag:s1] =	ssyncadd.s32 @!p0 $0xFFFFC000  }
0x9e: {  	[spmem:s7] =	stream.linear.scatter @!p0 [tilespmem:s0], [sflag:$0x2], $0x4000, $0x38;
	[tilespmem:$0x1F000] =	vst v63  }
0x9f: {  	_ =	swait.ge @!p0 [sflag:s1], $0x4000  }
0xa0: {  	[sflag:s1] =	ssyncset.done @!p0 $0x0  }
0xa1: {  	[sflag:s1] =	ssyncadd.s32 @!p0 $0xFFFFC000  }
0xa2: {  	[spmem:s8] =	stream.linear.scatter @!p0 [tilespmem:s0], [sflag:$0x2], $0x4000, $0x38;
	[tilespmem:$0x1F000] =	vst v63  }
0xa3: {  	_ =	swait.ge @!p0 [sflag:s1], $0x4000  }
0xa4: {  	[sflag:s1] =	ssyncset.done @!p0 $0x0  }
0xa5: {  	[sflag:s1] =	ssyncadd.s32 @!p0 $0xFFFFC000  }
0xa6: {  	[spmem:s9] =	stream.linear.scatter @!p0 [tilespmem:s0], [sflag:$0x2], $0x4000, $0x38;
	[tilespmem:$0x1F000] =	vst v63  }
0xa7: {  	_ =	swait.ge @!p0 [sflag:s1], $0x4000  }
0xa8: {  	[sflag:s1] =	ssyncset.done @!p0 $0x0  }
0xa9: {  	s10 =	simm.s32 $0x0;
	[sflag:s1] =	ssyncadd.s32 @!p0 $0xFFFFC000  }
0xaa: {  	[tilespmem:s10], [sflag:$0x2] =	stream.linear.gather [hbm4b:s17+s10], $0x2800, $0x38;
	[tilespmem:$0x1F000] =	vst v63  }
0xab: {  	_ =	swait.ge [sflag:s25], $0x2800  }
0xac: {  	[sflag:s25] =	ssyncset.done $0x0  }
0xad: {  	[sflag:s25] =	ssyncadd.s32 $0xFFFFD800  }
0xae: {  	[tilespmem:s26], [sflag:$0x2] =	stream.linear.gather [hbm4b:s18+s10], $0x2800, $0x38;
	[tilespmem:$0x1F000] =	vst v63  }
0xaf: {  	_ =	swait.ge [sflag:s25], $0x2800  }
0xb0: {  	[sflag:s25] =	ssyncset.done $0x0  }
0xb1: {  	[sflag:s25] =	ssyncadd.s32 $0xFFFFD800  }
0xb2: {  	s1 =	simm.s32 $0x0;
	[bflag:$0x0] =	sbarrier.arrive $0xFFFF  }
0xb3: {  	[tilespmem:s29], [sflag:$0x1] =	stream.indirect.gather [hbm4b:s4+s28], $0x80, s1, s28, $0xb8;
	[tilespmem:$0x1F000] =	vst v63  }
0xb4: {  	_ =	swait.ge [sflag:s30], $0x10000  }
0xb5: {  	[sflag:s30] =	ssyncset.done $0x0  }
0xb6: {  	s10 =	simm.s32 $0x2800;
	[sflag:s30] =	ssyncadd.s32 $0xFFFF0000  }
0xb7: {  	[spmem:s2] =	stream.indirect.scatter.add.f32 [tilespmem:s29], [sflag:$0x2], $0x80, s10, s28, $0xb8;
	[tilespmem:$0x1F000] =	vst v63  }
0xb8: {  	_ =	swait.ge [sflag:s25], $0x10000  }
0xb9: {  	s31 =	simm.s32 $0x800;
	s0 =	simm.s32 $0x1000;
	[sflag:s25] =	ssyncset.done $0x0  }
.LBB2_8:
0xba: {  	s1 =	sshra.s32 s31, $0x2  }
0xbb: {  	[sflag:s25] =	ssyncadd.s32 $0xFFFF0000;
	s31 =	smov.u32 s0;
	s10 =	sadd.s32 $0x800, s0  }
0xbc: {  	[tilespmem:s29], [sflag:$0x1] =	stream.indirect.gather [hbm4b:s4+s28], $0x80, s1, s28, $0xb8;
	[tilespmem:$0x1F000] =	vst v63  }
0xbd: {  	p1 =	sne.s32 s0, $0x9800;
	_ =	swait.ge [sflag:s30], $0x10000  }
.Ltmp3:
0xbe: {  	[sflag:s30] =	ssyncset.done $0x0;
	(pc) =	sbr.rel @p1 .LBB2_8-.Ltmp3, $4  }
0xbf: {  	s0 =	sadd.s32 $0x2800, s1;
	[sflag:s30] =	ssyncadd.s32 $0xFFFF0000  }
0xc0: {  	[spmem:s2] =	stream.indirect.scatter.add.f32 [tilespmem:s29], [sflag:$0x2], $0x80, s0, s28, $0xb8;
	[tilespmem:$0x1F000] =	vst v63  }
0xc1: {  	_ =	swait.ge [sflag:s25], $0x10000  }
0xc2: {  	s0 =	smov.u32 s10;
	[sflag:s25] =	ssyncset.done $0x0  }
0xc3: {  	s0 =	sshra.s32 s31, $0x2;
	[sflag:s25] =	ssyncadd.s32 $0xFFFF0000  }
0xc4: {  	[tilespmem:s29], [sflag:$0x1] =	stream.indirect.gather [hbm4b:s4+s28], $0x80, s0, s28, $0xb8;
	[tilespmem:$0x1F000] =	vst v63  }
0xc5: {  	_ =	swait.ge [sflag:s30], $0x10000  }
0xc6: {  	[sflag:s30] =	ssyncset.done $0x0  }
0xc7: {  	s0 =	sadd.s32 $0x2800, s0;
	[sflag:s30] =	ssyncadd.s32 $0xFFFF0000  }
0xc8: {  	[spmem:s2] =	stream.indirect.scatter.add.f32 [tilespmem:s29], [sflag:$0x2], $0x80, s0, s28, $0xb8;
	[tilespmem:$0x1F000] =	vst v63  }
0xc9: {  	_ =	swait.ge [sflag:s25], $0x10000  }
0xca: {  	[sflag:s25] =	ssyncset.done $0x0  }
0xcb: {  	[sflag:s25] =	ssyncadd.s32 $0xFFFF0000  }
0xcc: {  	s1 =	simm.s32 @!p0 $0x2;
	s0 =	simm.s32 @!p0 $0x5000;
	[bflag:$0x0] =	sbarrier.arrive $0xFFFF  }
0xcd: {  	[tilespmem:s0], [sflag:$0x2] =	stream.linear.gather @!p0 [spmem:s5], $0x4000, $0x38;
	[tilespmem:$0x1F000] =	vst v63  }
0xce: {  	_ =	swait.ge @!p0 [sflag:s1], $0x4000  }
0xcf: {  	[sflag:s1] =	ssyncset.done @!p0 $0x0  }
0xd0: {  	s10 =	simm.s32 @!p0 $0x0;
	[sflag:s1] =	ssyncadd.s32 @!p0 $0xFFFFC000  }
0xd1: {  	[hbm4b:s19+s10] =	stream.linear.scatter @!p0 [tilespmem:s0], [sflag:$0x2], $0x4000, $0x38;
	[tilespmem:$0x1F000] =	vst v63  }
0xd2: {  	_ =	swait.ge @!p0 [sflag:s1], $0x4000  }
0xd3: {  	[sflag:s1] =	ssyncset.done @!p0 $0x0  }
0xd4: {  	[sflag:s1] =	ssyncadd.s32 @!p0 $0xFFFFC000  }
0xd5: {  	[tilespmem:s0], [sflag:$0x2] =	stream.linear.gather @!p0 [spmem:s6], $0x4000, $0x38;
	[tilespmem:$0x1F000] =	vst v63  }
0xd6: {  	_ =	swait.ge @!p0 [sflag:s1], $0x4000  }
0xd7: {  	[sflag:s1] =	ssyncset.done @!p0 $0x0  }
0xd8: {  	[sflag:s1] =	ssyncadd.s32 @!p0 $0xFFFFC000  }
0xd9: {  	[hbm4b:s20+s10] =	stream.linear.scatter @!p0 [tilespmem:s0], [sflag:$0x2], $0x4000, $0x38;
	[tilespmem:$0x1F000] =	vst v63  }
0xda: {  	_ =	swait.ge @!p0 [sflag:s1], $0x4000  }
0xdb: {  	[sflag:s1] =	ssyncset.done @!p0 $0x0  }
0xdc: {  	[sflag:s1] =	ssyncadd.s32 @!p0 $0xFFFFC000  }
0xdd: {  	[tilespmem:s0], [sflag:$0x2] =	stream.linear.gather @!p0 [spmem:s7], $0x4000, $0x38;
	[tilespmem:$0x1F000] =	vst v63  }
0xde: {  	_ =	swait.ge @!p0 [sflag:s1], $0x4000  }
0xdf: {  	[sflag:s1] =	ssyncset.done @!p0 $0x0  }
0xe0: {  	[sflag:s1] =	ssyncadd.s32 @!p0 $0xFFFFC000  }
0xe1: {  	[hbm4b:s21+s10] =	stream.linear.scatter @!p0 [tilespmem:s0], [sflag:$0x2], $0x4000, $0x38;
	[tilespmem:$0x1F000] =	vst v63  }
0xe2: {  	_ =	swait.ge @!p0 [sflag:s1], $0x4000  }
0xe3: {  	[sflag:s1] =	ssyncset.done @!p0 $0x0  }
0xe4: {  	[sflag:s1] =	ssyncadd.s32 @!p0 $0xFFFFC000  }
0xe5: {  	[tilespmem:s0], [sflag:$0x2] =	stream.linear.gather @!p0 [spmem:s8], $0x4000, $0x38;
	[tilespmem:$0x1F000] =	vst v63  }
0xe6: {  	_ =	swait.ge @!p0 [sflag:s1], $0x4000  }
0xe7: {  	[sflag:s1] =	ssyncset.done @!p0 $0x0  }
0xe8: {  	[sflag:s1] =	ssyncadd.s32 @!p0 $0xFFFFC000  }
0xe9: {  	[hbm4b:s22+s10] =	stream.linear.scatter @!p0 [tilespmem:s0], [sflag:$0x2], $0x4000, $0x38;
	[tilespmem:$0x1F000] =	vst v63  }
0xea: {  	_ =	swait.ge @!p0 [sflag:s1], $0x4000  }
0xeb: {  	[sflag:s1] =	ssyncset.done @!p0 $0x0  }
0xec: {  	[sflag:s1] =	ssyncadd.s32 @!p0 $0xFFFFC000  }
0xed: {  	[tilespmem:s0], [sflag:$0x2] =	stream.linear.gather @!p0 [spmem:s9], $0x4000, $0x38;
	[tilespmem:$0x1F000] =	vst v63  }
0xee: {  	s3 =	sadd.s32 $0x1, s3;
	_ =	swait.ge @!p0 [sflag:s1], $0x4000  }
0xef: {  	p1 =	sne.s32 s3, s24;
	[sflag:s1] =	ssyncset.done @!p0 $0x0  }
.Ltmp4:
0xf0: {  	[sflag:s1] =	ssyncadd.s32 @!p0 $0xFFFFC000;
	(pc) =	sbr.rel @p1 .LBB2_1-.Ltmp4, $4  }
0xf1: {  	[hbm4b:s23+s10] =	stream.linear.scatter @!p0 [tilespmem:s0], [sflag:$0x2], $0x4000, $0x38;
	[tilespmem:$0x1F000] =	vst v63  }
0xf2: {  	_ =	swait.ge @!p0 [sflag:s1], $0x4000  }
0xf3: {  	[sflag:s1] =	ssyncset.done @!p0 $0x0  }
0xf4: {  	[sflag:s1] =	ssyncadd.s32 @!p0 $0xFFFFC000  }
0xf5: {  	_ =	sfence.sel $0x180000  }
0xf6: {  	[bflag:$0x0] =	sbarrier.arrive $0xFFFF  }
0xf7: {  	_ =	strace $0x9000004A  }
0xf8: {  	s0 =	stileid.u32;
	[bflag:$0x2] =	sbarrier.arrive $0xFFFF  }
0xf9: {  	p0 =	sne.s32 s0, $0x0;
	s0 =	rddreg [dreg:$0x2]  }
0xfa: {  	s0 =	sadd.s32 @!p0 $0x100000, s0  }
0xfb: {  	[sflag:s0] =	ssyncadd.tile.s32 @!p0 $0x1;
	_ =	shalt  }
.Lfunc_end2:
_tile_overlayer_lowered:
.L_overlay_start_2:
0xfc: {  	(tag) =	ssettag $0x2  }
0xfd: {  	s0 =	rddreg [dreg:$0x0];
	s2 =	stileid.u32  }
0xfe: {  	s1 =	rddreg [dreg:$0x1];
	p0 =	sne.s32 s2, $0x0  }
0xff: {  	s3 =	rddreg [dreg:$0x2];
	[bflag:$0x3] =	sbarrier.arrive $0xFFFF;
	s2 =	simm.s32 @!p0 $0x1C02  }
0x100: {  	[timem:s3], [sflag:s2] =	dma.local @!p0 [hbm:s0], s1  }
0x101: {  	s0 =	simm.s32 @!p0 $0x2  }
0x102: {  	_ =	swait.ge @!p0 [sflag:s0], s1  }
0x103: {  	s1 =	ssub.s32 @!p0 $0x0, s1;
	[sflag:s0] =	ssyncset.done @!p0 $0x0  }
0x104: {  	[sflag:s0] =	ssyncadd.s32 @!p0 s1  }
0x105: {  	[bflag:$0x3] =	sbarrier.arrive $0xFFFF  }
0x106: {  	_ =	shalt  }

// kernel: kernel.14.cloned.1.call-start
scs
__scs_entry_jumppad:
0x0: {  	(pc) =	sbr.rel $0x88, $3  }
0x1: {  	(tag) =	ssettag $0x0;
	lr =	simm.s32 $0x1  }
0x2: {  	[smem:$0x3F9B] =	sst lr;
	_ =	strace $0xD0000000  }
0x3: {  	_ = 	snop  }
0x4: {  	_ = 	snop  }
0x5: {  	_ = 	snop  }
0x6: {  	_ = 	snop  }
0x7: {  	_ = 	snop  }
__scs_overlays_trampoline_lowered:
0x8: {  	[smem:$0x3FAA] =	sst s0  }
0x9: {  	[smem:$0x3FAB] =	sst s1  }
0xa: {  	[smem:$0x3FAC] =	sst s2  }
0xb: {  	[smem:$0x3FAD] =	sst s3  }
0xc: {  	[smem:$0x3FAE] =	sst s4  }
0xd: {  	[smem:$0x3FAF] =	sst s5  }
0xe: {  	[smem:$0x3FB0] =	sst s6  }
0xf: {  	[smem:$0x3FB1] =	sst s7  }
0x10: {  	[smem:$0x3FB2] =	sst s8  }
0x11: {  	[smem:$0x3FB3] =	sst s9;
	s0 =	simm.s32 @!p0 $0x0  }
0x12: {  	s1 =	sld [smem:$0x3F99];
	s0 =	simm.s32 @p0 $0x1  }
0x13: {  	[smem:$0x3FB4] =	sst s0;
	s0 =	simm.s32 @!p1 $0x0  }
0x14: {  	s2 =	sld [smem:$0x3F98];
	s0 =	simm.s32 @p1 $0x1  }
0x15: {  	[smem:$0x3FB5] =	sst s0;
	s0 =	simm.s32 @!p2 $0x0  }
0x16: {  	s3 =	sld [smem:$0x3FDB];
	s0 =	simm.s32 @p2 $0x1  }
0x17: {  	s4 =	simm.s32 $0x1BF5;
	[smem:$0x3FB7] =	sst s0  }
0x18: {  	s0 =	sld [smem:$0x3F9A];
	_ =	swait.ge [sflag:s4], $0x0  }
0x19: {  	s7 =	sld [smem:$0x3F9B]  }
0x1a: {  	s8 =	sadd.s32 $0xFFFFE003, lr  }
0x1b: {  	s9 =	sadd.s32 $0xFFFFFEF7, lr;
	s5 =	simm.s32 $0xFFFFFFFF;
	p2 =	slt.u32 s8, $0xFFFFF086  }
0x1c: {  	p1 =	slt.u32 s9, $0xF7A;
	s5 =	simm.s32 @!p2 $0x0  }
0x1d: {  	s5 =	simm.s32 @p1 $0x1;
	p0 =	seq.s32 s7, s2  }
0x1e: {  	s7 =	smul.u32 @!p0 $0xF7A, s2;
	p2 =	seq.s32 @!p0 s5, $0x0  }
0x1f: {  	s9 =	smul.u32 $0xF7A, s1;
	s8 =	simm.s32 @!p0 $0x1BF5;
	p2 =	por !p2, p0  }
0x20: {  	[sflag:s8] =	ssyncset.s32 @!p0 $0xFFFFF086;
	s6 =	sadd.s32 @!p0 s3, s7;
	s7 =	simm.s32 @!p0 $0x108  }
0x21: {  	s3 =	sadd.s32 s3, s9;
	s6 =	sadd.s32 @!p0 $0x88, s6;
	s7 =	simm.s32 @p2 $0x1082  }
0x22: {  	[simem:s7], [sflag:s8] =	dma.local @!p0 [hbm:s6], $0xF7A  }
0x23: {  	s9 =	sor.u32 $0xD0000000, s2;
	s6 =	simm.s32 $0x108;
	_ =	swait.ge @!p0 [sflag:s8], $0x0  }
0x24: {  	s3 =	sadd.s32 $0x88, s3;
	s6 =	simm.s32 @!p1 $0x1082;
	[sflag:s4] =	ssyncset.s32 $0xFFFFF086  }
0x25: {  	[simem:s6], [sflag:s4] =	dma.local [hbm:s3], $0xF7A  }
0x26: {  	[smem:$0x3F9B] =	sst s1;
	(tag) =	ssettag s2;
	_ =	strace s9  }
0x27: {  	s1 =	sld [smem:$0x3FAB]  }
0x28: {  	s2 =	sld [smem:$0x3FAC]  }
0x29: {  	s4 =	sld [smem:$0x3FAE]  }
0x2a: {  	p0 =	seq.s32 s5, $0x0;
	s5 =	sld [smem:$0x3FAF]  }
0x2b: {  	s6 =	sld [smem:$0x3FB0]  }
0x2c: {  	s7 =	sld [smem:$0x3FB1]  }
0x2d: {  	s3 =	simm.s32 $0x108;
	s8 =	sld [smem:$0x3FB2]  }
0x2e: {  	s3 =	simm.s32 @!p0 $0x1082;
	s9 =	sld [smem:$0x3FB3]  }
0x2f: {  	lr =	sadd.s32 s0, s3;
	s0 =	sld [smem:$0x3FAA]  }
0x30: {  	s3 =	sld [smem:$0x3FAD]  }
0x31: {  	[smem:$0x3FB6] =	sst s10  }
0x32: {  	s10 =	sld [smem:$0x3FB4];
	_ =	sdelay $0x3  }
0x33: {  	p0 =	seq.s32 s10, $0x1;
	s10 =	sld [smem:$0x3FB6];
	_ =	sdelay $0x3  }
0x34: {  	[smem:$0x3FB6] =	sst s10  }
0x35: {  	s10 =	sld [smem:$0x3FB5];
	_ =	sdelay $0x3  }
0x36: {  	p1 =	seq.s32 s10, $0x1;
	s10 =	sld [smem:$0x3FB6];
	_ =	sdelay $0x3  }
0x37: {  	[smem:$0x3FB6] =	sst s10  }
0x38: {  	s10 =	sld [smem:$0x3FB7]  }
0x39: {  	_ = 	snop;
	(pc) =	sbr.ind lr, $3  }
0x3a: {  	_ = 	snop  }
0x3b: {  	_ = 	snop  }
0x3c: {  	p2 =	seq.s32 s10, $0x1;
	s10 =	sld [smem:$0x3FB6]  }
0x3d: {  	_ =	shalt  }
0x3e: {  	_ =	shalt  }
0x3f: {  	_ =	shalt  }
0x40: {  	_ =	shalt  }
0x41: {  	_ =	shalt  }
0x42: {  	_ =	shalt  }
0x43: {  	_ =	shalt  }
0x44: {  	_ =	shalt  }
0x45: {  	_ =	shalt  }
0x46: {  	_ =	shalt  }
0x47: {  	_ =	shalt  }
0x48: {  	_ =	shalt  }
0x49: {  	_ =	shalt  }
0x4a: {  	_ =	shalt  }
0x4b: {  	_ =	shalt  }
0x4c: {  	_ =	shalt  }
0x4d: {  	_ =	shalt  }
0x4e: {  	_ =	shalt  }
0x4f: {  	_ =	shalt  }
0x50: {  	_ =	shalt  }
0x51: {  	_ =	shalt  }
0x52: {  	_ =	shalt  }
0x53: {  	_ =	shalt  }
0x54: {  	_ =	shalt  }
0x55: {  	_ =	shalt  }
0x56: {  	_ =	shalt  }
0x57: {  	_ =	shalt  }
0x58: {  	_ =	shalt  }
0x59: {  	_ =	shalt  }
0x5a: {  	_ =	shalt  }
0x5b: {  	_ =	shalt  }
0x5c: {  	_ =	shalt  }
0x5d: {  	_ =	shalt  }
0x5e: {  	_ =	shalt  }
0x5f: {  	_ =	shalt  }
0x60: {  	_ =	shalt  }
0x61: {  	_ =	shalt  }
0x62: {  	_ =	shalt  }
0x63: {  	_ =	shalt  }
0x64: {  	_ =	shalt  }
0x65: {  	_ =	shalt  }
0x66: {  	_ =	shalt  }
0x67: {  	_ =	shalt  }
0x68: {  	_ =	shalt  }
0x69: {  	_ =	shalt  }
0x6a: {  	_ =	shalt  }
0x6b: {  	_ =	shalt  }
0x6c: {  	_ =	shalt  }
0x6d: {  	_ =	shalt  }
0x6e: {  	_ =	shalt  }
0x6f: {  	_ =	shalt  }
0x70: {  	_ =	shalt  }
0x71: {  	_ =	shalt  }
0x72: {  	_ =	shalt  }
0x73: {  	_ =	shalt  }
0x74: {  	_ =	shalt  }
0x75: {  	_ =	shalt  }
0x76: {  	_ =	shalt  }
0x77: {  	_ =	shalt  }
0x78: {  	_ =	shalt  }
0x79: {  	_ =	shalt  }
0x7a: {  	_ =	shalt  }
0x7b: {  	_ =	shalt  }
0x7c: {  	_ =	shalt  }
0x7d: {  	_ =	shalt  }
0x7e: {  	_ =	shalt  }
0x7f: {  	_ =	shalt  }
0x80: {  	_ =	shalt  }
0x81: {  	_ =	shalt  }
0x82: {  	_ =	shalt  }
0x83: {  	_ =	shalt  }
0x84: {  	_ =	shalt  }
0x85: {  	_ =	shalt  }
0x86: {  	_ =	shalt  }
0x87: {  	_ =	shalt  }
.Lfunc_end0:
.L_simem_size_0:
called_computation.2_lowered:
.L_overlay_start_0:
0x88: {  	s2 =	sld [smem:$0x3FD9]  }
0x89: {  	s3 =	sld [smem:$0x3FFE];
	_ =	sdelay $0x1  }
0x8a: {  	s1 =	srdreg.scid  }
0x8b: {  	s0 =	sand.u32 $0x1, s1  }
0x8c: {  	s16 =	sshll.u32 s0, $0xA;
	s2 =	sadd.s32 s3, s2  }
0x8d: {  	s2 =	sadd.s32 s2, s16  }
0x8e: {  	[smem:$0x3FC2] =	sst s2  }
0x8f: {  	_ = 	snop  }
0x90: {  	(tm) =	ssettm $0x1  }
0x91: {  	s17 =	sld [smem:$0x3FFB];
	_ =	sdelay $0x3  }
0x92: {  	_ =	strace s17  }
0x93: {  	s2 =	sld [smem:$0x3FFC];
	_ =	sdelay $0x3  }
0x94: {  	_ =	strace s2  }
0x95: {  	s2 =	sld [smem:$0x3FFD];
	_ =	sdelay $0x3  }
0x96: {  	_ =	strace s2  }
0x97: {  	_ =	strace $0x8FFFFFFF  }
0x98: {  	s18 =	sld [smem:$0x3FDB];
	_ =	sdelay $0x1  }
0x99: {  	s19 =	simm.s32 $_scs_section_size  }
0x9a: {  	s4 =	simm.s32 $_size__tile_overlayer_lowered;
	s5 =	simm.s32 $_tile_overlayer_lowered  }
0x9b: {  	s22 =	simm.s32 $0x1BFF;
	s21 =	sshll.u32 s5, $0x1;
	s2 =	sadd.s32 s19, s18  }
0x9c: {  	s6 =	simm.s32 $0x0;
	s20 =	sshll.u32 s4, $0x1;
	s4 =	sadd.s32 s21, s2  }
0x9d: {  	[timem:s6], [sflag:s22] =	dma.local [hbm:s4], s20  }
0x9e: {  	_ =	swait.ge [sflag:s22], s20  }
0x9f: {  	s3 =	ssub.s32 $0x0, s20;
	[sflag:s22] =	ssyncset.done $0x0  }
0xa0: {  	[sflag:s22] =	ssyncadd.s32 s3;
	_ =	sdelay $0x1  }
0xa1: {  	s23 =	simm.s32 $0x1B8B  }
0xa2: {  	_ =	swait.ge [sflag:s23], $0x1  }
0xa3: {  	[sflag:s23] =	ssyncset.done $0x0  }
0xa4: {  	s25 =	simm.s32 $0x1B8E;
	s24 =	sld [smem:$0x3FFE];
	[sflag:s23] =	ssyncadd.s32 $0xFFFFFFFF  }
0xa5: {  	s26 =	simm.s32 $execute0_lowered;
	[smem:$0x3FD2] =	sst s25  }
0xa6: {  	s4 =	sshll.u32 s26, $0x1;
	_ =	strace $0x8000004C;
	[dreg:$0x1] =	wrdreg $0xFFFFFFFF  }
0xa7: {  	s28 =	simm.s32 $_size_execute0_lowered;
	s2 =	sadd.s32 s2, s4;
	[dreg:$0x0] =	wrdreg $0x0  }
0xa8: {  	s4 =	sshll.u32 s28, $0x1;
	[dreg:$0x2] =	wrdreg s2  }
0xa9: {  	[dreg:$0x3] =	wrdreg s4  }
0xaa: {  	[dreg:$0x4] =	wrdreg $0xC0  }
0xab: {  	_ =	task [dreg:s6], $0x5FFFF  }
0xac: {  	[dreg:$0x1] =	wrdreg $0xFFFFFFFF  }
0xad: {  	[dreg:$0x0] =	wrdreg $0x60  }
0xae: {  	[dreg:$0x2] =	wrdreg s24  }
0xaf: {  	[dreg:$0x3] =	wrdreg $0x150000  }
0xb0: {  	[dreg:$0x4] =	wrdreg $0x9  }
0xb1: {  	_ =	task.clear_ibuf [dreg:s6], $0x5FFFF;
	_ =	strace $0x9000004C  }
0xb2: {  	s29 =	simm.s32 $0x9;
	_ =	strace $0x8000004E  }
0xb3: {  	_ =	swait.ge [sflag:s29], $0x1  }
0xb4: {  	[sflag:s29] =	ssyncadd.s32 $0xFFFFFFFF  }
0xb5: {  	_ =	strace $0x9000004E  }
0xb6: {  	_ =	sfence  }
0xb7: {  	s30 =	sld [smem:$0x0];
	_ =	sdelay $0x2  }
0xb8: {  	s31 =	sshll.u32 s1, $0xD;
	s1 =	sshrl.u32 s1, $0x2  }
0xb9: {  	s3 =	sand.u32 $0x4000, s31;
	s1 =	sadd.s32 s1, s30  }
0xba: {  	s0 =	sor.u32 s3, s0;
	s1 =	sshll.u32 s1, $0x11  }
0xbb: {  	s0 =	sor.u32 s1, s0  }
0xbc: {  	s0 =	sadd.s32 $0x8F2B, s0  }
0xbd: {  	[sflag:s0] =	ssyncadd.remote.s32 $0x1  }
0xbe: {  	_ =	sfence.sel $0xFFFF  }
0xbf: {  	[dreg:$0x0] =	wrdreg $0xFFFFFFFF;
	(pc) =	sbr.abs _section_cstart, $3  }
0xc0: {  	[dreg:$0x1] =	wrdreg $0xFFFFFFFF  }
0xc1: {  	_ =	task.clear_ibuf [dreg:s6], $0x2FFFF;
	_ =	strace $0x9FFFFFFF  }
0xc2: {  	(tm) =	ssettm $0x7FFFFFFF  }
0xc3: {  	_ =	shalt  }
tec
execute0_lowered:
.L_overlay_start_1:
0x0: {  	(tag) =	ssettag $0x1  }
0x1: {  	s0 =	rddreg [dreg:$0x0]  }
0x2: {  	s2 =	rddreg [dreg:$0x1];
	s4 =	srdreg.scid  }
0x3: {  	s1 =	stileid.u32;
	s3 =	simm.s32 $0x0;
	s25 =	simm.s32 $0x2  }
0x4: {  	s28 =	simm.s32 $0x200;
	s29 =	simm.s32 $0x5000;
	s30 =	simm.s32 $0x1  }
0x5: {  	s5 =	sand.u32 $0x1, s4;
	s6 =	smul.u32 $0x280, s1;
	[smem:$0x7FF] =	sst s3  }
0x6: {  	s4 =	sadd.s32 $0x6E600, s0;
	s17 =	sadd.s32 $0x2400, s0;
	s26 =	smul.u32 $0x50000, s1  }
0x7: {  	s18 =	sadd.s32 $0x16400, s0;
	s13 =	smul.u32 $0x2800, s1;
	p0 =	sgt.u32 s1, $0x7  }
0x8: {  	s7 =	smul.u32 $0x2800, s5;
	_ =	strace $0x8000004D;
	s8 =	ssub.s32 $0x2, s5  }
0x9: {  	s15 =	smul.u32 $0x50000, s5;
	s31 =	sshrl.u32 s8, $0x1;
	s11 =	sshrl.u32 s13, $0x3  }
0xa: {  	s16 =	sadd.s32 $0x28000, s13;
	s6 =	sadd.s32 s6, s7;
	s7 =	sshrl.u32 s26, $0x2  }
0xb: {  	s24 =	ssub.s32 s8, s31;
	s9 =	sadd.s32 s13, s15;
	s11 =	sadd.s32 s18, s11  }
0xc: {  	s19 =	sadd.s32 s15, s16;
	s20 =	sshrl.u32 s16, $0x3;
	s26 =	simm.s32 $0x2800  }
0xd: {  	s6 =	sshll.u32 s6, $0x4;
	s5 =	sadd.s32 s7, s2;
	s10 =	sshrl.u32 s9, $0x3  }
0xe: {  	s19 =	sshrl.u32 s19, $0x3;
	s18 =	sadd.s32 s18, s20;
	s24 =	smax.u32 s24, $0x1  }
0xf: {  	s0 =	sadd.s32 s6, s0;
	s6 =	sadd.s32 $0x4000, s5;
	s7 =	sadd.s32 $0x8000, s5  }
0x10: {  	s8 =	sadd.s32 $0xC000, s5;
	s9 =	sadd.s32 $0x10000, s5;
	s10 =	sadd.s32 s17, s10  }
0x11: {  	s17 =	sadd.s32 s17, s19;
	[dreg:$0x3] =	wrdreg s10;
	s12 =	sadd.s32 $0xBE600, s0  }
0x12: {  	s13 =	sadd.s32 $0xBEE00, s0;
	s14 =	sadd.s32 $0xBF600, s0;
	s15 =	sadd.s32 $0xBFE00, s0  }
0x13: {  	s16 =	sadd.s32 $0xC0600, s0;
	s19 =	sadd.s32 $0xD2600, s0;
	s20 =	sadd.s32 $0xD2E00, s0  }
0x14: {  	v0 =	vimm.f32 $0.0e+00;
	s21 =	sadd.s32 $0xD3600, s0;
	s22 =	sadd.s32 $0xD3E00, s0;
	s23 =	sadd.s32 $0xD4600, s0  }
.LBB2_1:
0x15: {  	s31 =	simm.s32 $0x0;
	s0 =	simm.s32 $0x200  }
.LBB2_2:
0x16: {  	p1 =	sne.s32 s0, $0xFE00;
	[tilespmem:s31+$0x5070] =	vst v0  }
0x17: {  	[tilespmem:s31+$0x5000] =	vst v0  }
0x18: {  	[tilespmem:s31+$0x5010] =	vst v0  }
.Ltmp0:
0x19: {  	[tilespmem:s31+$0x5020] =	vst v0;
	(pc) =	sbr.rel @p1 .LBB2_2-.Ltmp0, $4  }
0x1a: {  	[tilespmem:s31+$0x5030] =	vst v0  }
0x1b: {  	[tilespmem:s31+$0x5040] =	vst v0  }
0x1c: {  	[tilespmem:s31+$0x5050] =	vst v0  }
0x1d: {  	[tilespmem:s31+$0x5060] =	vst v0;
	s31 =	sshra.s32 s0, $0x2;
	s0 =	sadd.s32 $0x200, s0  }
0x1e: {  	[tilespmem:s31+$0x5070] =	vst v0  }
0x1f: {  	[tilespmem:s31+$0x5000] =	vst v0  }
0x20: {  	[tilespmem:s31+$0x5010] =	vst v0  }
0x21: {  	[tilespmem:s31+$0x5020] =	vst v0  }
0x22: {  	[tilespmem:s31+$0x5030] =	vst v0  }
0x23: {  	[tilespmem:s31+$0x5040] =	vst v0  }
0x24: {  	[tilespmem:s31+$0x5050] =	vst v0  }
0x25: {  	[tilespmem:s31+$0x5060] =	vst v0;
	s0 =	simm.s32 @!p0 $0x5000;
	s31 =	simm.s32 @!p0 $0x2  }
0x26: {  	[spmem:s5] =	stream.linear.scatter @!p0 [tilespmem:s0], [sflag:$0x2], $0x4000, $0x38;
	[tilespmem:$0x1F000] =	vst v63  }
0x27: {  	_ =	swait.ge @!p0 [sflag:s31], $0x4000  }
0x28: {  	[sflag:s31] =	ssyncset.done @!p0 $0x0  }
0x29: {  	[sflag:s31] =	ssyncadd.s32 @!p0 $0xFFFFC000  }
0x2a: {  	[spmem:s6] =	stream.linear.scatter @!p0 [tilespmem:s0], [sflag:$0x2], $0x4000, $0x38;
	[tilespmem:$0x1F000] =	vst v63  }
0x2b: {  	_ =	swait.ge @!p0 [sflag:s31], $0x4000  }
0x2c: {  	[sflag:s31] =	ssyncset.done @!p0 $0x0  }
0x2d: {  	[sflag:s31] =	ssyncadd.s32 @!p0 $0xFFFFC000  }
0x2e: {  	[spmem:s7] =	stream.linear.scatter @!p0 [tilespmem:s0], [sflag:$0x2], $0x4000, $0x38;
	[tilespmem:$0x1F000] =	vst v63  }
0x2f: {  	_ =	swait.ge @!p0 [sflag:s31], $0x4000  }
0x30: {  	[sflag:s31] =	ssyncset.done @!p0 $0x0  }
0x31: {  	[sflag:s31] =	ssyncadd.s32 @!p0 $0xFFFFC000  }
0x32: {  	[spmem:s8] =	stream.linear.scatter @!p0 [tilespmem:s0], [sflag:$0x2], $0x4000, $0x38;
	[tilespmem:$0x1F000] =	vst v63  }
0x33: {  	_ =	swait.ge @!p0 [sflag:s31], $0x4000  }
0x34: {  	[sflag:s31] =	ssyncset.done @!p0 $0x0  }
0x35: {  	[sflag:s31] =	ssyncadd.s32 @!p0 $0xFFFFC000  }
0x36: {  	[spmem:s9] =	stream.linear.scatter @!p0 [tilespmem:s0], [sflag:$0x2], $0x4000, $0x38;
	[tilespmem:$0x1F000] =	vst v63  }
0x37: {  	_ =	swait.ge @!p0 [sflag:s31], $0x4000  }
0x38: {  	[sflag:s31] =	ssyncset.done @!p0 $0x0  }
0x39: {  	s10 =	simm.s32 $0x0;
	s1 =	rddreg [dreg:$0x3];
	[sflag:s31] =	ssyncadd.s32 @!p0 $0xFFFFC000  }
0x3a: {  	[tilespmem:s10], [sflag:$0x2] =	stream.linear.gather [hbm4b:s1+s10], $0x2800, $0x38;
	[tilespmem:$0x1F000] =	vst v63  }
0x3b: {  	_ =	swait.ge [sflag:s25], $0x2800  }
0x3c: {  	[sflag:s25] =	ssyncset.done $0x0  }
0x3d: {  	[sflag:s25] =	ssyncadd.s32 $0xFFFFD800  }
0x3e: {  	[tilespmem:s26], [sflag:$0x2] =	stream.linear.gather [hbm4b:s11+s10], $0x2800, $0x38;
	[tilespmem:$0x1F000] =	vst v63  }
0x3f: {  	_ =	swait.ge [sflag:s25], $0x2800  }
0x40: {  	[sflag:s25] =	ssyncset.done $0x0  }
0x41: {  	[sflag:s25] =	ssyncadd.s32 $0xFFFFD800  }
0x42: {  	s1 =	simm.s32 $0x0;
	[bflag:$0x0] =	sbarrier.arrive $0xFFFF  }
0x43: {  	[tilespmem:s29], [sflag:$0x1] =	stream.indirect.gather [hbm4b:s4+s28], $0x80, s1, s28, $0xb8;
	[tilespmem:$0x1F000] =	vst v63  }
0x44: {  	_ =	swait.ge [sflag:s30], $0x10000  }
0x45: {  	[sflag:s30] =	ssyncset.done $0x0  }
0x46: {  	s10 =	simm.s32 $0x2800;
	[sflag:s30] =	ssyncadd.s32 $0xFFFF0000  }
0x47: {  	[spmem:s2] =	stream.indirect.scatter.add.f32 [tilespmem:s29], [sflag:$0x2], $0x80, s10, s28, $0xb8;
	[tilespmem:$0x1F000] =	vst v63  }
0x48: {  	_ =	swait.ge [sflag:s25], $0x10000  }
0x49: {  	s0 =	simm.s32 $0x1000;
	s31 =	simm.s32 $0x800;
	[sflag:s25] =	ssyncset.done $0x0  }
.LBB2_4:
0x4a: {  	s1 =	sshra.s32 s31, $0x2  }
0x4b: {  	[sflag:s25] =	ssyncadd.s32 $0xFFFF0000;
	s31 =	smov.u32 s0;
	s10 =	sadd.s32 $0x800, s0  }
0x4c: {  	[tilespmem:s29], [sflag:$0x1] =	stream.indirect.gather [hbm4b:s4+s28], $0x80, s1, s28, $0xb8;
	[tilespmem:$0x1F000] =	vst v63  }
0x4d: {  	p1 =	sne.s32 s0, $0x9800;
	_ =	swait.ge [sflag:s30], $0x10000  }
.Ltmp1:
0x4e: {  	[sflag:s30] =	ssyncset.done $0x0;
	(pc) =	sbr.rel @p1 .LBB2_4-.Ltmp1, $4  }
0x4f: {  	s0 =	sadd.s32 $0x2800, s1;
	[sflag:s30] =	ssyncadd.s32 $0xFFFF0000  }
0x50: {  	[spmem:s2] =	stream.indirect.scatter.add.f32 [tilespmem:s29], [sflag:$0x2], $0x80, s0, s28, $0xb8;
	[tilespmem:$0x1F000] =	vst v63  }
0x51: {  	_ =	swait.ge [sflag:s25], $0x10000  }
0x52: {  	s0 =	smov.u32 s10;
	[sflag:s25] =	ssyncset.done $0x0  }
0x53: {  	s0 =	sshra.s32 s31, $0x2;
	[sflag:s25] =	ssyncadd.s32 $0xFFFF0000  }
0x54: {  	[tilespmem:s29], [sflag:$0x1] =	stream.indirect.gather [hbm4b:s4+s28], $0x80, s0, s28, $0xb8;
	[tilespmem:$0x1F000] =	vst v63  }
0x55: {  	_ =	swait.ge [sflag:s30], $0x10000  }
0x56: {  	[sflag:s30] =	ssyncset.done $0x0  }
0x57: {  	s0 =	sadd.s32 $0x2800, s0;
	[sflag:s30] =	ssyncadd.s32 $0xFFFF0000  }
0x58: {  	[spmem:s2] =	stream.indirect.scatter.add.f32 [tilespmem:s29], [sflag:$0x2], $0x80, s0, s28, $0xb8;
	[tilespmem:$0x1F000] =	vst v63  }
0x59: {  	_ =	swait.ge [sflag:s25], $0x10000  }
0x5a: {  	[sflag:s25] =	ssyncset.done $0x0  }
0x5b: {  	[sflag:s25] =	ssyncadd.s32 $0xFFFF0000  }
0x5c: {  	s1 =	simm.s32 @!p0 $0x2;
	s0 =	simm.s32 @!p0 $0x5000;
	[bflag:$0x0] =	sbarrier.arrive $0xFFFF  }
0x5d: {  	[tilespmem:s0], [sflag:$0x2] =	stream.linear.gather @!p0 [spmem:s5], $0x4000, $0x38;
	[tilespmem:$0x1F000] =	vst v63  }
0x5e: {  	_ =	swait.ge @!p0 [sflag:s1], $0x4000  }
0x5f: {  	[sflag:s1] =	ssyncset.done @!p0 $0x0  }
0x60: {  	s10 =	simm.s32 @!p0 $0x0;
	[sflag:s1] =	ssyncadd.s32 @!p0 $0xFFFFC000  }
0x61: {  	[hbm4b:s12+s10] =	stream.linear.scatter @!p0 [tilespmem:s0], [sflag:$0x2], $0x4000, $0x38;
	[tilespmem:$0x1F000] =	vst v63  }
0x62: {  	_ =	swait.ge @!p0 [sflag:s1], $0x4000  }
0x63: {  	[sflag:s1] =	ssyncset.done @!p0 $0x0  }
0x64: {  	[sflag:s1] =	ssyncadd.s32 @!p0 $0xFFFFC000  }
0x65: {  	[tilespmem:s0], [sflag:$0x2] =	stream.linear.gather @!p0 [spmem:s6], $0x4000, $0x38;
	[tilespmem:$0x1F000] =	vst v63  }
0x66: {  	_ =	swait.ge @!p0 [sflag:s1], $0x4000  }
0x67: {  	[sflag:s1] =	ssyncset.done @!p0 $0x0  }
0x68: {  	[sflag:s1] =	ssyncadd.s32 @!p0 $0xFFFFC000  }
0x69: {  	[hbm4b:s13+s10] =	stream.linear.scatter @!p0 [tilespmem:s0], [sflag:$0x2], $0x4000, $0x38;
	[tilespmem:$0x1F000] =	vst v63  }
0x6a: {  	_ =	swait.ge @!p0 [sflag:s1], $0x4000  }
0x6b: {  	[sflag:s1] =	ssyncset.done @!p0 $0x0  }
0x6c: {  	[sflag:s1] =	ssyncadd.s32 @!p0 $0xFFFFC000  }
0x6d: {  	[tilespmem:s0], [sflag:$0x2] =	stream.linear.gather @!p0 [spmem:s7], $0x4000, $0x38;
	[tilespmem:$0x1F000] =	vst v63  }
0x6e: {  	_ =	swait.ge @!p0 [sflag:s1], $0x4000  }
0x6f: {  	[sflag:s1] =	ssyncset.done @!p0 $0x0  }
0x70: {  	[sflag:s1] =	ssyncadd.s32 @!p0 $0xFFFFC000  }
0x71: {  	[hbm4b:s14+s10] =	stream.linear.scatter @!p0 [tilespmem:s0], [sflag:$0x2], $0x4000, $0x38;
	[tilespmem:$0x1F000] =	vst v63  }
0x72: {  	_ =	swait.ge @!p0 [sflag:s1], $0x4000  }
0x73: {  	[sflag:s1] =	ssyncset.done @!p0 $0x0  }
0x74: {  	[sflag:s1] =	ssyncadd.s32 @!p0 $0xFFFFC000  }
0x75: {  	[tilespmem:s0], [sflag:$0x2] =	stream.linear.gather @!p0 [spmem:s8], $0x4000, $0x38;
	[tilespmem:$0x1F000] =	vst v63  }
0x76: {  	_ =	swait.ge @!p0 [sflag:s1], $0x4000  }
0x77: {  	[sflag:s1] =	ssyncset.done @!p0 $0x0  }
0x78: {  	[sflag:s1] =	ssyncadd.s32 @!p0 $0xFFFFC000  }
0x79: {  	[hbm4b:s15+s10] =	stream.linear.scatter @!p0 [tilespmem:s0], [sflag:$0x2], $0x4000, $0x38;
	[tilespmem:$0x1F000] =	vst v63  }
0x7a: {  	_ =	swait.ge @!p0 [sflag:s1], $0x4000  }
0x7b: {  	[sflag:s1] =	ssyncset.done @!p0 $0x0  }
0x7c: {  	[sflag:s1] =	ssyncadd.s32 @!p0 $0xFFFFC000  }
0x7d: {  	[tilespmem:s0], [sflag:$0x2] =	stream.linear.gather @!p0 [spmem:s9], $0x4000, $0x38;
	[tilespmem:$0x1F000] =	vst v63  }
0x7e: {  	_ =	swait.ge @!p0 [sflag:s1], $0x4000  }
0x7f: {  	[sflag:s1] =	ssyncset.done @!p0 $0x0  }
0x80: {  	[sflag:s1] =	ssyncadd.s32 @!p0 $0xFFFFC000  }
0x81: {  	[hbm4b:s16+s10] =	stream.linear.scatter @!p0 [tilespmem:s0], [sflag:$0x2], $0x4000, $0x38;
	[tilespmem:$0x1F000] =	vst v63  }
0x82: {  	_ =	swait.ge @!p0 [sflag:s1], $0x4000  }
0x83: {  	[sflag:s1] =	ssyncset.done @!p0 $0x0  }
0x84: {  	s31 =	simm.s32 $0x0;
	s0 =	simm.s32 $0x200;
	[sflag:s1] =	ssyncadd.s32 @!p0 $0xFFFFC000  }
.LBB2_6:
0x85: {  	p1 =	sne.s32 s0, $0xFE00;
	[tilespmem:s31+$0x5070] =	vst v0  }
0x86: {  	[tilespmem:s31+$0x5000] =	vst v0  }
0x87: {  	[tilespmem:s31+$0x5010] =	vst v0  }
.Ltmp2:
0x88: {  	[tilespmem:s31+$0x5020] =	vst v0;
	(pc) =	sbr.rel @p1 .LBB2_6-.Ltmp2, $4  }
0x89: {  	[tilespmem:s31+$0x5030] =	vst v0  }
0x8a: {  	[tilespmem:s31+$0x5040] =	vst v0  }
0x8b: {  	[tilespmem:s31+$0x5050] =	vst v0  }
0x8c: {  	[tilespmem:s31+$0x5060] =	vst v0;
	s31 =	sshra.s32 s0, $0x2;
	s0 =	sadd.s32 $0x200, s0  }
0x8d: {  	[tilespmem:s31+$0x5070] =	vst v0  }
0x8e: {  	[tilespmem:s31+$0x5000] =	vst v0  }
0x8f: {  	[tilespmem:s31+$0x5010] =	vst v0  }
0x90: {  	[tilespmem:s31+$0x5020] =	vst v0  }
0x91: {  	[tilespmem:s31+$0x5030] =	vst v0  }
0x92: {  	[tilespmem:s31+$0x5040] =	vst v0  }
0x93: {  	[tilespmem:s31+$0x5050] =	vst v0  }
0x94: {  	[tilespmem:s31+$0x5060] =	vst v0  }
0x95: {  	s0 =	simm.s32 @!p0 $0x5000;
	s1 =	simm.s32 @!p0 $0x2;
	[bflag:$0x0] =	sbarrier.arrive $0xFFFF  }
0x96: {  	[spmem:s5] =	stream.linear.scatter @!p0 [tilespmem:s0], [sflag:$0x2], $0x4000, $0x38;
	[tilespmem:$0x1F000] =	vst v63  }
0x97: {  	_ =	swait.ge @!p0 [sflag:s1], $0x4000  }
0x98: {  	[sflag:s1] =	ssyncset.done @!p0 $0x0  }
0x99: {  	[sflag:s1] =	ssyncadd.s32 @!p0 $0xFFFFC000  }
0x9a: {  	[spmem:s6] =	stream.linear.scatter @!p0 [tilespmem:s0], [sflag:$0x2], $0x4000, $0x38;
	[tilespmem:$0x1F000] =	vst v63  }
0x9b: {  	_ =	swait.ge @!p0 [sflag:s1], $0x4000  }
0x9c: {  	[sflag:s1] =	ssyncset.done @!p0 $0x0  }
0x9d: {  	[sflag:s1] =	ssyncadd.s32 @!p0 $0xFFFFC000  }
0x9e: {  	[spmem:s7] =	stream.linear.scatter @!p0 [tilespmem:s0], [sflag:$0x2], $0x4000, $0x38;
	[tilespmem:$0x1F000] =	vst v63  }
0x9f: {  	_ =	swait.ge @!p0 [sflag:s1], $0x4000  }
0xa0: {  	[sflag:s1] =	ssyncset.done @!p0 $0x0  }
0xa1: {  	[sflag:s1] =	ssyncadd.s32 @!p0 $0xFFFFC000  }
0xa2: {  	[spmem:s8] =	stream.linear.scatter @!p0 [tilespmem:s0], [sflag:$0x2], $0x4000, $0x38;
	[tilespmem:$0x1F000] =	vst v63  }
0xa3: {  	_ =	swait.ge @!p0 [sflag:s1], $0x4000  }
0xa4: {  	[sflag:s1] =	ssyncset.done @!p0 $0x0  }
0xa5: {  	[sflag:s1] =	ssyncadd.s32 @!p0 $0xFFFFC000  }
0xa6: {  	[spmem:s9] =	stream.linear.scatter @!p0 [tilespmem:s0], [sflag:$0x2], $0x4000, $0x38;
	[tilespmem:$0x1F000] =	vst v63  }
0xa7: {  	_ =	swait.ge @!p0 [sflag:s1], $0x4000  }
0xa8: {  	[sflag:s1] =	ssyncset.done @!p0 $0x0  }
0xa9: {  	s10 =	simm.s32 $0x0;
	[sflag:s1] =	ssyncadd.s32 @!p0 $0xFFFFC000  }
0xaa: {  	[tilespmem:s10], [sflag:$0x2] =	stream.linear.gather [hbm4b:s17+s10], $0x2800, $0x38;
	[tilespmem:$0x1F000] =	vst v63  }
0xab: {  	_ =	swait.ge [sflag:s25], $0x2800  }
0xac: {  	[sflag:s25] =	ssyncset.done $0x0  }
0xad: {  	[sflag:s25] =	ssyncadd.s32 $0xFFFFD800  }
0xae: {  	[tilespmem:s26], [sflag:$0x2] =	stream.linear.gather [hbm4b:s18+s10], $0x2800, $0x38;
	[tilespmem:$0x1F000] =	vst v63  }
0xaf: {  	_ =	swait.ge [sflag:s25], $0x2800  }
0xb0: {  	[sflag:s25] =	ssyncset.done $0x0  }
0xb1: {  	[sflag:s25] =	ssyncadd.s32 $0xFFFFD800  }
0xb2: {  	s1 =	simm.s32 $0x0;
	[bflag:$0x0] =	sbarrier.arrive $0xFFFF  }
0xb3: {  	[tilespmem:s29], [sflag:$0x1] =	stream.indirect.gather [hbm4b:s4+s28], $0x80, s1, s28, $0xb8;
	[tilespmem:$0x1F000] =	vst v63  }
0xb4: {  	_ =	swait.ge [sflag:s30], $0x10000  }
0xb5: {  	[sflag:s30] =	ssyncset.done $0x0  }
0xb6: {  	s10 =	simm.s32 $0x2800;
	[sflag:s30] =	ssyncadd.s32 $0xFFFF0000  }
0xb7: {  	[spmem:s2] =	stream.indirect.scatter.add.f32 [tilespmem:s29], [sflag:$0x2], $0x80, s10, s28, $0xb8;
	[tilespmem:$0x1F000] =	vst v63  }
0xb8: {  	_ =	swait.ge [sflag:s25], $0x10000  }
0xb9: {  	s31 =	simm.s32 $0x800;
	s0 =	simm.s32 $0x1000;
	[sflag:s25] =	ssyncset.done $0x0  }
.LBB2_8:
0xba: {  	s1 =	sshra.s32 s31, $0x2  }
0xbb: {  	[sflag:s25] =	ssyncadd.s32 $0xFFFF0000;
	s31 =	smov.u32 s0;
	s10 =	sadd.s32 $0x800, s0  }
0xbc: {  	[tilespmem:s29], [sflag:$0x1] =	stream.indirect.gather [hbm4b:s4+s28], $0x80, s1, s28, $0xb8;
	[tilespmem:$0x1F000] =	vst v63  }
0xbd: {  	p1 =	sne.s32 s0, $0x9800;
	_ =	swait.ge [sflag:s30], $0x10000  }
.Ltmp3:
0xbe: {  	[sflag:s30] =	ssyncset.done $0x0;
	(pc) =	sbr.rel @p1 .LBB2_8-.Ltmp3, $4  }
0xbf: {  	s0 =	sadd.s32 $0x2800, s1;
	[sflag:s30] =	ssyncadd.s32 $0xFFFF0000  }
0xc0: {  	[spmem:s2] =	stream.indirect.scatter.add.f32 [tilespmem:s29], [sflag:$0x2], $0x80, s0, s28, $0xb8;
	[tilespmem:$0x1F000] =	vst v63  }
0xc1: {  	_ =	swait.ge [sflag:s25], $0x10000  }
0xc2: {  	s0 =	smov.u32 s10;
	[sflag:s25] =	ssyncset.done $0x0  }
0xc3: {  	s0 =	sshra.s32 s31, $0x2;
	[sflag:s25] =	ssyncadd.s32 $0xFFFF0000  }
0xc4: {  	[tilespmem:s29], [sflag:$0x1] =	stream.indirect.gather [hbm4b:s4+s28], $0x80, s0, s28, $0xb8;
	[tilespmem:$0x1F000] =	vst v63  }
0xc5: {  	_ =	swait.ge [sflag:s30], $0x10000  }
0xc6: {  	[sflag:s30] =	ssyncset.done $0x0  }
0xc7: {  	s0 =	sadd.s32 $0x2800, s0;
	[sflag:s30] =	ssyncadd.s32 $0xFFFF0000  }
0xc8: {  	[spmem:s2] =	stream.indirect.scatter.add.f32 [tilespmem:s29], [sflag:$0x2], $0x80, s0, s28, $0xb8;
	[tilespmem:$0x1F000] =	vst v63  }
0xc9: {  	_ =	swait.ge [sflag:s25], $0x10000  }
0xca: {  	[sflag:s25] =	ssyncset.done $0x0  }
0xcb: {  	[sflag:s25] =	ssyncadd.s32 $0xFFFF0000  }
0xcc: {  	s1 =	simm.s32 @!p0 $0x2;
	s0 =	simm.s32 @!p0 $0x5000;
	[bflag:$0x0] =	sbarrier.arrive $0xFFFF  }
0xcd: {  	[tilespmem:s0], [sflag:$0x2] =	stream.linear.gather @!p0 [spmem:s5], $0x4000, $0x38;
	[tilespmem:$0x1F000] =	vst v63  }
0xce: {  	_ =	swait.ge @!p0 [sflag:s1], $0x4000  }
0xcf: {  	[sflag:s1] =	ssyncset.done @!p0 $0x0  }
0xd0: {  	s10 =	simm.s32 @!p0 $0x0;
	[sflag:s1] =	ssyncadd.s32 @!p0 $0xFFFFC000  }
0xd1: {  	[hbm4b:s19+s10] =	stream.linear.scatter @!p0 [tilespmem:s0], [sflag:$0x2], $0x4000, $0x38;
	[tilespmem:$0x1F000] =	vst v63  }
0xd2: {  	_ =	swait.ge @!p0 [sflag:s1], $0x4000  }
0xd3: {  	[sflag:s1] =	ssyncset.done @!p0 $0x0  }
0xd4: {  	[sflag:s1] =	ssyncadd.s32 @!p0 $0xFFFFC000  }
0xd5: {  	[tilespmem:s0], [sflag:$0x2] =	stream.linear.gather @!p0 [spmem:s6], $0x4000, $0x38;
	[tilespmem:$0x1F000] =	vst v63  }
0xd6: {  	_ =	swait.ge @!p0 [sflag:s1], $0x4000  }
0xd7: {  	[sflag:s1] =	ssyncset.done @!p0 $0x0  }
0xd8: {  	[sflag:s1] =	ssyncadd.s32 @!p0 $0xFFFFC000  }
0xd9: {  	[hbm4b:s20+s10] =	stream.linear.scatter @!p0 [tilespmem:s0], [sflag:$0x2], $0x4000, $0x38;
	[tilespmem:$0x1F000] =	vst v63  }
0xda: {  	_ =	swait.ge @!p0 [sflag:s1], $0x4000  }
0xdb: {  	[sflag:s1] =	ssyncset.done @!p0 $0x0  }
0xdc: {  	[sflag:s1] =	ssyncadd.s32 @!p0 $0xFFFFC000  }
0xdd: {  	[tilespmem:s0], [sflag:$0x2] =	stream.linear.gather @!p0 [spmem:s7], $0x4000, $0x38;
	[tilespmem:$0x1F000] =	vst v63  }
0xde: {  	_ =	swait.ge @!p0 [sflag:s1], $0x4000  }
0xdf: {  	[sflag:s1] =	ssyncset.done @!p0 $0x0  }
0xe0: {  	[sflag:s1] =	ssyncadd.s32 @!p0 $0xFFFFC000  }
0xe1: {  	[hbm4b:s21+s10] =	stream.linear.scatter @!p0 [tilespmem:s0], [sflag:$0x2], $0x4000, $0x38;
	[tilespmem:$0x1F000] =	vst v63  }
0xe2: {  	_ =	swait.ge @!p0 [sflag:s1], $0x4000  }
0xe3: {  	[sflag:s1] =	ssyncset.done @!p0 $0x0  }
0xe4: {  	[sflag:s1] =	ssyncadd.s32 @!p0 $0xFFFFC000  }
0xe5: {  	[tilespmem:s0], [sflag:$0x2] =	stream.linear.gather @!p0 [spmem:s8], $0x4000, $0x38;
	[tilespmem:$0x1F000] =	vst v63  }
0xe6: {  	_ =	swait.ge @!p0 [sflag:s1], $0x4000  }
0xe7: {  	[sflag:s1] =	ssyncset.done @!p0 $0x0  }
0xe8: {  	[sflag:s1] =	ssyncadd.s32 @!p0 $0xFFFFC000  }
0xe9: {  	[hbm4b:s22+s10] =	stream.linear.scatter @!p0 [tilespmem:s0], [sflag:$0x2], $0x4000, $0x38;
	[tilespmem:$0x1F000] =	vst v63  }
0xea: {  	_ =	swait.ge @!p0 [sflag:s1], $0x4000  }
0xeb: {  	[sflag:s1] =	ssyncset.done @!p0 $0x0  }
0xec: {  	[sflag:s1] =	ssyncadd.s32 @!p0 $0xFFFFC000  }
0xed: {  	[tilespmem:s0], [sflag:$0x2] =	stream.linear.gather @!p0 [spmem:s9], $0x4000, $0x38;
	[tilespmem:$0x1F000] =	vst v63  }
0xee: {  	s3 =	sadd.s32 $0x1, s3;
	_ =	swait.ge @!p0 [sflag:s1], $0x4000  }
0xef: {  	p1 =	sne.s32 s3, s24;
	[sflag:s1] =	ssyncset.done @!p0 $0x0  }
.Ltmp4:
0xf0: {  	[sflag:s1] =	ssyncadd.s32 @!p0 $0xFFFFC000;
	(pc) =	sbr.rel @p1 .LBB2_1-.Ltmp4, $4  }
0xf1: {  	[hbm4b:s23+s10] =	stream.linear.scatter @!p0 [tilespmem:s0], [sflag:$0x2], $0x4000, $0x38;
	[tilespmem:$0x1F000] =	vst v63  }
0xf2: {  	_ =	swait.ge @!p0 [sflag:s1], $0x4000  }
0xf3: {  	[sflag:s1] =	ssyncset.done @!p0 $0x0  }
0xf4: {  	[sflag:s1] =	ssyncadd.s32 @!p0 $0xFFFFC000  }
0xf5: {  	_ =	sfence.sel $0x180000  }
0xf6: {  	[bflag:$0x0] =	sbarrier.arrive $0xFFFF  }
0xf7: {  	_ =	strace $0x9000004D  }
0xf8: {  	s0 =	stileid.u32;
	[bflag:$0x2] =	sbarrier.arrive $0xFFFF  }
0xf9: {  	p0 =	sne.s32 s0, $0x0;
	s0 =	rddreg [dreg:$0x2]  }
0xfa: {  	s0 =	sadd.s32 @!p0 $0x100000, s0  }
0xfb: {  	[sflag:s0] =	ssyncadd.tile.s32 @!p0 $0x1;
	_ =	shalt  }
.Lfunc_end2:
_tile_overlayer_lowered:
.L_overlay_start_2:
0xfc: {  	(tag) =	ssettag $0x2  }
0xfd: {  	s0 =	rddreg [dreg:$0x0];
	s2 =	stileid.u32  }
0xfe: {  	s1 =	rddreg [dreg:$0x1];
	p0 =	sne.s32 s2, $0x0  }
0xff: {  	s3 =	rddreg [dreg:$0x2];
	[bflag:$0x3] =	sbarrier.arrive $0xFFFF;
	s2 =	simm.s32 @!p0 $0x1C02  }
0x100: {  	[timem:s3], [sflag:s2] =	dma.local @!p0 [hbm:s0], s1  }
0x101: {  	s0 =	simm.s32 @!p0 $0x2  }
0x102: {  	_ =	swait.ge @!p0 [sflag:s0], s1  }
0x103: {  	s1 =	ssub.s32 @!p0 $0x0, s1;
	[sflag:s0] =	ssyncset.done @!p0 $0x0  }
0x104: {  	[sflag:s0] =	ssyncadd.s32 @!p0 s1  }
0x105: {  	[bflag:$0x3] =	sbarrier.arrive $0xFFFF  }
0x106: {  	_ =	shalt  }

// kernel: kernel.8.cloned.1.call-start
scs
__scs_entry_jumppad:
0x0: {  	(pc) =	sbr.rel $0x88, $3  }
0x1: {  	(tag) =	ssettag $0x0;
	lr =	simm.s32 $0x1  }
0x2: {  	[smem:$0x3F9B] =	sst lr;
	_ =	strace $0xD0000000  }
0x3: {  	_ = 	snop  }
0x4: {  	_ = 	snop  }
0x5: {  	_ = 	snop  }
0x6: {  	_ = 	snop  }
0x7: {  	_ = 	snop  }
__scs_overlays_trampoline_lowered:
0x8: {  	[smem:$0x3FAA] =	sst s0  }
0x9: {  	[smem:$0x3FAB] =	sst s1  }
0xa: {  	[smem:$0x3FAC] =	sst s2  }
0xb: {  	[smem:$0x3FAD] =	sst s3  }
0xc: {  	[smem:$0x3FAE] =	sst s4  }
0xd: {  	[smem:$0x3FAF] =	sst s5  }
0xe: {  	[smem:$0x3FB0] =	sst s6  }
0xf: {  	[smem:$0x3FB1] =	sst s7  }
0x10: {  	[smem:$0x3FB2] =	sst s8  }
0x11: {  	[smem:$0x3FB3] =	sst s9;
	s0 =	simm.s32 @!p0 $0x0  }
0x12: {  	s1 =	sld [smem:$0x3F99];
	s0 =	simm.s32 @p0 $0x1  }
0x13: {  	[smem:$0x3FB4] =	sst s0;
	s0 =	simm.s32 @!p1 $0x0  }
0x14: {  	s2 =	sld [smem:$0x3F98];
	s0 =	simm.s32 @p1 $0x1  }
0x15: {  	[smem:$0x3FB5] =	sst s0;
	s0 =	simm.s32 @!p2 $0x0  }
0x16: {  	s3 =	sld [smem:$0x3FDB];
	s0 =	simm.s32 @p2 $0x1  }
0x17: {  	s4 =	simm.s32 $0x1BF5;
	[smem:$0x3FB7] =	sst s0  }
0x18: {  	s0 =	sld [smem:$0x3F9A];
	_ =	swait.ge [sflag:s4], $0x0  }
0x19: {  	s7 =	sld [smem:$0x3F9B]  }
0x1a: {  	s8 =	sadd.s32 $0xFFFFE003, lr  }
0x1b: {  	s9 =	sadd.s32 $0xFFFFFEF7, lr;
	s5 =	simm.s32 $0xFFFFFFFF;
	p2 =	slt.u32 s8, $0xFFFFF086  }
0x1c: {  	p1 =	slt.u32 s9, $0xF7A;
	s5 =	simm.s32 @!p2 $0x0  }
0x1d: {  	s5 =	simm.s32 @p1 $0x1;
	p0 =	seq.s32 s7, s2  }
0x1e: {  	s7 =	smul.u32 @!p0 $0xF7A, s2;
	p2 =	seq.s32 @!p0 s5, $0x0  }
0x1f: {  	s9 =	smul.u32 $0xF7A, s1;
	s8 =	simm.s32 @!p0 $0x1BF5;
	p2 =	por !p2, p0  }
0x20: {  	[sflag:s8] =	ssyncset.s32 @!p0 $0xFFFFF086;
	s6 =	sadd.s32 @!p0 s3, s7;
	s7 =	simm.s32 @!p0 $0x108  }
0x21: {  	s3 =	sadd.s32 s3, s9;
	s6 =	sadd.s32 @!p0 $0x88, s6;
	s7 =	simm.s32 @p2 $0x1082  }
0x22: {  	[simem:s7], [sflag:s8] =	dma.local @!p0 [hbm:s6], $0xF7A  }
0x23: {  	s9 =	sor.u32 $0xD0000000, s2;
	s6 =	simm.s32 $0x108;
	_ =	swait.ge @!p0 [sflag:s8], $0x0  }
0x24: {  	s3 =	sadd.s32 $0x88, s3;
	s6 =	simm.s32 @!p1 $0x1082;
	[sflag:s4] =	ssyncset.s32 $0xFFFFF086  }
0x25: {  	[simem:s6], [sflag:s4] =	dma.local [hbm:s3], $0xF7A  }
0x26: {  	[smem:$0x3F9B] =	sst s1;
	(tag) =	ssettag s2;
	_ =	strace s9  }
0x27: {  	s1 =	sld [smem:$0x3FAB]  }
0x28: {  	s2 =	sld [smem:$0x3FAC]  }
0x29: {  	s4 =	sld [smem:$0x3FAE]  }
0x2a: {  	p0 =	seq.s32 s5, $0x0;
	s5 =	sld [smem:$0x3FAF]  }
0x2b: {  	s6 =	sld [smem:$0x3FB0]  }
0x2c: {  	s7 =	sld [smem:$0x3FB1]  }
0x2d: {  	s3 =	simm.s32 $0x108;
	s8 =	sld [smem:$0x3FB2]  }
0x2e: {  	s3 =	simm.s32 @!p0 $0x1082;
	s9 =	sld [smem:$0x3FB3]  }
0x2f: {  	lr =	sadd.s32 s0, s3;
	s0 =	sld [smem:$0x3FAA]  }
0x30: {  	s3 =	sld [smem:$0x3FAD]  }
0x31: {  	[smem:$0x3FB6] =	sst s10  }
0x32: {  	s10 =	sld [smem:$0x3FB4];
	_ =	sdelay $0x3  }
0x33: {  	p0 =	seq.s32 s10, $0x1;
	s10 =	sld [smem:$0x3FB6];
	_ =	sdelay $0x3  }
0x34: {  	[smem:$0x3FB6] =	sst s10  }
0x35: {  	s10 =	sld [smem:$0x3FB5];
	_ =	sdelay $0x3  }
0x36: {  	p1 =	seq.s32 s10, $0x1;
	s10 =	sld [smem:$0x3FB6];
	_ =	sdelay $0x3  }
0x37: {  	[smem:$0x3FB6] =	sst s10  }
0x38: {  	s10 =	sld [smem:$0x3FB7]  }
0x39: {  	_ = 	snop;
	(pc) =	sbr.ind lr, $3  }
0x3a: {  	_ = 	snop  }
0x3b: {  	_ = 	snop  }
0x3c: {  	p2 =	seq.s32 s10, $0x1;
	s10 =	sld [smem:$0x3FB6]  }
0x3d: {  	_ =	shalt  }
0x3e: {  	_ =	shalt  }
0x3f: {  	_ =	shalt  }
0x40: {  	_ =	shalt  }
0x41: {  	_ =	shalt  }
0x42: {  	_ =	shalt  }
0x43: {  	_ =	shalt  }
0x44: {  	_ =	shalt  }
0x45: {  	_ =	shalt  }
0x46: {  	_ =	shalt  }
0x47: {  	_ =	shalt  }
0x48: {  	_ =	shalt  }
0x49: {  	_ =	shalt  }
0x4a: {  	_ =	shalt  }
0x4b: {  	_ =	shalt  }
0x4c: {  	_ =	shalt  }
0x4d: {  	_ =	shalt  }
0x4e: {  	_ =	shalt  }
0x4f: {  	_ =	shalt  }
0x50: {  	_ =	shalt  }
0x51: {  	_ =	shalt  }
0x52: {  	_ =	shalt  }
0x53: {  	_ =	shalt  }
0x54: {  	_ =	shalt  }
0x55: {  	_ =	shalt  }
0x56: {  	_ =	shalt  }
0x57: {  	_ =	shalt  }
0x58: {  	_ =	shalt  }
0x59: {  	_ =	shalt  }
0x5a: {  	_ =	shalt  }
0x5b: {  	_ =	shalt  }
0x5c: {  	_ =	shalt  }
0x5d: {  	_ =	shalt  }
0x5e: {  	_ =	shalt  }
0x5f: {  	_ =	shalt  }
0x60: {  	_ =	shalt  }
0x61: {  	_ =	shalt  }
0x62: {  	_ =	shalt  }
0x63: {  	_ =	shalt  }
0x64: {  	_ =	shalt  }
0x65: {  	_ =	shalt  }
0x66: {  	_ =	shalt  }
0x67: {  	_ =	shalt  }
0x68: {  	_ =	shalt  }
0x69: {  	_ =	shalt  }
0x6a: {  	_ =	shalt  }
0x6b: {  	_ =	shalt  }
0x6c: {  	_ =	shalt  }
0x6d: {  	_ =	shalt  }
0x6e: {  	_ =	shalt  }
0x6f: {  	_ =	shalt  }
0x70: {  	_ =	shalt  }
0x71: {  	_ =	shalt  }
0x72: {  	_ =	shalt  }
0x73: {  	_ =	shalt  }
0x74: {  	_ =	shalt  }
0x75: {  	_ =	shalt  }
0x76: {  	_ =	shalt  }
0x77: {  	_ =	shalt  }
0x78: {  	_ =	shalt  }
0x79: {  	_ =	shalt  }
0x7a: {  	_ =	shalt  }
0x7b: {  	_ =	shalt  }
0x7c: {  	_ =	shalt  }
0x7d: {  	_ =	shalt  }
0x7e: {  	_ =	shalt  }
0x7f: {  	_ =	shalt  }
0x80: {  	_ =	shalt  }
0x81: {  	_ =	shalt  }
0x82: {  	_ =	shalt  }
0x83: {  	_ =	shalt  }
0x84: {  	_ =	shalt  }
0x85: {  	_ =	shalt  }
0x86: {  	_ =	shalt  }
0x87: {  	_ =	shalt  }
.Lfunc_end0:
.L_simem_size_0:
called_computation_lowered:
.L_overlay_start_0:
0x88: {  	s2 =	sld [smem:$0x3FD9]  }
0x89: {  	s3 =	sld [smem:$0x3FFE];
	_ =	sdelay $0x1  }
0x8a: {  	s1 =	srdreg.scid  }
0x8b: {  	s0 =	sand.u32 $0x1, s1  }
0x8c: {  	s17 =	sshll.u32 s0, $0xA;
	s2 =	sadd.s32 s3, s2  }
0x8d: {  	s2 =	sadd.s32 s2, s17  }
0x8e: {  	[smem:$0x3FC2] =	sst s2  }
0x8f: {  	_ = 	snop  }
0x90: {  	s2 =	sld [smem:$0x3FD0];
	(tm) =	ssettm $0x1  }
0x91: {  	s18 =	sld [smem:$0x3FFB];
	_ =	sdelay $0x3  }
0x92: {  	_ =	strace s18  }
0x93: {  	s3 =	sld [smem:$0x3FFC];
	_ =	sdelay $0x3  }
0x94: {  	_ =	strace s3  }
0x95: {  	s3 =	sld [smem:$0x3FFD];
	_ =	sdelay $0x3  }
0x96: {  	_ =	strace s3  }
0x97: {  	_ =	strace $0x8FFFFFFF  }
0x98: {  	s19 =	sld [smem:$0x3FDB];
	_ =	sdelay $0x1  }
0x99: {  	s4 =	simm.s32 $_scs_section_size  }
0x9a: {  	s5 =	simm.s32 $_size__tile_overlayer_lowered;
	s6 =	simm.s32 $_tile_overlayer_lowered  }
0x9b: {  	s22 =	simm.s32 $0x1BFF;
	s21 =	sshll.u32 s6, $0x1;
	s3 =	sadd.s32 s4, s19  }
0x9c: {  	s7 =	simm.s32 $0x0;
	s20 =	sshll.u32 s5, $0x1;
	s5 =	sadd.s32 s21, s3  }
0x9d: {  	[timem:s7], [sflag:s22] =	dma.local [hbm:s5], s20  }
0x9e: {  	_ =	swait.ge [sflag:s22], s20  }
0x9f: {  	s4 =	ssub.s32 $0x0, s20;
	[sflag:s22] =	ssyncset.done $0x0  }
0xa0: {  	[sflag:s22] =	ssyncadd.s32 s4;
	_ =	sdelay $0x1  }
0xa1: {  	s23 =	simm.s32 $0x1B8B  }
0xa2: {  	_ =	swait.ge [sflag:s23], $0x1  }
0xa3: {  	[sflag:s23] =	ssyncset.done $0x0  }
0xa4: {  	s25 =	simm.s32 $0x1B8E;
	s24 =	sld [smem:$0x3FFE];
	[sflag:s23] =	ssyncadd.s32 $0xFFFFFFFF  }
0xa5: {  	s26 =	simm.s32 $execute0_lowered;
	[smem:$0x3FD2] =	sst s25  }
0xa6: {  	s5 =	sshll.u32 s26, $0x1;
	_ =	strace $0x80000046;
	[dreg:$0x1] =	wrdreg $0xFFFFFFFF  }
0xa7: {  	s28 =	simm.s32 $_size_execute0_lowered;
	s3 =	sadd.s32 s3, s5;
	[dreg:$0x0] =	wrdreg $0x0  }
0xa8: {  	s5 =	sshll.u32 s28, $0x1;
	[dreg:$0x2] =	wrdreg s3  }
0xa9: {  	[dreg:$0x3] =	wrdreg s5  }
0xaa: {  	[dreg:$0x4] =	wrdreg $0xC0  }
0xab: {  	_ =	task [dreg:s7], $0x5FFFF  }
0xac: {  	[dreg:$0x1] =	wrdreg $0xFFFFFFFF  }
0xad: {  	[dreg:$0x0] =	wrdreg $0x60  }
0xae: {  	[dreg:$0x2] =	wrdreg s2  }
0xaf: {  	[dreg:$0x3] =	wrdreg s24  }
0xb0: {  	[dreg:$0x4] =	wrdreg $0x2A800  }
0xb1: {  	[dreg:$0x5] =	wrdreg $0x9  }
0xb2: {  	_ =	task.clear_ibuf [dreg:s7], $0x6FFFF;
	_ =	strace $0x90000046  }
0xb3: {  	s29 =	simm.s32 $0x9;
	_ =	strace $0x80000048  }
0xb4: {  	_ =	swait.ge [sflag:s29], $0x1  }
0xb5: {  	[sflag:s29] =	ssyncadd.s32 $0xFFFFFFFF  }
0xb6: {  	_ =	strace $0x90000048  }
0xb7: {  	_ =	sfence  }
0xb8: {  	s30 =	sld [smem:$0x0];
	_ =	sdelay $0x2  }
0xb9: {  	s31 =	sshll.u32 s1, $0xD;
	s1 =	sshrl.u32 s1, $0x2  }
0xba: {  	s3 =	sand.u32 $0x4000, s31;
	s1 =	sadd.s32 s1, s30  }
0xbb: {  	s0 =	sor.u32 s3, s0;
	s1 =	sshll.u32 s1, $0x11  }
0xbc: {  	s0 =	sor.u32 s1, s0  }
0xbd: {  	s0 =	sadd.s32 $0x8F2B, s0  }
0xbe: {  	[sflag:s0] =	ssyncadd.remote.s32 $0x1  }
0xbf: {  	_ =	sfence.sel $0xFFFF  }
0xc0: {  	[dreg:$0x0] =	wrdreg $0xFFFFFFFF;
	(pc) =	sbr.abs _section_cstart, $3  }
0xc1: {  	[dreg:$0x1] =	wrdreg $0xFFFFFFFF  }
0xc2: {  	_ =	task.clear_ibuf [dreg:s7], $0x2FFFF;
	_ =	strace $0x9FFFFFFF  }
0xc3: {  	(tm) =	ssettm $0x7FFFFFFF  }
tec
execute0_lowered:
.L_overlay_start_1:
0x0: {  	(tag) =	ssettag $0x1  }
0x1: {  	s10 =	rddreg [dreg:$0x0]  }
0x2: {  	s11 =	rddreg [dreg:$0x1]  }
0x3: {  	s1 =	rddreg [dreg:$0x2]  }
0x4: {  	s0 =	rddreg [dreg:$0x3];
	s2 =	simm.s32 $0x0  }
0x5: {  	s6 =	simm.s32 $0x2800;
	[smem:$0x7FF] =	sst s2  }
0x6: {  	s5 =	simm.s32 $0x1;
	s3 =	sadd.s32 $0x1600, s11;
	_ =	strace $0x80000047  }
0x7: {  	[tilespmem:s6], [sflag:$0x1] =	stream.linear.gather [hbm4b:s3+s2], $0x280, $0x38;
	[tilespmem:$0x2D00] =	vst v63  }
0x8: {  	_ =	swait.ge [sflag:s5], $0x280  }
0x9: {  	s9 =	srdreg.scid;
	s4 =	stileid.u32;
	[sflag:s5] =	ssyncset.done $0x0  }
0xa: {  	s8 =	simm.s32 $0x1400;
	s7 =	sadd.s32 $0x1650, s11;
	[sflag:s5] =	ssyncadd.s32 $0xFFFFFD80  }
0xb: {  	[tilespmem:s8], [sflag:$0x1] =	stream.linear.gather [hbm4b:s7+s2], $0x1400, $0x38;
	[tilespmem:$0x2D00] =	vst v63  }
0xc: {  	s12 =	sand.u32 $0x1, s9;
	s13 =	smul.u32 $0x280, s4;
	_ =	swait.ge [sflag:s5], $0x1400  }
0xd: {  	s14 =	sshll.u32 s12, $0x4;
	[sflag:s5] =	ssyncset.done $0x0  }
0xe: {  	s9 =	sadd.s32 s13, s1;
	s14 =	sor.u32 s4, s14;
	[sflag:s5] =	ssyncadd.s32 $0xFFFFEC00  }
0xf: {  	[spmem:s9] =	stream.linear.scatter [tilespmem:s6], [sflag:$0x1], $0x280, $0x38;
	[tilespmem:$0x2D00] =	vst v63  }
0x10: {  	s14 =	smul.u32 $0x280, s14;
	_ =	swait.ge [sflag:s5], $0x280  }
0x11: {  	[sflag:s5] =	ssyncset.done $0x0  }
0x12: {  	s10 =	sadd.s32 s10, s14;
	[sflag:s5] =	ssyncadd.s32 $0xFFFFFD80  }
0x13: {  	[tilespmem:s2], [sflag:$0x1] =	stream.linear.gather [hbm4b:s10+s2], $0x1400, $0x38;
	[tilespmem:$0x2D00] =	vst v63  }
0x14: {  	_ =	swait.ge [sflag:s5], $0x1400  }
0x15: {  	[sflag:s5] =	ssyncset.done $0x0  }
0x16: {  	[sflag:s5] =	ssyncadd.s32 $0xFFFFEC00  }
0x17: {  	[bflag:$0x0] =	sbarrier.arrive $0xFFFF  }
0x18: {  	[spmem:s1] =	stream.indirect.scatter.add.f32 [tilespmem:s8], [sflag:$0x1], $0x1, s2, s8, $0xb8;
	[tilespmem:$0x2D00] =	vst v63  }
0x19: {  	s30 =	smul.u32 $0x2800, s12;
	s12 =	ssub.s32 $0x2, s12;
	_ =	swait.ge [sflag:s5], $0x1400  }
0x1a: {  	s31 =	sshrl.u32 s12, $0x1;
	[sflag:s5] =	ssyncset.done $0x0  }
0x1b: {  	s12 =	ssub.s32 s12, s31;
	[sflag:s5] =	ssyncadd.s32 $0xFFFFEC00  }
0x1c: {  	s13 =	sadd.s32 s13, s30;
	s12 =	smax.u32 s12, $0x1;
	[bflag:$0x0] =	sbarrier.arrive $0xFFFF  }
0x1d: {  	[tilespmem:s6], [sflag:$0x1] =	stream.linear.gather [spmem:s9], $0x280, $0x38;
	[tilespmem:$0x2D00] =	vst v63  }
0x1e: {  	s13 =	sshrl.u32 s13, $0x3;
	p0 =	sne.s32 s12, $0x1;
	_ =	swait.ge [sflag:s5], $0x280  }
.Ltmp0:
0x1f: {  	s11 =	sadd.s32 s13, s11;
	[sflag:s5] =	ssyncset.done $0x0;
	(pc) =	sbr.rel @!p0 .LBB2_2-.Ltmp0, $4  }
0x20: {  	s11 =	sadd.s32 $0x1A00, s11;
	[sflag:s5] =	ssyncadd.s32 $0xFFFFFD80  }
0x21: {  	[hbm4b:s11+s2] =	stream.linear.scatter [tilespmem:s6], [sflag:$0x1], $0x280, $0x38;
	[tilespmem:$0x2D00] =	vst v63  }
0x22: {  	_ =	swait.ge [sflag:s5], $0x280  }
0x23: {  	s12 =	sadd.s32 $0xFFFFFFFF, s12;
	[sflag:s5] =	ssyncset.done $0x0  }
.LBB2_1:
0x24: {  	p0 =	sne.s32 s12, $0x1;
	s12 =	sadd.s32 $0xFFFFFFFF, s12;
	[sflag:s5] =	ssyncadd.s32 $0xFFFFFD80  }
0x25: {  	[tilespmem:s6], [sflag:$0x1] =	stream.linear.gather [hbm4b:s3+s2], $0x280, $0x38;
	[tilespmem:$0x2D00] =	vst v63  }
0x26: {  	_ =	swait.ge [sflag:s5], $0x280  }
0x27: {  	[sflag:s5] =	ssyncset.done $0x0  }
0x28: {  	[sflag:s5] =	ssyncadd.s32 $0xFFFFFD80  }
0x29: {  	[tilespmem:s8], [sflag:$0x1] =	stream.linear.gather [hbm4b:s7+s2], $0x1400, $0x38;
	[tilespmem:$0x2D00] =	vst v63  }
0x2a: {  	_ =	swait.ge [sflag:s5], $0x1400  }
0x2b: {  	[sflag:s5] =	ssyncset.done $0x0  }
0x2c: {  	[sflag:s5] =	ssyncadd.s32 $0xFFFFEC00  }
0x2d: {  	[spmem:s9] =	stream.linear.scatter [tilespmem:s6], [sflag:$0x1], $0x280, $0x38;
	[tilespmem:$0x2D00] =	vst v63  }
0x2e: {  	_ =	swait.ge [sflag:s5], $0x280  }
0x2f: {  	[sflag:s5] =	ssyncset.done $0x0  }
0x30: {  	[sflag:s5] =	ssyncadd.s32 $0xFFFFFD80  }
0x31: {  	[tilespmem:s2], [sflag:$0x1] =	stream.linear.gather [hbm4b:s10+s2], $0x1400, $0x38;
	[tilespmem:$0x2D00] =	vst v63  }
0x32: {  	_ =	swait.ge [sflag:s5], $0x1400  }
0x33: {  	[sflag:s5] =	ssyncset.done $0x0  }
0x34: {  	[sflag:s5] =	ssyncadd.s32 $0xFFFFEC00  }
0x35: {  	[bflag:$0x0] =	sbarrier.arrive $0xFFFF  }
0x36: {  	[spmem:s1] =	stream.indirect.scatter.add.f32 [tilespmem:s8], [sflag:$0x1], $0x1, s2, s8, $0xb8;
	[tilespmem:$0x2D00] =	vst v63  }
0x37: {  	_ =	swait.ge [sflag:s5], $0x1400  }
0x38: {  	[sflag:s5] =	ssyncset.done $0x0  }
0x39: {  	[sflag:s5] =	ssyncadd.s32 $0xFFFFEC00  }
0x3a: {  	[bflag:$0x0] =	sbarrier.arrive $0xFFFF  }
0x3b: {  	[tilespmem:s6], [sflag:$0x1] =	stream.linear.gather [spmem:s9], $0x280, $0x38;
	[tilespmem:$0x2D00] =	vst v63  }
0x3c: {  	_ =	swait.ge [sflag:s5], $0x280  }
.Ltmp1:
0x3d: {  	[sflag:s5] =	ssyncset.done $0x0;
	(pc) =	sbr.rel @p0 .LBB2_1-.Ltmp1, $4  }
0x3e: {  	[sflag:s5] =	ssyncadd.s32 $0xFFFFFD80  }
0x3f: {  	[hbm4b:s11+s2] =	stream.linear.scatter [tilespmem:s6], [sflag:$0x1], $0x280, $0x38;
	[tilespmem:$0x2D00] =	vst v63  }
0x40: {  	_ =	swait.ge [sflag:s5], $0x280  }
0x41: {  	[sflag:s5] =	ssyncset.done $0x0  }
.LBB2_2:
0x42: {  	[sflag:s5] =	ssyncadd.s32 $0xFFFFFD80  }
0x43: {  	_ =	sfence.sel $0x180000  }
0x44: {  	[bflag:$0x0] =	sbarrier.arrive $0xFFFF  }
0x45: {  	p0 =	sne.s32 s4, $0x0;
	_ =	strace $0x90000047  }
0x46: {  	s0 =	sadd.s32 @!p0 $0x100000, s0;
	[bflag:$0x2] =	sbarrier.arrive $0xFFFF  }
0x47: {  	[sflag:s0] =	ssyncadd.tile.s32 @!p0 $0x1;
	_ =	shalt  }
.Lfunc_end2:
_tile_overlayer_lowered:
.L_overlay_start_2:
0x48: {  	(tag) =	ssettag $0x2  }
0x49: {  	s0 =	rddreg [dreg:$0x0];
	s2 =	stileid.u32  }
0x4a: {  	s1 =	rddreg [dreg:$0x1];
	p0 =	sne.s32 s2, $0x0  }
0x4b: {  	s3 =	rddreg [dreg:$0x2];
	[bflag:$0x3] =	sbarrier.arrive $0xFFFF;
	s2 =	simm.s32 @!p0 $0x1C01  }
0x4c: {  	[timem:s3], [sflag:s2] =	dma.local @!p0 [hbm:s0], s1  }
0x4d: {  	s0 =	simm.s32 @!p0 $0x1  }
0x4e: {  	_ =	swait.ge @!p0 [sflag:s0], s1  }
0x4f: {  	s1 =	ssub.s32 @!p0 $0x0, s1;
	[sflag:s0] =	ssyncset.done @!p0 $0x0  }
0x50: {  	[sflag:s0] =	ssyncadd.s32 @!p0 s1  }
0x51: {  	[bflag:$0x3] =	sbarrier.arrive $0xFFFF  }
0x52: {  	_ =	shalt  }

</sc_bundles>
